<compile_context>
chip_gen: v7x
topology: tpu7x:2x2x1
jax: 0.10.2.dev20260603
libtpu: 0.0.44.dev20260713+nightly
codegen_flags: <defaults>
</compile_context>

<pallas_src>
import functools
import jax
import jax.numpy as jnp
from jax import lax
from jax.experimental import pallas as pl
from jax.experimental.pallas import tpu as pltpu
from jax.experimental.pallas import tpu_sc as plsc

N = 10000
E = 320000
D_IN = 128
H1 = 16
H2 = 8
NUM_CLASSES = 10

NC = 2
NS = 16
NW = NC * NS
CH = 128
G = 8
K0 = 136
K1 = 24
TOT_CH = NS * (K0 + K1)
E_PAD = TOT_CH * CH
N_ACC = 10240
SLAB = N_ACC // NS
DUMMY = N


@functools.cache
def _get_mesh():
    return plsc.VectorSubcoreMesh(
        core_axis_name="c", subcore_axis_name="s", num_cores=NC, num_subcores=NS)


def _chunk_base(cid, sid):
    return jnp.where(cid == 0, sid * K0, NS * K0 + sid * K1)


def _load_idx(idx_hbm, idx_v, base):
    cid = lax.axis_index("c")

    @pl.when(cid == 0)
    def _():
        pltpu.sync_copy(idx_hbm.at[pl.ds(base, K0)], idx_v)

    @pl.when(cid == 1)
    def _():
        pltpu.sync_copy(idx_hbm.at[pl.ds(base, K1)], idx_v.at[pl.ds(0, K1)])


def _per_core_loop(body):
    cid = lax.axis_index("c")

    @pl.when(cid == 0)
    def _():
        lax.fori_loop(0, K0 // G, lambda i, c: body(i * G, c), 0)

    @pl.when(cid == 1)
    def _():
        lax.fori_loop(0, K1 // G, lambda i, c: body(i * G, c), 0)


@functools.cache
def _make_deg_kernel():
    @functools.partial(
        pl.kernel,
        out_type=jax.ShapeDtypeStruct((NC, N_ACC, 1), jnp.float32),
        mesh=_get_mesh(),
        compiler_params=pltpu.CompilerParams(use_tc_tiling_on_sc=False),
        scratch_types=[
            pltpu.VMEM((K0, CH), jnp.int32),
            pltpu.VMEM((CH, 1), jnp.float32),
            pltpu.VMEM_SHARED((N_ACC, 1), jnp.float32),
            pltpu.SemaphoreType.DMA,
        ],
    )
    def deg(dst3_hbm, zeros_hbm, ones_hbm, out_hbm, dst_v, ones_v, acc_sh, sem):
        cid = lax.axis_index("c")
        sid = lax.axis_index("s")
        row0 = sid * SLAB
        base = _chunk_base(cid, sid)
        pltpu.sync_copy(zeros_hbm.at[pl.ds(row0, SLAB)], acc_sh.at[pl.ds(row0, SLAB)])
        _load_idx(dst3_hbm, dst_v, base)
        pltpu.sync_copy(ones_hbm, ones_v)
        plsc.subcore_barrier()

        def body(g, carry):
            descs = [
                pltpu.async_copy(ones_v, acc_sh.at[dst_v.at[g + b]], sem, add=True)
                for b in range(G)
            ]
            for d in descs:
                d.wait()
            return carry

        _per_core_loop(body)
        plsc.subcore_barrier()
        pltpu.sync_copy(acc_sh.at[pl.ds(row0, SLAB)], out_hbm.at[cid, pl.ds(row0, SLAB)])

    return deg


@functools.cache
def _make_agg_kernel(H):
    @functools.partial(
        pl.kernel,
        out_type=jax.ShapeDtypeStruct((NC, N_ACC, H), jnp.float32),
        mesh=_get_mesh(),
        compiler_params=pltpu.CompilerParams(use_tc_tiling_on_sc=False),
        scratch_types=[
            pltpu.VMEM((K0, CH), jnp.int32),
            pltpu.VMEM((K0, CH), jnp.int32),
            pltpu.VMEM((G, CH, H), jnp.float32),
            pltpu.VMEM_SHARED((N_ACC, H), jnp.float32),
            pltpu.SemaphoreType.DMA,
            pltpu.SemaphoreType.DMA,
        ],
    )
    def agg(hs_hbm, src3_hbm, dst3_hbm, zeros_hbm, out_hbm,
            src_v, dst_v, rows_v, acc_sh, sem_g, sem_s):
        cid = lax.axis_index("c")
        sid = lax.axis_index("s")
        row0 = sid * SLAB
        base = _chunk_base(cid, sid)
        pltpu.sync_copy(zeros_hbm.at[pl.ds(row0, SLAB)], acc_sh.at[pl.ds(row0, SLAB)])
        _load_idx(src3_hbm, src_v, base)
        _load_idx(dst3_hbm, dst_v, base)
        plsc.subcore_barrier()

        def body(g, carry):
            gathers = [
                pltpu.async_copy(hs_hbm.at[src_v.at[g + b]], rows_v.at[b], sem_g)
                for b in range(G)
            ]
            scatters = []
            for b in range(G):
                gathers[b].wait()
                scatters.append(
                    pltpu.async_copy(rows_v.at[b], acc_sh.at[dst_v.at[g + b]],
                                     sem_s, add=True))
            for d in scatters:
                d.wait()
            return carry

        _per_core_loop(body)
        plsc.subcore_barrier()
        pltpu.sync_copy(acc_sh.at[pl.ds(row0, SLAB)],
                        out_hbm.at[cid, pl.ds(row0, SLAB)])

    return agg


NP = N_ACC // 8


def _tc0_body(x_ref, w1t_ref, h1_ref):
    h1_ref[0:N, :] = jnp.dot(x_ref[...], w1t_ref[...],
                             preferred_element_type=jnp.float32)


def _tc1_body(degp_ref, h1p_ref, s16_ref, s8_ref, h1sp_ref, disp_ref, disp64_ref):
    deg8 = degp_ref[0] + degp_ref[1] + 1.0
    dis8 = lax.rsqrt(deg8)
    disp = jnp.dot(dis8, s16_ref[...], preferred_element_type=jnp.float32)
    disp64 = jnp.dot(dis8, s8_ref[...], preferred_element_type=jnp.float32)
    h1sp_ref[...] = disp * h1p_ref[...]
    disp_ref[...] = disp
    disp64_ref[...] = disp64


def _tc2_body(aggp_ref, h1sp_ref, disp_ref, disp64_ref, b1p_ref, w2tb_ref,
              h2sp_ref):
    a = aggp_ref[0] + aggp_ref[1]
    z = disp_ref[...] * (a + h1sp_ref[...]) + b1p_ref[...]
    z = jnp.maximum(z, 0.0)
    h2sp_ref[...] = disp64_ref[...] * jnp.dot(
        z, w2tb_ref[...], preferred_element_type=jnp.float32)


def _tc3_body(aggp_ref, h2sp_ref, disp64_ref, b2p_ref, fcb_ref, fcbp_ref, out_ref):
    a = aggp_ref[0] + aggp_ref[1]
    z = disp64_ref[...] * (a + h2sp_ref[...]) + b2p_ref[...]
    out_ref[...] = jnp.dot(z, fcb_ref[...],
                           preferred_element_type=jnp.float32) + fcbp_ref[...]


def kernel(x, edge_index, W1, b1, W2, b2, fc_W, fc_b):
    src = edge_index[0].astype(jnp.int32)
    dst = edge_index[1].astype(jnp.int32)
    pad = E_PAD - E
    src3 = jnp.concatenate([src, jnp.zeros((pad,), jnp.int32)]).reshape(TOT_CH, CH)
    dst3 = jnp.concatenate([dst, jnp.full((pad,), DUMMY, jnp.int32)]).reshape(TOT_CH, CH)

    zeros1 = jnp.zeros((N_ACC, 1), jnp.float32)
    zeros16 = jnp.zeros((N_ACC, H1), jnp.float32)
    zeros8 = jnp.zeros((N_ACC, H2), jnp.float32)
    ones_rows = jnp.ones((CH, 1), jnp.float32)

    eye8 = jnp.eye(8, dtype=jnp.float32)
    s16 = jnp.kron(eye8, jnp.ones((1, H1), jnp.float32))
    s8 = jnp.kron(eye8, jnp.ones((1, H2), jnp.float32))
    w2tb = jnp.kron(eye8, W2.T)
    fcb = jnp.kron(eye8, fc_W.T)
    b1p = jnp.tile(b1, 8).reshape(1, 8 * H1)
    b2p = jnp.tile(b2, 8).reshape(1, 8 * H2)
    fcbp = jnp.tile(fc_b, 8).reshape(1, 8 * NUM_CLASSES)

    h1 = pl.pallas_call(
        _tc0_body,
        out_shape=jax.ShapeDtypeStruct((N_ACC, H1), jnp.float32),
    )(x, W1.T)
    h1p = h1.reshape(NP, 8 * H1)

    deg_parts = _make_deg_kernel()(dst3, zeros1, ones_rows)
    degp = deg_parts.reshape(NC, NP, 8)

    h1sp, disp, disp64 = pl.pallas_call(
        _tc1_body,
        out_shape=(
            jax.ShapeDtypeStruct((NP, 8 * H1), jnp.float32),
            jax.ShapeDtypeStruct((NP, 8 * H1), jnp.float32),
            jax.ShapeDtypeStruct((NP, 8 * H2), jnp.float32),
        ),
    )(degp, h1p, s16, s8)

    agg1 = _make_agg_kernel(H1)(h1sp.reshape(N_ACC, H1), src3, dst3, zeros16)

    h2sp = pl.pallas_call(
        _tc2_body,
        out_shape=jax.ShapeDtypeStruct((NP, 8 * H2), jnp.float32),
    )(agg1.reshape(NC, NP, 8 * H1), h1sp, disp, disp64, b1p, w2tb)

    agg2 = _make_agg_kernel(H2)(h2sp.reshape(N_ACC, H2), src3, dst3, zeros8)

    outp = pl.pallas_call(
        _tc3_body,
        out_shape=jax.ShapeDtypeStruct((NP, 8 * NUM_CLASSES), jnp.float32),
    )(agg2.reshape(NC, NP, 8 * H2), h2sp, disp64, b2p, fcb, fcbp)

    return outp.reshape(N_ACC, NUM_CLASSES)[:N]

# --- scband reference (transcript-rebuilt; emitter-appended) ---
"""Pipeline reference for scband-gaemodel-81123342287576 (READ-ONLY COPY).

The authoritative reference and input builder live on the scoring server;
editing this copy changes nothing except your own understanding.
"""

import jax, jax.numpy as jnp
import numpy as np

N = 10000
E = 320000
D_IN = 128
H1 = 16
H2 = 8
NUM_CLASSES = 10


def setup_inputs(seed: int = 0) -> dict:
    key = jax.random.key(seed)
    ks = jax.random.split(key, 8)
    x = jax.random.normal(ks[0], (N, D_IN), dtype=jnp.float32)
    edge_index = jax.random.randint(ks[1], (2, E), 0, N)
    W1 = jax.random.normal(ks[2], (H1, D_IN), dtype=jnp.float32) * (1.0 / np.sqrt(D_IN))
    b1 = jnp.zeros((H1,), dtype=jnp.float32)
    W2 = jax.random.normal(ks[3], (H2, H1), dtype=jnp.float32) * (1.0 / np.sqrt(H1))
    b2 = jnp.zeros((H2,), dtype=jnp.float32)
    fc_W = jax.random.normal(ks[4], (NUM_CLASSES, H2), dtype=jnp.float32) * (1.0 / np.sqrt(H2))
    fc_b = jnp.zeros((NUM_CLASSES,), dtype=jnp.float32)
    return {"x": x, "edge_index": edge_index, "W1": W1, "b1": b1, "W2": W2, "b2": b2, "fc_W": fc_W, "fc_b": fc_b}


def _gcn_conv(x, edge_index, W, b, num_nodes):
    # PyG-style GCNConv: linear transform, add self-loops, symmetric deg^-1/2 norm, scatter-add, bias
    src = edge_index[0]
    dst = edge_index[1]
    loop = jnp.arange(num_nodes, dtype=src.dtype)
    src = jnp.concatenate([src, loop])
    dst = jnp.concatenate([dst, loop])
    deg = jnp.zeros((num_nodes,), dtype=x.dtype).at[dst].add(1.0)
    deg_inv_sqrt = jnp.where(deg > 0, 1.0 / jnp.sqrt(deg), 0.0)
    norm = deg_inv_sqrt[src] * deg_inv_sqrt[dst]
    h = x @ W.T
    msg = h[src] * norm[:, None]
    out = jnp.zeros((num_nodes, W.shape[0]), dtype=x.dtype).at[dst].add(msg)
    return out + b


def reference(x, edge_index, W1, b1, W2, b2, fc_W, fc_b):
    z = _gcn_conv(x, edge_index, W1, b1, N)
    z = jax.nn.relu(z)
    z = _gcn_conv(z, edge_index, W2, b2, N)
    return z @ fc_W.T + fc_b

if __name__ == "__main__":
    import jax
    _d = setup_inputs()
    print(jax.jit(kernel)(*tuple(_d.values())))

</pallas_src>

<mosaic_0001>
#map = affine_map<(d0, d1) -> (0, 0)>
#map1 = affine_map<(d0, d1) -> (0, 0, 0)>
module attributes {stable_mosaic.version = 14 : i64} {
  func.func @deg(%arg0: i32, %arg1: i32, %arg2: memref<2560x128xi32, #tpu.memory_space<hbm>>, %arg3: memref<10240x1xf32, #tpu.memory_space<hbm>>, %arg4: memref<128x1xf32, #tpu.memory_space<hbm>>, %arg5: memref<2x10240x1xf32, #tpu.memory_space<hbm>>, %arg6: memref<136x128xi32, #tpu.memory_space<vmem>>, %arg7: memref<128x1xf32, #tpu.memory_space<vmem>>, %arg8: memref<10240x1xf32, #tpu.memory_space<vmem_shared>>, %arg9: memref<!tpu.dma_semaphore, #tpu.memory_space<semaphore_mem>>) attributes {dimension_semantics = [#tpu.dimension_semantics<core_parallel>, #tpu.dimension_semantics<subcore_parallel>], iteration_bounds = array<i64: 2, 16>, scalar_prefetch = 0 : i64, scratch_operands = 4 : i64, tpu.core_type = #tpu.core_type<sc_vector_subcore>, window_params = [{transform_indices = #map}, {transform_indices = #map}, {transform_indices = #map}, {transform_indices = #map1}]} {
    %mul3A = arith.constant 640 : i32
    %mul3A_0 = arith.muli %arg1, %mul3A : i32
    %eq3A = arith.constant 0 : i32
    %eq3A_1 = arith.cmpi eq, %arg0, %eq3A : i32
    %mul3A_2 = arith.constant 136 : i32
    %mul3A_3 = arith.muli %arg1, %mul3A_2 : i32
    %mul3A_4 = arith.constant 24 : i32
    %mul3A_5 = arith.muli %arg1, %mul3A_4 : i32
    %add3A = arith.constant 2176 : i32
    %add3A_6 = arith.addi %add3A, %mul3A_5 : i32
    %select_n3A = arith.select %eq3A_1, %mul3A_3, %add3A_6 : i32
    "tpu.region"() ({
      %run_scoped3A = tpu.sem_alloc : memref<!tpu.dma_semaphore, #tpu.memory_space<semaphore_mem>>
      %dma_start3A = arith.constant 0 : i32
      %dma_start3A_26 = tpu.memref_slice %arg8[%mul3A_0, %dma_start3A] : memref<10240x1xf32, #tpu.memory_space<vmem_shared>> -> memref<640x1xf32, #tpu.memory_space<vmem_shared>>
      %dma_start3A_27 = arith.constant 0 : i32
      %dma_start3A_28 = tpu.memref_slice %arg3[%mul3A_0, %dma_start3A_27] : memref<10240x1xf32, #tpu.memory_space<hbm>> -> memref<640x1xf32, #tpu.memory_space<hbm>>
      tpu.enqueue_dma source(%dma_start3A_28 : memref<640x1xf32, #tpu.memory_space<hbm>>) target(%dma_start3A_26 : memref<640x1xf32, #tpu.memory_space<vmem_shared>>) target_semaphore(%run_scoped3A : memref<!tpu.dma_semaphore, #tpu.memory_space<semaphore_mem>>)
      %dma_wait3A = arith.constant 0 : i32
      %dma_wait3A_29 = tpu.memref_slice %arg8[%mul3A_0, %dma_wait3A] : memref<10240x1xf32, #tpu.memory_space<vmem_shared>> -> memref<640x1xf32, #tpu.memory_space<vmem_shared>>
      %dma_wait3A_30 = arith.constant 0 : i32
      %dma_wait3A_31 = tpu.memref_slice %arg3[%mul3A_0, %dma_wait3A_30] : memref<10240x1xf32, #tpu.memory_space<hbm>> -> memref<640x1xf32, #tpu.memory_space<hbm>>
      tpu.wait_dma2 semaphore(%run_scoped3A : memref<!tpu.dma_semaphore, #tpu.memory_space<semaphore_mem>>) src(%dma_wait3A_31 : memref<640x1xf32, #tpu.memory_space<hbm>>) dst(%dma_wait3A_29 : memref<640x1xf32, #tpu.memory_space<vmem_shared>>)
      tpu.yield
    }) : () -> ()
    %eq3A_7 = arith.constant 0 : i32
    %eq3A_8 = arith.cmpi eq, %arg0, %eq3A_7 : i32
    %convert_element_type3A = arith.extui %eq3A_8 : i1 to i32
    %cond3A = arith.constant 0 : i32
    %cond3A_9 = arith.cmpi ne, %convert_element_type3A, %cond3A : i32
    scf.if %cond3A_9 {
      "tpu.region"() ({
        %run_scoped3A = tpu.sem_alloc : memref<!tpu.dma_semaphore, #tpu.memory_space<semaphore_mem>>
        %dma_start3A = arith.constant 0 : i32
        %dma_start3A_26 = tpu.memref_slice %arg2[%select_n3A, %dma_start3A] : memref<2560x128xi32, #tpu.memory_space<hbm>> -> memref<136x128xi32, #tpu.memory_space<hbm>>
        %dma_start3A_27 = arith.constant 0 : i32
        %dma_start3A_28 = tpu.memref_slice %arg2[%select_n3A, %dma_start3A_27] : memref<2560x128xi32, #tpu.memory_space<hbm>> -> memref<136x128xi32, #tpu.memory_space<hbm>>
        tpu.enqueue_dma source(%dma_start3A_28 : memref<136x128xi32, #tpu.memory_space<hbm>>) target(%arg6 : memref<136x128xi32, #tpu.memory_space<vmem>>) target_semaphore(%run_scoped3A : memref<!tpu.dma_semaphore, #tpu.memory_space<semaphore_mem>>)
        %dma_wait3A = arith.constant 0 : i32
        %dma_wait3A_29 = tpu.memref_slice %arg2[%select_n3A, %dma_wait3A] : memref<2560x128xi32, #tpu.memory_space<hbm>> -> memref<136x128xi32, #tpu.memory_space<hbm>>
        %dma_wait3A_30 = arith.constant 0 : i32
        %dma_wait3A_31 = tpu.memref_slice %arg2[%select_n3A, %dma_wait3A_30] : memref<2560x128xi32, #tpu.memory_space<hbm>> -> memref<136x128xi32, #tpu.memory_space<hbm>>
        tpu.wait_dma2 semaphore(%run_scoped3A : memref<!tpu.dma_semaphore, #tpu.memory_space<semaphore_mem>>) src(%dma_wait3A_31 : memref<136x128xi32, #tpu.memory_space<hbm>>) dst(%arg6 : memref<136x128xi32, #tpu.memory_space<vmem>>)
        tpu.yield
      }) : () -> ()
    } else {
    }
    %eq3A_10 = arith.constant 1 : i32
    %eq3A_11 = arith.cmpi eq, %arg0, %eq3A_10 : i32
    %convert_element_type3A_12 = arith.extui %eq3A_11 : i1 to i32
    %cond3A_13 = arith.constant 0 : i32
    %cond3A_14 = arith.cmpi ne, %convert_element_type3A_12, %cond3A_13 : i32
    scf.if %cond3A_14 {
      "tpu.region"() ({
        %run_scoped3A = tpu.sem_alloc : memref<!tpu.dma_semaphore, #tpu.memory_space<semaphore_mem>>
        %dma_start3A = arith.constant 0 : i32
        %dma_start3A_26 = arith.constant 0 : i32
        %dma_start3A_27 = tpu.memref_slice %arg6[%dma_start3A, %dma_start3A_26] : memref<136x128xi32, #tpu.memory_space<vmem>> -> memref<24x128xi32, #tpu.memory_space<vmem>>
        %dma_start3A_28 = arith.constant 0 : i32
        %dma_start3A_29 = tpu.memref_slice %arg2[%select_n3A, %dma_start3A_28] : memref<2560x128xi32, #tpu.memory_space<hbm>> -> memref<24x128xi32, #tpu.memory_space<hbm>>
        %dma_start3A_30 = arith.constant 0 : i32
        %dma_start3A_31 = arith.constant 0 : i32
        %dma_start3A_32 = tpu.memref_slice %arg6[%dma_start3A_30, %dma_start3A_31] : memref<136x128xi32, #tpu.memory_space<vmem>> -> memref<24x128xi32, #tpu.memory_space<vmem>>
        %dma_start3A_33 = arith.constant 0 : i32
        %dma_start3A_34 = tpu.memref_slice %arg2[%select_n3A, %dma_start3A_33] : memref<2560x128xi32, #tpu.memory_space<hbm>> -> memref<24x128xi32, #tpu.memory_space<hbm>>
        tpu.enqueue_dma source(%dma_start3A_34 : memref<24x128xi32, #tpu.memory_space<hbm>>) target(%dma_start3A_32 : memref<24x128xi32, #tpu.memory_space<vmem>>) target_semaphore(%run_scoped3A : memref<!tpu.dma_semaphore, #tpu.memory_space<semaphore_mem>>)
        %dma_wait3A = arith.constant 0 : i32
        %dma_wait3A_35 = arith.constant 0 : i32
        %dma_wait3A_36 = tpu.memref_slice %arg6[%dma_wait3A, %dma_wait3A_35] : memref<136x128xi32, #tpu.memory_space<vmem>> -> memref<24x128xi32, #tpu.memory_space<vmem>>
        %dma_wait3A_37 = arith.constant 0 : i32
        %dma_wait3A_38 = tpu.memref_slice %arg2[%select_n3A, %dma_wait3A_37] : memref<2560x128xi32, #tpu.memory_space<hbm>> -> memref<24x128xi32, #tpu.memory_space<hbm>>
        %dma_wait3A_39 = arith.constant 0 : i32
        %dma_wait3A_40 = arith.constant 0 : i32
        %dma_wait3A_41 = tpu.memref_slice %arg6[%dma_wait3A_39, %dma_wait3A_40] : memref<136x128xi32, #tpu.memory_space<vmem>> -> memref<24x128xi32, #tpu.memory_space<vmem>>
        %dma_wait3A_42 = arith.constant 0 : i32
        %dma_wait3A_43 = tpu.memref_slice %arg2[%select_n3A, %dma_wait3A_42] : memref<2560x128xi32, #tpu.memory_space<hbm>> -> memref<24x128xi32, #tpu.memory_space<hbm>>
        tpu.wait_dma2 semaphore(%run_scoped3A : memref<!tpu.dma_semaphore, #tpu.memory_space<semaphore_mem>>) src(%dma_wait3A_43 : memref<24x128xi32, #tpu.memory_space<hbm>>) dst(%dma_wait3A_41 : memref<24x128xi32, #tpu.memory_space<vmem>>)
        tpu.yield
      }) : () -> ()
    } else {
    }
    "tpu.region"() ({
      %run_scoped3A = tpu.sem_alloc : memref<!tpu.dma_semaphore, #tpu.memory_space<semaphore_mem>>
      tpu.enqueue_dma source(%arg4 : memref<128x1xf32, #tpu.memory_space<hbm>>) target(%arg7 : memref<128x1xf32, #tpu.memory_space<vmem>>) target_semaphore(%run_scoped3A : memref<!tpu.dma_semaphore, #tpu.memory_space<semaphore_mem>>)
      tpu.wait_dma2 semaphore(%run_scoped3A : memref<!tpu.dma_semaphore, #tpu.memory_space<semaphore_mem>>) src(%arg4 : memref<128x1xf32, #tpu.memory_space<hbm>>) dst(%arg7 : memref<128x1xf32, #tpu.memory_space<vmem>>)
      tpu.yield
    }) : () -> ()
    %barrier3A = arith.constant 0 : index
    tpu.barrier barrier_id(%barrier3A)
    %eq3A_15 = arith.constant 0 : i32
    %eq3A_16 = arith.cmpi eq, %arg0, %eq3A_15 : i32
    %convert_element_type3A_17 = arith.extui %eq3A_16 : i1 to i32
    %cond3A_18 = arith.constant 0 : i32
    %cond3A_19 = arith.cmpi ne, %convert_element_type3A_17, %cond3A_18 : i32
    scf.if %cond3A_19 {
      %scan3A = arith.constant 0 : i32
      %scan3A_26 = arith.constant 0 : i32
      %scan3A_27 = arith.constant 17 : i32
      %scan3A_28 = arith.addi %scan3A_26, %scan3A_27 : i32
      %scan3A_29 = arith.constant 1 : i32
      scf.for %scan3A_31 = %scan3A_26 to %scan3A_28 step %scan3A_29  : i32 {
        %mul3A_32 = arith.constant 8 : i32
        %mul3A_33 = arith.muli %scan3A_31, %mul3A_32 : i32
        %add3A_34 = arith.constant 0 : i32
        %add3A_35 = arith.addi %mul3A_33, %add3A_34 : i32
        %dma_start3A = arith.constant 0 : i32
        %dma_start3A_36 = tpu.memref_slice %arg6[%add3A_35, %dma_start3A] : memref<136x128xi32, #tpu.memory_space<vmem>> -> memref<1x128xi32, #tpu.memory_space<vmem>>
        %dma_start3A_37 = tpu.memref_squeeze %dma_start3A_36 : memref<1x128xi32, #tpu.memory_space<vmem>> -> memref<128xi32, #tpu.memory_space<vmem>>
        %dma_start3A_38 = arith.constant 0 : i32
        %dma_start3A_39 = arith.constant 0 : i32
        %dma_start3A_40 = tpu.memref_slice %arg8[%dma_start3A_38, %dma_start3A_39] : memref<10240x1xf32, #tpu.memory_space<vmem_shared>> -> memref<10240x1xf32, #tpu.memory_space<vmem_shared>>
        tpu.enqueue_indirect_dma source(%arg7 : memref<128x1xf32, #tpu.memory_space<vmem>>) target(%dma_start3A_40 : memref<10240x1xf32, #tpu.memory_space<vmem_shared>>) offsets(%dma_start3A_37 : memref<128xi32, #tpu.memory_space<vmem>>) semaphore(%arg9 : memref<!tpu.dma_semaphore, #tpu.memory_space<semaphore_mem>>) {add = true}
        %add3A_41 = arith.constant 1 : i32
        %add3A_42 = arith.addi %mul3A_33, %add3A_41 : i32
        %dma_start3A_43 = arith.constant 0 : i32
        %dma_start3A_44 = tpu.memref_slice %arg6[%add3A_42, %dma_start3A_43] : memref<136x128xi32, #tpu.memory_space<vmem>> -> memref<1x128xi32, #tpu.memory_space<vmem>>
        %dma_start3A_45 = tpu.memref_squeeze %dma_start3A_44 : memref<1x128xi32, #tpu.memory_space<vmem>> -> memref<128xi32, #tpu.memory_space<vmem>>
        %dma_start3A_46 = arith.constant 0 : i32
        %dma_start3A_47 = arith.constant 0 : i32
        %dma_start3A_48 = tpu.memref_slice %arg8[%dma_start3A_46, %dma_start3A_47] : memref<10240x1xf32, #tpu.memory_space<vmem_shared>> -> memref<10240x1xf32, #tpu.memory_space<vmem_shared>>
        tpu.enqueue_indirect_dma source(%arg7 : memref<128x1xf32, #tpu.memory_space<vmem>>) target(%dma_start3A_48 : memref<10240x1xf32, #tpu.memory_space<vmem_shared>>) offsets(%dma_start3A_45 : memref<128xi32, #tpu.memory_space<vmem>>) semaphore(%arg9 : memref<!tpu.dma_semaphore, #tpu.memory_space<semaphore_mem>>) {add = true}
        %add3A_49 = arith.constant 2 : i32
        %add3A_50 = arith.addi %mul3A_33, %add3A_49 : i32
        %dma_start3A_51 = arith.constant 0 : i32
        %dma_start3A_52 = tpu.memref_slice %arg6[%add3A_50, %dma_start3A_51] : memref<136x128xi32, #tpu.memory_space<vmem>> -> memref<1x128xi32, #tpu.memory_space<vmem>>
        %dma_start3A_53 = tpu.memref_squeeze %dma_start3A_52 : memref<1x128xi32, #tpu.memory_space<vmem>> -> memref<128xi32, #tpu.memory_space<vmem>>
        %dma_start3A_54 = arith.constant 0 : i32
        %dma_start3A_55 = arith.constant 0 : i32
        %dma_start3A_56 = tpu.memref_slice %arg8[%dma_start3A_54, %dma_start3A_55] : memref<10240x1xf32, #tpu.memory_space<vmem_shared>> -> memref<10240x1xf32, #tpu.memory_space<vmem_shared>>
        tpu.enqueue_indirect_dma source(%arg7 : memref<128x1xf32, #tpu.memory_space<vmem>>) target(%dma_start3A_56 : memref<10240x1xf32, #tpu.memory_space<vmem_shared>>) offsets(%dma_start3A_53 : memref<128xi32, #tpu.memory_space<vmem>>) semaphore(%arg9 : memref<!tpu.dma_semaphore, #tpu.memory_space<semaphore_mem>>) {add = true}
        %add3A_57 = arith.constant 3 : i32
        %add3A_58 = arith.addi %mul3A_33, %add3A_57 : i32
        %dma_start3A_59 = arith.constant 0 : i32
        %dma_start3A_60 = tpu.memref_slice %arg6[%add3A_58, %dma_start3A_59] : memref<136x128xi32, #tpu.memory_space<vmem>> -> memref<1x128xi32, #tpu.memory_space<vmem>>
        %dma_start3A_61 = tpu.memref_squeeze %dma_start3A_60 : memref<1x128xi32, #tpu.memory_space<vmem>> -> memref<128xi32, #tpu.memory_space<vmem>>
        %dma_start3A_62 = arith.constant 0 : i32
        %dma_start3A_63 = arith.constant 0 : i32
        %dma_start3A_64 = tpu.memref_slice %arg8[%dma_start3A_62, %dma_start3A_63] : memref<10240x1xf32, #tpu.memory_space<vmem_shared>> -> memref<10240x1xf32, #tpu.memory_space<vmem_shared>>
        tpu.enqueue_indirect_dma source(%arg7 : memref<128x1xf32, #tpu.memory_space<vmem>>) target(%dma_start3A_64 : memref<10240x1xf32, #tpu.memory_space<vmem_shared>>) offsets(%dma_start3A_61 : memref<128xi32, #tpu.memory_space<vmem>>) semaphore(%arg9 : memref<!tpu.dma_semaphore, #tpu.memory_space<semaphore_mem>>) {add = true}
        %add3A_65 = arith.constant 4 : i32
        %add3A_66 = arith.addi %mul3A_33, %add3A_65 : i32
        %dma_start3A_67 = arith.constant 0 : i32
        %dma_start3A_68 = tpu.memref_slice %arg6[%add3A_66, %dma_start3A_67] : memref<136x128xi32, #tpu.memory_space<vmem>> -> memref<1x128xi32, #tpu.memory_space<vmem>>
        %dma_start3A_69 = tpu.memref_squeeze %dma_start3A_68 : memref<1x128xi32, #tpu.memory_space<vmem>> -> memref<128xi32, #tpu.memory_space<vmem>>
        %dma_start3A_70 = arith.constant 0 : i32
        %dma_start3A_71 = arith.constant 0 : i32
        %dma_start3A_72 = tpu.memref_slice %arg8[%dma_start3A_70, %dma_start3A_71] : memref<10240x1xf32, #tpu.memory_space<vmem_shared>> -> memref<10240x1xf32, #tpu.memory_space<vmem_shared>>
        tpu.enqueue_indirect_dma source(%arg7 : memref<128x1xf32, #tpu.memory_space<vmem>>) target(%dma_start3A_72 : memref<10240x1xf32, #tpu.memory_space<vmem_shared>>) offsets(%dma_start3A_69 : memref<128xi32, #tpu.memory_space<vmem>>) semaphore(%arg9 : memref<!tpu.dma_semaphore, #tpu.memory_space<semaphore_mem>>) {add = true}
        %add3A_73 = arith.constant 5 : i32
        %add3A_74 = arith.addi %mul3A_33, %add3A_73 : i32
        %dma_start3A_75 = arith.constant 0 : i32
        %dma_start3A_76 = tpu.memref_slice %arg6[%add3A_74, %dma_start3A_75] : memref<136x128xi32, #tpu.memory_space<vmem>> -> memref<1x128xi32, #tpu.memory_space<vmem>>
        %dma_start3A_77 = tpu.memref_squeeze %dma_start3A_76 : memref<1x128xi32, #tpu.memory_space<vmem>> -> memref<128xi32, #tpu.memory_space<vmem>>
        %dma_start3A_78 = arith.constant 0 : i32
        %dma_start3A_79 = arith.constant 0 : i32
        %dma_start3A_80 = tpu.memref_slice %arg8[%dma_start3A_78, %dma_start3A_79] : memref<10240x1xf32, #tpu.memory_space<vmem_shared>> -> memref<10240x1xf32, #tpu.memory_space<vmem_shared>>
        tpu.enqueue_indirect_dma source(%arg7 : memref<128x1xf32, #tpu.memory_space<vmem>>) target(%dma_start3A_80 : memref<10240x1xf32, #tpu.memory_space<vmem_shared>>) offsets(%dma_start3A_77 : memref<128xi32, #tpu.memory_space<vmem>>) semaphore(%arg9 : memref<!tpu.dma_semaphore, #tpu.memory_space<semaphore_mem>>) {add = true}
        %add3A_81 = arith.constant 6 : i32
        %add3A_82 = arith.addi %mul3A_33, %add3A_81 : i32
        %dma_start3A_83 = arith.constant 0 : i32
        %dma_start3A_84 = tpu.memref_slice %arg6[%add3A_82, %dma_start3A_83] : memref<136x128xi32, #tpu.memory_space<vmem>> -> memref<1x128xi32, #tpu.memory_space<vmem>>
        %dma_start3A_85 = tpu.memref_squeeze %dma_start3A_84 : memref<1x128xi32, #tpu.memory_space<vmem>> -> memref<128xi32, #tpu.memory_space<vmem>>
        %dma_start3A_86 = arith.constant 0 : i32
        %dma_start3A_87 = arith.constant 0 : i32
        %dma_start3A_88 = tpu.memref_slice %arg8[%dma_start3A_86, %dma_start3A_87] : memref<10240x1xf32, #tpu.memory_space<vmem_shared>> -> memref<10240x1xf32, #tpu.memory_space<vmem_shared>>
        tpu.enqueue_indirect_dma source(%arg7 : memref<128x1xf32, #tpu.memory_space<vmem>>) target(%dma_start3A_88 : memref<10240x1xf32, #tpu.memory_space<vmem_shared>>) offsets(%dma_start3A_85 : memref<128xi32, #tpu.memory_space<vmem>>) semaphore(%arg9 : memref<!tpu.dma_semaphore, #tpu.memory_space<semaphore_mem>>) {add = true}
        %add3A_89 = arith.constant 7 : i32
        %add3A_90 = arith.addi %mul3A_33, %add3A_89 : i32
        %dma_start3A_91 = arith.constant 0 : i32
        %dma_start3A_92 = tpu.memref_slice %arg6[%add3A_90, %dma_start3A_91] : memref<136x128xi32, #tpu.memory_space<vmem>> -> memref<1x128xi32, #tpu.memory_space<vmem>>
        %dma_start3A_93 = tpu.memref_squeeze %dma_start3A_92 : memref<1x128xi32, #tpu.memory_space<vmem>> -> memref<128xi32, #tpu.memory_space<vmem>>
        %dma_start3A_94 = arith.constant 0 : i32
        %dma_start3A_95 = arith.constant 0 : i32
        %dma_start3A_96 = tpu.memref_slice %arg8[%dma_start3A_94, %dma_start3A_95] : memref<10240x1xf32, #tpu.memory_space<vmem_shared>> -> memref<10240x1xf32, #tpu.memory_space<vmem_shared>>
        tpu.enqueue_indirect_dma source(%arg7 : memref<128x1xf32, #tpu.memory_space<vmem>>) target(%dma_start3A_96 : memref<10240x1xf32, #tpu.memory_space<vmem_shared>>) offsets(%dma_start3A_93 : memref<128xi32, #tpu.memory_space<vmem>>) semaphore(%arg9 : memref<!tpu.dma_semaphore, #tpu.memory_space<semaphore_mem>>) {add = true}
        %dma_wait3A = arith.constant 0 : i32
        %dma_wait3A_97 = tpu.memref_slice %arg6[%add3A_35, %dma_wait3A] : memref<136x128xi32, #tpu.memory_space<vmem>> -> memref<1x128xi32, #tpu.memory_space<vmem>>
        %dma_wait3A_98 = tpu.memref_squeeze %dma_wait3A_97 : memref<1x128xi32, #tpu.memory_space<vmem>> -> memref<128xi32, #tpu.memory_space<vmem>>
        %dma_wait3A_99 = arith.constant 0 : i32
        %dma_wait3A_100 = arith.constant 0 : i32
        %dma_wait3A_101 = tpu.memref_slice %arg8[%dma_wait3A_99, %dma_wait3A_100] : memref<10240x1xf32, #tpu.memory_space<vmem_shared>> -> memref<10240x1xf32, #tpu.memory_space<vmem_shared>>
        tpu.wait_indirect_dma semaphore(%arg9 : memref<!tpu.dma_semaphore, #tpu.memory_space<semaphore_mem>>) src(%arg7 : memref<128x1xf32, #tpu.memory_space<vmem>>) dst(%dma_wait3A_101 : memref<10240x1xf32, #tpu.memory_space<vmem_shared>>)
        %dma_wait3A_102 = arith.constant 0 : i32
        %dma_wait3A_103 = tpu.memref_slice %arg6[%add3A_42, %dma_wait3A_102] : memref<136x128xi32, #tpu.memory_space<vmem>> -> memref<1x128xi32, #tpu.memory_space<vmem>>
        %dma_wait3A_104 = tpu.memref_squeeze %dma_wait3A_103 : memref<1x128xi32, #tpu.memory_space<vmem>> -> memref<128xi32, #tpu.memory_space<vmem>>
        %dma_wait3A_105 = arith.constant 0 : i32
        %dma_wait3A_106 = arith.constant 0 : i32
        %dma_wait3A_107 = tpu.memref_slice %arg8[%dma_wait3A_105, %dma_wait3A_106] : memref<10240x1xf32, #tpu.memory_space<vmem_shared>> -> memref<10240x1xf32, #tpu.memory_space<vmem_shared>>
        tpu.wait_indirect_dma semaphore(%arg9 : memref<!tpu.dma_semaphore, #tpu.memory_space<semaphore_mem>>) src(%arg7 : memref<128x1xf32, #tpu.memory_space<vmem>>) dst(%dma_wait3A_107 : memref<10240x1xf32, #tpu.memory_space<vmem_shared>>)
        %dma_wait3A_108 = arith.constant 0 : i32
        %dma_wait3A_109 = tpu.memref_slice %arg6[%add3A_50, %dma_wait3A_108] : memref<136x128xi32, #tpu.memory_space<vmem>> -> memref<1x128xi32, #tpu.memory_space<vmem>>
        %dma_wait3A_110 = tpu.memref_squeeze %dma_wait3A_109 : memref<1x128xi32, #tpu.memory_space<vmem>> -> memref<128xi32, #tpu.memory_space<vmem>>
        %dma_wait3A_111 = arith.constant 0 : i32
        %dma_wait3A_112 = arith.constant 0 : i32
        %dma_wait3A_113 = tpu.memref_slice %arg8[%dma_wait3A_111, %dma_wait3A_112] : memref<10240x1xf32, #tpu.memory_space<vmem_shared>> -> memref<10240x1xf32, #tpu.memory_space<vmem_shared>>
        tpu.wait_indirect_dma semaphore(%arg9 : memref<!tpu.dma_semaphore, #tpu.memory_space<semaphore_mem>>) src(%arg7 : memref<128x1xf32, #tpu.memory_space<vmem>>) dst(%dma_wait3A_113 : memref<10240x1xf32, #tpu.memory_space<vmem_shared>>)
        %dma_wait3A_114 = arith.constant 0 : i32
        %dma_wait3A_115 = tpu.memref_slice %arg6[%add3A_58, %dma_wait3A_114] : memref<136x128xi32, #tpu.memory_space<vmem>> -> memref<1x128xi32, #tpu.memory_space<vmem>>
        %dma_wait3A_116 = tpu.memref_squeeze %dma_wait3A_115 : memref<1x128xi32, #tpu.memory_space<vmem>> -> memref<128xi32, #tpu.memory_space<vmem>>
        %dma_wait3A_117 = arith.constant 0 : i32
        %dma_wait3A_118 = arith.constant 0 : i32
        %dma_wait3A_119 = tpu.memref_slice %arg8[%dma_wait3A_117, %dma_wait3A_118] : memref<10240x1xf32, #tpu.memory_space<vmem_shared>> -> memref<10240x1xf32, #tpu.memory_space<vmem_shared>>
        tpu.wait_indirect_dma semaphore(%arg9 : memref<!tpu.dma_semaphore, #tpu.memory_space<semaphore_mem>>) src(%arg7 : memref<128x1xf32, #tpu.memory_space<vmem>>) dst(%dma_wait3A_119 : memref<10240x1xf32, #tpu.memory_space<vmem_shared>>)
        %dma_wait3A_120 = arith.constant 0 : i32
        %dma_wait3A_121 = tpu.memref_slice %arg6[%add3A_66, %dma_wait3A_120] : memref<136x128xi32, #tpu.memory_space<vmem>> -> memref<1x128xi32, #tpu.memory_space<vmem>>
        %dma_wait3A_122 = tpu.memref_squeeze %dma_wait3A_121 : memref<1x128xi32, #tpu.memory_space<vmem>> -> memref<128xi32, #tpu.memory_space<vmem>>
        %dma_wait3A_123 = arith.constant 0 : i32
        %dma_wait3A_124 = arith.constant 0 : i32
        %dma_wait3A_125 = tpu.memref_slice %arg8[%dma_wait3A_123, %dma_wait3A_124] : memref<10240x1xf32, #tpu.memory_space<vmem_shared>> -> memref<10240x1xf32, #tpu.memory_space<vmem_shared>>
        tpu.wait_indirect_dma semaphore(%arg9 : memref<!tpu.dma_semaphore, #tpu.memory_space<semaphore_mem>>) src(%arg7 : memref<128x1xf32, #tpu.memory_space<vmem>>) dst(%dma_wait3A_125 : memref<10240x1xf32, #tpu.memory_space<vmem_shared>>)
        %dma_wait3A_126 = arith.constant 0 : i32
        %dma_wait3A_127 = tpu.memref_slice %arg6[%add3A_74, %dma_wait3A_126] : memref<136x128xi32, #tpu.memory_space<vmem>> -> memref<1x128xi32, #tpu.memory_space<vmem>>
        %dma_wait3A_128 = tpu.memref_squeeze %dma_wait3A_127 : memref<1x128xi32, #tpu.memory_space<vmem>> -> memref<128xi32, #tpu.memory_space<vmem>>
        %dma_wait3A_129 = arith.constant 0 : i32
        %dma_wait3A_130 = arith.constant 0 : i32
        %dma_wait3A_131 = tpu.memref_slice %arg8[%dma_wait3A_129, %dma_wait3A_130] : memref<10240x1xf32, #tpu.memory_space<vmem_shared>> -> memref<10240x1xf32, #tpu.memory_space<vmem_shared>>
        tpu.wait_indirect_dma semaphore(%arg9 : memref<!tpu.dma_semaphore, #tpu.memory_space<semaphore_mem>>) src(%arg7 : memref<128x1xf32, #tpu.memory_space<vmem>>) dst(%dma_wait3A_131 : memref<10240x1xf32, #tpu.memory_space<vmem_shared>>)
        %dma_wait3A_132 = arith.constant 0 : i32
        %dma_wait3A_133 = tpu.memref_slice %arg6[%add3A_82, %dma_wait3A_132] : memref<136x128xi32, #tpu.memory_space<vmem>> -> memref<1x128xi32, #tpu.memory_space<vmem>>
        %dma_wait3A_134 = tpu.memref_squeeze %dma_wait3A_133 : memref<1x128xi32, #tpu.memory_space<vmem>> -> memref<128xi32, #tpu.memory_space<vmem>>
        %dma_wait3A_135 = arith.constant 0 : i32
        %dma_wait3A_136 = arith.constant 0 : i32
        %dma_wait3A_137 = tpu.memref_slice %arg8[%dma_wait3A_135, %dma_wait3A_136] : memref<10240x1xf32, #tpu.memory_space<vmem_shared>> -> memref<10240x1xf32, #tpu.memory_space<vmem_shared>>
        tpu.wait_indirect_dma semaphore(%arg9 : memref<!tpu.dma_semaphore, #tpu.memory_space<semaphore_mem>>) src(%arg7 : memref<128x1xf32, #tpu.memory_space<vmem>>) dst(%dma_wait3A_137 : memref<10240x1xf32, #tpu.memory_space<vmem_shared>>)
        %dma_wait3A_138 = arith.constant 0 : i32
        %dma_wait3A_139 = tpu.memref_slice %arg6[%add3A_90, %dma_wait3A_138] : memref<136x128xi32, #tpu.memory_space<vmem>> -> memref<1x128xi32, #tpu.memory_space<vmem>>
        %dma_wait3A_140 = tpu.memref_squeeze %dma_wait3A_139 : memref<1x128xi32, #tpu.memory_space<vmem>> -> memref<128xi32, #tpu.memory_space<vmem>>
        %dma_wait3A_141 = arith.constant 0 : i32
        %dma_wait3A_142 = arith.constant 0 : i32
        %dma_wait3A_143 = tpu.memref_slice %arg8[%dma_wait3A_141, %dma_wait3A_142] : memref<10240x1xf32, #tpu.memory_space<vmem_shared>> -> memref<10240x1xf32, #tpu.memory_space<vmem_shared>>
        tpu.wait_indirect_dma semaphore(%arg9 : memref<!tpu.dma_semaphore, #tpu.memory_space<semaphore_mem>>) src(%arg7 : memref<128x1xf32, #tpu.memory_space<vmem>>) dst(%dma_wait3A_143 : memref<10240x1xf32, #tpu.memory_space<vmem_shared>>)
      }
      %scan3A_30 = arith.constant 17 : i32
    } else {
    }
    %eq3A_20 = arith.constant 1 : i32
    %eq3A_21 = arith.cmpi eq, %arg0, %eq3A_20 : i32
    %convert_element_type3A_22 = arith.extui %eq3A_21 : i1 to i32
    %cond3A_23 = arith.constant 0 : i32
    %cond3A_24 = arith.cmpi ne, %convert_element_type3A_22, %cond3A_23 : i32
    scf.if %cond3A_24 {
      %scan3A = arith.constant 0 : i32
      %scan3A_26 = arith.constant 0 : i32
      %scan3A_27 = arith.constant 3 : i32
      %scan3A_28 = arith.addi %scan3A_26, %scan3A_27 : i32
      %scan3A_29 = arith.constant 1 : i32
      scf.for %scan3A_31 = %scan3A_26 to %scan3A_28 step %scan3A_29  : i32 {
        %mul3A_32 = arith.constant 8 : i32
        %mul3A_33 = arith.muli %scan3A_31, %mul3A_32 : i32
        %add3A_34 = arith.constant 0 : i32
        %add3A_35 = arith.addi %mul3A_33, %add3A_34 : i32
        %dma_start3A = arith.constant 0 : i32
        %dma_start3A_36 = tpu.memref_slice %arg6[%add3A_35, %dma_start3A] : memref<136x128xi32, #tpu.memory_space<vmem>> -> memref<1x128xi32, #tpu.memory_space<vmem>>
        %dma_start3A_37 = tpu.memref_squeeze %dma_start3A_36 : memref<1x128xi32, #tpu.memory_space<vmem>> -> memref<128xi32, #tpu.memory_space<vmem>>
        %dma_start3A_38 = arith.constant 0 : i32
        %dma_start3A_39 = arith.constant 0 : i32
        %dma_start3A_40 = tpu.memref_slice %arg8[%dma_start3A_38, %dma_start3A_39] : memref<10240x1xf32, #tpu.memory_space<vmem_shared>> -> memref<10240x1xf32, #tpu.memory_space<vmem_shared>>
        tpu.enqueue_indirect_dma source(%arg7 : memref<128x1xf32, #tpu.memory_space<vmem>>) target(%dma_start3A_40 : memref<10240x1xf32, #tpu.memory_space<vmem_shared>>) offsets(%dma_start3A_37 : memref<128xi32, #tpu.memory_space<vmem>>) semaphore(%arg9 : memref<!tpu.dma_semaphore, #tpu.memory_space<semaphore_mem>>) {add = true}
        %add3A_41 = arith.constant 1 : i32
        %add3A_42 = arith.addi %mul3A_33, %add3A_41 : i32
        %dma_start3A_43 = arith.constant 0 : i32
        %dma_start3A_44 = tpu.memref_slice %arg6[%add3A_42, %dma_start3A_43] : memref<136x128xi32, #tpu.memory_space<vmem>> -> memref<1x128xi32, #tpu.memory_space<vmem>>
        %dma_start3A_45 = tpu.memref_squeeze %dma_start3A_44 : memref<1x128xi32, #tpu.memory_space<vmem>> -> memref<128xi32, #tpu.memory_space<vmem>>
        %dma_start3A_46 = arith.constant 0 : i32
        %dma_start3A_47 = arith.constant 0 : i32
        %dma_start3A_48 = tpu.memref_slice %arg8[%dma_start3A_46, %dma_start3A_47] : memref<10240x1xf32, #tpu.memory_space<vmem_shared>> -> memref<10240x1xf32, #tpu.memory_space<vmem_shared>>
        tpu.enqueue_indirect_dma source(%arg7 : memref<128x1xf32, #tpu.memory_space<vmem>>) target(%dma_start3A_48 : memref<10240x1xf32, #tpu.memory_space<vmem_shared>>) offsets(%dma_start3A_45 : memref<128xi32, #tpu.memory_space<vmem>>) semaphore(%arg9 : memref<!tpu.dma_semaphore, #tpu.memory_space<semaphore_mem>>) {add = true}
        %add3A_49 = arith.constant 2 : i32
        %add3A_50 = arith.addi %mul3A_33, %add3A_49 : i32
        %dma_start3A_51 = arith.constant 0 : i32
        %dma_start3A_52 = tpu.memref_slice %arg6[%add3A_50, %dma_start3A_51] : memref<136x128xi32, #tpu.memory_space<vmem>> -> memref<1x128xi32, #tpu.memory_space<vmem>>
        %dma_start3A_53 = tpu.memref_squeeze %dma_start3A_52 : memref<1x128xi32, #tpu.memory_space<vmem>> -> memref<128xi32, #tpu.memory_space<vmem>>
        %dma_start3A_54 = arith.constant 0 : i32
        %dma_start3A_55 = arith.constant 0 : i32
        %dma_start3A_56 = tpu.memref_slice %arg8[%dma_start3A_54, %dma_start3A_55] : memref<10240x1xf32, #tpu.memory_space<vmem_shared>> -> memref<10240x1xf32, #tpu.memory_space<vmem_shared>>
        tpu.enqueue_indirect_dma source(%arg7 : memref<128x1xf32, #tpu.memory_space<vmem>>) target(%dma_start3A_56 : memref<10240x1xf32, #tpu.memory_space<vmem_shared>>) offsets(%dma_start3A_53 : memref<128xi32, #tpu.memory_space<vmem>>) semaphore(%arg9 : memref<!tpu.dma_semaphore, #tpu.memory_space<semaphore_mem>>) {add = true}
        %add3A_57 = arith.constant 3 : i32
        %add3A_58 = arith.addi %mul3A_33, %add3A_57 : i32
        %dma_start3A_59 = arith.constant 0 : i32
        %dma_start3A_60 = tpu.memref_slice %arg6[%add3A_58, %dma_start3A_59] : memref<136x128xi32, #tpu.memory_space<vmem>> -> memref<1x128xi32, #tpu.memory_space<vmem>>
        %dma_start3A_61 = tpu.memref_squeeze %dma_start3A_60 : memref<1x128xi32, #tpu.memory_space<vmem>> -> memref<128xi32, #tpu.memory_space<vmem>>
        %dma_start3A_62 = arith.constant 0 : i32
        %dma_start3A_63 = arith.constant 0 : i32
        %dma_start3A_64 = tpu.memref_slice %arg8[%dma_start3A_62, %dma_start3A_63] : memref<10240x1xf32, #tpu.memory_space<vmem_shared>> -> memref<10240x1xf32, #tpu.memory_space<vmem_shared>>
        tpu.enqueue_indirect_dma source(%arg7 : memref<128x1xf32, #tpu.memory_space<vmem>>) target(%dma_start3A_64 : memref<10240x1xf32, #tpu.memory_space<vmem_shared>>) offsets(%dma_start3A_61 : memref<128xi32, #tpu.memory_space<vmem>>) semaphore(%arg9 : memref<!tpu.dma_semaphore, #tpu.memory_space<semaphore_mem>>) {add = true}
        %add3A_65 = arith.constant 4 : i32
        %add3A_66 = arith.addi %mul3A_33, %add3A_65 : i32
        %dma_start3A_67 = arith.constant 0 : i32
        %dma_start3A_68 = tpu.memref_slice %arg6[%add3A_66, %dma_start3A_67] : memref<136x128xi32, #tpu.memory_space<vmem>> -> memref<1x128xi32, #tpu.memory_space<vmem>>
        %dma_start3A_69 = tpu.memref_squeeze %dma_start3A_68 : memref<1x128xi32, #tpu.memory_space<vmem>> -> memref<128xi32, #tpu.memory_space<vmem>>
        %dma_start3A_70 = arith.constant 0 : i32
        %dma_start3A_71 = arith.constant 0 : i32
        %dma_start3A_72 = tpu.memref_slice %arg8[%dma_start3A_70, %dma_start3A_71] : memref<10240x1xf32, #tpu.memory_space<vmem_shared>> -> memref<10240x1xf32, #tpu.memory_space<vmem_shared>>
        tpu.enqueue_indirect_dma source(%arg7 : memref<128x1xf32, #tpu.memory_space<vmem>>) target(%dma_start3A_72 : memref<10240x1xf32, #tpu.memory_space<vmem_shared>>) offsets(%dma_start3A_69 : memref<128xi32, #tpu.memory_space<vmem>>) semaphore(%arg9 : memref<!tpu.dma_semaphore, #tpu.memory_space<semaphore_mem>>) {add = true}
        %add3A_73 = arith.constant 5 : i32
        %add3A_74 = arith.addi %mul3A_33, %add3A_73 : i32
        %dma_start3A_75 = arith.constant 0 : i32
        %dma_start3A_76 = tpu.memref_slice %arg6[%add3A_74, %dma_start3A_75] : memref<136x128xi32, #tpu.memory_space<vmem>> -> memref<1x128xi32, #tpu.memory_space<vmem>>
        %dma_start3A_77 = tpu.memref_squeeze %dma_start3A_76 : memref<1x128xi32, #tpu.memory_space<vmem>> -> memref<128xi32, #tpu.memory_space<vmem>>
        %dma_start3A_78 = arith.constant 0 : i32
        %dma_start3A_79 = arith.constant 0 : i32
        %dma_start3A_80 = tpu.memref_slice %arg8[%dma_start3A_78, %dma_start3A_79] : memref<10240x1xf32, #tpu.memory_space<vmem_shared>> -> memref<10240x1xf32, #tpu.memory_space<vmem_shared>>
        tpu.enqueue_indirect_dma source(%arg7 : memref<128x1xf32, #tpu.memory_space<vmem>>) target(%dma_start3A_80 : memref<10240x1xf32, #tpu.memory_space<vmem_shared>>) offsets(%dma_start3A_77 : memref<128xi32, #tpu.memory_space<vmem>>) semaphore(%arg9 : memref<!tpu.dma_semaphore, #tpu.memory_space<semaphore_mem>>) {add = true}
        %add3A_81 = arith.constant 6 : i32
        %add3A_82 = arith.addi %mul3A_33, %add3A_81 : i32
        %dma_start3A_83 = arith.constant 0 : i32
        %dma_start3A_84 = tpu.memref_slice %arg6[%add3A_82, %dma_start3A_83] : memref<136x128xi32, #tpu.memory_space<vmem>> -> memref<1x128xi32, #tpu.memory_space<vmem>>
        %dma_start3A_85 = tpu.memref_squeeze %dma_start3A_84 : memref<1x128xi32, #tpu.memory_space<vmem>> -> memref<128xi32, #tpu.memory_space<vmem>>
        %dma_start3A_86 = arith.constant 0 : i32
        %dma_start3A_87 = arith.constant 0 : i32
        %dma_start3A_88 = tpu.memref_slice %arg8[%dma_start3A_86, %dma_start3A_87] : memref<10240x1xf32, #tpu.memory_space<vmem_shared>> -> memref<10240x1xf32, #tpu.memory_space<vmem_shared>>
        tpu.enqueue_indirect_dma source(%arg7 : memref<128x1xf32, #tpu.memory_space<vmem>>) target(%dma_start3A_88 : memref<10240x1xf32, #tpu.memory_space<vmem_shared>>) offsets(%dma_start3A_85 : memref<128xi32, #tpu.memory_space<vmem>>) semaphore(%arg9 : memref<!tpu.dma_semaphore, #tpu.memory_space<semaphore_mem>>) {add = true}
        %add3A_89 = arith.constant 7 : i32
        %add3A_90 = arith.addi %mul3A_33, %add3A_89 : i32
        %dma_start3A_91 = arith.constant 0 : i32
        %dma_start3A_92 = tpu.memref_slice %arg6[%add3A_90, %dma_start3A_91] : memref<136x128xi32, #tpu.memory_space<vmem>> -> memref<1x128xi32, #tpu.memory_space<vmem>>
        %dma_start3A_93 = tpu.memref_squeeze %dma_start3A_92 : memref<1x128xi32, #tpu.memory_space<vmem>> -> memref<128xi32, #tpu.memory_space<vmem>>
        %dma_start3A_94 = arith.constant 0 : i32
        %dma_start3A_95 = arith.constant 0 : i32
        %dma_start3A_96 = tpu.memref_slice %arg8[%dma_start3A_94, %dma_start3A_95] : memref<10240x1xf32, #tpu.memory_space<vmem_shared>> -> memref<10240x1xf32, #tpu.memory_space<vmem_shared>>
        tpu.enqueue_indirect_dma source(%arg7 : memref<128x1xf32, #tpu.memory_space<vmem>>) target(%dma_start3A_96 : memref<10240x1xf32, #tpu.memory_space<vmem_shared>>) offsets(%dma_start3A_93 : memref<128xi32, #tpu.memory_space<vmem>>) semaphore(%arg9 : memref<!tpu.dma_semaphore, #tpu.memory_space<semaphore_mem>>) {add = true}
        %dma_wait3A = arith.constant 0 : i32
        %dma_wait3A_97 = tpu.memref_slice %arg6[%add3A_35, %dma_wait3A] : memref<136x128xi32, #tpu.memory_space<vmem>> -> memref<1x128xi32, #tpu.memory_space<vmem>>
        %dma_wait3A_98 = tpu.memref_squeeze %dma_wait3A_97 : memref<1x128xi32, #tpu.memory_space<vmem>> -> memref<128xi32, #tpu.memory_space<vmem>>
        %dma_wait3A_99 = arith.constant 0 : i32
        %dma_wait3A_100 = arith.constant 0 : i32
        %dma_wait3A_101 = tpu.memref_slice %arg8[%dma_wait3A_99, %dma_wait3A_100] : memref<10240x1xf32, #tpu.memory_space<vmem_shared>> -> memref<10240x1xf32, #tpu.memory_space<vmem_shared>>
        tpu.wait_indirect_dma semaphore(%arg9 : memref<!tpu.dma_semaphore, #tpu.memory_space<semaphore_mem>>) src(%arg7 : memref<128x1xf32, #tpu.memory_space<vmem>>) dst(%dma_wait3A_101 : memref<10240x1xf32, #tpu.memory_space<vmem_shared>>)
        %dma_wait3A_102 = arith.constant 0 : i32
        %dma_wait3A_103 = tpu.memref_slice %arg6[%add3A_42, %dma_wait3A_102] : memref<136x128xi32, #tpu.memory_space<vmem>> -> memref<1x128xi32, #tpu.memory_space<vmem>>
        %dma_wait3A_104 = tpu.memref_squeeze %dma_wait3A_103 : memref<1x128xi32, #tpu.memory_space<vmem>> -> memref<128xi32, #tpu.memory_space<vmem>>
        %dma_wait3A_105 = arith.constant 0 : i32
        %dma_wait3A_106 = arith.constant 0 : i32
        %dma_wait3A_107 = tpu.memref_slice %arg8[%dma_wait3A_105, %dma_wait3A_106] : memref<10240x1xf32, #tpu.memory_space<vmem_shared>> -> memref<10240x1xf32, #tpu.memory_space<vmem_shared>>
        tpu.wait_indirect_dma semaphore(%arg9 : memref<!tpu.dma_semaphore, #tpu.memory_space<semaphore_mem>>) src(%arg7 : memref<128x1xf32, #tpu.memory_space<vmem>>) dst(%dma_wait3A_107 : memref<10240x1xf32, #tpu.memory_space<vmem_shared>>)
        %dma_wait3A_108 = arith.constant 0 : i32
        %dma_wait3A_109 = tpu.memref_slice %arg6[%add3A_50, %dma_wait3A_108] : memref<136x128xi32, #tpu.memory_space<vmem>> -> memref<1x128xi32, #tpu.memory_space<vmem>>
        %dma_wait3A_110 = tpu.memref_squeeze %dma_wait3A_109 : memref<1x128xi32, #tpu.memory_space<vmem>> -> memref<128xi32, #tpu.memory_space<vmem>>
        %dma_wait3A_111 = arith.constant 0 : i32
        %dma_wait3A_112 = arith.constant 0 : i32
        %dma_wait3A_113 = tpu.memref_slice %arg8[%dma_wait3A_111, %dma_wait3A_112] : memref<10240x1xf32, #tpu.memory_space<vmem_shared>> -> memref<10240x1xf32, #tpu.memory_space<vmem_shared>>
        tpu.wait_indirect_dma semaphore(%arg9 : memref<!tpu.dma_semaphore, #tpu.memory_space<semaphore_mem>>) src(%arg7 : memref<128x1xf32, #tpu.memory_space<vmem>>) dst(%dma_wait3A_113 : memref<10240x1xf32, #tpu.memory_space<vmem_shared>>)
        %dma_wait3A_114 = arith.constant 0 : i32
        %dma_wait3A_115 = tpu.memref_slice %arg6[%add3A_58, %dma_wait3A_114] : memref<136x128xi32, #tpu.memory_space<vmem>> -> memref<1x128xi32, #tpu.memory_space<vmem>>
        %dma_wait3A_116 = tpu.memref_squeeze %dma_wait3A_115 : memref<1x128xi32, #tpu.memory_space<vmem>> -> memref<128xi32, #tpu.memory_space<vmem>>
        %dma_wait3A_117 = arith.constant 0 : i32
        %dma_wait3A_118 = arith.constant 0 : i32
        %dma_wait3A_119 = tpu.memref_slice %arg8[%dma_wait3A_117, %dma_wait3A_118] : memref<10240x1xf32, #tpu.memory_space<vmem_shared>> -> memref<10240x1xf32, #tpu.memory_space<vmem_shared>>
        tpu.wait_indirect_dma semaphore(%arg9 : memref<!tpu.dma_semaphore, #tpu.memory_space<semaphore_mem>>) src(%arg7 : memref<128x1xf32, #tpu.memory_space<vmem>>) dst(%dma_wait3A_119 : memref<10240x1xf32, #tpu.memory_space<vmem_shared>>)
        %dma_wait3A_120 = arith.constant 0 : i32
        %dma_wait3A_121 = tpu.memref_slice %arg6[%add3A_66, %dma_wait3A_120] : memref<136x128xi32, #tpu.memory_space<vmem>> -> memref<1x128xi32, #tpu.memory_space<vmem>>
        %dma_wait3A_122 = tpu.memref_squeeze %dma_wait3A_121 : memref<1x128xi32, #tpu.memory_space<vmem>> -> memref<128xi32, #tpu.memory_space<vmem>>
        %dma_wait3A_123 = arith.constant 0 : i32
        %dma_wait3A_124 = arith.constant 0 : i32
        %dma_wait3A_125 = tpu.memref_slice %arg8[%dma_wait3A_123, %dma_wait3A_124] : memref<10240x1xf32, #tpu.memory_space<vmem_shared>> -> memref<10240x1xf32, #tpu.memory_space<vmem_shared>>
        tpu.wait_indirect_dma semaphore(%arg9 : memref<!tpu.dma_semaphore, #tpu.memory_space<semaphore_mem>>) src(%arg7 : memref<128x1xf32, #tpu.memory_space<vmem>>) dst(%dma_wait3A_125 : memref<10240x1xf32, #tpu.memory_space<vmem_shared>>)
        %dma_wait3A_126 = arith.constant 0 : i32
        %dma_wait3A_127 = tpu.memref_slice %arg6[%add3A_74, %dma_wait3A_126] : memref<136x128xi32, #tpu.memory_space<vmem>> -> memref<1x128xi32, #tpu.memory_space<vmem>>
        %dma_wait3A_128 = tpu.memref_squeeze %dma_wait3A_127 : memref<1x128xi32, #tpu.memory_space<vmem>> -> memref<128xi32, #tpu.memory_space<vmem>>
        %dma_wait3A_129 = arith.constant 0 : i32
        %dma_wait3A_130 = arith.constant 0 : i32
        %dma_wait3A_131 = tpu.memref_slice %arg8[%dma_wait3A_129, %dma_wait3A_130] : memref<10240x1xf32, #tpu.memory_space<vmem_shared>> -> memref<10240x1xf32, #tpu.memory_space<vmem_shared>>
        tpu.wait_indirect_dma semaphore(%arg9 : memref<!tpu.dma_semaphore, #tpu.memory_space<semaphore_mem>>) src(%arg7 : memref<128x1xf32, #tpu.memory_space<vmem>>) dst(%dma_wait3A_131 : memref<10240x1xf32, #tpu.memory_space<vmem_shared>>)
        %dma_wait3A_132 = arith.constant 0 : i32
        %dma_wait3A_133 = tpu.memref_slice %arg6[%add3A_82, %dma_wait3A_132] : memref<136x128xi32, #tpu.memory_space<vmem>> -> memref<1x128xi32, #tpu.memory_space<vmem>>
        %dma_wait3A_134 = tpu.memref_squeeze %dma_wait3A_133 : memref<1x128xi32, #tpu.memory_space<vmem>> -> memref<128xi32, #tpu.memory_space<vmem>>
        %dma_wait3A_135 = arith.constant 0 : i32
        %dma_wait3A_136 = arith.constant 0 : i32
        %dma_wait3A_137 = tpu.memref_slice %arg8[%dma_wait3A_135, %dma_wait3A_136] : memref<10240x1xf32, #tpu.memory_space<vmem_shared>> -> memref<10240x1xf32, #tpu.memory_space<vmem_shared>>
        tpu.wait_indirect_dma semaphore(%arg9 : memref<!tpu.dma_semaphore, #tpu.memory_space<semaphore_mem>>) src(%arg7 : memref<128x1xf32, #tpu.memory_space<vmem>>) dst(%dma_wait3A_137 : memref<10240x1xf32, #tpu.memory_space<vmem_shared>>)
        %dma_wait3A_138 = arith.constant 0 : i32
        %dma_wait3A_139 = tpu.memref_slice %arg6[%add3A_90, %dma_wait3A_138] : memref<136x128xi32, #tpu.memory_space<vmem>> -> memref<1x128xi32, #tpu.memory_space<vmem>>
        %dma_wait3A_140 = tpu.memref_squeeze %dma_wait3A_139 : memref<1x128xi32, #tpu.memory_space<vmem>> -> memref<128xi32, #tpu.memory_space<vmem>>
        %dma_wait3A_141 = arith.constant 0 : i32
        %dma_wait3A_142 = arith.constant 0 : i32
        %dma_wait3A_143 = tpu.memref_slice %arg8[%dma_wait3A_141, %dma_wait3A_142] : memref<10240x1xf32, #tpu.memory_space<vmem_shared>> -> memref<10240x1xf32, #tpu.memory_space<vmem_shared>>
        tpu.wait_indirect_dma semaphore(%arg9 : memref<!tpu.dma_semaphore, #tpu.memory_space<semaphore_mem>>) src(%arg7 : memref<128x1xf32, #tpu.memory_space<vmem>>) dst(%dma_wait3A_143 : memref<10240x1xf32, #tpu.memory_space<vmem_shared>>)
      }
      %scan3A_30 = arith.constant 3 : i32
    } else {
    }
    %barrier3A_25 = arith.constant 0 : index
    tpu.barrier barrier_id(%barrier3A_25)
    "tpu.region"() ({
      %run_scoped3A = tpu.sem_alloc : memref<!tpu.dma_semaphore, #tpu.memory_space<semaphore_mem>>
      %dma_start3A = arith.constant 0 : i32
      %dma_start3A_26 = tpu.memref_slice %arg5[%arg0, %mul3A_0, %dma_start3A] : memref<2x10240x1xf32, #tpu.memory_space<hbm>> -> memref<1x640x1xf32, #tpu.memory_space<hbm>>
      %dma_start3A_27 = tpu.memref_squeeze %dma_start3A_26 : memref<1x640x1xf32, #tpu.memory_space<hbm>> -> memref<640x1xf32, #tpu.memory_space<hbm>>
      %dma_start3A_28 = arith.constant 0 : i32
      %dma_start3A_29 = tpu.memref_slice %arg8[%mul3A_0, %dma_start3A_28] : memref<10240x1xf32, #tpu.memory_space<vmem_shared>> -> memref<640x1xf32, #tpu.memory_space<vmem_shared>>
      tpu.enqueue_dma source(%dma_start3A_29 : memref<640x1xf32, #tpu.memory_space<vmem_shared>>) target(%dma_start3A_27 : memref<640x1xf32, #tpu.memory_space<hbm>>) target_semaphore(%run_scoped3A : memref<!tpu.dma_semaphore, #tpu.memory_space<semaphore_mem>>)
      %dma_wait3A = arith.constant 0 : i32
      %dma_wait3A_30 = tpu.memref_slice %arg5[%arg0, %mul3A_0, %dma_wait3A] : memref<2x10240x1xf32, #tpu.memory_space<hbm>> -> memref<1x640x1xf32, #tpu.memory_space<hbm>>
      %dma_wait3A_31 = tpu.memref_squeeze %dma_wait3A_30 : memref<1x640x1xf32, #tpu.memory_space<hbm>> -> memref<640x1xf32, #tpu.memory_space<hbm>>
      %dma_wait3A_32 = arith.constant 0 : i32
      %dma_wait3A_33 = tpu.memref_slice %arg8[%mul3A_0, %dma_wait3A_32] : memref<10240x1xf32, #tpu.memory_space<vmem_shared>> -> memref<640x1xf32, #tpu.memory_space<vmem_shared>>
      tpu.wait_dma2 semaphore(%run_scoped3A : memref<!tpu.dma_semaphore, #tpu.memory_space<semaphore_mem>>) src(%dma_wait3A_33 : memref<640x1xf32, #tpu.memory_space<vmem_shared>>) dst(%dma_wait3A_31 : memref<640x1xf32, #tpu.memory_space<hbm>>)
      tpu.yield
    }) : () -> ()
    return
  }
}

#map = affine_map<(d0, d1) -> (0, 0)>
#map1 = affine_map<(d0, d1) -> (0, 0, 0)>
module attributes {stable_mosaic.version = 14 : i64} {
  func.func @agg(%arg0: i32, %arg1: i32, %arg2: memref<10240x8xf32, #tpu.memory_space<hbm>>, %arg3: memref<2560x128xi32, #tpu.memory_space<hbm>>, %arg4: memref<2560x128xi32, #tpu.memory_space<hbm>>, %arg5: memref<10240x8xf32, #tpu.memory_space<hbm>>, %arg6: memref<2x10240x8xf32, #tpu.memory_space<hbm>>, %arg7: memref<136x128xi32, #tpu.memory_space<vmem>>, %arg8: memref<136x128xi32, #tpu.memory_space<vmem>>, %arg9: memref<8x128x8xf32, #tpu.memory_space<vmem>>, %arg10: memref<10240x8xf32, #tpu.memory_space<vmem_shared>>, %arg11: memref<!tpu.dma_semaphore, #tpu.memory_space<semaphore_mem>>, %arg12: memref<!tpu.dma_semaphore, #tpu.memory_space<semaphore_mem>>) attributes {dimension_semantics = [#tpu.dimension_semantics<core_parallel>, #tpu.dimension_semantics<subcore_parallel>], iteration_bounds = array<i64: 2, 16>, scalar_prefetch = 0 : i64, scratch_operands = 6 : i64, tpu.core_type = #tpu.core_type<sc_vector_subcore>, window_params = [{transform_indices = #map}, {transform_indices = #map}, {transform_indices = #map}, {transform_indices = #map}, {transform_indices = #map1}]} {
    %mul3A = arith.constant 640 : i32
    %mul3A_0 = arith.muli %arg1, %mul3A : i32
    %eq3A = arith.constant 0 : i32
    %eq3A_1 = arith.cmpi eq, %arg0, %eq3A : i32
    %mul3A_2 = arith.constant 136 : i32
    %mul3A_3 = arith.muli %arg1, %mul3A_2 : i32
    %mul3A_4 = arith.constant 24 : i32
    %mul3A_5 = arith.muli %arg1, %mul3A_4 : i32
    %add3A = arith.constant 2176 : i32
    %add3A_6 = arith.addi %add3A, %mul3A_5 : i32
    %select_n3A = arith.select %eq3A_1, %mul3A_3, %add3A_6 : i32
    "tpu.region"() ({
      %run_scoped3A = tpu.sem_alloc : memref<!tpu.dma_semaphore, #tpu.memory_space<semaphore_mem>>
      %dma_start3A = arith.constant 0 : i32
      %dma_start3A_36 = tpu.memref_slice %arg10[%mul3A_0, %dma_start3A] : memref<10240x8xf32, #tpu.memory_space<vmem_shared>> -> memref<640x8xf32, #tpu.memory_space<vmem_shared>>
      %dma_start3A_37 = arith.constant 0 : i32
      %dma_start3A_38 = tpu.memref_slice %arg5[%mul3A_0, %dma_start3A_37] : memref<10240x8xf32, #tpu.memory_space<hbm>> -> memref<640x8xf32, #tpu.memory_space<hbm>>
      tpu.enqueue_dma source(%dma_start3A_38 : memref<640x8xf32, #tpu.memory_space<hbm>>) target(%dma_start3A_36 : memref<640x8xf32, #tpu.memory_space<vmem_shared>>) target_semaphore(%run_scoped3A : memref<!tpu.dma_semaphore, #tpu.memory_space<semaphore_mem>>)
      %dma_wait3A = arith.constant 0 : i32
      %dma_wait3A_39 = tpu.memref_slice %arg10[%mul3A_0, %dma_wait3A] : memref<10240x8xf32, #tpu.memory_space<vmem_shared>> -> memref<640x8xf32, #tpu.memory_space<vmem_shared>>
      %dma_wait3A_40 = arith.constant 0 : i32
      %dma_wait3A_41 = tpu.memref_slice %arg5[%mul3A_0, %dma_wait3A_40] : memref<10240x8xf32, #tpu.memory_space<hbm>> -> memref<640x8xf32, #tpu.memory_space<hbm>>
      tpu.wait_dma2 semaphore(%run_scoped3A : memref<!tpu.dma_semaphore, #tpu.memory_space<semaphore_mem>>) src(%dma_wait3A_41 : memref<640x8xf32, #tpu.memory_space<hbm>>) dst(%dma_wait3A_39 : memref<640x8xf32, #tpu.memory_space<vmem_shared>>)
      tpu.yield
    }) : () -> ()
    %eq3A_7 = arith.constant 0 : i32
    %eq3A_8 = arith.cmpi eq, %arg0, %eq3A_7 : i32
    %convert_element_type3A = arith.extui %eq3A_8 : i1 to i32
    %cond3A = arith.constant 0 : i32
    %cond3A_9 = arith.cmpi ne, %convert_element_type3A, %cond3A : i32
    scf.if %cond3A_9 {
      "tpu.region"() ({
        %run_scoped3A = tpu.sem_alloc : memref<!tpu.dma_semaphore, #tpu.memory_space<semaphore_mem>>
        %dma_start3A = arith.constant 0 : i32
        %dma_start3A_36 = tpu.memref_slice %arg3[%select_n3A, %dma_start3A] : memref<2560x128xi32, #tpu.memory_space<hbm>> -> memref<136x128xi32, #tpu.memory_space<hbm>>
        %dma_start3A_37 = arith.constant 0 : i32
        %dma_start3A_38 = tpu.memref_slice %arg3[%select_n3A, %dma_start3A_37] : memref<2560x128xi32, #tpu.memory_space<hbm>> -> memref<136x128xi32, #tpu.memory_space<hbm>>
        tpu.enqueue_dma source(%dma_start3A_38 : memref<136x128xi32, #tpu.memory_space<hbm>>) target(%arg7 : memref<136x128xi32, #tpu.memory_space<vmem>>) target_semaphore(%run_scoped3A : memref<!tpu.dma_semaphore, #tpu.memory_space<semaphore_mem>>)
        %dma_wait3A = arith.constant 0 : i32
        %dma_wait3A_39 = tpu.memref_slice %arg3[%select_n3A, %dma_wait3A] : memref<2560x128xi32, #tpu.memory_space<hbm>> -> memref<136x128xi32, #tpu.memory_space<hbm>>
        %dma_wait3A_40 = arith.constant 0 : i32
        %dma_wait3A_41 = tpu.memref_slice %arg3[%select_n3A, %dma_wait3A_40] : memref<2560x128xi32, #tpu.memory_space<hbm>> -> memref<136x128xi32, #tpu.memory_space<hbm>>
        tpu.wait_dma2 semaphore(%run_scoped3A : memref<!tpu.dma_semaphore, #tpu.memory_space<semaphore_mem>>) src(%dma_wait3A_41 : memref<136x128xi32, #tpu.memory_space<hbm>>) dst(%arg7 : memref<136x128xi32, #tpu.memory_space<vmem>>)
        tpu.yield
      }) : () -> ()
    } else {
    }
    %eq3A_10 = arith.constant 1 : i32
    %eq3A_11 = arith.cmpi eq, %arg0, %eq3A_10 : i32
    %convert_element_type3A_12 = arith.extui %eq3A_11 : i1 to i32
    %cond3A_13 = arith.constant 0 : i32
    %cond3A_14 = arith.cmpi ne, %convert_element_type3A_12, %cond3A_13 : i32
    scf.if %cond3A_14 {
      "tpu.region"() ({
        %run_scoped3A = tpu.sem_alloc : memref<!tpu.dma_semaphore, #tpu.memory_space<semaphore_mem>>
        %dma_start3A = arith.constant 0 : i32
        %dma_start3A_36 = arith.constant 0 : i32
        %dma_start3A_37 = tpu.memref_slice %arg7[%dma_start3A, %dma_start3A_36] : memref<136x128xi32, #tpu.memory_space<vmem>> -> memref<24x128xi32, #tpu.memory_space<vmem>>
        %dma_start3A_38 = arith.constant 0 : i32
        %dma_start3A_39 = tpu.memref_slice %arg3[%select_n3A, %dma_start3A_38] : memref<2560x128xi32, #tpu.memory_space<hbm>> -> memref<24x128xi32, #tpu.memory_space<hbm>>
        %dma_start3A_40 = arith.constant 0 : i32
        %dma_start3A_41 = arith.constant 0 : i32
        %dma_start3A_42 = tpu.memref_slice %arg7[%dma_start3A_40, %dma_start3A_41] : memref<136x128xi32, #tpu.memory_space<vmem>> -> memref<24x128xi32, #tpu.memory_space<vmem>>
        %dma_start3A_43 = arith.constant 0 : i32
        %dma_start3A_44 = tpu.memref_slice %arg3[%select_n3A, %dma_start3A_43] : memref<2560x128xi32, #tpu.memory_space<hbm>> -> memref<24x128xi32, #tpu.memory_space<hbm>>
        tpu.enqueue_dma source(%dma_start3A_44 : memref<24x128xi32, #tpu.memory_space<hbm>>) target(%dma_start3A_42 : memref<24x128xi32, #tpu.memory_space<vmem>>) target_semaphore(%run_scoped3A : memref<!tpu.dma_semaphore, #tpu.memory_space<semaphore_mem>>)
        %dma_wait3A = arith.constant 0 : i32
        %dma_wait3A_45 = arith.constant 0 : i32
        %dma_wait3A_46 = tpu.memref_slice %arg7[%dma_wait3A, %dma_wait3A_45] : memref<136x128xi32, #tpu.memory_space<vmem>> -> memref<24x128xi32, #tpu.memory_space<vmem>>
        %dma_wait3A_47 = arith.constant 0 : i32
        %dma_wait3A_48 = tpu.memref_slice %arg3[%select_n3A, %dma_wait3A_47] : memref<2560x128xi32, #tpu.memory_space<hbm>> -> memref<24x128xi32, #tpu.memory_space<hbm>>
        %dma_wait3A_49 = arith.constant 0 : i32
        %dma_wait3A_50 = arith.constant 0 : i32
        %dma_wait3A_51 = tpu.memref_slice %arg7[%dma_wait3A_49, %dma_wait3A_50] : memref<136x128xi32, #tpu.memory_space<vmem>> -> memref<24x128xi32, #tpu.memory_space<vmem>>
        %dma_wait3A_52 = arith.constant 0 : i32
        %dma_wait3A_53 = tpu.memref_slice %arg3[%select_n3A, %dma_wait3A_52] : memref<2560x128xi32, #tpu.memory_space<hbm>> -> memref<24x128xi32, #tpu.memory_space<hbm>>
        tpu.wait_dma2 semaphore(%run_scoped3A : memref<!tpu.dma_semaphore, #tpu.memory_space<semaphore_mem>>) src(%dma_wait3A_53 : memref<24x128xi32, #tpu.memory_space<hbm>>) dst(%dma_wait3A_51 : memref<24x128xi32, #tpu.memory_space<vmem>>)
        tpu.yield
      }) : () -> ()
    } else {
    }
    %eq3A_15 = arith.constant 0 : i32
    %eq3A_16 = arith.cmpi eq, %arg0, %eq3A_15 : i32
    %convert_element_type3A_17 = arith.extui %eq3A_16 : i1 to i32
    %cond3A_18 = arith.constant 0 : i32
    %cond3A_19 = arith.cmpi ne, %convert_element_type3A_17, %cond3A_18 : i32
    scf.if %cond3A_19 {
      "tpu.region"() ({
        %run_scoped3A = tpu.sem_alloc : memref<!tpu.dma_semaphore, #tpu.memory_space<semaphore_mem>>
        %dma_start3A = arith.constant 0 : i32
        %dma_start3A_36 = tpu.memref_slice %arg4[%select_n3A, %dma_start3A] : memref<2560x128xi32, #tpu.memory_space<hbm>> -> memref<136x128xi32, #tpu.memory_space<hbm>>
        %dma_start3A_37 = arith.constant 0 : i32
        %dma_start3A_38 = tpu.memref_slice %arg4[%select_n3A, %dma_start3A_37] : memref<2560x128xi32, #tpu.memory_space<hbm>> -> memref<136x128xi32, #tpu.memory_space<hbm>>
        tpu.enqueue_dma source(%dma_start3A_38 : memref<136x128xi32, #tpu.memory_space<hbm>>) target(%arg8 : memref<136x128xi32, #tpu.memory_space<vmem>>) target_semaphore(%run_scoped3A : memref<!tpu.dma_semaphore, #tpu.memory_space<semaphore_mem>>)
        %dma_wait3A = arith.constant 0 : i32
        %dma_wait3A_39 = tpu.memref_slice %arg4[%select_n3A, %dma_wait3A] : memref<2560x128xi32, #tpu.memory_space<hbm>> -> memref<136x128xi32, #tpu.memory_space<hbm>>
        %dma_wait3A_40 = arith.constant 0 : i32
        %dma_wait3A_41 = tpu.memref_slice %arg4[%select_n3A, %dma_wait3A_40] : memref<2560x128xi32, #tpu.memory_space<hbm>> -> memref<136x128xi32, #tpu.memory_space<hbm>>
        tpu.wait_dma2 semaphore(%run_scoped3A : memref<!tpu.dma_semaphore, #tpu.memory_space<semaphore_mem>>) src(%dma_wait3A_41 : memref<136x128xi32, #tpu.memory_space<hbm>>) dst(%arg8 : memref<136x128xi32, #tpu.memory_space<vmem>>)
        tpu.yield
      }) : () -> ()
    } else {
    }
    %eq3A_20 = arith.constant 1 : i32
    %eq3A_21 = arith.cmpi eq, %arg0, %eq3A_20 : i32
    %convert_element_type3A_22 = arith.extui %eq3A_21 : i1 to i32
    %cond3A_23 = arith.constant 0 : i32
    %cond3A_24 = arith.cmpi ne, %convert_element_type3A_22, %cond3A_23 : i32
    scf.if %cond3A_24 {
      "tpu.region"() ({
        %run_scoped3A = tpu.sem_alloc : memref<!tpu.dma_semaphore, #tpu.memory_space<semaphore_mem>>
        %dma_start3A = arith.constant 0 : i32
        %dma_start3A_36 = arith.constant 0 : i32
        %dma_start3A_37 = tpu.memref_slice %arg8[%dma_start3A, %dma_start3A_36] : memref<136x128xi32, #tpu.memory_space<vmem>> -> memref<24x128xi32, #tpu.memory_space<vmem>>
        %dma_start3A_38 = arith.constant 0 : i32
        %dma_start3A_39 = tpu.memref_slice %arg4[%select_n3A, %dma_start3A_38] : memref<2560x128xi32, #tpu.memory_space<hbm>> -> memref<24x128xi32, #tpu.memory_space<hbm>>
        %dma_start3A_40 = arith.constant 0 : i32
        %dma_start3A_41 = arith.constant 0 : i32
        %dma_start3A_42 = tpu.memref_slice %arg8[%dma_start3A_40, %dma_start3A_41] : memref<136x128xi32, #tpu.memory_space<vmem>> -> memref<24x128xi32, #tpu.memory_space<vmem>>
        %dma_start3A_43 = arith.constant 0 : i32
        %dma_start3A_44 = tpu.memref_slice %arg4[%select_n3A, %dma_start3A_43] : memref<2560x128xi32, #tpu.memory_space<hbm>> -> memref<24x128xi32, #tpu.memory_space<hbm>>
        tpu.enqueue_dma source(%dma_start3A_44 : memref<24x128xi32, #tpu.memory_space<hbm>>) target(%dma_start3A_42 : memref<24x128xi32, #tpu.memory_space<vmem>>) target_semaphore(%run_scoped3A : memref<!tpu.dma_semaphore, #tpu.memory_space<semaphore_mem>>)
        %dma_wait3A = arith.constant 0 : i32
        %dma_wait3A_45 = arith.constant 0 : i32
        %dma_wait3A_46 = tpu.memref_slice %arg8[%dma_wait3A, %dma_wait3A_45] : memref<136x128xi32, #tpu.memory_space<vmem>> -> memref<24x128xi32, #tpu.memory_space<vmem>>
        %dma_wait3A_47 = arith.constant 0 : i32
        %dma_wait3A_48 = tpu.memref_slice %arg4[%select_n3A, %dma_wait3A_47] : memref<2560x128xi32, #tpu.memory_space<hbm>> -> memref<24x128xi32, #tpu.memory_space<hbm>>
        %dma_wait3A_49 = arith.constant 0 : i32
        %dma_wait3A_50 = arith.constant 0 : i32
        %dma_wait3A_51 = tpu.memref_slice %arg8[%dma_wait3A_49, %dma_wait3A_50] : memref<136x128xi32, #tpu.memory_space<vmem>> -> memref<24x128xi32, #tpu.memory_space<vmem>>
        %dma_wait3A_52 = arith.constant 0 : i32
        %dma_wait3A_53 = tpu.memref_slice %arg4[%select_n3A, %dma_wait3A_52] : memref<2560x128xi32, #tpu.memory_space<hbm>> -> memref<24x128xi32, #tpu.memory_space<hbm>>
        tpu.wait_dma2 semaphore(%run_scoped3A : memref<!tpu.dma_semaphore, #tpu.memory_space<semaphore_mem>>) src(%dma_wait3A_53 : memref<24x128xi32, #tpu.memory_space<hbm>>) dst(%dma_wait3A_51 : memref<24x128xi32, #tpu.memory_space<vmem>>)
        tpu.yield
      }) : () -> ()
    } else {
    }
    %barrier3A = arith.constant 0 : index
    tpu.barrier barrier_id(%barrier3A)
    %eq3A_25 = arith.constant 0 : i32
    %eq3A_26 = arith.cmpi eq, %arg0, %eq3A_25 : i32
    %convert_element_type3A_27 = arith.extui %eq3A_26 : i1 to i32
    %cond3A_28 = arith.constant 0 : i32
    %cond3A_29 = arith.cmpi ne, %convert_element_type3A_27, %cond3A_28 : i32
    scf.if %cond3A_29 {
      %scan3A = arith.constant 0 : i32
      %scan3A_36 = arith.constant 0 : i32
      %scan3A_37 = arith.constant 17 : i32
      %scan3A_38 = arith.addi %scan3A_36, %scan3A_37 : i32
      %scan3A_39 = arith.constant 1 : i32
      scf.for %scan3A_41 = %scan3A_36 to %scan3A_38 step %scan3A_39  : i32 {
        %mul3A_42 = arith.constant 8 : i32
        %mul3A_43 = arith.muli %scan3A_41, %mul3A_42 : i32
        %add3A_44 = arith.constant 0 : i32
        %add3A_45 = arith.addi %mul3A_43, %add3A_44 : i32
        %dma_start3A = arith.constant 0 : i32
        %dma_start3A_46 = arith.constant 0 : i32
        %dma_start3A_47 = arith.constant 0 : i32
        %dma_start3A_48 = tpu.memref_slice %arg9[%dma_start3A, %dma_start3A_46, %dma_start3A_47] : memref<8x128x8xf32, #tpu.memory_space<vmem>> -> memref<1x128x8xf32, #tpu.memory_space<vmem>>
        %dma_start3A_49 = tpu.memref_squeeze %dma_start3A_48 : memref<1x128x8xf32, #tpu.memory_space<vmem>> -> memref<128x8xf32, #tpu.memory_space<vmem>>
        %dma_start3A_50 = arith.constant 0 : i32
        %dma_start3A_51 = tpu.memref_slice %arg7[%add3A_45, %dma_start3A_50] : memref<136x128xi32, #tpu.memory_space<vmem>> -> memref<1x128xi32, #tpu.memory_space<vmem>>
        %dma_start3A_52 = tpu.memref_squeeze %dma_start3A_51 : memref<1x128xi32, #tpu.memory_space<vmem>> -> memref<128xi32, #tpu.memory_space<vmem>>
        %dma_start3A_53 = arith.constant 0 : i32
        %dma_start3A_54 = arith.constant 0 : i32
        %dma_start3A_55 = tpu.memref_slice %arg2[%dma_start3A_53, %dma_start3A_54] : memref<10240x8xf32, #tpu.memory_space<hbm>> -> memref<10240x8xf32, #tpu.memory_space<hbm>>
        tpu.enqueue_indirect_dma source(%dma_start3A_55 : memref<10240x8xf32, #tpu.memory_space<hbm>>) target(%dma_start3A_49 : memref<128x8xf32, #tpu.memory_space<vmem>>) offsets(%dma_start3A_52 : memref<128xi32, #tpu.memory_space<vmem>>) semaphore(%arg11 : memref<!tpu.dma_semaphore, #tpu.memory_space<semaphore_mem>>)
        %add3A_56 = arith.constant 1 : i32
        %add3A_57 = arith.addi %mul3A_43, %add3A_56 : i32
        %dma_start3A_58 = arith.constant 1 : i32
        %dma_start3A_59 = arith.constant 0 : i32
        %dma_start3A_60 = arith.constant 0 : i32
        %dma_start3A_61 = tpu.memref_slice %arg9[%dma_start3A_58, %dma_start3A_59, %dma_start3A_60] : memref<8x128x8xf32, #tpu.memory_space<vmem>> -> memref<1x128x8xf32, #tpu.memory_space<vmem>>
        %dma_start3A_62 = tpu.memref_squeeze %dma_start3A_61 : memref<1x128x8xf32, #tpu.memory_space<vmem>> -> memref<128x8xf32, #tpu.memory_space<vmem>>
        %dma_start3A_63 = arith.constant 0 : i32
        %dma_start3A_64 = tpu.memref_slice %arg7[%add3A_57, %dma_start3A_63] : memref<136x128xi32, #tpu.memory_space<vmem>> -> memref<1x128xi32, #tpu.memory_space<vmem>>
        %dma_start3A_65 = tpu.memref_squeeze %dma_start3A_64 : memref<1x128xi32, #tpu.memory_space<vmem>> -> memref<128xi32, #tpu.memory_space<vmem>>
        %dma_start3A_66 = arith.constant 0 : i32
        %dma_start3A_67 = arith.constant 0 : i32
        %dma_start3A_68 = tpu.memref_slice %arg2[%dma_start3A_66, %dma_start3A_67] : memref<10240x8xf32, #tpu.memory_space<hbm>> -> memref<10240x8xf32, #tpu.memory_space<hbm>>
        tpu.enqueue_indirect_dma source(%dma_start3A_68 : memref<10240x8xf32, #tpu.memory_space<hbm>>) target(%dma_start3A_62 : memref<128x8xf32, #tpu.memory_space<vmem>>) offsets(%dma_start3A_65 : memref<128xi32, #tpu.memory_space<vmem>>) semaphore(%arg11 : memref<!tpu.dma_semaphore, #tpu.memory_space<semaphore_mem>>)
        %add3A_69 = arith.constant 2 : i32
        %add3A_70 = arith.addi %mul3A_43, %add3A_69 : i32
        %dma_start3A_71 = arith.constant 2 : i32
        %dma_start3A_72 = arith.constant 0 : i32
        %dma_start3A_73 = arith.constant 0 : i32
        %dma_start3A_74 = tpu.memref_slice %arg9[%dma_start3A_71, %dma_start3A_72, %dma_start3A_73] : memref<8x128x8xf32, #tpu.memory_space<vmem>> -> memref<1x128x8xf32, #tpu.memory_space<vmem>>
        %dma_start3A_75 = tpu.memref_squeeze %dma_start3A_74 : memref<1x128x8xf32, #tpu.memory_space<vmem>> -> memref<128x8xf32, #tpu.memory_space<vmem>>
        %dma_start3A_76 = arith.constant 0 : i32
        %dma_start3A_77 = tpu.memref_slice %arg7[%add3A_70, %dma_start3A_76] : memref<136x128xi32, #tpu.memory_space<vmem>> -> memref<1x128xi32, #tpu.memory_space<vmem>>
        %dma_start3A_78 = tpu.memref_squeeze %dma_start3A_77 : memref<1x128xi32, #tpu.memory_space<vmem>> -> memref<128xi32, #tpu.memory_space<vmem>>
        %dma_start3A_79 = arith.constant 0 : i32
        %dma_start3A_80 = arith.constant 0 : i32
        %dma_start3A_81 = tpu.memref_slice %arg2[%dma_start3A_79, %dma_start3A_80] : memref<10240x8xf32, #tpu.memory_space<hbm>> -> memref<10240x8xf32, #tpu.memory_space<hbm>>
        tpu.enqueue_indirect_dma source(%dma_start3A_81 : memref<10240x8xf32, #tpu.memory_space<hbm>>) target(%dma_start3A_75 : memref<128x8xf32, #tpu.memory_space<vmem>>) offsets(%dma_start3A_78 : memref<128xi32, #tpu.memory_space<vmem>>) semaphore(%arg11 : memref<!tpu.dma_semaphore, #tpu.memory_space<semaphore_mem>>)
        %add3A_82 = arith.constant 3 : i32
        %add3A_83 = arith.addi %mul3A_43, %add3A_82 : i32
        %dma_start3A_84 = arith.constant 3 : i32
        %dma_start3A_85 = arith.constant 0 : i32
        %dma_start3A_86 = arith.constant 0 : i32
        %dma_start3A_87 = tpu.memref_slice %arg9[%dma_start3A_84, %dma_start3A_85, %dma_start3A_86] : memref<8x128x8xf32, #tpu.memory_space<vmem>> -> memref<1x128x8xf32, #tpu.memory_space<vmem>>
        %dma_start3A_88 = tpu.memref_squeeze %dma_start3A_87 : memref<1x128x8xf32, #tpu.memory_space<vmem>> -> memref<128x8xf32, #tpu.memory_space<vmem>>
        %dma_start3A_89 = arith.constant 0 : i32
        %dma_start3A_90 = tpu.memref_slice %arg7[%add3A_83, %dma_start3A_89] : memref<136x128xi32, #tpu.memory_space<vmem>> -> memref<1x128xi32, #tpu.memory_space<vmem>>
        %dma_start3A_91 = tpu.memref_squeeze %dma_start3A_90 : memref<1x128xi32, #tpu.memory_space<vmem>> -> memref<128xi32, #tpu.memory_space<vmem>>
        %dma_start3A_92 = arith.constant 0 : i32
        %dma_start3A_93 = arith.constant 0 : i32
        %dma_start3A_94 = tpu.memref_slice %arg2[%dma_start3A_92, %dma_start3A_93] : memref<10240x8xf32, #tpu.memory_space<hbm>> -> memref<10240x8xf32, #tpu.memory_space<hbm>>
        tpu.enqueue_indirect_dma source(%dma_start3A_94 : memref<10240x8xf32, #tpu.memory_space<hbm>>) target(%dma_start3A_88 : memref<128x8xf32, #tpu.memory_space<vmem>>) offsets(%dma_start3A_91 : memref<128xi32, #tpu.memory_space<vmem>>) semaphore(%arg11 : memref<!tpu.dma_semaphore, #tpu.memory_space<semaphore_mem>>)
        %add3A_95 = arith.constant 4 : i32
        %add3A_96 = arith.addi %mul3A_43, %add3A_95 : i32
        %dma_start3A_97 = arith.constant 4 : i32
        %dma_start3A_98 = arith.constant 0 : i32
        %dma_start3A_99 = arith.constant 0 : i32
        %dma_start3A_100 = tpu.memref_slice %arg9[%dma_start3A_97, %dma_start3A_98, %dma_start3A_99] : memref<8x128x8xf32, #tpu.memory_space<vmem>> -> memref<1x128x8xf32, #tpu.memory_space<vmem>>
        %dma_start3A_101 = tpu.memref_squeeze %dma_start3A_100 : memref<1x128x8xf32, #tpu.memory_space<vmem>> -> memref<128x8xf32, #tpu.memory_space<vmem>>
        %dma_start3A_102 = arith.constant 0 : i32
        %dma_start3A_103 = tpu.memref_slice %arg7[%add3A_96, %dma_start3A_102] : memref<136x128xi32, #tpu.memory_space<vmem>> -> memref<1x128xi32, #tpu.memory_space<vmem>>
        %dma_start3A_104 = tpu.memref_squeeze %dma_start3A_103 : memref<1x128xi32, #tpu.memory_space<vmem>> -> memref<128xi32, #tpu.memory_space<vmem>>
        %dma_start3A_105 = arith.constant 0 : i32
        %dma_start3A_106 = arith.constant 0 : i32
        %dma_start3A_107 = tpu.memref_slice %arg2[%dma_start3A_105, %dma_start3A_106] : memref<10240x8xf32, #tpu.memory_space<hbm>> -> memref<10240x8xf32, #tpu.memory_space<hbm>>
        tpu.enqueue_indirect_dma source(%dma_start3A_107 : memref<10240x8xf32, #tpu.memory_space<hbm>>) target(%dma_start3A_101 : memref<128x8xf32, #tpu.memory_space<vmem>>) offsets(%dma_start3A_104 : memref<128xi32, #tpu.memory_space<vmem>>) semaphore(%arg11 : memref<!tpu.dma_semaphore, #tpu.memory_space<semaphore_mem>>)
        %add3A_108 = arith.constant 5 : i32
        %add3A_109 = arith.addi %mul3A_43, %add3A_108 : i32
        %dma_start3A_110 = arith.constant 5 : i32
        %dma_start3A_111 = arith.constant 0 : i32
        %dma_start3A_112 = arith.constant 0 : i32
        %dma_start3A_113 = tpu.memref_slice %arg9[%dma_start3A_110, %dma_start3A_111, %dma_start3A_112] : memref<8x128x8xf32, #tpu.memory_space<vmem>> -> memref<1x128x8xf32, #tpu.memory_space<vmem>>
        %dma_start3A_114 = tpu.memref_squeeze %dma_start3A_113 : memref<1x128x8xf32, #tpu.memory_space<vmem>> -> memref<128x8xf32, #tpu.memory_space<vmem>>
        %dma_start3A_115 = arith.constant 0 : i32
        %dma_start3A_116 = tpu.memref_slice %arg7[%add3A_109, %dma_start3A_115] : memref<136x128xi32, #tpu.memory_space<vmem>> -> memref<1x128xi32, #tpu.memory_space<vmem>>
        %dma_start3A_117 = tpu.memref_squeeze %dma_start3A_116 : memref<1x128xi32, #tpu.memory_space<vmem>> -> memref<128xi32, #tpu.memory_space<vmem>>
        %dma_start3A_118 = arith.constant 0 : i32
        %dma_start3A_119 = arith.constant 0 : i32
        %dma_start3A_120 = tpu.memref_slice %arg2[%dma_start3A_118, %dma_start3A_119] : memref<10240x8xf32, #tpu.memory_space<hbm>> -> memref<10240x8xf32, #tpu.memory_space<hbm>>
        tpu.enqueue_indirect_dma source(%dma_start3A_120 : memref<10240x8xf32, #tpu.memory_space<hbm>>) target(%dma_start3A_114 : memref<128x8xf32, #tpu.memory_space<vmem>>) offsets(%dma_start3A_117 : memref<128xi32, #tpu.memory_space<vmem>>) semaphore(%arg11 : memref<!tpu.dma_semaphore, #tpu.memory_space<semaphore_mem>>)
        %add3A_121 = arith.constant 6 : i32
        %add3A_122 = arith.addi %mul3A_43, %add3A_121 : i32
        %dma_start3A_123 = arith.constant 6 : i32
        %dma_start3A_124 = arith.constant 0 : i32
        %dma_start3A_125 = arith.constant 0 : i32
        %dma_start3A_126 = tpu.memref_slice %arg9[%dma_start3A_123, %dma_start3A_124, %dma_start3A_125] : memref<8x128x8xf32, #tpu.memory_space<vmem>> -> memref<1x128x8xf32, #tpu.memory_space<vmem>>
        %dma_start3A_127 = tpu.memref_squeeze %dma_start3A_126 : memref<1x128x8xf32, #tpu.memory_space<vmem>> -> memref<128x8xf32, #tpu.memory_space<vmem>>
        %dma_start3A_128 = arith.constant 0 : i32
        %dma_start3A_129 = tpu.memref_slice %arg7[%add3A_122, %dma_start3A_128] : memref<136x128xi32, #tpu.memory_space<vmem>> -> memref<1x128xi32, #tpu.memory_space<vmem>>
        %dma_start3A_130 = tpu.memref_squeeze %dma_start3A_129 : memref<1x128xi32, #tpu.memory_space<vmem>> -> memref<128xi32, #tpu.memory_space<vmem>>
        %dma_start3A_131 = arith.constant 0 : i32
        %dma_start3A_132 = arith.constant 0 : i32
        %dma_start3A_133 = tpu.memref_slice %arg2[%dma_start3A_131, %dma_start3A_132] : memref<10240x8xf32, #tpu.memory_space<hbm>> -> memref<10240x8xf32, #tpu.memory_space<hbm>>
        tpu.enqueue_indirect_dma source(%dma_start3A_133 : memref<10240x8xf32, #tpu.memory_space<hbm>>) target(%dma_start3A_127 : memref<128x8xf32, #tpu.memory_space<vmem>>) offsets(%dma_start3A_130 : memref<128xi32, #tpu.memory_space<vmem>>) semaphore(%arg11 : memref<!tpu.dma_semaphore, #tpu.memory_space<semaphore_mem>>)
        %add3A_134 = arith.constant 7 : i32
        %add3A_135 = arith.addi %mul3A_43, %add3A_134 : i32
        %dma_start3A_136 = arith.constant 7 : i32
        %dma_start3A_137 = arith.constant 0 : i32
        %dma_start3A_138 = arith.constant 0 : i32
        %dma_start3A_139 = tpu.memref_slice %arg9[%dma_start3A_136, %dma_start3A_137, %dma_start3A_138] : memref<8x128x8xf32, #tpu.memory_space<vmem>> -> memref<1x128x8xf32, #tpu.memory_space<vmem>>
        %dma_start3A_140 = tpu.memref_squeeze %dma_start3A_139 : memref<1x128x8xf32, #tpu.memory_space<vmem>> -> memref<128x8xf32, #tpu.memory_space<vmem>>
        %dma_start3A_141 = arith.constant 0 : i32
        %dma_start3A_142 = tpu.memref_slice %arg7[%add3A_135, %dma_start3A_141] : memref<136x128xi32, #tpu.memory_space<vmem>> -> memref<1x128xi32, #tpu.memory_space<vmem>>
        %dma_start3A_143 = tpu.memref_squeeze %dma_start3A_142 : memref<1x128xi32, #tpu.memory_space<vmem>> -> memref<128xi32, #tpu.memory_space<vmem>>
        %dma_start3A_144 = arith.constant 0 : i32
        %dma_start3A_145 = arith.constant 0 : i32
        %dma_start3A_146 = tpu.memref_slice %arg2[%dma_start3A_144, %dma_start3A_145] : memref<10240x8xf32, #tpu.memory_space<hbm>> -> memref<10240x8xf32, #tpu.memory_space<hbm>>
        tpu.enqueue_indirect_dma source(%dma_start3A_146 : memref<10240x8xf32, #tpu.memory_space<hbm>>) target(%dma_start3A_140 : memref<128x8xf32, #tpu.memory_space<vmem>>) offsets(%dma_start3A_143 : memref<128xi32, #tpu.memory_space<vmem>>) semaphore(%arg11 : memref<!tpu.dma_semaphore, #tpu.memory_space<semaphore_mem>>)
        %dma_wait3A = arith.constant 0 : i32
        %dma_wait3A_147 = arith.constant 0 : i32
        %dma_wait3A_148 = arith.constant 0 : i32
        %dma_wait3A_149 = tpu.memref_slice %arg9[%dma_wait3A, %dma_wait3A_147, %dma_wait3A_148] : memref<8x128x8xf32, #tpu.memory_space<vmem>> -> memref<1x128x8xf32, #tpu.memory_space<vmem>>
        %dma_wait3A_150 = tpu.memref_squeeze %dma_wait3A_149 : memref<1x128x8xf32, #tpu.memory_space<vmem>> -> memref<128x8xf32, #tpu.memory_space<vmem>>
        %dma_wait3A_151 = arith.constant 0 : i32
        %dma_wait3A_152 = tpu.memref_slice %arg7[%add3A_45, %dma_wait3A_151] : memref<136x128xi32, #tpu.memory_space<vmem>> -> memref<1x128xi32, #tpu.memory_space<vmem>>
        %dma_wait3A_153 = tpu.memref_squeeze %dma_wait3A_152 : memref<1x128xi32, #tpu.memory_space<vmem>> -> memref<128xi32, #tpu.memory_space<vmem>>
        %dma_wait3A_154 = arith.constant 0 : i32
        %dma_wait3A_155 = arith.constant 0 : i32
        %dma_wait3A_156 = tpu.memref_slice %arg2[%dma_wait3A_154, %dma_wait3A_155] : memref<10240x8xf32, #tpu.memory_space<hbm>> -> memref<10240x8xf32, #tpu.memory_space<hbm>>
        tpu.wait_indirect_dma semaphore(%arg11 : memref<!tpu.dma_semaphore, #tpu.memory_space<semaphore_mem>>) src(%dma_wait3A_156 : memref<10240x8xf32, #tpu.memory_space<hbm>>) dst(%dma_wait3A_150 : memref<128x8xf32, #tpu.memory_space<vmem>>)
        %add3A_157 = arith.constant 0 : i32
        %add3A_158 = arith.addi %mul3A_43, %add3A_157 : i32
        %dma_start3A_159 = arith.constant 0 : i32
        %dma_start3A_160 = arith.constant 0 : i32
        %dma_start3A_161 = arith.constant 0 : i32
        %dma_start3A_162 = tpu.memref_slice %arg9[%dma_start3A_159, %dma_start3A_160, %dma_start3A_161] : memref<8x128x8xf32, #tpu.memory_space<vmem>> -> memref<1x128x8xf32, #tpu.memory_space<vmem>>
        %dma_start3A_163 = tpu.memref_squeeze %dma_start3A_162 : memref<1x128x8xf32, #tpu.memory_space<vmem>> -> memref<128x8xf32, #tpu.memory_space<vmem>>
        %dma_start3A_164 = arith.constant 0 : i32
        %dma_start3A_165 = tpu.memref_slice %arg8[%add3A_158, %dma_start3A_164] : memref<136x128xi32, #tpu.memory_space<vmem>> -> memref<1x128xi32, #tpu.memory_space<vmem>>
        %dma_start3A_166 = tpu.memref_squeeze %dma_start3A_165 : memref<1x128xi32, #tpu.memory_space<vmem>> -> memref<128xi32, #tpu.memory_space<vmem>>
        %dma_start3A_167 = arith.constant 0 : i32
        %dma_start3A_168 = arith.constant 0 : i32
        %dma_start3A_169 = tpu.memref_slice %arg10[%dma_start3A_167, %dma_start3A_168] : memref<10240x8xf32, #tpu.memory_space<vmem_shared>> -> memref<10240x8xf32, #tpu.memory_space<vmem_shared>>
        tpu.enqueue_indirect_dma source(%dma_start3A_163 : memref<128x8xf32, #tpu.memory_space<vmem>>) target(%dma_start3A_169 : memref<10240x8xf32, #tpu.memory_space<vmem_shared>>) offsets(%dma_start3A_166 : memref<128xi32, #tpu.memory_space<vmem>>) semaphore(%arg12 : memref<!tpu.dma_semaphore, #tpu.memory_space<semaphore_mem>>) {add = true}
        %dma_wait3A_170 = arith.constant 1 : i32
        %dma_wait3A_171 = arith.constant 0 : i32
        %dma_wait3A_172 = arith.constant 0 : i32
        %dma_wait3A_173 = tpu.memref_slice %arg9[%dma_wait3A_170, %dma_wait3A_171, %dma_wait3A_172] : memref<8x128x8xf32, #tpu.memory_space<vmem>> -> memref<1x128x8xf32, #tpu.memory_space<vmem>>
        %dma_wait3A_174 = tpu.memref_squeeze %dma_wait3A_173 : memref<1x128x8xf32, #tpu.memory_space<vmem>> -> memref<128x8xf32, #tpu.memory_space<vmem>>
        %dma_wait3A_175 = arith.constant 0 : i32
        %dma_wait3A_176 = tpu.memref_slice %arg7[%add3A_57, %dma_wait3A_175] : memref<136x128xi32, #tpu.memory_space<vmem>> -> memref<1x128xi32, #tpu.memory_space<vmem>>
        %dma_wait3A_177 = tpu.memref_squeeze %dma_wait3A_176 : memref<1x128xi32, #tpu.memory_space<vmem>> -> memref<128xi32, #tpu.memory_space<vmem>>
        %dma_wait3A_178 = arith.constant 0 : i32
        %dma_wait3A_179 = arith.constant 0 : i32
        %dma_wait3A_180 = tpu.memref_slice %arg2[%dma_wait3A_178, %dma_wait3A_179] : memref<10240x8xf32, #tpu.memory_space<hbm>> -> memref<10240x8xf32, #tpu.memory_space<hbm>>
        tpu.wait_indirect_dma semaphore(%arg11 : memref<!tpu.dma_semaphore, #tpu.memory_space<semaphore_mem>>) src(%dma_wait3A_180 : memref<10240x8xf32, #tpu.memory_space<hbm>>) dst(%dma_wait3A_174 : memref<128x8xf32, #tpu.memory_space<vmem>>)
        %add3A_181 = arith.constant 1 : i32
        %add3A_182 = arith.addi %mul3A_43, %add3A_181 : i32
        %dma_start3A_183 = arith.constant 1 : i32
        %dma_start3A_184 = arith.constant 0 : i32
        %dma_start3A_185 = arith.constant 0 : i32
        %dma_start3A_186 = tpu.memref_slice %arg9[%dma_start3A_183, %dma_start3A_184, %dma_start3A_185] : memref<8x128x8xf32, #tpu.memory_space<vmem>> -> memref<1x128x8xf32, #tpu.memory_space<vmem>>
        %dma_start3A_187 = tpu.memref_squeeze %dma_start3A_186 : memref<1x128x8xf32, #tpu.memory_space<vmem>> -> memref<128x8xf32, #tpu.memory_space<vmem>>
        %dma_start3A_188 = arith.constant 0 : i32
        %dma_start3A_189 = tpu.memref_slice %arg8[%add3A_182, %dma_start3A_188] : memref<136x128xi32, #tpu.memory_space<vmem>> -> memref<1x128xi32, #tpu.memory_space<vmem>>
        %dma_start3A_190 = tpu.memref_squeeze %dma_start3A_189 : memref<1x128xi32, #tpu.memory_space<vmem>> -> memref<128xi32, #tpu.memory_space<vmem>>
        %dma_start3A_191 = arith.constant 0 : i32
        %dma_start3A_192 = arith.constant 0 : i32
        %dma_start3A_193 = tpu.memref_slice %arg10[%dma_start3A_191, %dma_start3A_192] : memref<10240x8xf32, #tpu.memory_space<vmem_shared>> -> memref<10240x8xf32, #tpu.memory_space<vmem_shared>>
        tpu.enqueue_indirect_dma source(%dma_start3A_187 : memref<128x8xf32, #tpu.memory_space<vmem>>) target(%dma_start3A_193 : memref<10240x8xf32, #tpu.memory_space<vmem_shared>>) offsets(%dma_start3A_190 : memref<128xi32, #tpu.memory_space<vmem>>) semaphore(%arg12 : memref<!tpu.dma_semaphore, #tpu.memory_space<semaphore_mem>>) {add = true}
        %dma_wait3A_194 = arith.constant 2 : i32
        %dma_wait3A_195 = arith.constant 0 : i32
        %dma_wait3A_196 = arith.constant 0 : i32
        %dma_wait3A_197 = tpu.memref_slice %arg9[%dma_wait3A_194, %dma_wait3A_195, %dma_wait3A_196] : memref<8x128x8xf32, #tpu.memory_space<vmem>> -> memref<1x128x8xf32, #tpu.memory_space<vmem>>
        %dma_wait3A_198 = tpu.memref_squeeze %dma_wait3A_197 : memref<1x128x8xf32, #tpu.memory_space<vmem>> -> memref<128x8xf32, #tpu.memory_space<vmem>>
        %dma_wait3A_199 = arith.constant 0 : i32
        %dma_wait3A_200 = tpu.memref_slice %arg7[%add3A_70, %dma_wait3A_199] : memref<136x128xi32, #tpu.memory_space<vmem>> -> memref<1x128xi32, #tpu.memory_space<vmem>>
        %dma_wait3A_201 = tpu.memref_squeeze %dma_wait3A_200 : memref<1x128xi32, #tpu.memory_space<vmem>> -> memref<128xi32, #tpu.memory_space<vmem>>
        %dma_wait3A_202 = arith.constant 0 : i32
        %dma_wait3A_203 = arith.constant 0 : i32
        %dma_wait3A_204 = tpu.memref_slice %arg2[%dma_wait3A_202, %dma_wait3A_203] : memref<10240x8xf32, #tpu.memory_space<hbm>> -> memref<10240x8xf32, #tpu.memory_space<hbm>>
        tpu.wait_indirect_dma semaphore(%arg11 : memref<!tpu.dma_semaphore, #tpu.memory_space<semaphore_mem>>) src(%dma_wait3A_204 : memref<10240x8xf32, #tpu.memory_space<hbm>>) dst(%dma_wait3A_198 : memref<128x8xf32, #tpu.memory_space<vmem>>)
        %add3A_205 = arith.constant 2 : i32
        %add3A_206 = arith.addi %mul3A_43, %add3A_205 : i32
        %dma_start3A_207 = arith.constant 2 : i32
        %dma_start3A_208 = arith.constant 0 : i32
        %dma_start3A_209 = arith.constant 0 : i32
        %dma_start3A_210 = tpu.memref_slice %arg9[%dma_start3A_207, %dma_start3A_208, %dma_start3A_209] : memref<8x128x8xf32, #tpu.memory_space<vmem>> -> memref<1x128x8xf32, #tpu.memory_space<vmem>>
        %dma_start3A_211 = tpu.memref_squeeze %dma_start3A_210 : memref<1x128x8xf32, #tpu.memory_space<vmem>> -> memref<128x8xf32, #tpu.memory_space<vmem>>
        %dma_start3A_212 = arith.constant 0 : i32
        %dma_start3A_213 = tpu.memref_slice %arg8[%add3A_206, %dma_start3A_212] : memref<136x128xi32, #tpu.memory_space<vmem>> -> memref<1x128xi32, #tpu.memory_space<vmem>>
        %dma_start3A_214 = tpu.memref_squeeze %dma_start3A_213 : memref<1x128xi32, #tpu.memory_space<vmem>> -> memref<128xi32, #tpu.memory_space<vmem>>
        %dma_start3A_215 = arith.constant 0 : i32
        %dma_start3A_216 = arith.constant 0 : i32
        %dma_start3A_217 = tpu.memref_slice %arg10[%dma_start3A_215, %dma_start3A_216] : memref<10240x8xf32, #tpu.memory_space<vmem_shared>> -> memref<10240x8xf32, #tpu.memory_space<vmem_shared>>
        tpu.enqueue_indirect_dma source(%dma_start3A_211 : memref<128x8xf32, #tpu.memory_space<vmem>>) target(%dma_start3A_217 : memref<10240x8xf32, #tpu.memory_space<vmem_shared>>) offsets(%dma_start3A_214 : memref<128xi32, #tpu.memory_space<vmem>>) semaphore(%arg12 : memref<!tpu.dma_semaphore, #tpu.memory_space<semaphore_mem>>) {add = true}
        %dma_wait3A_218 = arith.constant 3 : i32
        %dma_wait3A_219 = arith.constant 0 : i32
        %dma_wait3A_220 = arith.constant 0 : i32
        %dma_wait3A_221 = tpu.memref_slice %arg9[%dma_wait3A_218, %dma_wait3A_219, %dma_wait3A_220] : memref<8x128x8xf32, #tpu.memory_space<vmem>> -> memref<1x128x8xf32, #tpu.memory_space<vmem>>
        %dma_wait3A_222 = tpu.memref_squeeze %dma_wait3A_221 : memref<1x128x8xf32, #tpu.memory_space<vmem>> -> memref<128x8xf32, #tpu.memory_space<vmem>>
        %dma_wait3A_223 = arith.constant 0 : i32
        %dma_wait3A_224 = tpu.memref_slice %arg7[%add3A_83, %dma_wait3A_223] : memref<136x128xi32, #tpu.memory_space<vmem>> -> memref<1x128xi32, #tpu.memory_space<vmem>>
        %dma_wait3A_225 = tpu.memref_squeeze %dma_wait3A_224 : memref<1x128xi32, #tpu.memory_space<vmem>> -> memref<128xi32, #tpu.memory_space<vmem>>
        %dma_wait3A_226 = arith.constant 0 : i32
        %dma_wait3A_227 = arith.constant 0 : i32
        %dma_wait3A_228 = tpu.memref_slice %arg2[%dma_wait3A_226, %dma_wait3A_227] : memref<10240x8xf32, #tpu.memory_space<hbm>> -> memref<10240x8xf32, #tpu.memory_space<hbm>>
        tpu.wait_indirect_dma semaphore(%arg11 : memref<!tpu.dma_semaphore, #tpu.memory_space<semaphore_mem>>) src(%dma_wait3A_228 : memref<10240x8xf32, #tpu.memory_space<hbm>>) dst(%dma_wait3A_222 : memref<128x8xf32, #tpu.memory_space<vmem>>)
        %add3A_229 = arith.constant 3 : i32
        %add3A_230 = arith.addi %mul3A_43, %add3A_229 : i32
        %dma_start3A_231 = arith.constant 3 : i32
        %dma_start3A_232 = arith.constant 0 : i32
        %dma_start3A_233 = arith.constant 0 : i32
        %dma_start3A_234 = tpu.memref_slice %arg9[%dma_start3A_231, %dma_start3A_232, %dma_start3A_233] : memref<8x128x8xf32, #tpu.memory_space<vmem>> -> memref<1x128x8xf32, #tpu.memory_space<vmem>>
        %dma_start3A_235 = tpu.memref_squeeze %dma_start3A_234 : memref<1x128x8xf32, #tpu.memory_space<vmem>> -> memref<128x8xf32, #tpu.memory_space<vmem>>
        %dma_start3A_236 = arith.constant 0 : i32
        %dma_start3A_237 = tpu.memref_slice %arg8[%add3A_230, %dma_start3A_236] : memref<136x128xi32, #tpu.memory_space<vmem>> -> memref<1x128xi32, #tpu.memory_space<vmem>>
        %dma_start3A_238 = tpu.memref_squeeze %dma_start3A_237 : memref<1x128xi32, #tpu.memory_space<vmem>> -> memref<128xi32, #tpu.memory_space<vmem>>
        %dma_start3A_239 = arith.constant 0 : i32
        %dma_start3A_240 = arith.constant 0 : i32
        %dma_start3A_241 = tpu.memref_slice %arg10[%dma_start3A_239, %dma_start3A_240] : memref<10240x8xf32, #tpu.memory_space<vmem_shared>> -> memref<10240x8xf32, #tpu.memory_space<vmem_shared>>
        tpu.enqueue_indirect_dma source(%dma_start3A_235 : memref<128x8xf32, #tpu.memory_space<vmem>>) target(%dma_start3A_241 : memref<10240x8xf32, #tpu.memory_space<vmem_shared>>) offsets(%dma_start3A_238 : memref<128xi32, #tpu.memory_space<vmem>>) semaphore(%arg12 : memref<!tpu.dma_semaphore, #tpu.memory_space<semaphore_mem>>) {add = true}
        %dma_wait3A_242 = arith.constant 4 : i32
        %dma_wait3A_243 = arith.constant 0 : i32
        %dma_wait3A_244 = arith.constant 0 : i32
        %dma_wait3A_245 = tpu.memref_slice %arg9[%dma_wait3A_242, %dma_wait3A_243, %dma_wait3A_244] : memref<8x128x8xf32, #tpu.memory_space<vmem>> -> memref<1x128x8xf32, #tpu.memory_space<vmem>>
        %dma_wait3A_246 = tpu.memref_squeeze %dma_wait3A_245 : memref<1x128x8xf32, #tpu.memory_space<vmem>> -> memref<128x8xf32, #tpu.memory_space<vmem>>
        %dma_wait3A_247 = arith.constant 0 : i32
        %dma_wait3A_248 = tpu.memref_slice %arg7[%add3A_96, %dma_wait3A_247] : memref<136x128xi32, #tpu.memory_space<vmem>> -> memref<1x128xi32, #tpu.memory_space<vmem>>
        %dma_wait3A_249 = tpu.memref_squeeze %dma_wait3A_248 : memref<1x128xi32, #tpu.memory_space<vmem>> -> memref<128xi32, #tpu.memory_space<vmem>>
        %dma_wait3A_250 = arith.constant 0 : i32
        %dma_wait3A_251 = arith.constant 0 : i32
        %dma_wait3A_252 = tpu.memref_slice %arg2[%dma_wait3A_250, %dma_wait3A_251] : memref<10240x8xf32, #tpu.memory_space<hbm>> -> memref<10240x8xf32, #tpu.memory_space<hbm>>
        tpu.wait_indirect_dma semaphore(%arg11 : memref<!tpu.dma_semaphore, #tpu.memory_space<semaphore_mem>>) src(%dma_wait3A_252 : memref<10240x8xf32, #tpu.memory_space<hbm>>) dst(%dma_wait3A_246 : memref<128x8xf32, #tpu.memory_space<vmem>>)
        %add3A_253 = arith.constant 4 : i32
        %add3A_254 = arith.addi %mul3A_43, %add3A_253 : i32
        %dma_start3A_255 = arith.constant 4 : i32
        %dma_start3A_256 = arith.constant 0 : i32
        %dma_start3A_257 = arith.constant 0 : i32
        %dma_start3A_258 = tpu.memref_slice %arg9[%dma_start3A_255, %dma_start3A_256, %dma_start3A_257] : memref<8x128x8xf32, #tpu.memory_space<vmem>> -> memref<1x128x8xf32, #tpu.memory_space<vmem>>
        %dma_start3A_259 = tpu.memref_squeeze %dma_start3A_258 : memref<1x128x8xf32, #tpu.memory_space<vmem>> -> memref<128x8xf32, #tpu.memory_space<vmem>>
        %dma_start3A_260 = arith.constant 0 : i32
        %dma_start3A_261 = tpu.memref_slice %arg8[%add3A_254, %dma_start3A_260] : memref<136x128xi32, #tpu.memory_space<vmem>> -> memref<1x128xi32, #tpu.memory_space<vmem>>
        %dma_start3A_262 = tpu.memref_squeeze %dma_start3A_261 : memref<1x128xi32, #tpu.memory_space<vmem>> -> memref<128xi32, #tpu.memory_space<vmem>>
        %dma_start3A_263 = arith.constant 0 : i32
        %dma_start3A_264 = arith.constant 0 : i32
        %dma_start3A_265 = tpu.memref_slice %arg10[%dma_start3A_263, %dma_start3A_264] : memref<10240x8xf32, #tpu.memory_space<vmem_shared>> -> memref<10240x8xf32, #tpu.memory_space<vmem_shared>>
        tpu.enqueue_indirect_dma source(%dma_start3A_259 : memref<128x8xf32, #tpu.memory_space<vmem>>) target(%dma_start3A_265 : memref<10240x8xf32, #tpu.memory_space<vmem_shared>>) offsets(%dma_start3A_262 : memref<128xi32, #tpu.memory_space<vmem>>) semaphore(%arg12 : memref<!tpu.dma_semaphore, #tpu.memory_space<semaphore_mem>>) {add = true}
        %dma_wait3A_266 = arith.constant 5 : i32
        %dma_wait3A_267 = arith.constant 0 : i32
        %dma_wait3A_268 = arith.constant 0 : i32
        %dma_wait3A_269 = tpu.memref_slice %arg9[%dma_wait3A_266, %dma_wait3A_267, %dma_wait3A_268] : memref<8x128x8xf32, #tpu.memory_space<vmem>> -> memref<1x128x8xf32, #tpu.memory_space<vmem>>
        %dma_wait3A_270 = tpu.memref_squeeze %dma_wait3A_269 : memref<1x128x8xf32, #tpu.memory_space<vmem>> -> memref<128x8xf32, #tpu.memory_space<vmem>>
        %dma_wait3A_271 = arith.constant 0 : i32
        %dma_wait3A_272 = tpu.memref_slice %arg7[%add3A_109, %dma_wait3A_271] : memref<136x128xi32, #tpu.memory_space<vmem>> -> memref<1x128xi32, #tpu.memory_space<vmem>>
        %dma_wait3A_273 = tpu.memref_squeeze %dma_wait3A_272 : memref<1x128xi32, #tpu.memory_space<vmem>> -> memref<128xi32, #tpu.memory_space<vmem>>
        %dma_wait3A_274 = arith.constant 0 : i32
        %dma_wait3A_275 = arith.constant 0 : i32
        %dma_wait3A_276 = tpu.memref_slice %arg2[%dma_wait3A_274, %dma_wait3A_275] : memref<10240x8xf32, #tpu.memory_space<hbm>> -> memref<10240x8xf32, #tpu.memory_space<hbm>>
        tpu.wait_indirect_dma semaphore(%arg11 : memref<!tpu.dma_semaphore, #tpu.memory_space<semaphore_mem>>) src(%dma_wait3A_276 : memref<10240x8xf32, #tpu.memory_space<hbm>>) dst(%dma_wait3A_270 : memref<128x8xf32, #tpu.memory_space<vmem>>)
        %add3A_277 = arith.constant 5 : i32
        %add3A_278 = arith.addi %mul3A_43, %add3A_277 : i32
        %dma_start3A_279 = arith.constant 5 : i32
        %dma_start3A_280 = arith.constant 0 : i32
        %dma_start3A_281 = arith.constant 0 : i32
        %dma_start3A_282 = tpu.memref_slice %arg9[%dma_start3A_279, %dma_start3A_280, %dma_start3A_281] : memref<8x128x8xf32, #tpu.memory_space<vmem>> -> memref<1x128x8xf32, #tpu.memory_space<vmem>>
        %dma_start3A_283 = tpu.memref_squeeze %dma_start3A_282 : memref<1x128x8xf32, #tpu.memory_space<vmem>> -> memref<128x8xf32, #tpu.memory_space<vmem>>
        %dma_start3A_284 = arith.constant 0 : i32
        %dma_start3A_285 = tpu.memref_slice %arg8[%add3A_278, %dma_start3A_284] : memref<136x128xi32, #tpu.memory_space<vmem>> -> memref<1x128xi32, #tpu.memory_space<vmem>>
        %dma_start3A_286 = tpu.memref_squeeze %dma_start3A_285 : memref<1x128xi32, #tpu.memory_space<vmem>> -> memref<128xi32, #tpu.memory_space<vmem>>
        %dma_start3A_287 = arith.constant 0 : i32
        %dma_start3A_288 = arith.constant 0 : i32
        %dma_start3A_289 = tpu.memref_slice %arg10[%dma_start3A_287, %dma_start3A_288] : memref<10240x8xf32, #tpu.memory_space<vmem_shared>> -> memref<10240x8xf32, #tpu.memory_space<vmem_shared>>
        tpu.enqueue_indirect_dma source(%dma_start3A_283 : memref<128x8xf32, #tpu.memory_space<vmem>>) target(%dma_start3A_289 : memref<10240x8xf32, #tpu.memory_space<vmem_shared>>) offsets(%dma_start3A_286 : memref<128xi32, #tpu.memory_space<vmem>>) semaphore(%arg12 : memref<!tpu.dma_semaphore, #tpu.memory_space<semaphore_mem>>) {add = true}
        %dma_wait3A_290 = arith.constant 6 : i32
        %dma_wait3A_291 = arith.constant 0 : i32
        %dma_wait3A_292 = arith.constant 0 : i32
        %dma_wait3A_293 = tpu.memref_slice %arg9[%dma_wait3A_290, %dma_wait3A_291, %dma_wait3A_292] : memref<8x128x8xf32, #tpu.memory_space<vmem>> -> memref<1x128x8xf32, #tpu.memory_space<vmem>>
        %dma_wait3A_294 = tpu.memref_squeeze %dma_wait3A_293 : memref<1x128x8xf32, #tpu.memory_space<vmem>> -> memref<128x8xf32, #tpu.memory_space<vmem>>
        %dma_wait3A_295 = arith.constant 0 : i32
        %dma_wait3A_296 = tpu.memref_slice %arg7[%add3A_122, %dma_wait3A_295] : memref<136x128xi32, #tpu.memory_space<vmem>> -> memref<1x128xi32, #tpu.memory_space<vmem>>
        %dma_wait3A_297 = tpu.memref_squeeze %dma_wait3A_296 : memref<1x128xi32, #tpu.memory_space<vmem>> -> memref<128xi32, #tpu.memory_space<vmem>>
        %dma_wait3A_298 = arith.constant 0 : i32
        %dma_wait3A_299 = arith.constant 0 : i32
        %dma_wait3A_300 = tpu.memref_slice %arg2[%dma_wait3A_298, %dma_wait3A_299] : memref<10240x8xf32, #tpu.memory_space<hbm>> -> memref<10240x8xf32, #tpu.memory_space<hbm>>
        tpu.wait_indirect_dma semaphore(%arg11 : memref<!tpu.dma_semaphore, #tpu.memory_space<semaphore_mem>>) src(%dma_wait3A_300 : memref<10240x8xf32, #tpu.memory_space<hbm>>) dst(%dma_wait3A_294 : memref<128x8xf32, #tpu.memory_space<vmem>>)
        %add3A_301 = arith.constant 6 : i32
        %add3A_302 = arith.addi %mul3A_43, %add3A_301 : i32
        %dma_start3A_303 = arith.constant 6 : i32
        %dma_start3A_304 = arith.constant 0 : i32
        %dma_start3A_305 = arith.constant 0 : i32
        %dma_start3A_306 = tpu.memref_slice %arg9[%dma_start3A_303, %dma_start3A_304, %dma_start3A_305] : memref<8x128x8xf32, #tpu.memory_space<vmem>> -> memref<1x128x8xf32, #tpu.memory_space<vmem>>
        %dma_start3A_307 = tpu.memref_squeeze %dma_start3A_306 : memref<1x128x8xf32, #tpu.memory_space<vmem>> -> memref<128x8xf32, #tpu.memory_space<vmem>>
        %dma_start3A_308 = arith.constant 0 : i32
        %dma_start3A_309 = tpu.memref_slice %arg8[%add3A_302, %dma_start3A_308] : memref<136x128xi32, #tpu.memory_space<vmem>> -> memref<1x128xi32, #tpu.memory_space<vmem>>
        %dma_start3A_310 = tpu.memref_squeeze %dma_start3A_309 : memref<1x128xi32, #tpu.memory_space<vmem>> -> memref<128xi32, #tpu.memory_space<vmem>>
        %dma_start3A_311 = arith.constant 0 : i32
        %dma_start3A_312 = arith.constant 0 : i32
        %dma_start3A_313 = tpu.memref_slice %arg10[%dma_start3A_311, %dma_start3A_312] : memref<10240x8xf32, #tpu.memory_space<vmem_shared>> -> memref<10240x8xf32, #tpu.memory_space<vmem_shared>>
        tpu.enqueue_indirect_dma source(%dma_start3A_307 : memref<128x8xf32, #tpu.memory_space<vmem>>) target(%dma_start3A_313 : memref<10240x8xf32, #tpu.memory_space<vmem_shared>>) offsets(%dma_start3A_310 : memref<128xi32, #tpu.memory_space<vmem>>) semaphore(%arg12 : memref<!tpu.dma_semaphore, #tpu.memory_space<semaphore_mem>>) {add = true}
        %dma_wait3A_314 = arith.constant 7 : i32
        %dma_wait3A_315 = arith.constant 0 : i32
        %dma_wait3A_316 = arith.constant 0 : i32
        %dma_wait3A_317 = tpu.memref_slice %arg9[%dma_wait3A_314, %dma_wait3A_315, %dma_wait3A_316] : memref<8x128x8xf32, #tpu.memory_space<vmem>> -> memref<1x128x8xf32, #tpu.memory_space<vmem>>
        %dma_wait3A_318 = tpu.memref_squeeze %dma_wait3A_317 : memref<1x128x8xf32, #tpu.memory_space<vmem>> -> memref<128x8xf32, #tpu.memory_space<vmem>>
        %dma_wait3A_319 = arith.constant 0 : i32
        %dma_wait3A_320 = tpu.memref_slice %arg7[%add3A_135, %dma_wait3A_319] : memref<136x128xi32, #tpu.memory_space<vmem>> -> memref<1x128xi32, #tpu.memory_space<vmem>>
        %dma_wait3A_321 = tpu.memref_squeeze %dma_wait3A_320 : memref<1x128xi32, #tpu.memory_space<vmem>> -> memref<128xi32, #tpu.memory_space<vmem>>
        %dma_wait3A_322 = arith.constant 0 : i32
        %dma_wait3A_323 = arith.constant 0 : i32
        %dma_wait3A_324 = tpu.memref_slice %arg2[%dma_wait3A_322, %dma_wait3A_323] : memref<10240x8xf32, #tpu.memory_space<hbm>> -> memref<10240x8xf32, #tpu.memory_space<hbm>>
        tpu.wait_indirect_dma semaphore(%arg11 : memref<!tpu.dma_semaphore, #tpu.memory_space<semaphore_mem>>) src(%dma_wait3A_324 : memref<10240x8xf32, #tpu.memory_space<hbm>>) dst(%dma_wait3A_318 : memref<128x8xf32, #tpu.memory_space<vmem>>)
        %add3A_325 = arith.constant 7 : i32
        %add3A_326 = arith.addi %mul3A_43, %add3A_325 : i32
        %dma_start3A_327 = arith.constant 7 : i32
        %dma_start3A_328 = arith.constant 0 : i32
        %dma_start3A_329 = arith.constant 0 : i32
        %dma_start3A_330 = tpu.memref_slice %arg9[%dma_start3A_327, %dma_start3A_328, %dma_start3A_329] : memref<8x128x8xf32, #tpu.memory_space<vmem>> -> memref<1x128x8xf32, #tpu.memory_space<vmem>>
        %dma_start3A_331 = tpu.memref_squeeze %dma_start3A_330 : memref<1x128x8xf32, #tpu.memory_space<vmem>> -> memref<128x8xf32, #tpu.memory_space<vmem>>
        %dma_start3A_332 = arith.constant 0 : i32
        %dma_start3A_333 = tpu.memref_slice %arg8[%add3A_326, %dma_start3A_332] : memref<136x128xi32, #tpu.memory_space<vmem>> -> memref<1x128xi32, #tpu.memory_space<vmem>>
        %dma_start3A_334 = tpu.memref_squeeze %dma_start3A_333 : memref<1x128xi32, #tpu.memory_space<vmem>> -> memref<128xi32, #tpu.memory_space<vmem>>
        %dma_start3A_335 = arith.constant 0 : i32
        %dma_start3A_336 = arith.constant 0 : i32
        %dma_start3A_337 = tpu.memref_slice %arg10[%dma_start3A_335, %dma_start3A_336] : memref<10240x8xf32, #tpu.memory_space<vmem_shared>> -> memref<10240x8xf32, #tpu.memory_space<vmem_shared>>
        tpu.enqueue_indirect_dma source(%dma_start3A_331 : memref<128x8xf32, #tpu.memory_space<vmem>>) target(%dma_start3A_337 : memref<10240x8xf32, #tpu.memory_space<vmem_shared>>) offsets(%dma_start3A_334 : memref<128xi32, #tpu.memory_space<vmem>>) semaphore(%arg12 : memref<!tpu.dma_semaphore, #tpu.memory_space<semaphore_mem>>) {add = true}
        %dma_wait3A_338 = arith.constant 0 : i32
        %dma_wait3A_339 = arith.constant 0 : i32
        %dma_wait3A_340 = arith.constant 0 : i32
        %dma_wait3A_341 = tpu.memref_slice %arg9[%dma_wait3A_338, %dma_wait3A_339, %dma_wait3A_340] : memref<8x128x8xf32, #tpu.memory_space<vmem>> -> memref<1x128x8xf32, #tpu.memory_space<vmem>>
        %dma_wait3A_342 = tpu.memref_squeeze %dma_wait3A_341 : memref<1x128x8xf32, #tpu.memory_space<vmem>> -> memref<128x8xf32, #tpu.memory_space<vmem>>
        %dma_wait3A_343 = arith.constant 0 : i32
        %dma_wait3A_344 = tpu.memref_slice %arg8[%add3A_158, %dma_wait3A_343] : memref<136x128xi32, #tpu.memory_space<vmem>> -> memref<1x128xi32, #tpu.memory_space<vmem>>
        %dma_wait3A_345 = tpu.memref_squeeze %dma_wait3A_344 : memref<1x128xi32, #tpu.memory_space<vmem>> -> memref<128xi32, #tpu.memory_space<vmem>>
        %dma_wait3A_346 = arith.constant 0 : i32
        %dma_wait3A_347 = arith.constant 0 : i32
        %dma_wait3A_348 = tpu.memref_slice %arg10[%dma_wait3A_346, %dma_wait3A_347] : memref<10240x8xf32, #tpu.memory_space<vmem_shared>> -> memref<10240x8xf32, #tpu.memory_space<vmem_shared>>
        tpu.wait_indirect_dma semaphore(%arg12 : memref<!tpu.dma_semaphore, #tpu.memory_space<semaphore_mem>>) src(%dma_wait3A_342 : memref<128x8xf32, #tpu.memory_space<vmem>>) dst(%dma_wait3A_348 : memref<10240x8xf32, #tpu.memory_space<vmem_shared>>)
        %dma_wait3A_349 = arith.constant 1 : i32
        %dma_wait3A_350 = arith.constant 0 : i32
        %dma_wait3A_351 = arith.constant 0 : i32
        %dma_wait3A_352 = tpu.memref_slice %arg9[%dma_wait3A_349, %dma_wait3A_350, %dma_wait3A_351] : memref<8x128x8xf32, #tpu.memory_space<vmem>> -> memref<1x128x8xf32, #tpu.memory_space<vmem>>
        %dma_wait3A_353 = tpu.memref_squeeze %dma_wait3A_352 : memref<1x128x8xf32, #tpu.memory_space<vmem>> -> memref<128x8xf32, #tpu.memory_space<vmem>>
        %dma_wait3A_354 = arith.constant 0 : i32
        %dma_wait3A_355 = tpu.memref_slice %arg8[%add3A_182, %dma_wait3A_354] : memref<136x128xi32, #tpu.memory_space<vmem>> -> memref<1x128xi32, #tpu.memory_space<vmem>>
        %dma_wait3A_356 = tpu.memref_squeeze %dma_wait3A_355 : memref<1x128xi32, #tpu.memory_space<vmem>> -> memref<128xi32, #tpu.memory_space<vmem>>
        %dma_wait3A_357 = arith.constant 0 : i32
        %dma_wait3A_358 = arith.constant 0 : i32
        %dma_wait3A_359 = tpu.memref_slice %arg10[%dma_wait3A_357, %dma_wait3A_358] : memref<10240x8xf32, #tpu.memory_space<vmem_shared>> -> memref<10240x8xf32, #tpu.memory_space<vmem_shared>>
        tpu.wait_indirect_dma semaphore(%arg12 : memref<!tpu.dma_semaphore, #tpu.memory_space<semaphore_mem>>) src(%dma_wait3A_353 : memref<128x8xf32, #tpu.memory_space<vmem>>) dst(%dma_wait3A_359 : memref<10240x8xf32, #tpu.memory_space<vmem_shared>>)
        %dma_wait3A_360 = arith.constant 2 : i32
        %dma_wait3A_361 = arith.constant 0 : i32
        %dma_wait3A_362 = arith.constant 0 : i32
        %dma_wait3A_363 = tpu.memref_slice %arg9[%dma_wait3A_360, %dma_wait3A_361, %dma_wait3A_362] : memref<8x128x8xf32, #tpu.memory_space<vmem>> -> memref<1x128x8xf32, #tpu.memory_space<vmem>>
        %dma_wait3A_364 = tpu.memref_squeeze %dma_wait3A_363 : memref<1x128x8xf32, #tpu.memory_space<vmem>> -> memref<128x8xf32, #tpu.memory_space<vmem>>
        %dma_wait3A_365 = arith.constant 0 : i32
        %dma_wait3A_366 = tpu.memref_slice %arg8[%add3A_206, %dma_wait3A_365] : memref<136x128xi32, #tpu.memory_space<vmem>> -> memref<1x128xi32, #tpu.memory_space<vmem>>
        %dma_wait3A_367 = tpu.memref_squeeze %dma_wait3A_366 : memref<1x128xi32, #tpu.memory_space<vmem>> -> memref<128xi32, #tpu.memory_space<vmem>>
        %dma_wait3A_368 = arith.constant 0 : i32
        %dma_wait3A_369 = arith.constant 0 : i32
        %dma_wait3A_370 = tpu.memref_slice %arg10[%dma_wait3A_368, %dma_wait3A_369] : memref<10240x8xf32, #tpu.memory_space<vmem_shared>> -> memref<10240x8xf32, #tpu.memory_space<vmem_shared>>
        tpu.wait_indirect_dma semaphore(%arg12 : memref<!tpu.dma_semaphore, #tpu.memory_space<semaphore_mem>>) src(%dma_wait3A_364 : memref<128x8xf32, #tpu.memory_space<vmem>>) dst(%dma_wait3A_370 : memref<10240x8xf32, #tpu.memory_space<vmem_shared>>)
        %dma_wait3A_371 = arith.constant 3 : i32
        %dma_wait3A_372 = arith.constant 0 : i32
        %dma_wait3A_373 = arith.constant 0 : i32
        %dma_wait3A_374 = tpu.memref_slice %arg9[%dma_wait3A_371, %dma_wait3A_372, %dma_wait3A_373] : memref<8x128x8xf32, #tpu.memory_space<vmem>> -> memref<1x128x8xf32, #tpu.memory_space<vmem>>
        %dma_wait3A_375 = tpu.memref_squeeze %dma_wait3A_374 : memref<1x128x8xf32, #tpu.memory_space<vmem>> -> memref<128x8xf32, #tpu.memory_space<vmem>>
        %dma_wait3A_376 = arith.constant 0 : i32
        %dma_wait3A_377 = tpu.memref_slice %arg8[%add3A_230, %dma_wait3A_376] : memref<136x128xi32, #tpu.memory_space<vmem>> -> memref<1x128xi32, #tpu.memory_space<vmem>>
        %dma_wait3A_378 = tpu.memref_squeeze %dma_wait3A_377 : memref<1x128xi32, #tpu.memory_space<vmem>> -> memref<128xi32, #tpu.memory_space<vmem>>
        %dma_wait3A_379 = arith.constant 0 : i32
        %dma_wait3A_380 = arith.constant 0 : i32
        %dma_wait3A_381 = tpu.memref_slice %arg10[%dma_wait3A_379, %dma_wait3A_380] : memref<10240x8xf32, #tpu.memory_space<vmem_shared>> -> memref<10240x8xf32, #tpu.memory_space<vmem_shared>>
        tpu.wait_indirect_dma semaphore(%arg12 : memref<!tpu.dma_semaphore, #tpu.memory_space<semaphore_mem>>) src(%dma_wait3A_375 : memref<128x8xf32, #tpu.memory_space<vmem>>) dst(%dma_wait3A_381 : memref<10240x8xf32, #tpu.memory_space<vmem_shared>>)
        %dma_wait3A_382 = arith.constant 4 : i32
        %dma_wait3A_383 = arith.constant 0 : i32
        %dma_wait3A_384 = arith.constant 0 : i32
        %dma_wait3A_385 = tpu.memref_slice %arg9[%dma_wait3A_382, %dma_wait3A_383, %dma_wait3A_384] : memref<8x128x8xf32, #tpu.memory_space<vmem>> -> memref<1x128x8xf32, #tpu.memory_space<vmem>>
        %dma_wait3A_386 = tpu.memref_squeeze %dma_wait3A_385 : memref<1x128x8xf32, #tpu.memory_space<vmem>> -> memref<128x8xf32, #tpu.memory_space<vmem>>
        %dma_wait3A_387 = arith.constant 0 : i32
        %dma_wait3A_388 = tpu.memref_slice %arg8[%add3A_254, %dma_wait3A_387] : memref<136x128xi32, #tpu.memory_space<vmem>> -> memref<1x128xi32, #tpu.memory_space<vmem>>
        %dma_wait3A_389 = tpu.memref_squeeze %dma_wait3A_388 : memref<1x128xi32, #tpu.memory_space<vmem>> -> memref<128xi32, #tpu.memory_space<vmem>>
        %dma_wait3A_390 = arith.constant 0 : i32
        %dma_wait3A_391 = arith.constant 0 : i32
        %dma_wait3A_392 = tpu.memref_slice %arg10[%dma_wait3A_390, %dma_wait3A_391] : memref<10240x8xf32, #tpu.memory_space<vmem_shared>> -> memref<10240x8xf32, #tpu.memory_space<vmem_shared>>
        tpu.wait_indirect_dma semaphore(%arg12 : memref<!tpu.dma_semaphore, #tpu.memory_space<semaphore_mem>>) src(%dma_wait3A_386 : memref<128x8xf32, #tpu.memory_space<vmem>>) dst(%dma_wait3A_392 : memref<10240x8xf32, #tpu.memory_space<vmem_shared>>)
        %dma_wait3A_393 = arith.constant 5 : i32
        %dma_wait3A_394 = arith.constant 0 : i32
        %dma_wait3A_395 = arith.constant 0 : i32
        %dma_wait3A_396 = tpu.memref_slice %arg9[%dma_wait3A_393, %dma_wait3A_394, %dma_wait3A_395] : memref<8x128x8xf32, #tpu.memory_space<vmem>> -> memref<1x128x8xf32, #tpu.memory_space<vmem>>
        %dma_wait3A_397 = tpu.memref_squeeze %dma_wait3A_396 : memref<1x128x8xf32, #tpu.memory_space<vmem>> -> memref<128x8xf32, #tpu.memory_space<vmem>>
        %dma_wait3A_398 = arith.constant 0 : i32
        %dma_wait3A_399 = tpu.memref_slice %arg8[%add3A_278, %dma_wait3A_398] : memref<136x128xi32, #tpu.memory_space<vmem>> -> memref<1x128xi32, #tpu.memory_space<vmem>>
        %dma_wait3A_400 = tpu.memref_squeeze %dma_wait3A_399 : memref<1x128xi32, #tpu.memory_space<vmem>> -> memref<128xi32, #tpu.memory_space<vmem>>
        %dma_wait3A_401 = arith.constant 0 : i32
        %dma_wait3A_402 = arith.constant 0 : i32
        %dma_wait3A_403 = tpu.memref_slice %arg10[%dma_wait3A_401, %dma_wait3A_402] : memref<10240x8xf32, #tpu.memory_space<vmem_shared>> -> memref<10240x8xf32, #tpu.memory_space<vmem_shared>>
        tpu.wait_indirect_dma semaphore(%arg12 : memref<!tpu.dma_semaphore, #tpu.memory_space<semaphore_mem>>) src(%dma_wait3A_397 : memref<128x8xf32, #tpu.memory_space<vmem>>) dst(%dma_wait3A_403 : memref<10240x8xf32, #tpu.memory_space<vmem_shared>>)
        %dma_wait3A_404 = arith.constant 6 : i32
        %dma_wait3A_405 = arith.constant 0 : i32
        %dma_wait3A_406 = arith.constant 0 : i32
        %dma_wait3A_407 = tpu.memref_slice %arg9[%dma_wait3A_404, %dma_wait3A_405, %dma_wait3A_406] : memref<8x128x8xf32, #tpu.memory_space<vmem>> -> memref<1x128x8xf32, #tpu.memory_space<vmem>>
        %dma_wait3A_408 = tpu.memref_squeeze %dma_wait3A_407 : memref<1x128x8xf32, #tpu.memory_space<vmem>> -> memref<128x8xf32, #tpu.memory_space<vmem>>
        %dma_wait3A_409 = arith.constant 0 : i32
        %dma_wait3A_410 = tpu.memref_slice %arg8[%add3A_302, %dma_wait3A_409] : memref<136x128xi32, #tpu.memory_space<vmem>> -> memref<1x128xi32, #tpu.memory_space<vmem>>
        %dma_wait3A_411 = tpu.memref_squeeze %dma_wait3A_410 : memref<1x128xi32, #tpu.memory_space<vmem>> -> memref<128xi32, #tpu.memory_space<vmem>>
        %dma_wait3A_412 = arith.constant 0 : i32
        %dma_wait3A_413 = arith.constant 0 : i32
        %dma_wait3A_414 = tpu.memref_slice %arg10[%dma_wait3A_412, %dma_wait3A_413] : memref<10240x8xf32, #tpu.memory_space<vmem_shared>> -> memref<10240x8xf32, #tpu.memory_space<vmem_shared>>
        tpu.wait_indirect_dma semaphore(%arg12 : memref<!tpu.dma_semaphore, #tpu.memory_space<semaphore_mem>>) src(%dma_wait3A_408 : memref<128x8xf32, #tpu.memory_space<vmem>>) dst(%dma_wait3A_414 : memref<10240x8xf32, #tpu.memory_space<vmem_shared>>)
        %dma_wait3A_415 = arith.constant 7 : i32
        %dma_wait3A_416 = arith.constant 0 : i32
        %dma_wait3A_417 = arith.constant 0 : i32
        %dma_wait3A_418 = tpu.memref_slice %arg9[%dma_wait3A_415, %dma_wait3A_416, %dma_wait3A_417] : memref<8x128x8xf32, #tpu.memory_space<vmem>> -> memref<1x128x8xf32, #tpu.memory_space<vmem>>
        %dma_wait3A_419 = tpu.memref_squeeze %dma_wait3A_418 : memref<1x128x8xf32, #tpu.memory_space<vmem>> -> memref<128x8xf32, #tpu.memory_space<vmem>>
        %dma_wait3A_420 = arith.constant 0 : i32
        %dma_wait3A_421 = tpu.memref_slice %arg8[%add3A_326, %dma_wait3A_420] : memref<136x128xi32, #tpu.memory_space<vmem>> -> memref<1x128xi32, #tpu.memory_space<vmem>>
        %dma_wait3A_422 = tpu.memref_squeeze %dma_wait3A_421 : memref<1x128xi32, #tpu.memory_space<vmem>> -> memref<128xi32, #tpu.memory_space<vmem>>
        %dma_wait3A_423 = arith.constant 0 : i32
        %dma_wait3A_424 = arith.constant 0 : i32
        %dma_wait3A_425 = tpu.memref_slice %arg10[%dma_wait3A_423, %dma_wait3A_424] : memref<10240x8xf32, #tpu.memory_space<vmem_shared>> -> memref<10240x8xf32, #tpu.memory_space<vmem_shared>>
        tpu.wait_indirect_dma semaphore(%arg12 : memref<!tpu.dma_semaphore, #tpu.memory_space<semaphore_mem>>) src(%dma_wait3A_419 : memref<128x8xf32, #tpu.memory_space<vmem>>) dst(%dma_wait3A_425 : memref<10240x8xf32, #tpu.memory_space<vmem_shared>>)
      }
      %scan3A_40 = arith.constant 17 : i32
    } else {
    }
    %eq3A_30 = arith.constant 1 : i32
    %eq3A_31 = arith.cmpi eq, %arg0, %eq3A_30 : i32
    %convert_element_type3A_32 = arith.extui %eq3A_31 : i1 to i32
    %cond3A_33 = arith.constant 0 : i32
    %cond3A_34 = arith.cmpi ne, %convert_element_type3A_32, %cond3A_33 : i32
    scf.if %cond3A_34 {
      %scan3A = arith.constant 0 : i32
      %scan3A_36 = arith.constant 0 : i32
      %scan3A_37 = arith.constant 3 : i32
      %scan3A_38 = arith.addi %scan3A_36, %scan3A_37 : i32
      %scan3A_39 = arith.constant 1 : i32
      scf.for %scan3A_41 = %scan3A_36 to %scan3A_38 step %scan3A_39  : i32 {
        %mul3A_42 = arith.constant 8 : i32
        %mul3A_43 = arith.muli %scan3A_41, %mul3A_42 : i32
        %add3A_44 = arith.constant 0 : i32
        %add3A_45 = arith.addi %mul3A_43, %add3A_44 : i32
        %dma_start3A = arith.constant 0 : i32
        %dma_start3A_46 = arith.constant 0 : i32
        %dma_start3A_47 = arith.constant 0 : i32
        %dma_start3A_48 = tpu.memref_slice %arg9[%dma_start3A, %dma_start3A_46, %dma_start3A_47] : memref<8x128x8xf32, #tpu.memory_space<vmem>> -> memref<1x128x8xf32, #tpu.memory_space<vmem>>
        %dma_start3A_49 = tpu.memref_squeeze %dma_start3A_48 : memref<1x128x8xf32, #tpu.memory_space<vmem>> -> memref<128x8xf32, #tpu.memory_space<vmem>>
        %dma_start3A_50 = arith.constant 0 : i32
        %dma_start3A_51 = tpu.memref_slice %arg7[%add3A_45, %dma_start3A_50] : memref<136x128xi32, #tpu.memory_space<vmem>> -> memref<1x128xi32, #tpu.memory_space<vmem>>
        %dma_start3A_52 = tpu.memref_squeeze %dma_start3A_51 : memref<1x128xi32, #tpu.memory_space<vmem>> -> memref<128xi32, #tpu.memory_space<vmem>>
        %dma_start3A_53 = arith.constant 0 : i32
        %dma_start3A_54 = arith.constant 0 : i32
        %dma_start3A_55 = tpu.memref_slice %arg2[%dma_start3A_53, %dma_start3A_54] : memref<10240x8xf32, #tpu.memory_space<hbm>> -> memref<10240x8xf32, #tpu.memory_space<hbm>>
        tpu.enqueue_indirect_dma source(%dma_start3A_55 : memref<10240x8xf32, #tpu.memory_space<hbm>>) target(%dma_start3A_49 : memref<128x8xf32, #tpu.memory_space<vmem>>) offsets(%dma_start3A_52 : memref<128xi32, #tpu.memory_space<vmem>>) semaphore(%arg11 : memref<!tpu.dma_semaphore, #tpu.memory_space<semaphore_mem>>)
        %add3A_56 = arith.constant 1 : i32
        %add3A_57 = arith.addi %mul3A_43, %add3A_56 : i32
        %dma_start3A_58 = arith.constant 1 : i32
        %dma_start3A_59 = arith.constant 0 : i32
        %dma_start3A_60 = arith.constant 0 : i32
        %dma_start3A_61 = tpu.memref_slice %arg9[%dma_start3A_58, %dma_start3A_59, %dma_start3A_60] : memref<8x128x8xf32, #tpu.memory_space<vmem>> -> memref<1x128x8xf32, #tpu.memory_space<vmem>>
        %dma_start3A_62 = tpu.memref_squeeze %dma_start3A_61 : memref<1x128x8xf32, #tpu.memory_space<vmem>> -> memref<128x8xf32, #tpu.memory_space<vmem>>
        %dma_start3A_63 = arith.constant 0 : i32
        %dma_start3A_64 = tpu.memref_slice %arg7[%add3A_57, %dma_start3A_63] : memref<136x128xi32, #tpu.memory_space<vmem>> -> memref<1x128xi32, #tpu.memory_space<vmem>>
        %dma_start3A_65 = tpu.memref_squeeze %dma_start3A_64 : memref<1x128xi32, #tpu.memory_space<vmem>> -> memref<128xi32, #tpu.memory_space<vmem>>
        %dma_start3A_66 = arith.constant 0 : i32
        %dma_start3A_67 = arith.constant 0 : i32
        %dma_start3A_68 = tpu.memref_slice %arg2[%dma_start3A_66, %dma_start3A_67] : memref<10240x8xf32, #tpu.memory_space<hbm>> -> memref<10240x8xf32, #tpu.memory_space<hbm>>
        tpu.enqueue_indirect_dma source(%dma_start3A_68 : memref<10240x8xf32, #tpu.memory_space<hbm>>) target(%dma_start3A_62 : memref<128x8xf32, #tpu.memory_space<vmem>>) offsets(%dma_start3A_65 : memref<128xi32, #tpu.memory_space<vmem>>) semaphore(%arg11 : memref<!tpu.dma_semaphore, #tpu.memory_space<semaphore_mem>>)
        %add3A_69 = arith.constant 2 : i32
        %add3A_70 = arith.addi %mul3A_43, %add3A_69 : i32
        %dma_start3A_71 = arith.constant 2 : i32
        %dma_start3A_72 = arith.constant 0 : i32
        %dma_start3A_73 = arith.constant 0 : i32
        %dma_start3A_74 = tpu.memref_slice %arg9[%dma_start3A_71, %dma_start3A_72, %dma_start3A_73] : memref<8x128x8xf32, #tpu.memory_space<vmem>> -> memref<1x128x8xf32, #tpu.memory_space<vmem>>
        %dma_start3A_75 = tpu.memref_squeeze %dma_start3A_74 : memref<1x128x8xf32, #tpu.memory_space<vmem>> -> memref<128x8xf32, #tpu.memory_space<vmem>>
        %dma_start3A_76 = arith.constant 0 : i32
        %dma_start3A_77 = tpu.memref_slice %arg7[%add3A_70, %dma_start3A_76] : memref<136x128xi32, #tpu.memory_space<vmem>> -> memref<1x128xi32, #tpu.memory_space<vmem>>
        %dma_start3A_78 = tpu.memref_squeeze %dma_start3A_77 : memref<1x128xi32, #tpu.memory_space<vmem>> -> memref<128xi32, #tpu.memory_space<vmem>>
        %dma_start3A_79 = arith.constant 0 : i32
        %dma_start3A_80 = arith.constant 0 : i32
        %dma_start3A_81 = tpu.memref_slice %arg2[%dma_start3A_79, %dma_start3A_80] : memref<10240x8xf32, #tpu.memory_space<hbm>> -> memref<10240x8xf32, #tpu.memory_space<hbm>>
        tpu.enqueue_indirect_dma source(%dma_start3A_81 : memref<10240x8xf32, #tpu.memory_space<hbm>>) target(%dma_start3A_75 : memref<128x8xf32, #tpu.memory_space<vmem>>) offsets(%dma_start3A_78 : memref<128xi32, #tpu.memory_space<vmem>>) semaphore(%arg11 : memref<!tpu.dma_semaphore, #tpu.memory_space<semaphore_mem>>)
        %add3A_82 = arith.constant 3 : i32
        %add3A_83 = arith.addi %mul3A_43, %add3A_82 : i32
        %dma_start3A_84 = arith.constant 3 : i32
        %dma_start3A_85 = arith.constant 0 : i32
        %dma_start3A_86 = arith.constant 0 : i32
        %dma_start3A_87 = tpu.memref_slice %arg9[%dma_start3A_84, %dma_start3A_85, %dma_start3A_86] : memref<8x128x8xf32, #tpu.memory_space<vmem>> -> memref<1x128x8xf32, #tpu.memory_space<vmem>>
        %dma_start3A_88 = tpu.memref_squeeze %dma_start3A_87 : memref<1x128x8xf32, #tpu.memory_space<vmem>> -> memref<128x8xf32, #tpu.memory_space<vmem>>
        %dma_start3A_89 = arith.constant 0 : i32
        %dma_start3A_90 = tpu.memref_slice %arg7[%add3A_83, %dma_start3A_89] : memref<136x128xi32, #tpu.memory_space<vmem>> -> memref<1x128xi32, #tpu.memory_space<vmem>>
        %dma_start3A_91 = tpu.memref_squeeze %dma_start3A_90 : memref<1x128xi32, #tpu.memory_space<vmem>> -> memref<128xi32, #tpu.memory_space<vmem>>
        %dma_start3A_92 = arith.constant 0 : i32
        %dma_start3A_93 = arith.constant 0 : i32
        %dma_start3A_94 = tpu.memref_slice %arg2[%dma_start3A_92, %dma_start3A_93] : memref<10240x8xf32, #tpu.memory_space<hbm>> -> memref<10240x8xf32, #tpu.memory_space<hbm>>
        tpu.enqueue_indirect_dma source(%dma_start3A_94 : memref<10240x8xf32, #tpu.memory_space<hbm>>) target(%dma_start3A_88 : memref<128x8xf32, #tpu.memory_space<vmem>>) offsets(%dma_start3A_91 : memref<128xi32, #tpu.memory_space<vmem>>) semaphore(%arg11 : memref<!tpu.dma_semaphore, #tpu.memory_space<semaphore_mem>>)
        %add3A_95 = arith.constant 4 : i32
        %add3A_96 = arith.addi %mul3A_43, %add3A_95 : i32
        %dma_start3A_97 = arith.constant 4 : i32
        %dma_start3A_98 = arith.constant 0 : i32
        %dma_start3A_99 = arith.constant 0 : i32
        %dma_start3A_100 = tpu.memref_slice %arg9[%dma_start3A_97, %dma_start3A_98, %dma_start3A_99] : memref<8x128x8xf32, #tpu.memory_space<vmem>> -> memref<1x128x8xf32, #tpu.memory_space<vmem>>
        %dma_start3A_101 = tpu.memref_squeeze %dma_start3A_100 : memref<1x128x8xf32, #tpu.memory_space<vmem>> -> memref<128x8xf32, #tpu.memory_space<vmem>>
        %dma_start3A_102 = arith.constant 0 : i32
        %dma_start3A_103 = tpu.memref_slice %arg7[%add3A_96, %dma_start3A_102] : memref<136x128xi32, #tpu.memory_space<vmem>> -> memref<1x128xi32, #tpu.memory_space<vmem>>
        %dma_start3A_104 = tpu.memref_squeeze %dma_start3A_103 : memref<1x128xi32, #tpu.memory_space<vmem>> -> memref<128xi32, #tpu.memory_space<vmem>>
        %dma_start3A_105 = arith.constant 0 : i32
        %dma_start3A_106 = arith.constant 0 : i32
        %dma_start3A_107 = tpu.memref_slice %arg2[%dma_start3A_105, %dma_start3A_106] : memref<10240x8xf32, #tpu.memory_space<hbm>> -> memref<10240x8xf32, #tpu.memory_space<hbm>>
        tpu.enqueue_indirect_dma source(%dma_start3A_107 : memref<10240x8xf32, #tpu.memory_space<hbm>>) target(%dma_start3A_101 : memref<128x8xf32, #tpu.memory_space<vmem>>) offsets(%dma_start3A_104 : memref<128xi32, #tpu.memory_space<vmem>>) semaphore(%arg11 : memref<!tpu.dma_semaphore, #tpu.memory_space<semaphore_mem>>)
        %add3A_108 = arith.constant 5 : i32
        %add3A_109 = arith.addi %mul3A_43, %add3A_108 : i32
        %dma_start3A_110 = arith.constant 5 : i32
        %dma_start3A_111 = arith.constant 0 : i32
        %dma_start3A_112 = arith.constant 0 : i32
        %dma_start3A_113 = tpu.memref_slice %arg9[%dma_start3A_110, %dma_start3A_111, %dma_start3A_112] : memref<8x128x8xf32, #tpu.memory_space<vmem>> -> memref<1x128x8xf32, #tpu.memory_space<vmem>>
        %dma_start3A_114 = tpu.memref_squeeze %dma_start3A_113 : memref<1x128x8xf32, #tpu.memory_space<vmem>> -> memref<128x8xf32, #tpu.memory_space<vmem>>
        %dma_start3A_115 = arith.constant 0 : i32
        %dma_start3A_116 = tpu.memref_slice %arg7[%add3A_109, %dma_start3A_115] : memref<136x128xi32, #tpu.memory_space<vmem>> -> memref<1x128xi32, #tpu.memory_space<vmem>>
        %dma_start3A_117 = tpu.memref_squeeze %dma_start3A_116 : memref<1x128xi32, #tpu.memory_space<vmem>> -> memref<128xi32, #tpu.memory_space<vmem>>
        %dma_start3A_118 = arith.constant 0 : i32
        %dma_start3A_119 = arith.constant 0 : i32
        %dma_start3A_120 = tpu.memref_slice %arg2[%dma_start3A_118, %dma_start3A_119] : memref<10240x8xf32, #tpu.memory_space<hbm>> -> memref<10240x8xf32, #tpu.memory_space<hbm>>
        tpu.enqueue_indirect_dma source(%dma_start3A_120 : memref<10240x8xf32, #tpu.memory_space<hbm>>) target(%dma_start3A_114 : memref<128x8xf32, #tpu.memory_space<vmem>>) offsets(%dma_start3A_117 : memref<128xi32, #tpu.memory_space<vmem>>) semaphore(%arg11 : memref<!tpu.dma_semaphore, #tpu.memory_space<semaphore_mem>>)
        %add3A_121 = arith.constant 6 : i32
        %add3A_122 = arith.addi %mul3A_43, %add3A_121 : i32
        %dma_start3A_123 = arith.constant 6 : i32
        %dma_start3A_124 = arith.constant 0 : i32
        %dma_start3A_125 = arith.constant 0 : i32
        %dma_start3A_126 = tpu.memref_slice %arg9[%dma_start3A_123, %dma_start3A_124, %dma_start3A_125] : memref<8x128x8xf32, #tpu.memory_space<vmem>> -> memref<1x128x8xf32, #tpu.memory_space<vmem>>
        %dma_start3A_127 = tpu.memref_squeeze %dma_start3A_126 : memref<1x128x8xf32, #tpu.memory_space<vmem>> -> memref<128x8xf32, #tpu.memory_space<vmem>>
        %dma_start3A_128 = arith.constant 0 : i32
        %dma_start3A_129 = tpu.memref_slice %arg7[%add3A_122, %dma_start3A_128] : memref<136x128xi32, #tpu.memory_space<vmem>> -> memref<1x128xi32, #tpu.memory_space<vmem>>
        %dma_start3A_130 = tpu.memref_squeeze %dma_start3A_129 : memref<1x128xi32, #tpu.memory_space<vmem>> -> memref<128xi32, #tpu.memory_space<vmem>>
        %dma_start3A_131 = arith.constant 0 : i32
        %dma_start3A_132 = arith.constant 0 : i32
        %dma_start3A_133 = tpu.memref_slice %arg2[%dma_start3A_131, %dma_start3A_132] : memref<10240x8xf32, #tpu.memory_space<hbm>> -> memref<10240x8xf32, #tpu.memory_space<hbm>>
        tpu.enqueue_indirect_dma source(%dma_start3A_133 : memref<10240x8xf32, #tpu.memory_space<hbm>>) target(%dma_start3A_127 : memref<128x8xf32, #tpu.memory_space<vmem>>) offsets(%dma_start3A_130 : memref<128xi32, #tpu.memory_space<vmem>>) semaphore(%arg11 : memref<!tpu.dma_semaphore, #tpu.memory_space<semaphore_mem>>)
        %add3A_134 = arith.constant 7 : i32
        %add3A_135 = arith.addi %mul3A_43, %add3A_134 : i32
        %dma_start3A_136 = arith.constant 7 : i32
        %dma_start3A_137 = arith.constant 0 : i32
        %dma_start3A_138 = arith.constant 0 : i32
        %dma_start3A_139 = tpu.memref_slice %arg9[%dma_start3A_136, %dma_start3A_137, %dma_start3A_138] : memref<8x128x8xf32, #tpu.memory_space<vmem>> -> memref<1x128x8xf32, #tpu.memory_space<vmem>>
        %dma_start3A_140 = tpu.memref_squeeze %dma_start3A_139 : memref<1x128x8xf32, #tpu.memory_space<vmem>> -> memref<128x8xf32, #tpu.memory_space<vmem>>
        %dma_start3A_141 = arith.constant 0 : i32
        %dma_start3A_142 = tpu.memref_slice %arg7[%add3A_135, %dma_start3A_141] : memref<136x128xi32, #tpu.memory_space<vmem>> -> memref<1x128xi32, #tpu.memory_space<vmem>>
        %dma_start3A_143 = tpu.memref_squeeze %dma_start3A_142 : memref<1x128xi32, #tpu.memory_space<vmem>> -> memref<128xi32, #tpu.memory_space<vmem>>
        %dma_start3A_144 = arith.constant 0 : i32
        %dma_start3A_145 = arith.constant 0 : i32
        %dma_start3A_146 = tpu.memref_slice %arg2[%dma_start3A_144, %dma_start3A_145] : memref<10240x8xf32, #tpu.memory_space<hbm>> -> memref<10240x8xf32, #tpu.memory_space<hbm>>
        tpu.enqueue_indirect_dma source(%dma_start3A_146 : memref<10240x8xf32, #tpu.memory_space<hbm>>) target(%dma_start3A_140 : memref<128x8xf32, #tpu.memory_space<vmem>>) offsets(%dma_start3A_143 : memref<128xi32, #tpu.memory_space<vmem>>) semaphore(%arg11 : memref<!tpu.dma_semaphore, #tpu.memory_space<semaphore_mem>>)
        %dma_wait3A = arith.constant 0 : i32
        %dma_wait3A_147 = arith.constant 0 : i32
        %dma_wait3A_148 = arith.constant 0 : i32
        %dma_wait3A_149 = tpu.memref_slice %arg9[%dma_wait3A, %dma_wait3A_147, %dma_wait3A_148] : memref<8x128x8xf32, #tpu.memory_space<vmem>> -> memref<1x128x8xf32, #tpu.memory_space<vmem>>
        %dma_wait3A_150 = tpu.memref_squeeze %dma_wait3A_149 : memref<1x128x8xf32, #tpu.memory_space<vmem>> -> memref<128x8xf32, #tpu.memory_space<vmem>>
        %dma_wait3A_151 = arith.constant 0 : i32
        %dma_wait3A_152 = tpu.memref_slice %arg7[%add3A_45, %dma_wait3A_151] : memref<136x128xi32, #tpu.memory_space<vmem>> -> memref<1x128xi32, #tpu.memory_space<vmem>>
        %dma_wait3A_153 = tpu.memref_squeeze %dma_wait3A_152 : memref<1x128xi32, #tpu.memory_space<vmem>> -> memref<128xi32, #tpu.memory_space<vmem>>
        %dma_wait3A_154 = arith.constant 0 : i32
        %dma_wait3A_155 = arith.constant 0 : i32
        %dma_wait3A_156 = tpu.memref_slice %arg2[%dma_wait3A_154, %dma_wait3A_155] : memref<10240x8xf32, #tpu.memory_space<hbm>> -> memref<10240x8xf32, #tpu.memory_space<hbm>>
        tpu.wait_indirect_dma semaphore(%arg11 : memref<!tpu.dma_semaphore, #tpu.memory_space<semaphore_mem>>) src(%dma_wait3A_156 : memref<10240x8xf32, #tpu.memory_space<hbm>>) dst(%dma_wait3A_150 : memref<128x8xf32, #tpu.memory_space<vmem>>)
        %add3A_157 = arith.constant 0 : i32
        %add3A_158 = arith.addi %mul3A_43, %add3A_157 : i32
        %dma_start3A_159 = arith.constant 0 : i32
        %dma_start3A_160 = arith.constant 0 : i32
        %dma_start3A_161 = arith.constant 0 : i32
        %dma_start3A_162 = tpu.memref_slice %arg9[%dma_start3A_159, %dma_start3A_160, %dma_start3A_161] : memref<8x128x8xf32, #tpu.memory_space<vmem>> -> memref<1x128x8xf32, #tpu.memory_space<vmem>>
        %dma_start3A_163 = tpu.memref_squeeze %dma_start3A_162 : memref<1x128x8xf32, #tpu.memory_space<vmem>> -> memref<128x8xf32, #tpu.memory_space<vmem>>
        %dma_start3A_164 = arith.constant 0 : i32
        %dma_start3A_165 = tpu.memref_slice %arg8[%add3A_158, %dma_start3A_164] : memref<136x128xi32, #tpu.memory_space<vmem>> -> memref<1x128xi32, #tpu.memory_space<vmem>>
        %dma_start3A_166 = tpu.memref_squeeze %dma_start3A_165 : memref<1x128xi32, #tpu.memory_space<vmem>> -> memref<128xi32, #tpu.memory_space<vmem>>
        %dma_start3A_167 = arith.constant 0 : i32
        %dma_start3A_168 = arith.constant 0 : i32
        %dma_start3A_169 = tpu.memref_slice %arg10[%dma_start3A_167, %dma_start3A_168] : memref<10240x8xf32, #tpu.memory_space<vmem_shared>> -> memref<10240x8xf32, #tpu.memory_space<vmem_shared>>
        tpu.enqueue_indirect_dma source(%dma_start3A_163 : memref<128x8xf32, #tpu.memory_space<vmem>>) target(%dma_start3A_169 : memref<10240x8xf32, #tpu.memory_space<vmem_shared>>) offsets(%dma_start3A_166 : memref<128xi32, #tpu.memory_space<vmem>>) semaphore(%arg12 : memref<!tpu.dma_semaphore, #tpu.memory_space<semaphore_mem>>) {add = true}
        %dma_wait3A_170 = arith.constant 1 : i32
        %dma_wait3A_171 = arith.constant 0 : i32
        %dma_wait3A_172 = arith.constant 0 : i32
        %dma_wait3A_173 = tpu.memref_slice %arg9[%dma_wait3A_170, %dma_wait3A_171, %dma_wait3A_172] : memref<8x128x8xf32, #tpu.memory_space<vmem>> -> memref<1x128x8xf32, #tpu.memory_space<vmem>>
        %dma_wait3A_174 = tpu.memref_squeeze %dma_wait3A_173 : memref<1x128x8xf32, #tpu.memory_space<vmem>> -> memref<128x8xf32, #tpu.memory_space<vmem>>
        %dma_wait3A_175 = arith.constant 0 : i32
        %dma_wait3A_176 = tpu.memref_slice %arg7[%add3A_57, %dma_wait3A_175] : memref<136x128xi32, #tpu.memory_space<vmem>> -> memref<1x128xi32, #tpu.memory_space<vmem>>
        %dma_wait3A_177 = tpu.memref_squeeze %dma_wait3A_176 : memref<1x128xi32, #tpu.memory_space<vmem>> -> memref<128xi32, #tpu.memory_space<vmem>>
        %dma_wait3A_178 = arith.constant 0 : i32
        %dma_wait3A_179 = arith.constant 0 : i32
        %dma_wait3A_180 = tpu.memref_slice %arg2[%dma_wait3A_178, %dma_wait3A_179] : memref<10240x8xf32, #tpu.memory_space<hbm>> -> memref<10240x8xf32, #tpu.memory_space<hbm>>
        tpu.wait_indirect_dma semaphore(%arg11 : memref<!tpu.dma_semaphore, #tpu.memory_space<semaphore_mem>>) src(%dma_wait3A_180 : memref<10240x8xf32, #tpu.memory_space<hbm>>) dst(%dma_wait3A_174 : memref<128x8xf32, #tpu.memory_space<vmem>>)
        %add3A_181 = arith.constant 1 : i32
        %add3A_182 = arith.addi %mul3A_43, %add3A_181 : i32
        %dma_start3A_183 = arith.constant 1 : i32
        %dma_start3A_184 = arith.constant 0 : i32
        %dma_start3A_185 = arith.constant 0 : i32
        %dma_start3A_186 = tpu.memref_slice %arg9[%dma_start3A_183, %dma_start3A_184, %dma_start3A_185] : memref<8x128x8xf32, #tpu.memory_space<vmem>> -> memref<1x128x8xf32, #tpu.memory_space<vmem>>
        %dma_start3A_187 = tpu.memref_squeeze %dma_start3A_186 : memref<1x128x8xf32, #tpu.memory_space<vmem>> -> memref<128x8xf32, #tpu.memory_space<vmem>>
        %dma_start3A_188 = arith.constant 0 : i32
        %dma_start3A_189 = tpu.memref_slice %arg8[%add3A_182, %dma_start3A_188] : memref<136x128xi32, #tpu.memory_space<vmem>> -> memref<1x128xi32, #tpu.memory_space<vmem>>
        %dma_start3A_190 = tpu.memref_squeeze %dma_start3A_189 : memref<1x128xi32, #tpu.memory_space<vmem>> -> memref<128xi32, #tpu.memory_space<vmem>>
        %dma_start3A_191 = arith.constant 0 : i32
        %dma_start3A_192 = arith.constant 0 : i32
        %dma_start3A_193 = tpu.memref_slice %arg10[%dma_start3A_191, %dma_start3A_192] : memref<10240x8xf32, #tpu.memory_space<vmem_shared>> -> memref<10240x8xf32, #tpu.memory_space<vmem_shared>>
        tpu.enqueue_indirect_dma source(%dma_start3A_187 : memref<128x8xf32, #tpu.memory_space<vmem>>) target(%dma_start3A_193 : memref<10240x8xf32, #tpu.memory_space<vmem_shared>>) offsets(%dma_start3A_190 : memref<128xi32, #tpu.memory_space<vmem>>) semaphore(%arg12 : memref<!tpu.dma_semaphore, #tpu.memory_space<semaphore_mem>>) {add = true}
        %dma_wait3A_194 = arith.constant 2 : i32
        %dma_wait3A_195 = arith.constant 0 : i32
        %dma_wait3A_196 = arith.constant 0 : i32
        %dma_wait3A_197 = tpu.memref_slice %arg9[%dma_wait3A_194, %dma_wait3A_195, %dma_wait3A_196] : memref<8x128x8xf32, #tpu.memory_space<vmem>> -> memref<1x128x8xf32, #tpu.memory_space<vmem>>
        %dma_wait3A_198 = tpu.memref_squeeze %dma_wait3A_197 : memref<1x128x8xf32, #tpu.memory_space<vmem>> -> memref<128x8xf32, #tpu.memory_space<vmem>>
        %dma_wait3A_199 = arith.constant 0 : i32
        %dma_wait3A_200 = tpu.memref_slice %arg7[%add3A_70, %dma_wait3A_199] : memref<136x128xi32, #tpu.memory_space<vmem>> -> memref<1x128xi32, #tpu.memory_space<vmem>>
        %dma_wait3A_201 = tpu.memref_squeeze %dma_wait3A_200 : memref<1x128xi32, #tpu.memory_space<vmem>> -> memref<128xi32, #tpu.memory_space<vmem>>
        %dma_wait3A_202 = arith.constant 0 : i32
        %dma_wait3A_203 = arith.constant 0 : i32
        %dma_wait3A_204 = tpu.memref_slice %arg2[%dma_wait3A_202, %dma_wait3A_203] : memref<10240x8xf32, #tpu.memory_space<hbm>> -> memref<10240x8xf32, #tpu.memory_space<hbm>>
        tpu.wait_indirect_dma semaphore(%arg11 : memref<!tpu.dma_semaphore, #tpu.memory_space<semaphore_mem>>) src(%dma_wait3A_204 : memref<10240x8xf32, #tpu.memory_space<hbm>>) dst(%dma_wait3A_198 : memref<128x8xf32, #tpu.memory_space<vmem>>)
        %add3A_205 = arith.constant 2 : i32
        %add3A_206 = arith.addi %mul3A_43, %add3A_205 : i32
        %dma_start3A_207 = arith.constant 2 : i32
        %dma_start3A_208 = arith.constant 0 : i32
        %dma_start3A_209 = arith.constant 0 : i32
        %dma_start3A_210 = tpu.memref_slice %arg9[%dma_start3A_207, %dma_start3A_208, %dma_start3A_209] : memref<8x128x8xf32, #tpu.memory_space<vmem>> -> memref<1x128x8xf32, #tpu.memory_space<vmem>>
        %dma_start3A_211 = tpu.memref_squeeze %dma_start3A_210 : memref<1x128x8xf32, #tpu.memory_space<vmem>> -> memref<128x8xf32, #tpu.memory_space<vmem>>
        %dma_start3A_212 = arith.constant 0 : i32
        %dma_start3A_213 = tpu.memref_slice %arg8[%add3A_206, %dma_start3A_212] : memref<136x128xi32, #tpu.memory_space<vmem>> -> memref<1x128xi32, #tpu.memory_space<vmem>>
        %dma_start3A_214 = tpu.memref_squeeze %dma_start3A_213 : memref<1x128xi32, #tpu.memory_space<vmem>> -> memref<128xi32, #tpu.memory_space<vmem>>
        %dma_start3A_215 = arith.constant 0 : i32
        %dma_start3A_216 = arith.constant 0 : i32
        %dma_start3A_217 = tpu.memref_slice %arg10[%dma_start3A_215, %dma_start3A_216] : memref<10240x8xf32, #tpu.memory_space<vmem_shared>> -> memref<10240x8xf32, #tpu.memory_space<vmem_shared>>
        tpu.enqueue_indirect_dma source(%dma_start3A_211 : memref<128x8xf32, #tpu.memory_space<vmem>>) target(%dma_start3A_217 : memref<10240x8xf32, #tpu.memory_space<vmem_shared>>) offsets(%dma_start3A_214 : memref<128xi32, #tpu.memory_space<vmem>>) semaphore(%arg12 : memref<!tpu.dma_semaphore, #tpu.memory_space<semaphore_mem>>) {add = true}
        %dma_wait3A_218 = arith.constant 3 : i32
        %dma_wait3A_219 = arith.constant 0 : i32
        %dma_wait3A_220 = arith.constant 0 : i32
        %dma_wait3A_221 = tpu.memref_slice %arg9[%dma_wait3A_218, %dma_wait3A_219, %dma_wait3A_220] : memref<8x128x8xf32, #tpu.memory_space<vmem>> -> memref<1x128x8xf32, #tpu.memory_space<vmem>>
        %dma_wait3A_222 = tpu.memref_squeeze %dma_wait3A_221 : memref<1x128x8xf32, #tpu.memory_space<vmem>> -> memref<128x8xf32, #tpu.memory_space<vmem>>
        %dma_wait3A_223 = arith.constant 0 : i32
        %dma_wait3A_224 = tpu.memref_slice %arg7[%add3A_83, %dma_wait3A_223] : memref<136x128xi32, #tpu.memory_space<vmem>> -> memref<1x128xi32, #tpu.memory_space<vmem>>
        %dma_wait3A_225 = tpu.memref_squeeze %dma_wait3A_224 : memref<1x128xi32, #tpu.memory_space<vmem>> -> memref<128xi32, #tpu.memory_space<vmem>>
        %dma_wait3A_226 = arith.constant 0 : i32
        %dma_wait3A_227 = arith.constant 0 : i32
        %dma_wait3A_228 = tpu.memref_slice %arg2[%dma_wait3A_226, %dma_wait3A_227] : memref<10240x8xf32, #tpu.memory_space<hbm>> -> memref<10240x8xf32, #tpu.memory_space<hbm>>
        tpu.wait_indirect_dma semaphore(%arg11 : memref<!tpu.dma_semaphore, #tpu.memory_space<semaphore_mem>>) src(%dma_wait3A_228 : memref<10240x8xf32, #tpu.memory_space<hbm>>) dst(%dma_wait3A_222 : memref<128x8xf32, #tpu.memory_space<vmem>>)
        %add3A_229 = arith.constant 3 : i32
        %add3A_230 = arith.addi %mul3A_43, %add3A_229 : i32
        %dma_start3A_231 = arith.constant 3 : i32
        %dma_start3A_232 = arith.constant 0 : i32
        %dma_start3A_233 = arith.constant 0 : i32
        %dma_start3A_234 = tpu.memref_slice %arg9[%dma_start3A_231, %dma_start3A_232, %dma_start3A_233] : memref<8x128x8xf32, #tpu.memory_space<vmem>> -> memref<1x128x8xf32, #tpu.memory_space<vmem>>
        %dma_start3A_235 = tpu.memref_squeeze %dma_start3A_234 : memref<1x128x8xf32, #tpu.memory_space<vmem>> -> memref<128x8xf32, #tpu.memory_space<vmem>>
        %dma_start3A_236 = arith.constant 0 : i32
        %dma_start3A_237 = tpu.memref_slice %arg8[%add3A_230, %dma_start3A_236] : memref<136x128xi32, #tpu.memory_space<vmem>> -> memref<1x128xi32, #tpu.memory_space<vmem>>
        %dma_start3A_238 = tpu.memref_squeeze %dma_start3A_237 : memref<1x128xi32, #tpu.memory_space<vmem>> -> memref<128xi32, #tpu.memory_space<vmem>>
        %dma_start3A_239 = arith.constant 0 : i32
        %dma_start3A_240 = arith.constant 0 : i32
        %dma_start3A_241 = tpu.memref_slice %arg10[%dma_start3A_239, %dma_start3A_240] : memref<10240x8xf32, #tpu.memory_space<vmem_shared>> -> memref<10240x8xf32, #tpu.memory_space<vmem_shared>>
        tpu.enqueue_indirect_dma source(%dma_start3A_235 : memref<128x8xf32, #tpu.memory_space<vmem>>) target(%dma_start3A_241 : memref<10240x8xf32, #tpu.memory_space<vmem_shared>>) offsets(%dma_start3A_238 : memref<128xi32, #tpu.memory_space<vmem>>) semaphore(%arg12 : memref<!tpu.dma_semaphore, #tpu.memory_space<semaphore_mem>>) {add = true}
        %dma_wait3A_242 = arith.constant 4 : i32
        %dma_wait3A_243 = arith.constant 0 : i32
        %dma_wait3A_244 = arith.constant 0 : i32
        %dma_wait3A_245 = tpu.memref_slice %arg9[%dma_wait3A_242, %dma_wait3A_243, %dma_wait3A_244] : memref<8x128x8xf32, #tpu.memory_space<vmem>> -> memref<1x128x8xf32, #tpu.memory_space<vmem>>
        %dma_wait3A_246 = tpu.memref_squeeze %dma_wait3A_245 : memref<1x128x8xf32, #tpu.memory_space<vmem>> -> memref<128x8xf32, #tpu.memory_space<vmem>>
        %dma_wait3A_247 = arith.constant 0 : i32
        %dma_wait3A_248 = tpu.memref_slice %arg7[%add3A_96, %dma_wait3A_247] : memref<136x128xi32, #tpu.memory_space<vmem>> -> memref<1x128xi32, #tpu.memory_space<vmem>>
        %dma_wait3A_249 = tpu.memref_squeeze %dma_wait3A_248 : memref<1x128xi32, #tpu.memory_space<vmem>> -> memref<128xi32, #tpu.memory_space<vmem>>
        %dma_wait3A_250 = arith.constant 0 : i32
        %dma_wait3A_251 = arith.constant 0 : i32
        %dma_wait3A_252 = tpu.memref_slice %arg2[%dma_wait3A_250, %dma_wait3A_251] : memref<10240x8xf32, #tpu.memory_space<hbm>> -> memref<10240x8xf32, #tpu.memory_space<hbm>>
        tpu.wait_indirect_dma semaphore(%arg11 : memref<!tpu.dma_semaphore, #tpu.memory_space<semaphore_mem>>) src(%dma_wait3A_252 : memref<10240x8xf32, #tpu.memory_space<hbm>>) dst(%dma_wait3A_246 : memref<128x8xf32, #tpu.memory_space<vmem>>)
        %add3A_253 = arith.constant 4 : i32
        %add3A_254 = arith.addi %mul3A_43, %add3A_253 : i32
        %dma_start3A_255 = arith.constant 4 : i32
        %dma_start3A_256 = arith.constant 0 : i32
        %dma_start3A_257 = arith.constant 0 : i32
        %dma_start3A_258 = tpu.memref_slice %arg9[%dma_start3A_255, %dma_start3A_256, %dma_start3A_257] : memref<8x128x8xf32, #tpu.memory_space<vmem>> -> memref<1x128x8xf32, #tpu.memory_space<vmem>>
        %dma_start3A_259 = tpu.memref_squeeze %dma_start3A_258 : memref<1x128x8xf32, #tpu.memory_space<vmem>> -> memref<128x8xf32, #tpu.memory_space<vmem>>
        %dma_start3A_260 = arith.constant 0 : i32
        %dma_start3A_261 = tpu.memref_slice %arg8[%add3A_254, %dma_start3A_260] : memref<136x128xi32, #tpu.memory_space<vmem>> -> memref<1x128xi32, #tpu.memory_space<vmem>>
        %dma_start3A_262 = tpu.memref_squeeze %dma_start3A_261 : memref<1x128xi32, #tpu.memory_space<vmem>> -> memref<128xi32, #tpu.memory_space<vmem>>
        %dma_start3A_263 = arith.constant 0 : i32
        %dma_start3A_264 = arith.constant 0 : i32
        %dma_start3A_265 = tpu.memref_slice %arg10[%dma_start3A_263, %dma_start3A_264] : memref<10240x8xf32, #tpu.memory_space<vmem_shared>> -> memref<10240x8xf32, #tpu.memory_space<vmem_shared>>
        tpu.enqueue_indirect_dma source(%dma_start3A_259 : memref<128x8xf32, #tpu.memory_space<vmem>>) target(%dma_start3A_265 : memref<10240x8xf32, #tpu.memory_space<vmem_shared>>) offsets(%dma_start3A_262 : memref<128xi32, #tpu.memory_space<vmem>>) semaphore(%arg12 : memref<!tpu.dma_semaphore, #tpu.memory_space<semaphore_mem>>) {add = true}
        %dma_wait3A_266 = arith.constant 5 : i32
        %dma_wait3A_267 = arith.constant 0 : i32
        %dma_wait3A_268 = arith.constant 0 : i32
        %dma_wait3A_269 = tpu.memref_slice %arg9[%dma_wait3A_266, %dma_wait3A_267, %dma_wait3A_268] : memref<8x128x8xf32, #tpu.memory_space<vmem>> -> memref<1x128x8xf32, #tpu.memory_space<vmem>>
        %dma_wait3A_270 = tpu.memref_squeeze %dma_wait3A_269 : memref<1x128x8xf32, #tpu.memory_space<vmem>> -> memref<128x8xf32, #tpu.memory_space<vmem>>
        %dma_wait3A_271 = arith.constant 0 : i32
        %dma_wait3A_272 = tpu.memref_slice %arg7[%add3A_109, %dma_wait3A_271] : memref<136x128xi32, #tpu.memory_space<vmem>> -> memref<1x128xi32, #tpu.memory_space<vmem>>
        %dma_wait3A_273 = tpu.memref_squeeze %dma_wait3A_272 : memref<1x128xi32, #tpu.memory_space<vmem>> -> memref<128xi32, #tpu.memory_space<vmem>>
        %dma_wait3A_274 = arith.constant 0 : i32
        %dma_wait3A_275 = arith.constant 0 : i32
        %dma_wait3A_276 = tpu.memref_slice %arg2[%dma_wait3A_274, %dma_wait3A_275] : memref<10240x8xf32, #tpu.memory_space<hbm>> -> memref<10240x8xf32, #tpu.memory_space<hbm>>
        tpu.wait_indirect_dma semaphore(%arg11 : memref<!tpu.dma_semaphore, #tpu.memory_space<semaphore_mem>>) src(%dma_wait3A_276 : memref<10240x8xf32, #tpu.memory_space<hbm>>) dst(%dma_wait3A_270 : memref<128x8xf32, #tpu.memory_space<vmem>>)
        %add3A_277 = arith.constant 5 : i32
        %add3A_278 = arith.addi %mul3A_43, %add3A_277 : i32
        %dma_start3A_279 = arith.constant 5 : i32
        %dma_start3A_280 = arith.constant 0 : i32
        %dma_start3A_281 = arith.constant 0 : i32
        %dma_start3A_282 = tpu.memref_slice %arg9[%dma_start3A_279, %dma_start3A_280, %dma_start3A_281] : memref<8x128x8xf32, #tpu.memory_space<vmem>> -> memref<1x128x8xf32, #tpu.memory_space<vmem>>
        %dma_start3A_283 = tpu.memref_squeeze %dma_start3A_282 : memref<1x128x8xf32, #tpu.memory_space<vmem>> -> memref<128x8xf32, #tpu.memory_space<vmem>>
        %dma_start3A_284 = arith.constant 0 : i32
        %dma_start3A_285 = tpu.memref_slice %arg8[%add3A_278, %dma_start3A_284] : memref<136x128xi32, #tpu.memory_space<vmem>> -> memref<1x128xi32, #tpu.memory_space<vmem>>
        %dma_start3A_286 = tpu.memref_squeeze %dma_start3A_285 : memref<1x128xi32, #tpu.memory_space<vmem>> -> memref<128xi32, #tpu.memory_space<vmem>>
        %dma_start3A_287 = arith.constant 0 : i32
        %dma_start3A_288 = arith.constant 0 : i32
        %dma_start3A_289 = tpu.memref_slice %arg10[%dma_start3A_287, %dma_start3A_288] : memref<10240x8xf32, #tpu.memory_space<vmem_shared>> -> memref<10240x8xf32, #tpu.memory_space<vmem_shared>>
        tpu.enqueue_indirect_dma source(%dma_start3A_283 : memref<128x8xf32, #tpu.memory_space<vmem>>) target(%dma_start3A_289 : memref<10240x8xf32, #tpu.memory_space<vmem_shared>>) offsets(%dma_start3A_286 : memref<128xi32, #tpu.memory_space<vmem>>) semaphore(%arg12 : memref<!tpu.dma_semaphore, #tpu.memory_space<semaphore_mem>>) {add = true}
        %dma_wait3A_290 = arith.constant 6 : i32
        %dma_wait3A_291 = arith.constant 0 : i32
        %dma_wait3A_292 = arith.constant 0 : i32
        %dma_wait3A_293 = tpu.memref_slice %arg9[%dma_wait3A_290, %dma_wait3A_291, %dma_wait3A_292] : memref<8x128x8xf32, #tpu.memory_space<vmem>> -> memref<1x128x8xf32, #tpu.memory_space<vmem>>
        %dma_wait3A_294 = tpu.memref_squeeze %dma_wait3A_293 : memref<1x128x8xf32, #tpu.memory_space<vmem>> -> memref<128x8xf32, #tpu.memory_space<vmem>>
        %dma_wait3A_295 = arith.constant 0 : i32
        %dma_wait3A_296 = tpu.memref_slice %arg7[%add3A_122, %dma_wait3A_295] : memref<136x128xi32, #tpu.memory_space<vmem>> -> memref<1x128xi32, #tpu.memory_space<vmem>>
        %dma_wait3A_297 = tpu.memref_squeeze %dma_wait3A_296 : memref<1x128xi32, #tpu.memory_space<vmem>> -> memref<128xi32, #tpu.memory_space<vmem>>
        %dma_wait3A_298 = arith.constant 0 : i32
        %dma_wait3A_299 = arith.constant 0 : i32
        %dma_wait3A_300 = tpu.memref_slice %arg2[%dma_wait3A_298, %dma_wait3A_299] : memref<10240x8xf32, #tpu.memory_space<hbm>> -> memref<10240x8xf32, #tpu.memory_space<hbm>>
        tpu.wait_indirect_dma semaphore(%arg11 : memref<!tpu.dma_semaphore, #tpu.memory_space<semaphore_mem>>) src(%dma_wait3A_300 : memref<10240x8xf32, #tpu.memory_space<hbm>>) dst(%dma_wait3A_294 : memref<128x8xf32, #tpu.memory_space<vmem>>)
        %add3A_301 = arith.constant 6 : i32
        %add3A_302 = arith.addi %mul3A_43, %add3A_301 : i32
        %dma_start3A_303 = arith.constant 6 : i32
        %dma_start3A_304 = arith.constant 0 : i32
        %dma_start3A_305 = arith.constant 0 : i32
        %dma_start3A_306 = tpu.memref_slice %arg9[%dma_start3A_303, %dma_start3A_304, %dma_start3A_305] : memref<8x128x8xf32, #tpu.memory_space<vmem>> -> memref<1x128x8xf32, #tpu.memory_space<vmem>>
        %dma_start3A_307 = tpu.memref_squeeze %dma_start3A_306 : memref<1x128x8xf32, #tpu.memory_space<vmem>> -> memref<128x8xf32, #tpu.memory_space<vmem>>
        %dma_start3A_308 = arith.constant 0 : i32
        %dma_start3A_309 = tpu.memref_slice %arg8[%add3A_302, %dma_start3A_308] : memref<136x128xi32, #tpu.memory_space<vmem>> -> memref<1x128xi32, #tpu.memory_space<vmem>>
        %dma_start3A_310 = tpu.memref_squeeze %dma_start3A_309 : memref<1x128xi32, #tpu.memory_space<vmem>> -> memref<128xi32, #tpu.memory_space<vmem>>
        %dma_start3A_311 = arith.constant 0 : i32
        %dma_start3A_312 = arith.constant 0 : i32
        %dma_start3A_313 = tpu.memref_slice %arg10[%dma_start3A_311, %dma_start3A_312] : memref<10240x8xf32, #tpu.memory_space<vmem_shared>> -> memref<10240x8xf32, #tpu.memory_space<vmem_shared>>
        tpu.enqueue_indirect_dma source(%dma_start3A_307 : memref<128x8xf32, #tpu.memory_space<vmem>>) target(%dma_start3A_313 : memref<10240x8xf32, #tpu.memory_space<vmem_shared>>) offsets(%dma_start3A_310 : memref<128xi32, #tpu.memory_space<vmem>>) semaphore(%arg12 : memref<!tpu.dma_semaphore, #tpu.memory_space<semaphore_mem>>) {add = true}
        %dma_wait3A_314 = arith.constant 7 : i32
        %dma_wait3A_315 = arith.constant 0 : i32
        %dma_wait3A_316 = arith.constant 0 : i32
        %dma_wait3A_317 = tpu.memref_slice %arg9[%dma_wait3A_314, %dma_wait3A_315, %dma_wait3A_316] : memref<8x128x8xf32, #tpu.memory_space<vmem>> -> memref<1x128x8xf32, #tpu.memory_space<vmem>>
        %dma_wait3A_318 = tpu.memref_squeeze %dma_wait3A_317 : memref<1x128x8xf32, #tpu.memory_space<vmem>> -> memref<128x8xf32, #tpu.memory_space<vmem>>
        %dma_wait3A_319 = arith.constant 0 : i32
        %dma_wait3A_320 = tpu.memref_slice %arg7[%add3A_135, %dma_wait3A_319] : memref<136x128xi32, #tpu.memory_space<vmem>> -> memref<1x128xi32, #tpu.memory_space<vmem>>
        %dma_wait3A_321 = tpu.memref_squeeze %dma_wait3A_320 : memref<1x128xi32, #tpu.memory_space<vmem>> -> memref<128xi32, #tpu.memory_space<vmem>>
        %dma_wait3A_322 = arith.constant 0 : i32
        %dma_wait3A_323 = arith.constant 0 : i32
        %dma_wait3A_324 = tpu.memref_slice %arg2[%dma_wait3A_322, %dma_wait3A_323] : memref<10240x8xf32, #tpu.memory_space<hbm>> -> memref<10240x8xf32, #tpu.memory_space<hbm>>
        tpu.wait_indirect_dma semaphore(%arg11 : memref<!tpu.dma_semaphore, #tpu.memory_space<semaphore_mem>>) src(%dma_wait3A_324 : memref<10240x8xf32, #tpu.memory_space<hbm>>) dst(%dma_wait3A_318 : memref<128x8xf32, #tpu.memory_space<vmem>>)
        %add3A_325 = arith.constant 7 : i32
        %add3A_326 = arith.addi %mul3A_43, %add3A_325 : i32
        %dma_start3A_327 = arith.constant 7 : i32
        %dma_start3A_328 = arith.constant 0 : i32
        %dma_start3A_329 = arith.constant 0 : i32
        %dma_start3A_330 = tpu.memref_slice %arg9[%dma_start3A_327, %dma_start3A_328, %dma_start3A_329] : memref<8x128x8xf32, #tpu.memory_space<vmem>> -> memref<1x128x8xf32, #tpu.memory_space<vmem>>
        %dma_start3A_331 = tpu.memref_squeeze %dma_start3A_330 : memref<1x128x8xf32, #tpu.memory_space<vmem>> -> memref<128x8xf32, #tpu.memory_space<vmem>>
        %dma_start3A_332 = arith.constant 0 : i32
        %dma_start3A_333 = tpu.memref_slice %arg8[%add3A_326, %dma_start3A_332] : memref<136x128xi32, #tpu.memory_space<vmem>> -> memref<1x128xi32, #tpu.memory_space<vmem>>
        %dma_start3A_334 = tpu.memref_squeeze %dma_start3A_333 : memref<1x128xi32, #tpu.memory_space<vmem>> -> memref<128xi32, #tpu.memory_space<vmem>>
        %dma_start3A_335 = arith.constant 0 : i32
        %dma_start3A_336 = arith.constant 0 : i32
        %dma_start3A_337 = tpu.memref_slice %arg10[%dma_start3A_335, %dma_start3A_336] : memref<10240x8xf32, #tpu.memory_space<vmem_shared>> -> memref<10240x8xf32, #tpu.memory_space<vmem_shared>>
        tpu.enqueue_indirect_dma source(%dma_start3A_331 : memref<128x8xf32, #tpu.memory_space<vmem>>) target(%dma_start3A_337 : memref<10240x8xf32, #tpu.memory_space<vmem_shared>>) offsets(%dma_start3A_334 : memref<128xi32, #tpu.memory_space<vmem>>) semaphore(%arg12 : memref<!tpu.dma_semaphore, #tpu.memory_space<semaphore_mem>>) {add = true}
        %dma_wait3A_338 = arith.constant 0 : i32
        %dma_wait3A_339 = arith.constant 0 : i32
        %dma_wait3A_340 = arith.constant 0 : i32
        %dma_wait3A_341 = tpu.memref_slice %arg9[%dma_wait3A_338, %dma_wait3A_339, %dma_wait3A_340] : memref<8x128x8xf32, #tpu.memory_space<vmem>> -> memref<1x128x8xf32, #tpu.memory_space<vmem>>
        %dma_wait3A_342 = tpu.memref_squeeze %dma_wait3A_341 : memref<1x128x8xf32, #tpu.memory_space<vmem>> -> memref<128x8xf32, #tpu.memory_space<vmem>>
        %dma_wait3A_343 = arith.constant 0 : i32
        %dma_wait3A_344 = tpu.memref_slice %arg8[%add3A_158, %dma_wait3A_343] : memref<136x128xi32, #tpu.memory_space<vmem>> -> memref<1x128xi32, #tpu.memory_space<vmem>>
        %dma_wait3A_345 = tpu.memref_squeeze %dma_wait3A_344 : memref<1x128xi32, #tpu.memory_space<vmem>> -> memref<128xi32, #tpu.memory_space<vmem>>
        %dma_wait3A_346 = arith.constant 0 : i32
        %dma_wait3A_347 = arith.constant 0 : i32
        %dma_wait3A_348 = tpu.memref_slice %arg10[%dma_wait3A_346, %dma_wait3A_347] : memref<10240x8xf32, #tpu.memory_space<vmem_shared>> -> memref<10240x8xf32, #tpu.memory_space<vmem_shared>>
        tpu.wait_indirect_dma semaphore(%arg12 : memref<!tpu.dma_semaphore, #tpu.memory_space<semaphore_mem>>) src(%dma_wait3A_342 : memref<128x8xf32, #tpu.memory_space<vmem>>) dst(%dma_wait3A_348 : memref<10240x8xf32, #tpu.memory_space<vmem_shared>>)
        %dma_wait3A_349 = arith.constant 1 : i32
        %dma_wait3A_350 = arith.constant 0 : i32
        %dma_wait3A_351 = arith.constant 0 : i32
        %dma_wait3A_352 = tpu.memref_slice %arg9[%dma_wait3A_349, %dma_wait3A_350, %dma_wait3A_351] : memref<8x128x8xf32, #tpu.memory_space<vmem>> -> memref<1x128x8xf32, #tpu.memory_space<vmem>>
        %dma_wait3A_353 = tpu.memref_squeeze %dma_wait3A_352 : memref<1x128x8xf32, #tpu.memory_space<vmem>> -> memref<128x8xf32, #tpu.memory_space<vmem>>
        %dma_wait3A_354 = arith.constant 0 : i32
        %dma_wait3A_355 = tpu.memref_slice %arg8[%add3A_182, %dma_wait3A_354] : memref<136x128xi32, #tpu.memory_space<vmem>> -> memref<1x128xi32, #tpu.memory_space<vmem>>
        %dma_wait3A_356 = tpu.memref_squeeze %dma_wait3A_355 : memref<1x128xi32, #tpu.memory_space<vmem>> -> memref<128xi32, #tpu.memory_space<vmem>>
        %dma_wait3A_357 = arith.constant 0 : i32
        %dma_wait3A_358 = arith.constant 0 : i32
        %dma_wait3A_359 = tpu.memref_slice %arg10[%dma_wait3A_357, %dma_wait3A_358] : memref<10240x8xf32, #tpu.memory_space<vmem_shared>> -> memref<10240x8xf32, #tpu.memory_space<vmem_shared>>
        tpu.wait_indirect_dma semaphore(%arg12 : memref<!tpu.dma_semaphore, #tpu.memory_space<semaphore_mem>>) src(%dma_wait3A_353 : memref<128x8xf32, #tpu.memory_space<vmem>>) dst(%dma_wait3A_359 : memref<10240x8xf32, #tpu.memory_space<vmem_shared>>)
        %dma_wait3A_360 = arith.constant 2 : i32
        %dma_wait3A_361 = arith.constant 0 : i32
        %dma_wait3A_362 = arith.constant 0 : i32
        %dma_wait3A_363 = tpu.memref_slice %arg9[%dma_wait3A_360, %dma_wait3A_361, %dma_wait3A_362] : memref<8x128x8xf32, #tpu.memory_space<vmem>> -> memref<1x128x8xf32, #tpu.memory_space<vmem>>
        %dma_wait3A_364 = tpu.memref_squeeze %dma_wait3A_363 : memref<1x128x8xf32, #tpu.memory_space<vmem>> -> memref<128x8xf32, #tpu.memory_space<vmem>>
        %dma_wait3A_365 = arith.constant 0 : i32
        %dma_wait3A_366 = tpu.memref_slice %arg8[%add3A_206, %dma_wait3A_365] : memref<136x128xi32, #tpu.memory_space<vmem>> -> memref<1x128xi32, #tpu.memory_space<vmem>>
        %dma_wait3A_367 = tpu.memref_squeeze %dma_wait3A_366 : memref<1x128xi32, #tpu.memory_space<vmem>> -> memref<128xi32, #tpu.memory_space<vmem>>
        %dma_wait3A_368 = arith.constant 0 : i32
        %dma_wait3A_369 = arith.constant 0 : i32
        %dma_wait3A_370 = tpu.memref_slice %arg10[%dma_wait3A_368, %dma_wait3A_369] : memref<10240x8xf32, #tpu.memory_space<vmem_shared>> -> memref<10240x8xf32, #tpu.memory_space<vmem_shared>>
        tpu.wait_indirect_dma semaphore(%arg12 : memref<!tpu.dma_semaphore, #tpu.memory_space<semaphore_mem>>) src(%dma_wait3A_364 : memref<128x8xf32, #tpu.memory_space<vmem>>) dst(%dma_wait3A_370 : memref<10240x8xf32, #tpu.memory_space<vmem_shared>>)
        %dma_wait3A_371 = arith.constant 3 : i32
        %dma_wait3A_372 = arith.constant 0 : i32
        %dma_wait3A_373 = arith.constant 0 : i32
        %dma_wait3A_374 = tpu.memref_slice %arg9[%dma_wait3A_371, %dma_wait3A_372, %dma_wait3A_373] : memref<8x128x8xf32, #tpu.memory_space<vmem>> -> memref<1x128x8xf32, #tpu.memory_space<vmem>>
        %dma_wait3A_375 = tpu.memref_squeeze %dma_wait3A_374 : memref<1x128x8xf32, #tpu.memory_space<vmem>> -> memref<128x8xf32, #tpu.memory_space<vmem>>
        %dma_wait3A_376 = arith.constant 0 : i32
        %dma_wait3A_377 = tpu.memref_slice %arg8[%add3A_230, %dma_wait3A_376] : memref<136x128xi32, #tpu.memory_space<vmem>> -> memref<1x128xi32, #tpu.memory_space<vmem>>
        %dma_wait3A_378 = tpu.memref_squeeze %dma_wait3A_377 : memref<1x128xi32, #tpu.memory_space<vmem>> -> memref<128xi32, #tpu.memory_space<vmem>>
        %dma_wait3A_379 = arith.constant 0 : i32
        %dma_wait3A_380 = arith.constant 0 : i32
        %dma_wait3A_381 = tpu.memref_slice %arg10[%dma_wait3A_379, %dma_wait3A_380] : memref<10240x8xf32, #tpu.memory_space<vmem_shared>> -> memref<10240x8xf32, #tpu.memory_space<vmem_shared>>
        tpu.wait_indirect_dma semaphore(%arg12 : memref<!tpu.dma_semaphore, #tpu.memory_space<semaphore_mem>>) src(%dma_wait3A_375 : memref<128x8xf32, #tpu.memory_space<vmem>>) dst(%dma_wait3A_381 : memref<10240x8xf32, #tpu.memory_space<vmem_shared>>)
        %dma_wait3A_382 = arith.constant 4 : i32
        %dma_wait3A_383 = arith.constant 0 : i32
        %dma_wait3A_384 = arith.constant 0 : i32
        %dma_wait3A_385 = tpu.memref_slice %arg9[%dma_wait3A_382, %dma_wait3A_383, %dma_wait3A_384] : memref<8x128x8xf32, #tpu.memory_space<vmem>> -> memref<1x128x8xf32, #tpu.memory_space<vmem>>
        %dma_wait3A_386 = tpu.memref_squeeze %dma_wait3A_385 : memref<1x128x8xf32, #tpu.memory_space<vmem>> -> memref<128x8xf32, #tpu.memory_space<vmem>>
        %dma_wait3A_387 = arith.constant 0 : i32
        %dma_wait3A_388 = tpu.memref_slice %arg8[%add3A_254, %dma_wait3A_387] : memref<136x128xi32, #tpu.memory_space<vmem>> -> memref<1x128xi32, #tpu.memory_space<vmem>>
        %dma_wait3A_389 = tpu.memref_squeeze %dma_wait3A_388 : memref<1x128xi32, #tpu.memory_space<vmem>> -> memref<128xi32, #tpu.memory_space<vmem>>
        %dma_wait3A_390 = arith.constant 0 : i32
        %dma_wait3A_391 = arith.constant 0 : i32
        %dma_wait3A_392 = tpu.memref_slice %arg10[%dma_wait3A_390, %dma_wait3A_391] : memref<10240x8xf32, #tpu.memory_space<vmem_shared>> -> memref<10240x8xf32, #tpu.memory_space<vmem_shared>>
        tpu.wait_indirect_dma semaphore(%arg12 : memref<!tpu.dma_semaphore, #tpu.memory_space<semaphore_mem>>) src(%dma_wait3A_386 : memref<128x8xf32, #tpu.memory_space<vmem>>) dst(%dma_wait3A_392 : memref<10240x8xf32, #tpu.memory_space<vmem_shared>>)
        %dma_wait3A_393 = arith.constant 5 : i32
        %dma_wait3A_394 = arith.constant 0 : i32
        %dma_wait3A_395 = arith.constant 0 : i32
        %dma_wait3A_396 = tpu.memref_slice %arg9[%dma_wait3A_393, %dma_wait3A_394, %dma_wait3A_395] : memref<8x128x8xf32, #tpu.memory_space<vmem>> -> memref<1x128x8xf32, #tpu.memory_space<vmem>>
        %dma_wait3A_397 = tpu.memref_squeeze %dma_wait3A_396 : memref<1x128x8xf32, #tpu.memory_space<vmem>> -> memref<128x8xf32, #tpu.memory_space<vmem>>
        %dma_wait3A_398 = arith.constant 0 : i32
        %dma_wait3A_399 = tpu.memref_slice %arg8[%add3A_278, %dma_wait3A_398] : memref<136x128xi32, #tpu.memory_space<vmem>> -> memref<1x128xi32, #tpu.memory_space<vmem>>
        %dma_wait3A_400 = tpu.memref_squeeze %dma_wait3A_399 : memref<1x128xi32, #tpu.memory_space<vmem>> -> memref<128xi32, #tpu.memory_space<vmem>>
        %dma_wait3A_401 = arith.constant 0 : i32
        %dma_wait3A_402 = arith.constant 0 : i32
        %dma_wait3A_403 = tpu.memref_slice %arg10[%dma_wait3A_401, %dma_wait3A_402] : memref<10240x8xf32, #tpu.memory_space<vmem_shared>> -> memref<10240x8xf32, #tpu.memory_space<vmem_shared>>
        tpu.wait_indirect_dma semaphore(%arg12 : memref<!tpu.dma_semaphore, #tpu.memory_space<semaphore_mem>>) src(%dma_wait3A_397 : memref<128x8xf32, #tpu.memory_space<vmem>>) dst(%dma_wait3A_403 : memref<10240x8xf32, #tpu.memory_space<vmem_shared>>)
        %dma_wait3A_404 = arith.constant 6 : i32
        %dma_wait3A_405 = arith.constant 0 : i32
        %dma_wait3A_406 = arith.constant 0 : i32
        %dma_wait3A_407 = tpu.memref_slice %arg9[%dma_wait3A_404, %dma_wait3A_405, %dma_wait3A_406] : memref<8x128x8xf32, #tpu.memory_space<vmem>> -> memref<1x128x8xf32, #tpu.memory_space<vmem>>
        %dma_wait3A_408 = tpu.memref_squeeze %dma_wait3A_407 : memref<1x128x8xf32, #tpu.memory_space<vmem>> -> memref<128x8xf32, #tpu.memory_space<vmem>>
        %dma_wait3A_409 = arith.constant 0 : i32
        %dma_wait3A_410 = tpu.memref_slice %arg8[%add3A_302, %dma_wait3A_409] : memref<136x128xi32, #tpu.memory_space<vmem>> -> memref<1x128xi32, #tpu.memory_space<vmem>>
        %dma_wait3A_411 = tpu.memref_squeeze %dma_wait3A_410 : memref<1x128xi32, #tpu.memory_space<vmem>> -> memref<128xi32, #tpu.memory_space<vmem>>
        %dma_wait3A_412 = arith.constant 0 : i32
        %dma_wait3A_413 = arith.constant 0 : i32
        %dma_wait3A_414 = tpu.memref_slice %arg10[%dma_wait3A_412, %dma_wait3A_413] : memref<10240x8xf32, #tpu.memory_space<vmem_shared>> -> memref<10240x8xf32, #tpu.memory_space<vmem_shared>>
        tpu.wait_indirect_dma semaphore(%arg12 : memref<!tpu.dma_semaphore, #tpu.memory_space<semaphore_mem>>) src(%dma_wait3A_408 : memref<128x8xf32, #tpu.memory_space<vmem>>) dst(%dma_wait3A_414 : memref<10240x8xf32, #tpu.memory_space<vmem_shared>>)
        %dma_wait3A_415 = arith.constant 7 : i32
        %dma_wait3A_416 = arith.constant 0 : i32
        %dma_wait3A_417 = arith.constant 0 : i32
        %dma_wait3A_418 = tpu.memref_slice %arg9[%dma_wait3A_415, %dma_wait3A_416, %dma_wait3A_417] : memref<8x128x8xf32, #tpu.memory_space<vmem>> -> memref<1x128x8xf32, #tpu.memory_space<vmem>>
        %dma_wait3A_419 = tpu.memref_squeeze %dma_wait3A_418 : memref<1x128x8xf32, #tpu.memory_space<vmem>> -> memref<128x8xf32, #tpu.memory_space<vmem>>
        %dma_wait3A_420 = arith.constant 0 : i32
        %dma_wait3A_421 = tpu.memref_slice %arg8[%add3A_326, %dma_wait3A_420] : memref<136x128xi32, #tpu.memory_space<vmem>> -> memref<1x128xi32, #tpu.memory_space<vmem>>
        %dma_wait3A_422 = tpu.memref_squeeze %dma_wait3A_421 : memref<1x128xi32, #tpu.memory_space<vmem>> -> memref<128xi32, #tpu.memory_space<vmem>>
        %dma_wait3A_423 = arith.constant 0 : i32
        %dma_wait3A_424 = arith.constant 0 : i32
        %dma_wait3A_425 = tpu.memref_slice %arg10[%dma_wait3A_423, %dma_wait3A_424] : memref<10240x8xf32, #tpu.memory_space<vmem_shared>> -> memref<10240x8xf32, #tpu.memory_space<vmem_shared>>
        tpu.wait_indirect_dma semaphore(%arg12 : memref<!tpu.dma_semaphore, #tpu.memory_space<semaphore_mem>>) src(%dma_wait3A_419 : memref<128x8xf32, #tpu.memory_space<vmem>>) dst(%dma_wait3A_425 : memref<10240x8xf32, #tpu.memory_space<vmem_shared>>)
      }
      %scan3A_40 = arith.constant 3 : i32
    } else {
    }
    %barrier3A_35 = arith.constant 0 : index
    tpu.barrier barrier_id(%barrier3A_35)
    "tpu.region"() ({
      %run_scoped3A = tpu.sem_alloc : memref<!tpu.dma_semaphore, #tpu.memory_space<semaphore_mem>>
      %dma_start3A = arith.constant 0 : i32
      %dma_start3A_36 = tpu.memref_slice %arg6[%arg0, %mul3A_0, %dma_start3A] : memref<2x10240x8xf32, #tpu.memory_space<hbm>> -> memref<1x640x8xf32, #tpu.memory_space<hbm>>
      %dma_start3A_37 = tpu.memref_squeeze %dma_start3A_36 : memref<1x640x8xf32, #tpu.memory_space<hbm>> -> memref<640x8xf32, #tpu.memory_space<hbm>>
      %dma_start3A_38 = arith.constant 0 : i32
      %dma_start3A_39 = tpu.memref_slice %arg10[%mul3A_0, %dma_start3A_38] : memref<10240x8xf32, #tpu.memory_space<vmem_shared>> -> memref<640x8xf32, #tpu.memory_space<vmem_shared>>
      tpu.enqueue_dma source(%dma_start3A_39 : memref<640x8xf32, #tpu.memory_space<vmem_shared>>) target(%dma_start3A_37 : memref<640x8xf32, #tpu.memory_space<hbm>>) target_semaphore(%run_scoped3A : memref<!tpu.dma_semaphore, #tpu.memory_space<semaphore_mem>>)
      %dma_wait3A = arith.constant 0 : i32
      %dma_wait3A_40 = tpu.memref_slice %arg6[%arg0, %mul3A_0, %dma_wait3A] : memref<2x10240x8xf32, #tpu.memory_space<hbm>> -> memref<1x640x8xf32, #tpu.memory_space<hbm>>
      %dma_wait3A_41 = tpu.memref_squeeze %dma_wait3A_40 : memref<1x640x8xf32, #tpu.memory_space<hbm>> -> memref<640x8xf32, #tpu.memory_space<hbm>>
      %dma_wait3A_42 = arith.constant 0 : i32
      %dma_wait3A_43 = tpu.memref_slice %arg10[%mul3A_0, %dma_wait3A_42] : memref<10240x8xf32, #tpu.memory_space<vmem_shared>> -> memref<640x8xf32, #tpu.memory_space<vmem_shared>>
      tpu.wait_dma2 semaphore(%run_scoped3A : memref<!tpu.dma_semaphore, #tpu.memory_space<semaphore_mem>>) src(%dma_wait3A_43 : memref<640x8xf32, #tpu.memory_space<vmem_shared>>) dst(%dma_wait3A_41 : memref<640x8xf32, #tpu.memory_space<hbm>>)
      tpu.yield
    }) : () -> ()
    return
  }
}

#map = affine_map<(d0, d1) -> (0, 0)>
#map1 = affine_map<(d0, d1) -> (0, 0, 0)>
module attributes {stable_mosaic.version = 14 : i64} {
  func.func @agg(%arg0: i32, %arg1: i32, %arg2: memref<10240x16xf32, #tpu.memory_space<hbm>>, %arg3: memref<2560x128xi32, #tpu.memory_space<hbm>>, %arg4: memref<2560x128xi32, #tpu.memory_space<hbm>>, %arg5: memref<10240x16xf32, #tpu.memory_space<hbm>>, %arg6: memref<2x10240x16xf32, #tpu.memory_space<hbm>>, %arg7: memref<136x128xi32, #tpu.memory_space<vmem>>, %arg8: memref<136x128xi32, #tpu.memory_space<vmem>>, %arg9: memref<8x128x16xf32, #tpu.memory_space<vmem>>, %arg10: memref<10240x16xf32, #tpu.memory_space<vmem_shared>>, %arg11: memref<!tpu.dma_semaphore, #tpu.memory_space<semaphore_mem>>, %arg12: memref<!tpu.dma_semaphore, #tpu.memory_space<semaphore_mem>>) attributes {dimension_semantics = [#tpu.dimension_semantics<core_parallel>, #tpu.dimension_semantics<subcore_parallel>], iteration_bounds = array<i64: 2, 16>, scalar_prefetch = 0 : i64, scratch_operands = 6 : i64, tpu.core_type = #tpu.core_type<sc_vector_subcore>, window_params = [{transform_indices = #map}, {transform_indices = #map}, {transform_indices = #map}, {transform_indices = #map}, {transform_indices = #map1}]} {
    %mul3A = arith.constant 640 : i32
    %mul3A_0 = arith.muli %arg1, %mul3A : i32
    %eq3A = arith.constant 0 : i32
    %eq3A_1 = arith.cmpi eq, %arg0, %eq3A : i32
    %mul3A_2 = arith.constant 136 : i32
    %mul3A_3 = arith.muli %arg1, %mul3A_2 : i32
    %mul3A_4 = arith.constant 24 : i32
    %mul3A_5 = arith.muli %arg1, %mul3A_4 : i32
    %add3A = arith.constant 2176 : i32
    %add3A_6 = arith.addi %add3A, %mul3A_5 : i32
    %select_n3A = arith.select %eq3A_1, %mul3A_3, %add3A_6 : i32
    "tpu.region"() ({
      %run_scoped3A = tpu.sem_alloc : memref<!tpu.dma_semaphore, #tpu.memory_space<semaphore_mem>>
      %dma_start3A = arith.constant 0 : i32
      %dma_start3A_36 = tpu.memref_slice %arg10[%mul3A_0, %dma_start3A] : memref<10240x16xf32, #tpu.memory_space<vmem_shared>> -> memref<640x16xf32, #tpu.memory_space<vmem_shared>>
      %dma_start3A_37 = arith.constant 0 : i32
      %dma_start3A_38 = tpu.memref_slice %arg5[%mul3A_0, %dma_start3A_37] : memref<10240x16xf32, #tpu.memory_space<hbm>> -> memref<640x16xf32, #tpu.memory_space<hbm>>
      tpu.enqueue_dma source(%dma_start3A_38 : memref<640x16xf32, #tpu.memory_space<hbm>>) target(%dma_start3A_36 : memref<640x16xf32, #tpu.memory_space<vmem_shared>>) target_semaphore(%run_scoped3A : memref<!tpu.dma_semaphore, #tpu.memory_space<semaphore_mem>>)
      %dma_wait3A = arith.constant 0 : i32
      %dma_wait3A_39 = tpu.memref_slice %arg10[%mul3A_0, %dma_wait3A] : memref<10240x16xf32, #tpu.memory_space<vmem_shared>> -> memref<640x16xf32, #tpu.memory_space<vmem_shared>>
      %dma_wait3A_40 = arith.constant 0 : i32
      %dma_wait3A_41 = tpu.memref_slice %arg5[%mul3A_0, %dma_wait3A_40] : memref<10240x16xf32, #tpu.memory_space<hbm>> -> memref<640x16xf32, #tpu.memory_space<hbm>>
      tpu.wait_dma2 semaphore(%run_scoped3A : memref<!tpu.dma_semaphore, #tpu.memory_space<semaphore_mem>>) src(%dma_wait3A_41 : memref<640x16xf32, #tpu.memory_space<hbm>>) dst(%dma_wait3A_39 : memref<640x16xf32, #tpu.memory_space<vmem_shared>>)
      tpu.yield
    }) : () -> ()
    %eq3A_7 = arith.constant 0 : i32
    %eq3A_8 = arith.cmpi eq, %arg0, %eq3A_7 : i32
    %convert_element_type3A = arith.extui %eq3A_8 : i1 to i32
    %cond3A = arith.constant 0 : i32
    %cond3A_9 = arith.cmpi ne, %convert_element_type3A, %cond3A : i32
    scf.if %cond3A_9 {
      "tpu.region"() ({
        %run_scoped3A = tpu.sem_alloc : memref<!tpu.dma_semaphore, #tpu.memory_space<semaphore_mem>>
        %dma_start3A = arith.constant 0 : i32
        %dma_start3A_36 = tpu.memref_slice %arg3[%select_n3A, %dma_start3A] : memref<2560x128xi32, #tpu.memory_space<hbm>> -> memref<136x128xi32, #tpu.memory_space<hbm>>
        %dma_start3A_37 = arith.constant 0 : i32
        %dma_start3A_38 = tpu.memref_slice %arg3[%select_n3A, %dma_start3A_37] : memref<2560x128xi32, #tpu.memory_space<hbm>> -> memref<136x128xi32, #tpu.memory_space<hbm>>
        tpu.enqueue_dma source(%dma_start3A_38 : memref<136x128xi32, #tpu.memory_space<hbm>>) target(%arg7 : memref<136x128xi32, #tpu.memory_space<vmem>>) target_semaphore(%run_scoped3A : memref<!tpu.dma_semaphore, #tpu.memory_space<semaphore_mem>>)
        %dma_wait3A = arith.constant 0 : i32
        %dma_wait3A_39 = tpu.memref_slice %arg3[%select_n3A, %dma_wait3A] : memref<2560x128xi32, #tpu.memory_space<hbm>> -> memref<136x128xi32, #tpu.memory_space<hbm>>
        %dma_wait3A_40 = arith.constant 0 : i32
        %dma_wait3A_41 = tpu.memref_slice %arg3[%select_n3A, %dma_wait3A_40] : memref<2560x128xi32, #tpu.memory_space<hbm>> -> memref<136x128xi32, #tpu.memory_space<hbm>>
        tpu.wait_dma2 semaphore(%run_scoped3A : memref<!tpu.dma_semaphore, #tpu.memory_space<semaphore_mem>>) src(%dma_wait3A_41 : memref<136x128xi32, #tpu.memory_space<hbm>>) dst(%arg7 : memref<136x128xi32, #tpu.memory_space<vmem>>)
        tpu.yield
      }) : () -> ()
    } else {
    }
    %eq3A_10 = arith.constant 1 : i32
    %eq3A_11 = arith.cmpi eq, %arg0, %eq3A_10 : i32
    %convert_element_type3A_12 = arith.extui %eq3A_11 : i1 to i32
    %cond3A_13 = arith.constant 0 : i32
    %cond3A_14 = arith.cmpi ne, %convert_element_type3A_12, %cond3A_13 : i32
    scf.if %cond3A_14 {
      "tpu.region"() ({
        %run_scoped3A = tpu.sem_alloc : memref<!tpu.dma_semaphore, #tpu.memory_space<semaphore_mem>>
        %dma_start3A = arith.constant 0 : i32
        %dma_start3A_36 = arith.constant 0 : i32
        %dma_start3A_37 = tpu.memref_slice %arg7[%dma_start3A, %dma_start3A_36] : memref<136x128xi32, #tpu.memory_space<vmem>> -> memref<24x128xi32, #tpu.memory_space<vmem>>
        %dma_start3A_38 = arith.constant 0 : i32
        %dma_start3A_39 = tpu.memref_slice %arg3[%select_n3A, %dma_start3A_38] : memref<2560x128xi32, #tpu.memory_space<hbm>> -> memref<24x128xi32, #tpu.memory_space<hbm>>
        %dma_start3A_40 = arith.constant 0 : i32
        %dma_start3A_41 = arith.constant 0 : i32
        %dma_start3A_42 = tpu.memref_slice %arg7[%dma_start3A_40, %dma_start3A_41] : memref<136x128xi32, #tpu.memory_space<vmem>> -> memref<24x128xi32, #tpu.memory_space<vmem>>
        %dma_start3A_43 = arith.constant 0 : i32
        %dma_start3A_44 = tpu.memref_slice %arg3[%select_n3A, %dma_start3A_43] : memref<2560x128xi32, #tpu.memory_space<hbm>> -> memref<24x128xi32, #tpu.memory_space<hbm>>
        tpu.enqueue_dma source(%dma_start3A_44 : memref<24x128xi32, #tpu.memory_space<hbm>>) target(%dma_start3A_42 : memref<24x128xi32, #tpu.memory_space<vmem>>) target_semaphore(%run_scoped3A : memref<!tpu.dma_semaphore, #tpu.memory_space<semaphore_mem>>)
        %dma_wait3A = arith.constant 0 : i32
        %dma_wait3A_45 = arith.constant 0 : i32
        %dma_wait3A_46 = tpu.memref_slice %arg7[%dma_wait3A, %dma_wait3A_45] : memref<136x128xi32, #tpu.memory_space<vmem>> -> memref<24x128xi32, #tpu.memory_space<vmem>>
        %dma_wait3A_47 = arith.constant 0 : i32
        %dma_wait3A_48 = tpu.memref_slice %arg3[%select_n3A, %dma_wait3A_47] : memref<2560x128xi32, #tpu.memory_space<hbm>> -> memref<24x128xi32, #tpu.memory_space<hbm>>
        %dma_wait3A_49 = arith.constant 0 : i32
        %dma_wait3A_50 = arith.constant 0 : i32
        %dma_wait3A_51 = tpu.memref_slice %arg7[%dma_wait3A_49, %dma_wait3A_50] : memref<136x128xi32, #tpu.memory_space<vmem>> -> memref<24x128xi32, #tpu.memory_space<vmem>>
        %dma_wait3A_52 = arith.constant 0 : i32
        %dma_wait3A_53 = tpu.memref_slice %arg3[%select_n3A, %dma_wait3A_52] : memref<2560x128xi32, #tpu.memory_space<hbm>> -> memref<24x128xi32, #tpu.memory_space<hbm>>
        tpu.wait_dma2 semaphore(%run_scoped3A : memref<!tpu.dma_semaphore, #tpu.memory_space<semaphore_mem>>) src(%dma_wait3A_53 : memref<24x128xi32, #tpu.memory_space<hbm>>) dst(%dma_wait3A_51 : memref<24x128xi32, #tpu.memory_space<vmem>>)
        tpu.yield
      }) : () -> ()
    } else {
    }
    %eq3A_15 = arith.constant 0 : i32
    %eq3A_16 = arith.cmpi eq, %arg0, %eq3A_15 : i32
    %convert_element_type3A_17 = arith.extui %eq3A_16 : i1 to i32
    %cond3A_18 = arith.constant 0 : i32
    %cond3A_19 = arith.cmpi ne, %convert_element_type3A_17, %cond3A_18 : i32
    scf.if %cond3A_19 {
      "tpu.region"() ({
        %run_scoped3A = tpu.sem_alloc : memref<!tpu.dma_semaphore, #tpu.memory_space<semaphore_mem>>
        %dma_start3A = arith.constant 0 : i32
        %dma_start3A_36 = tpu.memref_slice %arg4[%select_n3A, %dma_start3A] : memref<2560x128xi32, #tpu.memory_space<hbm>> -> memref<136x128xi32, #tpu.memory_space<hbm>>
        %dma_start3A_37 = arith.constant 0 : i32
        %dma_start3A_38 = tpu.memref_slice %arg4[%select_n3A, %dma_start3A_37] : memref<2560x128xi32, #tpu.memory_space<hbm>> -> memref<136x128xi32, #tpu.memory_space<hbm>>
        tpu.enqueue_dma source(%dma_start3A_38 : memref<136x128xi32, #tpu.memory_space<hbm>>) target(%arg8 : memref<136x128xi32, #tpu.memory_space<vmem>>) target_semaphore(%run_scoped3A : memref<!tpu.dma_semaphore, #tpu.memory_space<semaphore_mem>>)
        %dma_wait3A = arith.constant 0 : i32
        %dma_wait3A_39 = tpu.memref_slice %arg4[%select_n3A, %dma_wait3A] : memref<2560x128xi32, #tpu.memory_space<hbm>> -> memref<136x128xi32, #tpu.memory_space<hbm>>
        %dma_wait3A_40 = arith.constant 0 : i32
        %dma_wait3A_41 = tpu.memref_slice %arg4[%select_n3A, %dma_wait3A_40] : memref<2560x128xi32, #tpu.memory_space<hbm>> -> memref<136x128xi32, #tpu.memory_space<hbm>>
        tpu.wait_dma2 semaphore(%run_scoped3A : memref<!tpu.dma_semaphore, #tpu.memory_space<semaphore_mem>>) src(%dma_wait3A_41 : memref<136x128xi32, #tpu.memory_space<hbm>>) dst(%arg8 : memref<136x128xi32, #tpu.memory_space<vmem>>)
        tpu.yield
      }) : () -> ()
    } else {
    }
    %eq3A_20 = arith.constant 1 : i32
    %eq3A_21 = arith.cmpi eq, %arg0, %eq3A_20 : i32
    %convert_element_type3A_22 = arith.extui %eq3A_21 : i1 to i32
    %cond3A_23 = arith.constant 0 : i32
    %cond3A_24 = arith.cmpi ne, %convert_element_type3A_22, %cond3A_23 : i32
    scf.if %cond3A_24 {
      "tpu.region"() ({
        %run_scoped3A = tpu.sem_alloc : memref<!tpu.dma_semaphore, #tpu.memory_space<semaphore_mem>>
        %dma_start3A = arith.constant 0 : i32
        %dma_start3A_36 = arith.constant 0 : i32
        %dma_start3A_37 = tpu.memref_slice %arg8[%dma_start3A, %dma_start3A_36] : memref<136x128xi32, #tpu.memory_space<vmem>> -> memref<24x128xi32, #tpu.memory_space<vmem>>
        %dma_start3A_38 = arith.constant 0 : i32
        %dma_start3A_39 = tpu.memref_slice %arg4[%select_n3A, %dma_start3A_38] : memref<2560x128xi32, #tpu.memory_space<hbm>> -> memref<24x128xi32, #tpu.memory_space<hbm>>
        %dma_start3A_40 = arith.constant 0 : i32
        %dma_start3A_41 = arith.constant 0 : i32
        %dma_start3A_42 = tpu.memref_slice %arg8[%dma_start3A_40, %dma_start3A_41] : memref<136x128xi32, #tpu.memory_space<vmem>> -> memref<24x128xi32, #tpu.memory_space<vmem>>
        %dma_start3A_43 = arith.constant 0 : i32
        %dma_start3A_44 = tpu.memref_slice %arg4[%select_n3A, %dma_start3A_43] : memref<2560x128xi32, #tpu.memory_space<hbm>> -> memref<24x128xi32, #tpu.memory_space<hbm>>
        tpu.enqueue_dma source(%dma_start3A_44 : memref<24x128xi32, #tpu.memory_space<hbm>>) target(%dma_start3A_42 : memref<24x128xi32, #tpu.memory_space<vmem>>) target_semaphore(%run_scoped3A : memref<!tpu.dma_semaphore, #tpu.memory_space<semaphore_mem>>)
        %dma_wait3A = arith.constant 0 : i32
        %dma_wait3A_45 = arith.constant 0 : i32
        %dma_wait3A_46 = tpu.memref_slice %arg8[%dma_wait3A, %dma_wait3A_45] : memref<136x128xi32, #tpu.memory_space<vmem>> -> memref<24x128xi32, #tpu.memory_space<vmem>>
        %dma_wait3A_47 = arith.constant 0 : i32
        %dma_wait3A_48 = tpu.memref_slice %arg4[%select_n3A, %dma_wait3A_47] : memref<2560x128xi32, #tpu.memory_space<hbm>> -> memref<24x128xi32, #tpu.memory_space<hbm>>
        %dma_wait3A_49 = arith.constant 0 : i32
        %dma_wait3A_50 = arith.constant 0 : i32
        %dma_wait3A_51 = tpu.memref_slice %arg8[%dma_wait3A_49, %dma_wait3A_50] : memref<136x128xi32, #tpu.memory_space<vmem>> -> memref<24x128xi32, #tpu.memory_space<vmem>>
        %dma_wait3A_52 = arith.constant 0 : i32
        %dma_wait3A_53 = tpu.memref_slice %arg4[%select_n3A, %dma_wait3A_52] : memref<2560x128xi32, #tpu.memory_space<hbm>> -> memref<24x128xi32, #tpu.memory_space<hbm>>
        tpu.wait_dma2 semaphore(%run_scoped3A : memref<!tpu.dma_semaphore, #tpu.memory_space<semaphore_mem>>) src(%dma_wait3A_53 : memref<24x128xi32, #tpu.memory_space<hbm>>) dst(%dma_wait3A_51 : memref<24x128xi32, #tpu.memory_space<vmem>>)
        tpu.yield
      }) : () -> ()
    } else {
    }
    %barrier3A = arith.constant 0 : index
    tpu.barrier barrier_id(%barrier3A)
    %eq3A_25 = arith.constant 0 : i32
    %eq3A_26 = arith.cmpi eq, %arg0, %eq3A_25 : i32
    %convert_element_type3A_27 = arith.extui %eq3A_26 : i1 to i32
    %cond3A_28 = arith.constant 0 : i32
    %cond3A_29 = arith.cmpi ne, %convert_element_type3A_27, %cond3A_28 : i32
    scf.if %cond3A_29 {
      %scan3A = arith.constant 0 : i32
      %scan3A_36 = arith.constant 0 : i32
      %scan3A_37 = arith.constant 17 : i32
      %scan3A_38 = arith.addi %scan3A_36, %scan3A_37 : i32
      %scan3A_39 = arith.constant 1 : i32
      scf.for %scan3A_41 = %scan3A_36 to %scan3A_38 step %scan3A_39  : i32 {
        %mul3A_42 = arith.constant 8 : i32
        %mul3A_43 = arith.muli %scan3A_41, %mul3A_42 : i32
        %add3A_44 = arith.constant 0 : i32
        %add3A_45 = arith.addi %mul3A_43, %add3A_44 : i32
        %dma_start3A = arith.constant 0 : i32
        %dma_start3A_46 = arith.constant 0 : i32
        %dma_start3A_47 = arith.constant 0 : i32
        %dma_start3A_48 = tpu.memref_slice %arg9[%dma_start3A, %dma_start3A_46, %dma_start3A_47] : memref<8x128x16xf32, #tpu.memory_space<vmem>> -> memref<1x128x16xf32, #tpu.memory_space<vmem>>
        %dma_start3A_49 = tpu.memref_squeeze %dma_start3A_48 : memref<1x128x16xf32, #tpu.memory_space<vmem>> -> memref<128x16xf32, #tpu.memory_space<vmem>>
        %dma_start3A_50 = arith.constant 0 : i32
        %dma_start3A_51 = tpu.memref_slice %arg7[%add3A_45, %dma_start3A_50] : memref<136x128xi32, #tpu.memory_space<vmem>> -> memref<1x128xi32, #tpu.memory_space<vmem>>
        %dma_start3A_52 = tpu.memref_squeeze %dma_start3A_51 : memref<1x128xi32, #tpu.memory_space<vmem>> -> memref<128xi32, #tpu.memory_space<vmem>>
        %dma_start3A_53 = arith.constant 0 : i32
        %dma_start3A_54 = arith.constant 0 : i32
        %dma_start3A_55 = tpu.memref_slice %arg2[%dma_start3A_53, %dma_start3A_54] : memref<10240x16xf32, #tpu.memory_space<hbm>> -> memref<10240x16xf32, #tpu.memory_space<hbm>>
        tpu.enqueue_indirect_dma source(%dma_start3A_55 : memref<10240x16xf32, #tpu.memory_space<hbm>>) target(%dma_start3A_49 : memref<128x16xf32, #tpu.memory_space<vmem>>) offsets(%dma_start3A_52 : memref<128xi32, #tpu.memory_space<vmem>>) semaphore(%arg11 : memref<!tpu.dma_semaphore, #tpu.memory_space<semaphore_mem>>)
        %add3A_56 = arith.constant 1 : i32
        %add3A_57 = arith.addi %mul3A_43, %add3A_56 : i32
        %dma_start3A_58 = arith.constant 1 : i32
        %dma_start3A_59 = arith.constant 0 : i32
        %dma_start3A_60 = arith.constant 0 : i32
        %dma_start3A_61 = tpu.memref_slice %arg9[%dma_start3A_58, %dma_start3A_59, %dma_start3A_60] : memref<8x128x16xf32, #tpu.memory_space<vmem>> -> memref<1x128x16xf32, #tpu.memory_space<vmem>>
        %dma_start3A_62 = tpu.memref_squeeze %dma_start3A_61 : memref<1x128x16xf32, #tpu.memory_space<vmem>> -> memref<128x16xf32, #tpu.memory_space<vmem>>
        %dma_start3A_63 = arith.constant 0 : i32
        %dma_start3A_64 = tpu.memref_slice %arg7[%add3A_57, %dma_start3A_63] : memref<136x128xi32, #tpu.memory_space<vmem>> -> memref<1x128xi32, #tpu.memory_space<vmem>>
        %dma_start3A_65 = tpu.memref_squeeze %dma_start3A_64 : memref<1x128xi32, #tpu.memory_space<vmem>> -> memref<128xi32, #tpu.memory_space<vmem>>
        %dma_start3A_66 = arith.constant 0 : i32
        %dma_start3A_67 = arith.constant 0 : i32
        %dma_start3A_68 = tpu.memref_slice %arg2[%dma_start3A_66, %dma_start3A_67] : memref<10240x16xf32, #tpu.memory_space<hbm>> -> memref<10240x16xf32, #tpu.memory_space<hbm>>
        tpu.enqueue_indirect_dma source(%dma_start3A_68 : memref<10240x16xf32, #tpu.memory_space<hbm>>) target(%dma_start3A_62 : memref<128x16xf32, #tpu.memory_space<vmem>>) offsets(%dma_start3A_65 : memref<128xi32, #tpu.memory_space<vmem>>) semaphore(%arg11 : memref<!tpu.dma_semaphore, #tpu.memory_space<semaphore_mem>>)
        %add3A_69 = arith.constant 2 : i32
        %add3A_70 = arith.addi %mul3A_43, %add3A_69 : i32
        %dma_start3A_71 = arith.constant 2 : i32
        %dma_start3A_72 = arith.constant 0 : i32
        %dma_start3A_73 = arith.constant 0 : i32
        %dma_start3A_74 = tpu.memref_slice %arg9[%dma_start3A_71, %dma_start3A_72, %dma_start3A_73] : memref<8x128x16xf32, #tpu.memory_space<vmem>> -> memref<1x128x16xf32, #tpu.memory_space<vmem>>
        %dma_start3A_75 = tpu.memref_squeeze %dma_start3A_74 : memref<1x128x16xf32, #tpu.memory_space<vmem>> -> memref<128x16xf32, #tpu.memory_space<vmem>>
        %dma_start3A_76 = arith.constant 0 : i32
        %dma_start3A_77 = tpu.memref_slice %arg7[%add3A_70, %dma_start3A_76] : memref<136x128xi32, #tpu.memory_space<vmem>> -> memref<1x128xi32, #tpu.memory_space<vmem>>
        %dma_start3A_78 = tpu.memref_squeeze %dma_start3A_77 : memref<1x128xi32, #tpu.memory_space<vmem>> -> memref<128xi32, #tpu.memory_space<vmem>>
        %dma_start3A_79 = arith.constant 0 : i32
        %dma_start3A_80 = arith.constant 0 : i32
        %dma_start3A_81 = tpu.memref_slice %arg2[%dma_start3A_79, %dma_start3A_80] : memref<10240x16xf32, #tpu.memory_space<hbm>> -> memref<10240x16xf32, #tpu.memory_space<hbm>>
        tpu.enqueue_indirect_dma source(%dma_start3A_81 : memref<10240x16xf32, #tpu.memory_space<hbm>>) target(%dma_start3A_75 : memref<128x16xf32, #tpu.memory_space<vmem>>) offsets(%dma_start3A_78 : memref<128xi32, #tpu.memory_space<vmem>>) semaphore(%arg11 : memref<!tpu.dma_semaphore, #tpu.memory_space<semaphore_mem>>)
        %add3A_82 = arith.constant 3 : i32
        %add3A_83 = arith.addi %mul3A_43, %add3A_82 : i32
        %dma_start3A_84 = arith.constant 3 : i32
        %dma_start3A_85 = arith.constant 0 : i32
        %dma_start3A_86 = arith.constant 0 : i32
        %dma_start3A_87 = tpu.memref_slice %arg9[%dma_start3A_84, %dma_start3A_85, %dma_start3A_86] : memref<8x128x16xf32, #tpu.memory_space<vmem>> -> memref<1x128x16xf32, #tpu.memory_space<vmem>>
        %dma_start3A_88 = tpu.memref_squeeze %dma_start3A_87 : memref<1x128x16xf32, #tpu.memory_space<vmem>> -> memref<128x16xf32, #tpu.memory_space<vmem>>
        %dma_start3A_89 = arith.constant 0 : i32
        %dma_start3A_90 = tpu.memref_slice %arg7[%add3A_83, %dma_start3A_89] : memref<136x128xi32, #tpu.memory_space<vmem>> -> memref<1x128xi32, #tpu.memory_space<vmem>>
        %dma_start3A_91 = tpu.memref_squeeze %dma_start3A_90 : memref<1x128xi32, #tpu.memory_space<vmem>> -> memref<128xi32, #tpu.memory_space<vmem>>
        %dma_start3A_92 = arith.constant 0 : i32
        %dma_start3A_93 = arith.constant 0 : i32
        %dma_start3A_94 = tpu.memref_slice %arg2[%dma_start3A_92, %dma_start3A_93] : memref<10240x16xf32, #tpu.memory_space<hbm>> -> memref<10240x16xf32, #tpu.memory_space<hbm>>
        tpu.enqueue_indirect_dma source(%dma_start3A_94 : memref<10240x16xf32, #tpu.memory_space<hbm>>) target(%dma_start3A_88 : memref<128x16xf32, #tpu.memory_space<vmem>>) offsets(%dma_start3A_91 : memref<128xi32, #tpu.memory_space<vmem>>) semaphore(%arg11 : memref<!tpu.dma_semaphore, #tpu.memory_space<semaphore_mem>>)
        %add3A_95 = arith.constant 4 : i32
        %add3A_96 = arith.addi %mul3A_43, %add3A_95 : i32
        %dma_start3A_97 = arith.constant 4 : i32
        %dma_start3A_98 = arith.constant 0 : i32
        %dma_start3A_99 = arith.constant 0 : i32
        %dma_start3A_100 = tpu.memref_slice %arg9[%dma_start3A_97, %dma_start3A_98, %dma_start3A_99] : memref<8x128x16xf32, #tpu.memory_space<vmem>> -> memref<1x128x16xf32, #tpu.memory_space<vmem>>
        %dma_start3A_101 = tpu.memref_squeeze %dma_start3A_100 : memref<1x128x16xf32, #tpu.memory_space<vmem>> -> memref<128x16xf32, #tpu.memory_space<vmem>>
        %dma_start3A_102 = arith.constant 0 : i32
        %dma_start3A_103 = tpu.memref_slice %arg7[%add3A_96, %dma_start3A_102] : memref<136x128xi32, #tpu.memory_space<vmem>> -> memref<1x128xi32, #tpu.memory_space<vmem>>
        %dma_start3A_104 = tpu.memref_squeeze %dma_start3A_103 : memref<1x128xi32, #tpu.memory_space<vmem>> -> memref<128xi32, #tpu.memory_space<vmem>>
        %dma_start3A_105 = arith.constant 0 : i32
        %dma_start3A_106 = arith.constant 0 : i32
        %dma_start3A_107 = tpu.memref_slice %arg2[%dma_start3A_105, %dma_start3A_106] : memref<10240x16xf32, #tpu.memory_space<hbm>> -> memref<10240x16xf32, #tpu.memory_space<hbm>>
        tpu.enqueue_indirect_dma source(%dma_start3A_107 : memref<10240x16xf32, #tpu.memory_space<hbm>>) target(%dma_start3A_101 : memref<128x16xf32, #tpu.memory_space<vmem>>) offsets(%dma_start3A_104 : memref<128xi32, #tpu.memory_space<vmem>>) semaphore(%arg11 : memref<!tpu.dma_semaphore, #tpu.memory_space<semaphore_mem>>)
        %add3A_108 = arith.constant 5 : i32
        %add3A_109 = arith.addi %mul3A_43, %add3A_108 : i32
        %dma_start3A_110 = arith.constant 5 : i32
        %dma_start3A_111 = arith.constant 0 : i32
        %dma_start3A_112 = arith.constant 0 : i32
        %dma_start3A_113 = tpu.memref_slice %arg9[%dma_start3A_110, %dma_start3A_111, %dma_start3A_112] : memref<8x128x16xf32, #tpu.memory_space<vmem>> -> memref<1x128x16xf32, #tpu.memory_space<vmem>>
        %dma_start3A_114 = tpu.memref_squeeze %dma_start3A_113 : memref<1x128x16xf32, #tpu.memory_space<vmem>> -> memref<128x16xf32, #tpu.memory_space<vmem>>
        %dma_start3A_115 = arith.constant 0 : i32
        %dma_start3A_116 = tpu.memref_slice %arg7[%add3A_109, %dma_start3A_115] : memref<136x128xi32, #tpu.memory_space<vmem>> -> memref<1x128xi32, #tpu.memory_space<vmem>>
        %dma_start3A_117 = tpu.memref_squeeze %dma_start3A_116 : memref<1x128xi32, #tpu.memory_space<vmem>> -> memref<128xi32, #tpu.memory_space<vmem>>
        %dma_start3A_118 = arith.constant 0 : i32
        %dma_start3A_119 = arith.constant 0 : i32
        %dma_start3A_120 = tpu.memref_slice %arg2[%dma_start3A_118, %dma_start3A_119] : memref<10240x16xf32, #tpu.memory_space<hbm>> -> memref<10240x16xf32, #tpu.memory_space<hbm>>
        tpu.enqueue_indirect_dma source(%dma_start3A_120 : memref<10240x16xf32, #tpu.memory_space<hbm>>) target(%dma_start3A_114 : memref<128x16xf32, #tpu.memory_space<vmem>>) offsets(%dma_start3A_117 : memref<128xi32, #tpu.memory_space<vmem>>) semaphore(%arg11 : memref<!tpu.dma_semaphore, #tpu.memory_space<semaphore_mem>>)
        %add3A_121 = arith.constant 6 : i32
        %add3A_122 = arith.addi %mul3A_43, %add3A_121 : i32
        %dma_start3A_123 = arith.constant 6 : i32
        %dma_start3A_124 = arith.constant 0 : i32
        %dma_start3A_125 = arith.constant 0 : i32
        %dma_start3A_126 = tpu.memref_slice %arg9[%dma_start3A_123, %dma_start3A_124, %dma_start3A_125] : memref<8x128x16xf32, #tpu.memory_space<vmem>> -> memref<1x128x16xf32, #tpu.memory_space<vmem>>
        %dma_start3A_127 = tpu.memref_squeeze %dma_start3A_126 : memref<1x128x16xf32, #tpu.memory_space<vmem>> -> memref<128x16xf32, #tpu.memory_space<vmem>>
        %dma_start3A_128 = arith.constant 0 : i32
        %dma_start3A_129 = tpu.memref_slice %arg7[%add3A_122, %dma_start3A_128] : memref<136x128xi32, #tpu.memory_space<vmem>> -> memref<1x128xi32, #tpu.memory_space<vmem>>
        %dma_start3A_130 = tpu.memref_squeeze %dma_start3A_129 : memref<1x128xi32, #tpu.memory_space<vmem>> -> memref<128xi32, #tpu.memory_space<vmem>>
        %dma_start3A_131 = arith.constant 0 : i32
        %dma_start3A_132 = arith.constant 0 : i32
        %dma_start3A_133 = tpu.memref_slice %arg2[%dma_start3A_131, %dma_start3A_132] : memref<10240x16xf32, #tpu.memory_space<hbm>> -> memref<10240x16xf32, #tpu.memory_space<hbm>>
        tpu.enqueue_indirect_dma source(%dma_start3A_133 : memref<10240x16xf32, #tpu.memory_space<hbm>>) target(%dma_start3A_127 : memref<128x16xf32, #tpu.memory_space<vmem>>) offsets(%dma_start3A_130 : memref<128xi32, #tpu.memory_space<vmem>>) semaphore(%arg11 : memref<!tpu.dma_semaphore, #tpu.memory_space<semaphore_mem>>)
        %add3A_134 = arith.constant 7 : i32
        %add3A_135 = arith.addi %mul3A_43, %add3A_134 : i32
        %dma_start3A_136 = arith.constant 7 : i32
        %dma_start3A_137 = arith.constant 0 : i32
        %dma_start3A_138 = arith.constant 0 : i32
        %dma_start3A_139 = tpu.memref_slice %arg9[%dma_start3A_136, %dma_start3A_137, %dma_start3A_138] : memref<8x128x16xf32, #tpu.memory_space<vmem>> -> memref<1x128x16xf32, #tpu.memory_space<vmem>>
        %dma_start3A_140 = tpu.memref_squeeze %dma_start3A_139 : memref<1x128x16xf32, #tpu.memory_space<vmem>> -> memref<128x16xf32, #tpu.memory_space<vmem>>
        %dma_start3A_141 = arith.constant 0 : i32
        %dma_start3A_142 = tpu.memref_slice %arg7[%add3A_135, %dma_start3A_141] : memref<136x128xi32, #tpu.memory_space<vmem>> -> memref<1x128xi32, #tpu.memory_space<vmem>>
        %dma_start3A_143 = tpu.memref_squeeze %dma_start3A_142 : memref<1x128xi32, #tpu.memory_space<vmem>> -> memref<128xi32, #tpu.memory_space<vmem>>
        %dma_start3A_144 = arith.constant 0 : i32
        %dma_start3A_145 = arith.constant 0 : i32
        %dma_start3A_146 = tpu.memref_slice %arg2[%dma_start3A_144, %dma_start3A_145] : memref<10240x16xf32, #tpu.memory_space<hbm>> -> memref<10240x16xf32, #tpu.memory_space<hbm>>
        tpu.enqueue_indirect_dma source(%dma_start3A_146 : memref<10240x16xf32, #tpu.memory_space<hbm>>) target(%dma_start3A_140 : memref<128x16xf32, #tpu.memory_space<vmem>>) offsets(%dma_start3A_143 : memref<128xi32, #tpu.memory_space<vmem>>) semaphore(%arg11 : memref<!tpu.dma_semaphore, #tpu.memory_space<semaphore_mem>>)
        %dma_wait3A = arith.constant 0 : i32
        %dma_wait3A_147 = arith.constant 0 : i32
        %dma_wait3A_148 = arith.constant 0 : i32
        %dma_wait3A_149 = tpu.memref_slice %arg9[%dma_wait3A, %dma_wait3A_147, %dma_wait3A_148] : memref<8x128x16xf32, #tpu.memory_space<vmem>> -> memref<1x128x16xf32, #tpu.memory_space<vmem>>
        %dma_wait3A_150 = tpu.memref_squeeze %dma_wait3A_149 : memref<1x128x16xf32, #tpu.memory_space<vmem>> -> memref<128x16xf32, #tpu.memory_space<vmem>>
        %dma_wait3A_151 = arith.constant 0 : i32
        %dma_wait3A_152 = tpu.memref_slice %arg7[%add3A_45, %dma_wait3A_151] : memref<136x128xi32, #tpu.memory_space<vmem>> -> memref<1x128xi32, #tpu.memory_space<vmem>>
        %dma_wait3A_153 = tpu.memref_squeeze %dma_wait3A_152 : memref<1x128xi32, #tpu.memory_space<vmem>> -> memref<128xi32, #tpu.memory_space<vmem>>
        %dma_wait3A_154 = arith.constant 0 : i32
        %dma_wait3A_155 = arith.constant 0 : i32
        %dma_wait3A_156 = tpu.memref_slice %arg2[%dma_wait3A_154, %dma_wait3A_155] : memref<10240x16xf32, #tpu.memory_space<hbm>> -> memref<10240x16xf32, #tpu.memory_space<hbm>>
        tpu.wait_indirect_dma semaphore(%arg11 : memref<!tpu.dma_semaphore, #tpu.memory_space<semaphore_mem>>) src(%dma_wait3A_156 : memref<10240x16xf32, #tpu.memory_space<hbm>>) dst(%dma_wait3A_150 : memref<128x16xf32, #tpu.memory_space<vmem>>)
        %add3A_157 = arith.constant 0 : i32
        %add3A_158 = arith.addi %mul3A_43, %add3A_157 : i32
        %dma_start3A_159 = arith.constant 0 : i32
        %dma_start3A_160 = arith.constant 0 : i32
        %dma_start3A_161 = arith.constant 0 : i32
        %dma_start3A_162 = tpu.memref_slice %arg9[%dma_start3A_159, %dma_start3A_160, %dma_start3A_161] : memref<8x128x16xf32, #tpu.memory_space<vmem>> -> memref<1x128x16xf32, #tpu.memory_space<vmem>>
        %dma_start3A_163 = tpu.memref_squeeze %dma_start3A_162 : memref<1x128x16xf32, #tpu.memory_space<vmem>> -> memref<128x16xf32, #tpu.memory_space<vmem>>
        %dma_start3A_164 = arith.constant 0 : i32
        %dma_start3A_165 = tpu.memref_slice %arg8[%add3A_158, %dma_start3A_164] : memref<136x128xi32, #tpu.memory_space<vmem>> -> memref<1x128xi32, #tpu.memory_space<vmem>>
        %dma_start3A_166 = tpu.memref_squeeze %dma_start3A_165 : memref<1x128xi32, #tpu.memory_space<vmem>> -> memref<128xi32, #tpu.memory_space<vmem>>
        %dma_start3A_167 = arith.constant 0 : i32
        %dma_start3A_168 = arith.constant 0 : i32
        %dma_start3A_169 = tpu.memref_slice %arg10[%dma_start3A_167, %dma_start3A_168] : memref<10240x16xf32, #tpu.memory_space<vmem_shared>> -> memref<10240x16xf32, #tpu.memory_space<vmem_shared>>
        tpu.enqueue_indirect_dma source(%dma_start3A_163 : memref<128x16xf32, #tpu.memory_space<vmem>>) target(%dma_start3A_169 : memref<10240x16xf32, #tpu.memory_space<vmem_shared>>) offsets(%dma_start3A_166 : memref<128xi32, #tpu.memory_space<vmem>>) semaphore(%arg12 : memref<!tpu.dma_semaphore, #tpu.memory_space<semaphore_mem>>) {add = true}
        %dma_wait3A_170 = arith.constant 1 : i32
        %dma_wait3A_171 = arith.constant 0 : i32
        %dma_wait3A_172 = arith.constant 0 : i32
        %dma_wait3A_173 = tpu.memref_slice %arg9[%dma_wait3A_170, %dma_wait3A_171, %dma_wait3A_172] : memref<8x128x16xf32, #tpu.memory_space<vmem>> -> memref<1x128x16xf32, #tpu.memory_space<vmem>>
        %dma_wait3A_174 = tpu.memref_squeeze %dma_wait3A_173 : memref<1x128x16xf32, #tpu.memory_space<vmem>> -> memref<128x16xf32, #tpu.memory_space<vmem>>
        %dma_wait3A_175 = arith.constant 0 : i32
        %dma_wait3A_176 = tpu.memref_slice %arg7[%add3A_57, %dma_wait3A_175] : memref<136x128xi32, #tpu.memory_space<vmem>> -> memref<1x128xi32, #tpu.memory_space<vmem>>
        %dma_wait3A_177 = tpu.memref_squeeze %dma_wait3A_176 : memref<1x128xi32, #tpu.memory_space<vmem>> -> memref<128xi32, #tpu.memory_space<vmem>>
        %dma_wait3A_178 = arith.constant 0 : i32
        %dma_wait3A_179 = arith.constant 0 : i32
        %dma_wait3A_180 = tpu.memref_slice %arg2[%dma_wait3A_178, %dma_wait3A_179] : memref<10240x16xf32, #tpu.memory_space<hbm>> -> memref<10240x16xf32, #tpu.memory_space<hbm>>
        tpu.wait_indirect_dma semaphore(%arg11 : memref<!tpu.dma_semaphore, #tpu.memory_space<semaphore_mem>>) src(%dma_wait3A_180 : memref<10240x16xf32, #tpu.memory_space<hbm>>) dst(%dma_wait3A_174 : memref<128x16xf32, #tpu.memory_space<vmem>>)
        %add3A_181 = arith.constant 1 : i32
        %add3A_182 = arith.addi %mul3A_43, %add3A_181 : i32
        %dma_start3A_183 = arith.constant 1 : i32
        %dma_start3A_184 = arith.constant 0 : i32
        %dma_start3A_185 = arith.constant 0 : i32
        %dma_start3A_186 = tpu.memref_slice %arg9[%dma_start3A_183, %dma_start3A_184, %dma_start3A_185] : memref<8x128x16xf32, #tpu.memory_space<vmem>> -> memref<1x128x16xf32, #tpu.memory_space<vmem>>
        %dma_start3A_187 = tpu.memref_squeeze %dma_start3A_186 : memref<1x128x16xf32, #tpu.memory_space<vmem>> -> memref<128x16xf32, #tpu.memory_space<vmem>>
        %dma_start3A_188 = arith.constant 0 : i32
        %dma_start3A_189 = tpu.memref_slice %arg8[%add3A_182, %dma_start3A_188] : memref<136x128xi32, #tpu.memory_space<vmem>> -> memref<1x128xi32, #tpu.memory_space<vmem>>
        %dma_start3A_190 = tpu.memref_squeeze %dma_start3A_189 : memref<1x128xi32, #tpu.memory_space<vmem>> -> memref<128xi32, #tpu.memory_space<vmem>>
        %dma_start3A_191 = arith.constant 0 : i32
        %dma_start3A_192 = arith.constant 0 : i32
        %dma_start3A_193 = tpu.memref_slice %arg10[%dma_start3A_191, %dma_start3A_192] : memref<10240x16xf32, #tpu.memory_space<vmem_shared>> -> memref<10240x16xf32, #tpu.memory_space<vmem_shared>>
        tpu.enqueue_indirect_dma source(%dma_start3A_187 : memref<128x16xf32, #tpu.memory_space<vmem>>) target(%dma_start3A_193 : memref<10240x16xf32, #tpu.memory_space<vmem_shared>>) offsets(%dma_start3A_190 : memref<128xi32, #tpu.memory_space<vmem>>) semaphore(%arg12 : memref<!tpu.dma_semaphore, #tpu.memory_space<semaphore_mem>>) {add = true}
        %dma_wait3A_194 = arith.constant 2 : i32
        %dma_wait3A_195 = arith.constant 0 : i32
        %dma_wait3A_196 = arith.constant 0 : i32
        %dma_wait3A_197 = tpu.memref_slice %arg9[%dma_wait3A_194, %dma_wait3A_195, %dma_wait3A_196] : memref<8x128x16xf32, #tpu.memory_space<vmem>> -> memref<1x128x16xf32, #tpu.memory_space<vmem>>
        %dma_wait3A_198 = tpu.memref_squeeze %dma_wait3A_197 : memref<1x128x16xf32, #tpu.memory_space<vmem>> -> memref<128x16xf32, #tpu.memory_space<vmem>>
        %dma_wait3A_199 = arith.constant 0 : i32
        %dma_wait3A_200 = tpu.memref_slice %arg7[%add3A_70, %dma_wait3A_199] : memref<136x128xi32, #tpu.memory_space<vmem>> -> memref<1x128xi32, #tpu.memory_space<vmem>>
        %dma_wait3A_201 = tpu.memref_squeeze %dma_wait3A_200 : memref<1x128xi32, #tpu.memory_space<vmem>> -> memref<128xi32, #tpu.memory_space<vmem>>
        %dma_wait3A_202 = arith.constant 0 : i32
        %dma_wait3A_203 = arith.constant 0 : i32
        %dma_wait3A_204 = tpu.memref_slice %arg2[%dma_wait3A_202, %dma_wait3A_203] : memref<10240x16xf32, #tpu.memory_space<hbm>> -> memref<10240x16xf32, #tpu.memory_space<hbm>>
        tpu.wait_indirect_dma semaphore(%arg11 : memref<!tpu.dma_semaphore, #tpu.memory_space<semaphore_mem>>) src(%dma_wait3A_204 : memref<10240x16xf32, #tpu.memory_space<hbm>>) dst(%dma_wait3A_198 : memref<128x16xf32, #tpu.memory_space<vmem>>)
        %add3A_205 = arith.constant 2 : i32
        %add3A_206 = arith.addi %mul3A_43, %add3A_205 : i32
        %dma_start3A_207 = arith.constant 2 : i32
        %dma_start3A_208 = arith.constant 0 : i32
        %dma_start3A_209 = arith.constant 0 : i32
        %dma_start3A_210 = tpu.memref_slice %arg9[%dma_start3A_207, %dma_start3A_208, %dma_start3A_209] : memref<8x128x16xf32, #tpu.memory_space<vmem>> -> memref<1x128x16xf32, #tpu.memory_space<vmem>>
        %dma_start3A_211 = tpu.memref_squeeze %dma_start3A_210 : memref<1x128x16xf32, #tpu.memory_space<vmem>> -> memref<128x16xf32, #tpu.memory_space<vmem>>
        %dma_start3A_212 = arith.constant 0 : i32
        %dma_start3A_213 = tpu.memref_slice %arg8[%add3A_206, %dma_start3A_212] : memref<136x128xi32, #tpu.memory_space<vmem>> -> memref<1x128xi32, #tpu.memory_space<vmem>>
        %dma_start3A_214 = tpu.memref_squeeze %dma_start3A_213 : memref<1x128xi32, #tpu.memory_space<vmem>> -> memref<128xi32, #tpu.memory_space<vmem>>
        %dma_start3A_215 = arith.constant 0 : i32
        %dma_start3A_216 = arith.constant 0 : i32
        %dma_start3A_217 = tpu.memref_slice %arg10[%dma_start3A_215, %dma_start3A_216] : memref<10240x16xf32, #tpu.memory_space<vmem_shared>> -> memref<10240x16xf32, #tpu.memory_space<vmem_shared>>
        tpu.enqueue_indirect_dma source(%dma_start3A_211 : memref<128x16xf32, #tpu.memory_space<vmem>>) target(%dma_start3A_217 : memref<10240x16xf32, #tpu.memory_space<vmem_shared>>) offsets(%dma_start3A_214 : memref<128xi32, #tpu.memory_space<vmem>>) semaphore(%arg12 : memref<!tpu.dma_semaphore, #tpu.memory_space<semaphore_mem>>) {add = true}
        %dma_wait3A_218 = arith.constant 3 : i32
        %dma_wait3A_219 = arith.constant 0 : i32
        %dma_wait3A_220 = arith.constant 0 : i32
        %dma_wait3A_221 = tpu.memref_slice %arg9[%dma_wait3A_218, %dma_wait3A_219, %dma_wait3A_220] : memref<8x128x16xf32, #tpu.memory_space<vmem>> -> memref<1x128x16xf32, #tpu.memory_space<vmem>>
        %dma_wait3A_222 = tpu.memref_squeeze %dma_wait3A_221 : memref<1x128x16xf32, #tpu.memory_space<vmem>> -> memref<128x16xf32, #tpu.memory_space<vmem>>
        %dma_wait3A_223 = arith.constant 0 : i32
        %dma_wait3A_224 = tpu.memref_slice %arg7[%add3A_83, %dma_wait3A_223] : memref<136x128xi32, #tpu.memory_space<vmem>> -> memref<1x128xi32, #tpu.memory_space<vmem>>
        %dma_wait3A_225 = tpu.memref_squeeze %dma_wait3A_224 : memref<1x128xi32, #tpu.memory_space<vmem>> -> memref<128xi32, #tpu.memory_space<vmem>>
        %dma_wait3A_226 = arith.constant 0 : i32
        %dma_wait3A_227 = arith.constant 0 : i32
        %dma_wait3A_228 = tpu.memref_slice %arg2[%dma_wait3A_226, %dma_wait3A_227] : memref<10240x16xf32, #tpu.memory_space<hbm>> -> memref<10240x16xf32, #tpu.memory_space<hbm>>
        tpu.wait_indirect_dma semaphore(%arg11 : memref<!tpu.dma_semaphore, #tpu.memory_space<semaphore_mem>>) src(%dma_wait3A_228 : memref<10240x16xf32, #tpu.memory_space<hbm>>) dst(%dma_wait3A_222 : memref<128x16xf32, #tpu.memory_space<vmem>>)
        %add3A_229 = arith.constant 3 : i32
        %add3A_230 = arith.addi %mul3A_43, %add3A_229 : i32
        %dma_start3A_231 = arith.constant 3 : i32
        %dma_start3A_232 = arith.constant 0 : i32
        %dma_start3A_233 = arith.constant 0 : i32
        %dma_start3A_234 = tpu.memref_slice %arg9[%dma_start3A_231, %dma_start3A_232, %dma_start3A_233] : memref<8x128x16xf32, #tpu.memory_space<vmem>> -> memref<1x128x16xf32, #tpu.memory_space<vmem>>
        %dma_start3A_235 = tpu.memref_squeeze %dma_start3A_234 : memref<1x128x16xf32, #tpu.memory_space<vmem>> -> memref<128x16xf32, #tpu.memory_space<vmem>>
        %dma_start3A_236 = arith.constant 0 : i32
        %dma_start3A_237 = tpu.memref_slice %arg8[%add3A_230, %dma_start3A_236] : memref<136x128xi32, #tpu.memory_space<vmem>> -> memref<1x128xi32, #tpu.memory_space<vmem>>
        %dma_start3A_238 = tpu.memref_squeeze %dma_start3A_237 : memref<1x128xi32, #tpu.memory_space<vmem>> -> memref<128xi32, #tpu.memory_space<vmem>>
        %dma_start3A_239 = arith.constant 0 : i32
        %dma_start3A_240 = arith.constant 0 : i32
        %dma_start3A_241 = tpu.memref_slice %arg10[%dma_start3A_239, %dma_start3A_240] : memref<10240x16xf32, #tpu.memory_space<vmem_shared>> -> memref<10240x16xf32, #tpu.memory_space<vmem_shared>>
        tpu.enqueue_indirect_dma source(%dma_start3A_235 : memref<128x16xf32, #tpu.memory_space<vmem>>) target(%dma_start3A_241 : memref<10240x16xf32, #tpu.memory_space<vmem_shared>>) offsets(%dma_start3A_238 : memref<128xi32, #tpu.memory_space<vmem>>) semaphore(%arg12 : memref<!tpu.dma_semaphore, #tpu.memory_space<semaphore_mem>>) {add = true}
        %dma_wait3A_242 = arith.constant 4 : i32
        %dma_wait3A_243 = arith.constant 0 : i32
        %dma_wait3A_244 = arith.constant 0 : i32
        %dma_wait3A_245 = tpu.memref_slice %arg9[%dma_wait3A_242, %dma_wait3A_243, %dma_wait3A_244] : memref<8x128x16xf32, #tpu.memory_space<vmem>> -> memref<1x128x16xf32, #tpu.memory_space<vmem>>
        %dma_wait3A_246 = tpu.memref_squeeze %dma_wait3A_245 : memref<1x128x16xf32, #tpu.memory_space<vmem>> -> memref<128x16xf32, #tpu.memory_space<vmem>>
        %dma_wait3A_247 = arith.constant 0 : i32
        %dma_wait3A_248 = tpu.memref_slice %arg7[%add3A_96, %dma_wait3A_247] : memref<136x128xi32, #tpu.memory_space<vmem>> -> memref<1x128xi32, #tpu.memory_space<vmem>>
        %dma_wait3A_249 = tpu.memref_squeeze %dma_wait3A_248 : memref<1x128xi32, #tpu.memory_space<vmem>> -> memref<128xi32, #tpu.memory_space<vmem>>
        %dma_wait3A_250 = arith.constant 0 : i32
        %dma_wait3A_251 = arith.constant 0 : i32
        %dma_wait3A_252 = tpu.memref_slice %arg2[%dma_wait3A_250, %dma_wait3A_251] : memref<10240x16xf32, #tpu.memory_space<hbm>> -> memref<10240x16xf32, #tpu.memory_space<hbm>>
        tpu.wait_indirect_dma semaphore(%arg11 : memref<!tpu.dma_semaphore, #tpu.memory_space<semaphore_mem>>) src(%dma_wait3A_252 : memref<10240x16xf32, #tpu.memory_space<hbm>>) dst(%dma_wait3A_246 : memref<128x16xf32, #tpu.memory_space<vmem>>)
        %add3A_253 = arith.constant 4 : i32
        %add3A_254 = arith.addi %mul3A_43, %add3A_253 : i32
        %dma_start3A_255 = arith.constant 4 : i32
        %dma_start3A_256 = arith.constant 0 : i32
        %dma_start3A_257 = arith.constant 0 : i32
        %dma_start3A_258 = tpu.memref_slice %arg9[%dma_start3A_255, %dma_start3A_256, %dma_start3A_257] : memref<8x128x16xf32, #tpu.memory_space<vmem>> -> memref<1x128x16xf32, #tpu.memory_space<vmem>>
        %dma_start3A_259 = tpu.memref_squeeze %dma_start3A_258 : memref<1x128x16xf32, #tpu.memory_space<vmem>> -> memref<128x16xf32, #tpu.memory_space<vmem>>
        %dma_start3A_260 = arith.constant 0 : i32
        %dma_start3A_261 = tpu.memref_slice %arg8[%add3A_254, %dma_start3A_260] : memref<136x128xi32, #tpu.memory_space<vmem>> -> memref<1x128xi32, #tpu.memory_space<vmem>>
        %dma_start3A_262 = tpu.memref_squeeze %dma_start3A_261 : memref<1x128xi32, #tpu.memory_space<vmem>> -> memref<128xi32, #tpu.memory_space<vmem>>
        %dma_start3A_263 = arith.constant 0 : i32
        %dma_start3A_264 = arith.constant 0 : i32
        %dma_start3A_265 = tpu.memref_slice %arg10[%dma_start3A_263, %dma_start3A_264] : memref<10240x16xf32, #tpu.memory_space<vmem_shared>> -> memref<10240x16xf32, #tpu.memory_space<vmem_shared>>
        tpu.enqueue_indirect_dma source(%dma_start3A_259 : memref<128x16xf32, #tpu.memory_space<vmem>>) target(%dma_start3A_265 : memref<10240x16xf32, #tpu.memory_space<vmem_shared>>) offsets(%dma_start3A_262 : memref<128xi32, #tpu.memory_space<vmem>>) semaphore(%arg12 : memref<!tpu.dma_semaphore, #tpu.memory_space<semaphore_mem>>) {add = true}
        %dma_wait3A_266 = arith.constant 5 : i32
        %dma_wait3A_267 = arith.constant 0 : i32
        %dma_wait3A_268 = arith.constant 0 : i32
        %dma_wait3A_269 = tpu.memref_slice %arg9[%dma_wait3A_266, %dma_wait3A_267, %dma_wait3A_268] : memref<8x128x16xf32, #tpu.memory_space<vmem>> -> memref<1x128x16xf32, #tpu.memory_space<vmem>>
        %dma_wait3A_270 = tpu.memref_squeeze %dma_wait3A_269 : memref<1x128x16xf32, #tpu.memory_space<vmem>> -> memref<128x16xf32, #tpu.memory_space<vmem>>
        %dma_wait3A_271 = arith.constant 0 : i32
        %dma_wait3A_272 = tpu.memref_slice %arg7[%add3A_109, %dma_wait3A_271] : memref<136x128xi32, #tpu.memory_space<vmem>> -> memref<1x128xi32, #tpu.memory_space<vmem>>
        %dma_wait3A_273 = tpu.memref_squeeze %dma_wait3A_272 : memref<1x128xi32, #tpu.memory_space<vmem>> -> memref<128xi32, #tpu.memory_space<vmem>>
        %dma_wait3A_274 = arith.constant 0 : i32
        %dma_wait3A_275 = arith.constant 0 : i32
        %dma_wait3A_276 = tpu.memref_slice %arg2[%dma_wait3A_274, %dma_wait3A_275] : memref<10240x16xf32, #tpu.memory_space<hbm>> -> memref<10240x16xf32, #tpu.memory_space<hbm>>
        tpu.wait_indirect_dma semaphore(%arg11 : memref<!tpu.dma_semaphore, #tpu.memory_space<semaphore_mem>>) src(%dma_wait3A_276 : memref<10240x16xf32, #tpu.memory_space<hbm>>) dst(%dma_wait3A_270 : memref<128x16xf32, #tpu.memory_space<vmem>>)
        %add3A_277 = arith.constant 5 : i32
        %add3A_278 = arith.addi %mul3A_43, %add3A_277 : i32
        %dma_start3A_279 = arith.constant 5 : i32
        %dma_start3A_280 = arith.constant 0 : i32
        %dma_start3A_281 = arith.constant 0 : i32
        %dma_start3A_282 = tpu.memref_slice %arg9[%dma_start3A_279, %dma_start3A_280, %dma_start3A_281] : memref<8x128x16xf32, #tpu.memory_space<vmem>> -> memref<1x128x16xf32, #tpu.memory_space<vmem>>
        %dma_start3A_283 = tpu.memref_squeeze %dma_start3A_282 : memref<1x128x16xf32, #tpu.memory_space<vmem>> -> memref<128x16xf32, #tpu.memory_space<vmem>>
        %dma_start3A_284 = arith.constant 0 : i32
        %dma_start3A_285 = tpu.memref_slice %arg8[%add3A_278, %dma_start3A_284] : memref<136x128xi32, #tpu.memory_space<vmem>> -> memref<1x128xi32, #tpu.memory_space<vmem>>
        %dma_start3A_286 = tpu.memref_squeeze %dma_start3A_285 : memref<1x128xi32, #tpu.memory_space<vmem>> -> memref<128xi32, #tpu.memory_space<vmem>>
        %dma_start3A_287 = arith.constant 0 : i32
        %dma_start3A_288 = arith.constant 0 : i32
        %dma_start3A_289 = tpu.memref_slice %arg10[%dma_start3A_287, %dma_start3A_288] : memref<10240x16xf32, #tpu.memory_space<vmem_shared>> -> memref<10240x16xf32, #tpu.memory_space<vmem_shared>>
        tpu.enqueue_indirect_dma source(%dma_start3A_283 : memref<128x16xf32, #tpu.memory_space<vmem>>) target(%dma_start3A_289 : memref<10240x16xf32, #tpu.memory_space<vmem_shared>>) offsets(%dma_start3A_286 : memref<128xi32, #tpu.memory_space<vmem>>) semaphore(%arg12 : memref<!tpu.dma_semaphore, #tpu.memory_space<semaphore_mem>>) {add = true}
        %dma_wait3A_290 = arith.constant 6 : i32
        %dma_wait3A_291 = arith.constant 0 : i32
        %dma_wait3A_292 = arith.constant 0 : i32
        %dma_wait3A_293 = tpu.memref_slice %arg9[%dma_wait3A_290, %dma_wait3A_291, %dma_wait3A_292] : memref<8x128x16xf32, #tpu.memory_space<vmem>> -> memref<1x128x16xf32, #tpu.memory_space<vmem>>
        %dma_wait3A_294 = tpu.memref_squeeze %dma_wait3A_293 : memref<1x128x16xf32, #tpu.memory_space<vmem>> -> memref<128x16xf32, #tpu.memory_space<vmem>>
        %dma_wait3A_295 = arith.constant 0 : i32
        %dma_wait3A_296 = tpu.memref_slice %arg7[%add3A_122, %dma_wait3A_295] : memref<136x128xi32, #tpu.memory_space<vmem>> -> memref<1x128xi32, #tpu.memory_space<vmem>>
        %dma_wait3A_297 = tpu.memref_squeeze %dma_wait3A_296 : memref<1x128xi32, #tpu.memory_space<vmem>> -> memref<128xi32, #tpu.memory_space<vmem>>
        %dma_wait3A_298 = arith.constant 0 : i32
        %dma_wait3A_299 = arith.constant 0 : i32
        %dma_wait3A_300 = tpu.memref_slice %arg2[%dma_wait3A_298, %dma_wait3A_299] : memref<10240x16xf32, #tpu.memory_space<hbm>> -> memref<10240x16xf32, #tpu.memory_space<hbm>>
        tpu.wait_indirect_dma semaphore(%arg11 : memref<!tpu.dma_semaphore, #tpu.memory_space<semaphore_mem>>) src(%dma_wait3A_300 : memref<10240x16xf32, #tpu.memory_space<hbm>>) dst(%dma_wait3A_294 : memref<128x16xf32, #tpu.memory_space<vmem>>)
        %add3A_301 = arith.constant 6 : i32
        %add3A_302 = arith.addi %mul3A_43, %add3A_301 : i32
        %dma_start3A_303 = arith.constant 6 : i32
        %dma_start3A_304 = arith.constant 0 : i32
        %dma_start3A_305 = arith.constant 0 : i32
        %dma_start3A_306 = tpu.memref_slice %arg9[%dma_start3A_303, %dma_start3A_304, %dma_start3A_305] : memref<8x128x16xf32, #tpu.memory_space<vmem>> -> memref<1x128x16xf32, #tpu.memory_space<vmem>>
        %dma_start3A_307 = tpu.memref_squeeze %dma_start3A_306 : memref<1x128x16xf32, #tpu.memory_space<vmem>> -> memref<128x16xf32, #tpu.memory_space<vmem>>
        %dma_start3A_308 = arith.constant 0 : i32
        %dma_start3A_309 = tpu.memref_slice %arg8[%add3A_302, %dma_start3A_308] : memref<136x128xi32, #tpu.memory_space<vmem>> -> memref<1x128xi32, #tpu.memory_space<vmem>>
        %dma_start3A_310 = tpu.memref_squeeze %dma_start3A_309 : memref<1x128xi32, #tpu.memory_space<vmem>> -> memref<128xi32, #tpu.memory_space<vmem>>
        %dma_start3A_311 = arith.constant 0 : i32
        %dma_start3A_312 = arith.constant 0 : i32
        %dma_start3A_313 = tpu.memref_slice %arg10[%dma_start3A_311, %dma_start3A_312] : memref<10240x16xf32, #tpu.memory_space<vmem_shared>> -> memref<10240x16xf32, #tpu.memory_space<vmem_shared>>
        tpu.enqueue_indirect_dma source(%dma_start3A_307 : memref<128x16xf32, #tpu.memory_space<vmem>>) target(%dma_start3A_313 : memref<10240x16xf32, #tpu.memory_space<vmem_shared>>) offsets(%dma_start3A_310 : memref<128xi32, #tpu.memory_space<vmem>>) semaphore(%arg12 : memref<!tpu.dma_semaphore, #tpu.memory_space<semaphore_mem>>) {add = true}
        %dma_wait3A_314 = arith.constant 7 : i32
        %dma_wait3A_315 = arith.constant 0 : i32
        %dma_wait3A_316 = arith.constant 0 : i32
        %dma_wait3A_317 = tpu.memref_slice %arg9[%dma_wait3A_314, %dma_wait3A_315, %dma_wait3A_316] : memref<8x128x16xf32, #tpu.memory_space<vmem>> -> memref<1x128x16xf32, #tpu.memory_space<vmem>>
        %dma_wait3A_318 = tpu.memref_squeeze %dma_wait3A_317 : memref<1x128x16xf32, #tpu.memory_space<vmem>> -> memref<128x16xf32, #tpu.memory_space<vmem>>
        %dma_wait3A_319 = arith.constant 0 : i32
        %dma_wait3A_320 = tpu.memref_slice %arg7[%add3A_135, %dma_wait3A_319] : memref<136x128xi32, #tpu.memory_space<vmem>> -> memref<1x128xi32, #tpu.memory_space<vmem>>
        %dma_wait3A_321 = tpu.memref_squeeze %dma_wait3A_320 : memref<1x128xi32, #tpu.memory_space<vmem>> -> memref<128xi32, #tpu.memory_space<vmem>>
        %dma_wait3A_322 = arith.constant 0 : i32
        %dma_wait3A_323 = arith.constant 0 : i32
        %dma_wait3A_324 = tpu.memref_slice %arg2[%dma_wait3A_322, %dma_wait3A_323] : memref<10240x16xf32, #tpu.memory_space<hbm>> -> memref<10240x16xf32, #tpu.memory_space<hbm>>
        tpu.wait_indirect_dma semaphore(%arg11 : memref<!tpu.dma_semaphore, #tpu.memory_space<semaphore_mem>>) src(%dma_wait3A_324 : memref<10240x16xf32, #tpu.memory_space<hbm>>) dst(%dma_wait3A_318 : memref<128x16xf32, #tpu.memory_space<vmem>>)
        %add3A_325 = arith.constant 7 : i32
        %add3A_326 = arith.addi %mul3A_43, %add3A_325 : i32
        %dma_start3A_327 = arith.constant 7 : i32
        %dma_start3A_328 = arith.constant 0 : i32
        %dma_start3A_329 = arith.constant 0 : i32
        %dma_start3A_330 = tpu.memref_slice %arg9[%dma_start3A_327, %dma_start3A_328, %dma_start3A_329] : memref<8x128x16xf32, #tpu.memory_space<vmem>> -> memref<1x128x16xf32, #tpu.memory_space<vmem>>
        %dma_start3A_331 = tpu.memref_squeeze %dma_start3A_330 : memref<1x128x16xf32, #tpu.memory_space<vmem>> -> memref<128x16xf32, #tpu.memory_space<vmem>>
        %dma_start3A_332 = arith.constant 0 : i32
        %dma_start3A_333 = tpu.memref_slice %arg8[%add3A_326, %dma_start3A_332] : memref<136x128xi32, #tpu.memory_space<vmem>> -> memref<1x128xi32, #tpu.memory_space<vmem>>
        %dma_start3A_334 = tpu.memref_squeeze %dma_start3A_333 : memref<1x128xi32, #tpu.memory_space<vmem>> -> memref<128xi32, #tpu.memory_space<vmem>>
        %dma_start3A_335 = arith.constant 0 : i32
        %dma_start3A_336 = arith.constant 0 : i32
        %dma_start3A_337 = tpu.memref_slice %arg10[%dma_start3A_335, %dma_start3A_336] : memref<10240x16xf32, #tpu.memory_space<vmem_shared>> -> memref<10240x16xf32, #tpu.memory_space<vmem_shared>>
        tpu.enqueue_indirect_dma source(%dma_start3A_331 : memref<128x16xf32, #tpu.memory_space<vmem>>) target(%dma_start3A_337 : memref<10240x16xf32, #tpu.memory_space<vmem_shared>>) offsets(%dma_start3A_334 : memref<128xi32, #tpu.memory_space<vmem>>) semaphore(%arg12 : memref<!tpu.dma_semaphore, #tpu.memory_space<semaphore_mem>>) {add = true}
        %dma_wait3A_338 = arith.constant 0 : i32
        %dma_wait3A_339 = arith.constant 0 : i32
        %dma_wait3A_340 = arith.constant 0 : i32
        %dma_wait3A_341 = tpu.memref_slice %arg9[%dma_wait3A_338, %dma_wait3A_339, %dma_wait3A_340] : memref<8x128x16xf32, #tpu.memory_space<vmem>> -> memref<1x128x16xf32, #tpu.memory_space<vmem>>
        %dma_wait3A_342 = tpu.memref_squeeze %dma_wait3A_341 : memref<1x128x16xf32, #tpu.memory_space<vmem>> -> memref<128x16xf32, #tpu.memory_space<vmem>>
        %dma_wait3A_343 = arith.constant 0 : i32
        %dma_wait3A_344 = tpu.memref_slice %arg8[%add3A_158, %dma_wait3A_343] : memref<136x128xi32, #tpu.memory_space<vmem>> -> memref<1x128xi32, #tpu.memory_space<vmem>>
        %dma_wait3A_345 = tpu.memref_squeeze %dma_wait3A_344 : memref<1x128xi32, #tpu.memory_space<vmem>> -> memref<128xi32, #tpu.memory_space<vmem>>
        %dma_wait3A_346 = arith.constant 0 : i32
        %dma_wait3A_347 = arith.constant 0 : i32
        %dma_wait3A_348 = tpu.memref_slice %arg10[%dma_wait3A_346, %dma_wait3A_347] : memref<10240x16xf32, #tpu.memory_space<vmem_shared>> -> memref<10240x16xf32, #tpu.memory_space<vmem_shared>>
        tpu.wait_indirect_dma semaphore(%arg12 : memref<!tpu.dma_semaphore, #tpu.memory_space<semaphore_mem>>) src(%dma_wait3A_342 : memref<128x16xf32, #tpu.memory_space<vmem>>) dst(%dma_wait3A_348 : memref<10240x16xf32, #tpu.memory_space<vmem_shared>>)
        %dma_wait3A_349 = arith.constant 1 : i32
        %dma_wait3A_350 = arith.constant 0 : i32
        %dma_wait3A_351 = arith.constant 0 : i32
        %dma_wait3A_352 = tpu.memref_slice %arg9[%dma_wait3A_349, %dma_wait3A_350, %dma_wait3A_351] : memref<8x128x16xf32, #tpu.memory_space<vmem>> -> memref<1x128x16xf32, #tpu.memory_space<vmem>>
        %dma_wait3A_353 = tpu.memref_squeeze %dma_wait3A_352 : memref<1x128x16xf32, #tpu.memory_space<vmem>> -> memref<128x16xf32, #tpu.memory_space<vmem>>
        %dma_wait3A_354 = arith.constant 0 : i32
        %dma_wait3A_355 = tpu.memref_slice %arg8[%add3A_182, %dma_wait3A_354] : memref<136x128xi32, #tpu.memory_space<vmem>> -> memref<1x128xi32, #tpu.memory_space<vmem>>
        %dma_wait3A_356 = tpu.memref_squeeze %dma_wait3A_355 : memref<1x128xi32, #tpu.memory_space<vmem>> -> memref<128xi32, #tpu.memory_space<vmem>>
        %dma_wait3A_357 = arith.constant 0 : i32
        %dma_wait3A_358 = arith.constant 0 : i32
        %dma_wait3A_359 = tpu.memref_slice %arg10[%dma_wait3A_357, %dma_wait3A_358] : memref<10240x16xf32, #tpu.memory_space<vmem_shared>> -> memref<10240x16xf32, #tpu.memory_space<vmem_shared>>
        tpu.wait_indirect_dma semaphore(%arg12 : memref<!tpu.dma_semaphore, #tpu.memory_space<semaphore_mem>>) src(%dma_wait3A_353 : memref<128x16xf32, #tpu.memory_space<vmem>>) dst(%dma_wait3A_359 : memref<10240x16xf32, #tpu.memory_space<vmem_shared>>)
        %dma_wait3A_360 = arith.constant 2 : i32
        %dma_wait3A_361 = arith.constant 0 : i32
        %dma_wait3A_362 = arith.constant 0 : i32
        %dma_wait3A_363 = tpu.memref_slice %arg9[%dma_wait3A_360, %dma_wait3A_361, %dma_wait3A_362] : memref<8x128x16xf32, #tpu.memory_space<vmem>> -> memref<1x128x16xf32, #tpu.memory_space<vmem>>
        %dma_wait3A_364 = tpu.memref_squeeze %dma_wait3A_363 : memref<1x128x16xf32, #tpu.memory_space<vmem>> -> memref<128x16xf32, #tpu.memory_space<vmem>>
        %dma_wait3A_365 = arith.constant 0 : i32
        %dma_wait3A_366 = tpu.memref_slice %arg8[%add3A_206, %dma_wait3A_365] : memref<136x128xi32, #tpu.memory_space<vmem>> -> memref<1x128xi32, #tpu.memory_space<vmem>>
        %dma_wait3A_367 = tpu.memref_squeeze %dma_wait3A_366 : memref<1x128xi32, #tpu.memory_space<vmem>> -> memref<128xi32, #tpu.memory_space<vmem>>
        %dma_wait3A_368 = arith.constant 0 : i32
        %dma_wait3A_369 = arith.constant 0 : i32
        %dma_wait3A_370 = tpu.memref_slice %arg10[%dma_wait3A_368, %dma_wait3A_369] : memref<10240x16xf32, #tpu.memory_space<vmem_shared>> -> memref<10240x16xf32, #tpu.memory_space<vmem_shared>>
        tpu.wait_indirect_dma semaphore(%arg12 : memref<!tpu.dma_semaphore, #tpu.memory_space<semaphore_mem>>) src(%dma_wait3A_364 : memref<128x16xf32, #tpu.memory_space<vmem>>) dst(%dma_wait3A_370 : memref<10240x16xf32, #tpu.memory_space<vmem_shared>>)
        %dma_wait3A_371 = arith.constant 3 : i32
        %dma_wait3A_372 = arith.constant 0 : i32
        %dma_wait3A_373 = arith.constant 0 : i32
        %dma_wait3A_374 = tpu.memref_slice %arg9[%dma_wait3A_371, %dma_wait3A_372, %dma_wait3A_373] : memref<8x128x16xf32, #tpu.memory_space<vmem>> -> memref<1x128x16xf32, #tpu.memory_space<vmem>>
        %dma_wait3A_375 = tpu.memref_squeeze %dma_wait3A_374 : memref<1x128x16xf32, #tpu.memory_space<vmem>> -> memref<128x16xf32, #tpu.memory_space<vmem>>
        %dma_wait3A_376 = arith.constant 0 : i32
        %dma_wait3A_377 = tpu.memref_slice %arg8[%add3A_230, %dma_wait3A_376] : memref<136x128xi32, #tpu.memory_space<vmem>> -> memref<1x128xi32, #tpu.memory_space<vmem>>
        %dma_wait3A_378 = tpu.memref_squeeze %dma_wait3A_377 : memref<1x128xi32, #tpu.memory_space<vmem>> -> memref<128xi32, #tpu.memory_space<vmem>>
        %dma_wait3A_379 = arith.constant 0 : i32
        %dma_wait3A_380 = arith.constant 0 : i32
        %dma_wait3A_381 = tpu.memref_slice %arg10[%dma_wait3A_379, %dma_wait3A_380] : memref<10240x16xf32, #tpu.memory_space<vmem_shared>> -> memref<10240x16xf32, #tpu.memory_space<vmem_shared>>
        tpu.wait_indirect_dma semaphore(%arg12 : memref<!tpu.dma_semaphore, #tpu.memory_space<semaphore_mem>>) src(%dma_wait3A_375 : memref<128x16xf32, #tpu.memory_space<vmem>>) dst(%dma_wait3A_381 : memref<10240x16xf32, #tpu.memory_space<vmem_shared>>)
        %dma_wait3A_382 = arith.constant 4 : i32
        %dma_wait3A_383 = arith.constant 0 : i32
        %dma_wait3A_384 = arith.constant 0 : i32
        %dma_wait3A_385 = tpu.memref_slice %arg9[%dma_wait3A_382, %dma_wait3A_383, %dma_wait3A_384] : memref<8x128x16xf32, #tpu.memory_space<vmem>> -> memref<1x128x16xf32, #tpu.memory_space<vmem>>
        %dma_wait3A_386 = tpu.memref_squeeze %dma_wait3A_385 : memref<1x128x16xf32, #tpu.memory_space<vmem>> -> memref<128x16xf32, #tpu.memory_space<vmem>>
        %dma_wait3A_387 = arith.constant 0 : i32
        %dma_wait3A_388 = tpu.memref_slice %arg8[%add3A_254, %dma_wait3A_387] : memref<136x128xi32, #tpu.memory_space<vmem>> -> memref<1x128xi32, #tpu.memory_space<vmem>>
        %dma_wait3A_389 = tpu.memref_squeeze %dma_wait3A_388 : memref<1x128xi32, #tpu.memory_space<vmem>> -> memref<128xi32, #tpu.memory_space<vmem>>
        %dma_wait3A_390 = arith.constant 0 : i32
        %dma_wait3A_391 = arith.constant 0 : i32
        %dma_wait3A_392 = tpu.memref_slice %arg10[%dma_wait3A_390, %dma_wait3A_391] : memref<10240x16xf32, #tpu.memory_space<vmem_shared>> -> memref<10240x16xf32, #tpu.memory_space<vmem_shared>>
        tpu.wait_indirect_dma semaphore(%arg12 : memref<!tpu.dma_semaphore, #tpu.memory_space<semaphore_mem>>) src(%dma_wait3A_386 : memref<128x16xf32, #tpu.memory_space<vmem>>) dst(%dma_wait3A_392 : memref<10240x16xf32, #tpu.memory_space<vmem_shared>>)
        %dma_wait3A_393 = arith.constant 5 : i32
        %dma_wait3A_394 = arith.constant 0 : i32
        %dma_wait3A_395 = arith.constant 0 : i32
        %dma_wait3A_396 = tpu.memref_slice %arg9[%dma_wait3A_393, %dma_wait3A_394, %dma_wait3A_395] : memref<8x128x16xf32, #tpu.memory_space<vmem>> -> memref<1x128x16xf32, #tpu.memory_space<vmem>>
        %dma_wait3A_397 = tpu.memref_squeeze %dma_wait3A_396 : memref<1x128x16xf32, #tpu.memory_space<vmem>> -> memref<128x16xf32, #tpu.memory_space<vmem>>
        %dma_wait3A_398 = arith.constant 0 : i32
        %dma_wait3A_399 = tpu.memref_slice %arg8[%add3A_278, %dma_wait3A_398] : memref<136x128xi32, #tpu.memory_space<vmem>> -> memref<1x128xi32, #tpu.memory_space<vmem>>
        %dma_wait3A_400 = tpu.memref_squeeze %dma_wait3A_399 : memref<1x128xi32, #tpu.memory_space<vmem>> -> memref<128xi32, #tpu.memory_space<vmem>>
        %dma_wait3A_401 = arith.constant 0 : i32
        %dma_wait3A_402 = arith.constant 0 : i32
        %dma_wait3A_403 = tpu.memref_slice %arg10[%dma_wait3A_401, %dma_wait3A_402] : memref<10240x16xf32, #tpu.memory_space<vmem_shared>> -> memref<10240x16xf32, #tpu.memory_space<vmem_shared>>
        tpu.wait_indirect_dma semaphore(%arg12 : memref<!tpu.dma_semaphore, #tpu.memory_space<semaphore_mem>>) src(%dma_wait3A_397 : memref<128x16xf32, #tpu.memory_space<vmem>>) dst(%dma_wait3A_403 : memref<10240x16xf32, #tpu.memory_space<vmem_shared>>)
        %dma_wait3A_404 = arith.constant 6 : i32
        %dma_wait3A_405 = arith.constant 0 : i32
        %dma_wait3A_406 = arith.constant 0 : i32
        %dma_wait3A_407 = tpu.memref_slice %arg9[%dma_wait3A_404, %dma_wait3A_405, %dma_wait3A_406] : memref<8x128x16xf32, #tpu.memory_space<vmem>> -> memref<1x128x16xf32, #tpu.memory_space<vmem>>
        %dma_wait3A_408 = tpu.memref_squeeze %dma_wait3A_407 : memref<1x128x16xf32, #tpu.memory_space<vmem>> -> memref<128x16xf32, #tpu.memory_space<vmem>>
        %dma_wait3A_409 = arith.constant 0 : i32
        %dma_wait3A_410 = tpu.memref_slice %arg8[%add3A_302, %dma_wait3A_409] : memref<136x128xi32, #tpu.memory_space<vmem>> -> memref<1x128xi32, #tpu.memory_space<vmem>>
        %dma_wait3A_411 = tpu.memref_squeeze %dma_wait3A_410 : memref<1x128xi32, #tpu.memory_space<vmem>> -> memref<128xi32, #tpu.memory_space<vmem>>
        %dma_wait3A_412 = arith.constant 0 : i32
        %dma_wait3A_413 = arith.constant 0 : i32
        %dma_wait3A_414 = tpu.memref_slice %arg10[%dma_wait3A_412, %dma_wait3A_413] : memref<10240x16xf32, #tpu.memory_space<vmem_shared>> -> memref<10240x16xf32, #tpu.memory_space<vmem_shared>>
        tpu.wait_indirect_dma semaphore(%arg12 : memref<!tpu.dma_semaphore, #tpu.memory_space<semaphore_mem>>) src(%dma_wait3A_408 : memref<128x16xf32, #tpu.memory_space<vmem>>) dst(%dma_wait3A_414 : memref<10240x16xf32, #tpu.memory_space<vmem_shared>>)
        %dma_wait3A_415 = arith.constant 7 : i32
        %dma_wait3A_416 = arith.constant 0 : i32
        %dma_wait3A_417 = arith.constant 0 : i32
        %dma_wait3A_418 = tpu.memref_slice %arg9[%dma_wait3A_415, %dma_wait3A_416, %dma_wait3A_417] : memref<8x128x16xf32, #tpu.memory_space<vmem>> -> memref<1x128x16xf32, #tpu.memory_space<vmem>>
        %dma_wait3A_419 = tpu.memref_squeeze %dma_wait3A_418 : memref<1x128x16xf32, #tpu.memory_space<vmem>> -> memref<128x16xf32, #tpu.memory_space<vmem>>
        %dma_wait3A_420 = arith.constant 0 : i32
        %dma_wait3A_421 = tpu.memref_slice %arg8[%add3A_326, %dma_wait3A_420] : memref<136x128xi32, #tpu.memory_space<vmem>> -> memref<1x128xi32, #tpu.memory_space<vmem>>
        %dma_wait3A_422 = tpu.memref_squeeze %dma_wait3A_421 : memref<1x128xi32, #tpu.memory_space<vmem>> -> memref<128xi32, #tpu.memory_space<vmem>>
        %dma_wait3A_423 = arith.constant 0 : i32
        %dma_wait3A_424 = arith.constant 0 : i32
        %dma_wait3A_425 = tpu.memref_slice %arg10[%dma_wait3A_423, %dma_wait3A_424] : memref<10240x16xf32, #tpu.memory_space<vmem_shared>> -> memref<10240x16xf32, #tpu.memory_space<vmem_shared>>
        tpu.wait_indirect_dma semaphore(%arg12 : memref<!tpu.dma_semaphore, #tpu.memory_space<semaphore_mem>>) src(%dma_wait3A_419 : memref<128x16xf32, #tpu.memory_space<vmem>>) dst(%dma_wait3A_425 : memref<10240x16xf32, #tpu.memory_space<vmem_shared>>)
      }
      %scan3A_40 = arith.constant 17 : i32
    } else {
    }
    %eq3A_30 = arith.constant 1 : i32
    %eq3A_31 = arith.cmpi eq, %arg0, %eq3A_30 : i32
    %convert_element_type3A_32 = arith.extui %eq3A_31 : i1 to i32
    %cond3A_33 = arith.constant 0 : i32
    %cond3A_34 = arith.cmpi ne, %convert_element_type3A_32, %cond3A_33 : i32
    scf.if %cond3A_34 {
      %scan3A = arith.constant 0 : i32
      %scan3A_36 = arith.constant 0 : i32
      %scan3A_37 = arith.constant 3 : i32
      %scan3A_38 = arith.addi %scan3A_36, %scan3A_37 : i32
      %scan3A_39 = arith.constant 1 : i32
      scf.for %scan3A_41 = %scan3A_36 to %scan3A_38 step %scan3A_39  : i32 {
        %mul3A_42 = arith.constant 8 : i32
        %mul3A_43 = arith.muli %scan3A_41, %mul3A_42 : i32
        %add3A_44 = arith.constant 0 : i32
        %add3A_45 = arith.addi %mul3A_43, %add3A_44 : i32
        %dma_start3A = arith.constant 0 : i32
        %dma_start3A_46 = arith.constant 0 : i32
        %dma_start3A_47 = arith.constant 0 : i32
        %dma_start3A_48 = tpu.memref_slice %arg9[%dma_start3A, %dma_start3A_46, %dma_start3A_47] : memref<8x128x16xf32, #tpu.memory_space<vmem>> -> memref<1x128x16xf32, #tpu.memory_space<vmem>>
        %dma_start3A_49 = tpu.memref_squeeze %dma_start3A_48 : memref<1x128x16xf32, #tpu.memory_space<vmem>> -> memref<128x16xf32, #tpu.memory_space<vmem>>
        %dma_start3A_50 = arith.constant 0 : i32
        %dma_start3A_51 = tpu.memref_slice %arg7[%add3A_45, %dma_start3A_50] : memref<136x128xi32, #tpu.memory_space<vmem>> -> memref<1x128xi32, #tpu.memory_space<vmem>>
        %dma_start3A_52 = tpu.memref_squeeze %dma_start3A_51 : memref<1x128xi32, #tpu.memory_space<vmem>> -> memref<128xi32, #tpu.memory_space<vmem>>
        %dma_start3A_53 = arith.constant 0 : i32
        %dma_start3A_54 = arith.constant 0 : i32
        %dma_start3A_55 = tpu.memref_slice %arg2[%dma_start3A_53, %dma_start3A_54] : memref<10240x16xf32, #tpu.memory_space<hbm>> -> memref<10240x16xf32, #tpu.memory_space<hbm>>
        tpu.enqueue_indirect_dma source(%dma_start3A_55 : memref<10240x16xf32, #tpu.memory_space<hbm>>) target(%dma_start3A_49 : memref<128x16xf32, #tpu.memory_space<vmem>>) offsets(%dma_start3A_52 : memref<128xi32, #tpu.memory_space<vmem>>) semaphore(%arg11 : memref<!tpu.dma_semaphore, #tpu.memory_space<semaphore_mem>>)
        %add3A_56 = arith.constant 1 : i32
        %add3A_57 = arith.addi %mul3A_43, %add3A_56 : i32
        %dma_start3A_58 = arith.constant 1 : i32
        %dma_start3A_59 = arith.constant 0 : i32
        %dma_start3A_60 = arith.constant 0 : i32
        %dma_start3A_61 = tpu.memref_slice %arg9[%dma_start3A_58, %dma_start3A_59, %dma_start3A_60] : memref<8x128x16xf32, #tpu.memory_space<vmem>> -> memref<1x128x16xf32, #tpu.memory_space<vmem>>
        %dma_start3A_62 = tpu.memref_squeeze %dma_start3A_61 : memref<1x128x16xf32, #tpu.memory_space<vmem>> -> memref<128x16xf32, #tpu.memory_space<vmem>>
        %dma_start3A_63 = arith.constant 0 : i32
        %dma_start3A_64 = tpu.memref_slice %arg7[%add3A_57, %dma_start3A_63] : memref<136x128xi32, #tpu.memory_space<vmem>> -> memref<1x128xi32, #tpu.memory_space<vmem>>
        %dma_start3A_65 = tpu.memref_squeeze %dma_start3A_64 : memref<1x128xi32, #tpu.memory_space<vmem>> -> memref<128xi32, #tpu.memory_space<vmem>>
        %dma_start3A_66 = arith.constant 0 : i32
        %dma_start3A_67 = arith.constant 0 : i32
        %dma_start3A_68 = tpu.memref_slice %arg2[%dma_start3A_66, %dma_start3A_67] : memref<10240x16xf32, #tpu.memory_space<hbm>> -> memref<10240x16xf32, #tpu.memory_space<hbm>>
        tpu.enqueue_indirect_dma source(%dma_start3A_68 : memref<10240x16xf32, #tpu.memory_space<hbm>>) target(%dma_start3A_62 : memref<128x16xf32, #tpu.memory_space<vmem>>) offsets(%dma_start3A_65 : memref<128xi32, #tpu.memory_space<vmem>>) semaphore(%arg11 : memref<!tpu.dma_semaphore, #tpu.memory_space<semaphore_mem>>)
        %add3A_69 = arith.constant 2 : i32
        %add3A_70 = arith.addi %mul3A_43, %add3A_69 : i32
        %dma_start3A_71 = arith.constant 2 : i32
        %dma_start3A_72 = arith.constant 0 : i32
        %dma_start3A_73 = arith.constant 0 : i32
        %dma_start3A_74 = tpu.memref_slice %arg9[%dma_start3A_71, %dma_start3A_72, %dma_start3A_73] : memref<8x128x16xf32, #tpu.memory_space<vmem>> -> memref<1x128x16xf32, #tpu.memory_space<vmem>>
        %dma_start3A_75 = tpu.memref_squeeze %dma_start3A_74 : memref<1x128x16xf32, #tpu.memory_space<vmem>> -> memref<128x16xf32, #tpu.memory_space<vmem>>
        %dma_start3A_76 = arith.constant 0 : i32
        %dma_start3A_77 = tpu.memref_slice %arg7[%add3A_70, %dma_start3A_76] : memref<136x128xi32, #tpu.memory_space<vmem>> -> memref<1x128xi32, #tpu.memory_space<vmem>>
        %dma_start3A_78 = tpu.memref_squeeze %dma_start3A_77 : memref<1x128xi32, #tpu.memory_space<vmem>> -> memref<128xi32, #tpu.memory_space<vmem>>
        %dma_start3A_79 = arith.constant 0 : i32
        %dma_start3A_80 = arith.constant 0 : i32
        %dma_start3A_81 = tpu.memref_slice %arg2[%dma_start3A_79, %dma_start3A_80] : memref<10240x16xf32, #tpu.memory_space<hbm>> -> memref<10240x16xf32, #tpu.memory_space<hbm>>
        tpu.enqueue_indirect_dma source(%dma_start3A_81 : memref<10240x16xf32, #tpu.memory_space<hbm>>) target(%dma_start3A_75 : memref<128x16xf32, #tpu.memory_space<vmem>>) offsets(%dma_start3A_78 : memref<128xi32, #tpu.memory_space<vmem>>) semaphore(%arg11 : memref<!tpu.dma_semaphore, #tpu.memory_space<semaphore_mem>>)
        %add3A_82 = arith.constant 3 : i32
        %add3A_83 = arith.addi %mul3A_43, %add3A_82 : i32
        %dma_start3A_84 = arith.constant 3 : i32
        %dma_start3A_85 = arith.constant 0 : i32
        %dma_start3A_86 = arith.constant 0 : i32
        %dma_start3A_87 = tpu.memref_slice %arg9[%dma_start3A_84, %dma_start3A_85, %dma_start3A_86] : memref<8x128x16xf32, #tpu.memory_space<vmem>> -> memref<1x128x16xf32, #tpu.memory_space<vmem>>
        %dma_start3A_88 = tpu.memref_squeeze %dma_start3A_87 : memref<1x128x16xf32, #tpu.memory_space<vmem>> -> memref<128x16xf32, #tpu.memory_space<vmem>>
        %dma_start3A_89 = arith.constant 0 : i32
        %dma_start3A_90 = tpu.memref_slice %arg7[%add3A_83, %dma_start3A_89] : memref<136x128xi32, #tpu.memory_space<vmem>> -> memref<1x128xi32, #tpu.memory_space<vmem>>
        %dma_start3A_91 = tpu.memref_squeeze %dma_start3A_90 : memref<1x128xi32, #tpu.memory_space<vmem>> -> memref<128xi32, #tpu.memory_space<vmem>>
        %dma_start3A_92 = arith.constant 0 : i32
        %dma_start3A_93 = arith.constant 0 : i32
        %dma_start3A_94 = tpu.memref_slice %arg2[%dma_start3A_92, %dma_start3A_93] : memref<10240x16xf32, #tpu.memory_space<hbm>> -> memref<10240x16xf32, #tpu.memory_space<hbm>>
        tpu.enqueue_indirect_dma source(%dma_start3A_94 : memref<10240x16xf32, #tpu.memory_space<hbm>>) target(%dma_start3A_88 : memref<128x16xf32, #tpu.memory_space<vmem>>) offsets(%dma_start3A_91 : memref<128xi32, #tpu.memory_space<vmem>>) semaphore(%arg11 : memref<!tpu.dma_semaphore, #tpu.memory_space<semaphore_mem>>)
        %add3A_95 = arith.constant 4 : i32
        %add3A_96 = arith.addi %mul3A_43, %add3A_95 : i32
        %dma_start3A_97 = arith.constant 4 : i32
        %dma_start3A_98 = arith.constant 0 : i32
        %dma_start3A_99 = arith.constant 0 : i32
        %dma_start3A_100 = tpu.memref_slice %arg9[%dma_start3A_97, %dma_start3A_98, %dma_start3A_99] : memref<8x128x16xf32, #tpu.memory_space<vmem>> -> memref<1x128x16xf32, #tpu.memory_space<vmem>>
        %dma_start3A_101 = tpu.memref_squeeze %dma_start3A_100 : memref<1x128x16xf32, #tpu.memory_space<vmem>> -> memref<128x16xf32, #tpu.memory_space<vmem>>
        %dma_start3A_102 = arith.constant 0 : i32
        %dma_start3A_103 = tpu.memref_slice %arg7[%add3A_96, %dma_start3A_102] : memref<136x128xi32, #tpu.memory_space<vmem>> -> memref<1x128xi32, #tpu.memory_space<vmem>>
        %dma_start3A_104 = tpu.memref_squeeze %dma_start3A_103 : memref<1x128xi32, #tpu.memory_space<vmem>> -> memref<128xi32, #tpu.memory_space<vmem>>
        %dma_start3A_105 = arith.constant 0 : i32
        %dma_start3A_106 = arith.constant 0 : i32
        %dma_start3A_107 = tpu.memref_slice %arg2[%dma_start3A_105, %dma_start3A_106] : memref<10240x16xf32, #tpu.memory_space<hbm>> -> memref<10240x16xf32, #tpu.memory_space<hbm>>
        tpu.enqueue_indirect_dma source(%dma_start3A_107 : memref<10240x16xf32, #tpu.memory_space<hbm>>) target(%dma_start3A_101 : memref<128x16xf32, #tpu.memory_space<vmem>>) offsets(%dma_start3A_104 : memref<128xi32, #tpu.memory_space<vmem>>) semaphore(%arg11 : memref<!tpu.dma_semaphore, #tpu.memory_space<semaphore_mem>>)
        %add3A_108 = arith.constant 5 : i32
        %add3A_109 = arith.addi %mul3A_43, %add3A_108 : i32
        %dma_start3A_110 = arith.constant 5 : i32
        %dma_start3A_111 = arith.constant 0 : i32
        %dma_start3A_112 = arith.constant 0 : i32
        %dma_start3A_113 = tpu.memref_slice %arg9[%dma_start3A_110, %dma_start3A_111, %dma_start3A_112] : memref<8x128x16xf32, #tpu.memory_space<vmem>> -> memref<1x128x16xf32, #tpu.memory_space<vmem>>
        %dma_start3A_114 = tpu.memref_squeeze %dma_start3A_113 : memref<1x128x16xf32, #tpu.memory_space<vmem>> -> memref<128x16xf32, #tpu.memory_space<vmem>>
        %dma_start3A_115 = arith.constant 0 : i32
        %dma_start3A_116 = tpu.memref_slice %arg7[%add3A_109, %dma_start3A_115] : memref<136x128xi32, #tpu.memory_space<vmem>> -> memref<1x128xi32, #tpu.memory_space<vmem>>
        %dma_start3A_117 = tpu.memref_squeeze %dma_start3A_116 : memref<1x128xi32, #tpu.memory_space<vmem>> -> memref<128xi32, #tpu.memory_space<vmem>>
        %dma_start3A_118 = arith.constant 0 : i32
        %dma_start3A_119 = arith.constant 0 : i32
        %dma_start3A_120 = tpu.memref_slice %arg2[%dma_start3A_118, %dma_start3A_119] : memref<10240x16xf32, #tpu.memory_space<hbm>> -> memref<10240x16xf32, #tpu.memory_space<hbm>>
        tpu.enqueue_indirect_dma source(%dma_start3A_120 : memref<10240x16xf32, #tpu.memory_space<hbm>>) target(%dma_start3A_114 : memref<128x16xf32, #tpu.memory_space<vmem>>) offsets(%dma_start3A_117 : memref<128xi32, #tpu.memory_space<vmem>>) semaphore(%arg11 : memref<!tpu.dma_semaphore, #tpu.memory_space<semaphore_mem>>)
        %add3A_121 = arith.constant 6 : i32
        %add3A_122 = arith.addi %mul3A_43, %add3A_121 : i32
        %dma_start3A_123 = arith.constant 6 : i32
        %dma_start3A_124 = arith.constant 0 : i32
        %dma_start3A_125 = arith.constant 0 : i32
        %dma_start3A_126 = tpu.memref_slice %arg9[%dma_start3A_123, %dma_start3A_124, %dma_start3A_125] : memref<8x128x16xf32, #tpu.memory_space<vmem>> -> memref<1x128x16xf32, #tpu.memory_space<vmem>>
        %dma_start3A_127 = tpu.memref_squeeze %dma_start3A_126 : memref<1x128x16xf32, #tpu.memory_space<vmem>> -> memref<128x16xf32, #tpu.memory_space<vmem>>
        %dma_start3A_128 = arith.constant 0 : i32
        %dma_start3A_129 = tpu.memref_slice %arg7[%add3A_122, %dma_start3A_128] : memref<136x128xi32, #tpu.memory_space<vmem>> -> memref<1x128xi32, #tpu.memory_space<vmem>>
        %dma_start3A_130 = tpu.memref_squeeze %dma_start3A_129 : memref<1x128xi32, #tpu.memory_space<vmem>> -> memref<128xi32, #tpu.memory_space<vmem>>
        %dma_start3A_131 = arith.constant 0 : i32
        %dma_start3A_132 = arith.constant 0 : i32
        %dma_start3A_133 = tpu.memref_slice %arg2[%dma_start3A_131, %dma_start3A_132] : memref<10240x16xf32, #tpu.memory_space<hbm>> -> memref<10240x16xf32, #tpu.memory_space<hbm>>
        tpu.enqueue_indirect_dma source(%dma_start3A_133 : memref<10240x16xf32, #tpu.memory_space<hbm>>) target(%dma_start3A_127 : memref<128x16xf32, #tpu.memory_space<vmem>>) offsets(%dma_start3A_130 : memref<128xi32, #tpu.memory_space<vmem>>) semaphore(%arg11 : memref<!tpu.dma_semaphore, #tpu.memory_space<semaphore_mem>>)
        %add3A_134 = arith.constant 7 : i32
        %add3A_135 = arith.addi %mul3A_43, %add3A_134 : i32
        %dma_start3A_136 = arith.constant 7 : i32
        %dma_start3A_137 = arith.constant 0 : i32
        %dma_start3A_138 = arith.constant 0 : i32
        %dma_start3A_139 = tpu.memref_slice %arg9[%dma_start3A_136, %dma_start3A_137, %dma_start3A_138] : memref<8x128x16xf32, #tpu.memory_space<vmem>> -> memref<1x128x16xf32, #tpu.memory_space<vmem>>
        %dma_start3A_140 = tpu.memref_squeeze %dma_start3A_139 : memref<1x128x16xf32, #tpu.memory_space<vmem>> -> memref<128x16xf32, #tpu.memory_space<vmem>>
        %dma_start3A_141 = arith.constant 0 : i32
        %dma_start3A_142 = tpu.memref_slice %arg7[%add3A_135, %dma_start3A_141] : memref<136x128xi32, #tpu.memory_space<vmem>> -> memref<1x128xi32, #tpu.memory_space<vmem>>
        %dma_start3A_143 = tpu.memref_squeeze %dma_start3A_142 : memref<1x128xi32, #tpu.memory_space<vmem>> -> memref<128xi32, #tpu.memory_space<vmem>>
        %dma_start3A_144 = arith.constant 0 : i32
        %dma_start3A_145 = arith.constant 0 : i32
        %dma_start3A_146 = tpu.memref_slice %arg2[%dma_start3A_144, %dma_start3A_145] : memref<10240x16xf32, #tpu.memory_space<hbm>> -> memref<10240x16xf32, #tpu.memory_space<hbm>>
        tpu.enqueue_indirect_dma source(%dma_start3A_146 : memref<10240x16xf32, #tpu.memory_space<hbm>>) target(%dma_start3A_140 : memref<128x16xf32, #tpu.memory_space<vmem>>) offsets(%dma_start3A_143 : memref<128xi32, #tpu.memory_space<vmem>>) semaphore(%arg11 : memref<!tpu.dma_semaphore, #tpu.memory_space<semaphore_mem>>)
        %dma_wait3A = arith.constant 0 : i32
        %dma_wait3A_147 = arith.constant 0 : i32
        %dma_wait3A_148 = arith.constant 0 : i32
        %dma_wait3A_149 = tpu.memref_slice %arg9[%dma_wait3A, %dma_wait3A_147, %dma_wait3A_148] : memref<8x128x16xf32, #tpu.memory_space<vmem>> -> memref<1x128x16xf32, #tpu.memory_space<vmem>>
        %dma_wait3A_150 = tpu.memref_squeeze %dma_wait3A_149 : memref<1x128x16xf32, #tpu.memory_space<vmem>> -> memref<128x16xf32, #tpu.memory_space<vmem>>
        %dma_wait3A_151 = arith.constant 0 : i32
        %dma_wait3A_152 = tpu.memref_slice %arg7[%add3A_45, %dma_wait3A_151] : memref<136x128xi32, #tpu.memory_space<vmem>> -> memref<1x128xi32, #tpu.memory_space<vmem>>
        %dma_wait3A_153 = tpu.memref_squeeze %dma_wait3A_152 : memref<1x128xi32, #tpu.memory_space<vmem>> -> memref<128xi32, #tpu.memory_space<vmem>>
        %dma_wait3A_154 = arith.constant 0 : i32
        %dma_wait3A_155 = arith.constant 0 : i32
        %dma_wait3A_156 = tpu.memref_slice %arg2[%dma_wait3A_154, %dma_wait3A_155] : memref<10240x16xf32, #tpu.memory_space<hbm>> -> memref<10240x16xf32, #tpu.memory_space<hbm>>
        tpu.wait_indirect_dma semaphore(%arg11 : memref<!tpu.dma_semaphore, #tpu.memory_space<semaphore_mem>>) src(%dma_wait3A_156 : memref<10240x16xf32, #tpu.memory_space<hbm>>) dst(%dma_wait3A_150 : memref<128x16xf32, #tpu.memory_space<vmem>>)
        %add3A_157 = arith.constant 0 : i32
        %add3A_158 = arith.addi %mul3A_43, %add3A_157 : i32
        %dma_start3A_159 = arith.constant 0 : i32
        %dma_start3A_160 = arith.constant 0 : i32
        %dma_start3A_161 = arith.constant 0 : i32
        %dma_start3A_162 = tpu.memref_slice %arg9[%dma_start3A_159, %dma_start3A_160, %dma_start3A_161] : memref<8x128x16xf32, #tpu.memory_space<vmem>> -> memref<1x128x16xf32, #tpu.memory_space<vmem>>
        %dma_start3A_163 = tpu.memref_squeeze %dma_start3A_162 : memref<1x128x16xf32, #tpu.memory_space<vmem>> -> memref<128x16xf32, #tpu.memory_space<vmem>>
        %dma_start3A_164 = arith.constant 0 : i32
        %dma_start3A_165 = tpu.memref_slice %arg8[%add3A_158, %dma_start3A_164] : memref<136x128xi32, #tpu.memory_space<vmem>> -> memref<1x128xi32, #tpu.memory_space<vmem>>
        %dma_start3A_166 = tpu.memref_squeeze %dma_start3A_165 : memref<1x128xi32, #tpu.memory_space<vmem>> -> memref<128xi32, #tpu.memory_space<vmem>>
        %dma_start3A_167 = arith.constant 0 : i32
        %dma_start3A_168 = arith.constant 0 : i32
        %dma_start3A_169 = tpu.memref_slice %arg10[%dma_start3A_167, %dma_start3A_168] : memref<10240x16xf32, #tpu.memory_space<vmem_shared>> -> memref<10240x16xf32, #tpu.memory_space<vmem_shared>>
        tpu.enqueue_indirect_dma source(%dma_start3A_163 : memref<128x16xf32, #tpu.memory_space<vmem>>) target(%dma_start3A_169 : memref<10240x16xf32, #tpu.memory_space<vmem_shared>>) offsets(%dma_start3A_166 : memref<128xi32, #tpu.memory_space<vmem>>) semaphore(%arg12 : memref<!tpu.dma_semaphore, #tpu.memory_space<semaphore_mem>>) {add = true}
        %dma_wait3A_170 = arith.constant 1 : i32
        %dma_wait3A_171 = arith.constant 0 : i32
        %dma_wait3A_172 = arith.constant 0 : i32
        %dma_wait3A_173 = tpu.memref_slice %arg9[%dma_wait3A_170, %dma_wait3A_171, %dma_wait3A_172] : memref<8x128x16xf32, #tpu.memory_space<vmem>> -> memref<1x128x16xf32, #tpu.memory_space<vmem>>
        %dma_wait3A_174 = tpu.memref_squeeze %dma_wait3A_173 : memref<1x128x16xf32, #tpu.memory_space<vmem>> -> memref<128x16xf32, #tpu.memory_space<vmem>>
        %dma_wait3A_175 = arith.constant 0 : i32
        %dma_wait3A_176 = tpu.memref_slice %arg7[%add3A_57, %dma_wait3A_175] : memref<136x128xi32, #tpu.memory_space<vmem>> -> memref<1x128xi32, #tpu.memory_space<vmem>>
        %dma_wait3A_177 = tpu.memref_squeeze %dma_wait3A_176 : memref<1x128xi32, #tpu.memory_space<vmem>> -> memref<128xi32, #tpu.memory_space<vmem>>
        %dma_wait3A_178 = arith.constant 0 : i32
        %dma_wait3A_179 = arith.constant 0 : i32
        %dma_wait3A_180 = tpu.memref_slice %arg2[%dma_wait3A_178, %dma_wait3A_179] : memref<10240x16xf32, #tpu.memory_space<hbm>> -> memref<10240x16xf32, #tpu.memory_space<hbm>>
        tpu.wait_indirect_dma semaphore(%arg11 : memref<!tpu.dma_semaphore, #tpu.memory_space<semaphore_mem>>) src(%dma_wait3A_180 : memref<10240x16xf32, #tpu.memory_space<hbm>>) dst(%dma_wait3A_174 : memref<128x16xf32, #tpu.memory_space<vmem>>)
        %add3A_181 = arith.constant 1 : i32
        %add3A_182 = arith.addi %mul3A_43, %add3A_181 : i32
        %dma_start3A_183 = arith.constant 1 : i32
        %dma_start3A_184 = arith.constant 0 : i32
        %dma_start3A_185 = arith.constant 0 : i32
        %dma_start3A_186 = tpu.memref_slice %arg9[%dma_start3A_183, %dma_start3A_184, %dma_start3A_185] : memref<8x128x16xf32, #tpu.memory_space<vmem>> -> memref<1x128x16xf32, #tpu.memory_space<vmem>>
        %dma_start3A_187 = tpu.memref_squeeze %dma_start3A_186 : memref<1x128x16xf32, #tpu.memory_space<vmem>> -> memref<128x16xf32, #tpu.memory_space<vmem>>
        %dma_start3A_188 = arith.constant 0 : i32
        %dma_start3A_189 = tpu.memref_slice %arg8[%add3A_182, %dma_start3A_188] : memref<136x128xi32, #tpu.memory_space<vmem>> -> memref<1x128xi32, #tpu.memory_space<vmem>>
        %dma_start3A_190 = tpu.memref_squeeze %dma_start3A_189 : memref<1x128xi32, #tpu.memory_space<vmem>> -> memref<128xi32, #tpu.memory_space<vmem>>
        %dma_start3A_191 = arith.constant 0 : i32
        %dma_start3A_192 = arith.constant 0 : i32
        %dma_start3A_193 = tpu.memref_slice %arg10[%dma_start3A_191, %dma_start3A_192] : memref<10240x16xf32, #tpu.memory_space<vmem_shared>> -> memref<10240x16xf32, #tpu.memory_space<vmem_shared>>
        tpu.enqueue_indirect_dma source(%dma_start3A_187 : memref<128x16xf32, #tpu.memory_space<vmem>>) target(%dma_start3A_193 : memref<10240x16xf32, #tpu.memory_space<vmem_shared>>) offsets(%dma_start3A_190 : memref<128xi32, #tpu.memory_space<vmem>>) semaphore(%arg12 : memref<!tpu.dma_semaphore, #tpu.memory_space<semaphore_mem>>) {add = true}
        %dma_wait3A_194 = arith.constant 2 : i32
        %dma_wait3A_195 = arith.constant 0 : i32
        %dma_wait3A_196 = arith.constant 0 : i32
        %dma_wait3A_197 = tpu.memref_slice %arg9[%dma_wait3A_194, %dma_wait3A_195, %dma_wait3A_196] : memref<8x128x16xf32, #tpu.memory_space<vmem>> -> memref<1x128x16xf32, #tpu.memory_space<vmem>>
        %dma_wait3A_198 = tpu.memref_squeeze %dma_wait3A_197 : memref<1x128x16xf32, #tpu.memory_space<vmem>> -> memref<128x16xf32, #tpu.memory_space<vmem>>
        %dma_wait3A_199 = arith.constant 0 : i32
        %dma_wait3A_200 = tpu.memref_slice %arg7[%add3A_70, %dma_wait3A_199] : memref<136x128xi32, #tpu.memory_space<vmem>> -> memref<1x128xi32, #tpu.memory_space<vmem>>
        %dma_wait3A_201 = tpu.memref_squeeze %dma_wait3A_200 : memref<1x128xi32, #tpu.memory_space<vmem>> -> memref<128xi32, #tpu.memory_space<vmem>>
        %dma_wait3A_202 = arith.constant 0 : i32
        %dma_wait3A_203 = arith.constant 0 : i32
        %dma_wait3A_204 = tpu.memref_slice %arg2[%dma_wait3A_202, %dma_wait3A_203] : memref<10240x16xf32, #tpu.memory_space<hbm>> -> memref<10240x16xf32, #tpu.memory_space<hbm>>
        tpu.wait_indirect_dma semaphore(%arg11 : memref<!tpu.dma_semaphore, #tpu.memory_space<semaphore_mem>>) src(%dma_wait3A_204 : memref<10240x16xf32, #tpu.memory_space<hbm>>) dst(%dma_wait3A_198 : memref<128x16xf32, #tpu.memory_space<vmem>>)
        %add3A_205 = arith.constant 2 : i32
        %add3A_206 = arith.addi %mul3A_43, %add3A_205 : i32
        %dma_start3A_207 = arith.constant 2 : i32
        %dma_start3A_208 = arith.constant 0 : i32
        %dma_start3A_209 = arith.constant 0 : i32
        %dma_start3A_210 = tpu.memref_slice %arg9[%dma_start3A_207, %dma_start3A_208, %dma_start3A_209] : memref<8x128x16xf32, #tpu.memory_space<vmem>> -> memref<1x128x16xf32, #tpu.memory_space<vmem>>
        %dma_start3A_211 = tpu.memref_squeeze %dma_start3A_210 : memref<1x128x16xf32, #tpu.memory_space<vmem>> -> memref<128x16xf32, #tpu.memory_space<vmem>>
        %dma_start3A_212 = arith.constant 0 : i32
        %dma_start3A_213 = tpu.memref_slice %arg8[%add3A_206, %dma_start3A_212] : memref<136x128xi32, #tpu.memory_space<vmem>> -> memref<1x128xi32, #tpu.memory_space<vmem>>
        %dma_start3A_214 = tpu.memref_squeeze %dma_start3A_213 : memref<1x128xi32, #tpu.memory_space<vmem>> -> memref<128xi32, #tpu.memory_space<vmem>>
        %dma_start3A_215 = arith.constant 0 : i32
        %dma_start3A_216 = arith.constant 0 : i32
        %dma_start3A_217 = tpu.memref_slice %arg10[%dma_start3A_215, %dma_start3A_216] : memref<10240x16xf32, #tpu.memory_space<vmem_shared>> -> memref<10240x16xf32, #tpu.memory_space<vmem_shared>>
        tpu.enqueue_indirect_dma source(%dma_start3A_211 : memref<128x16xf32, #tpu.memory_space<vmem>>) target(%dma_start3A_217 : memref<10240x16xf32, #tpu.memory_space<vmem_shared>>) offsets(%dma_start3A_214 : memref<128xi32, #tpu.memory_space<vmem>>) semaphore(%arg12 : memref<!tpu.dma_semaphore, #tpu.memory_space<semaphore_mem>>) {add = true}
        %dma_wait3A_218 = arith.constant 3 : i32
        %dma_wait3A_219 = arith.constant 0 : i32
        %dma_wait3A_220 = arith.constant 0 : i32
        %dma_wait3A_221 = tpu.memref_slice %arg9[%dma_wait3A_218, %dma_wait3A_219, %dma_wait3A_220] : memref<8x128x16xf32, #tpu.memory_space<vmem>> -> memref<1x128x16xf32, #tpu.memory_space<vmem>>
        %dma_wait3A_222 = tpu.memref_squeeze %dma_wait3A_221 : memref<1x128x16xf32, #tpu.memory_space<vmem>> -> memref<128x16xf32, #tpu.memory_space<vmem>>
        %dma_wait3A_223 = arith.constant 0 : i32
        %dma_wait3A_224 = tpu.memref_slice %arg7[%add3A_83, %dma_wait3A_223] : memref<136x128xi32, #tpu.memory_space<vmem>> -> memref<1x128xi32, #tpu.memory_space<vmem>>
        %dma_wait3A_225 = tpu.memref_squeeze %dma_wait3A_224 : memref<1x128xi32, #tpu.memory_space<vmem>> -> memref<128xi32, #tpu.memory_space<vmem>>
        %dma_wait3A_226 = arith.constant 0 : i32
        %dma_wait3A_227 = arith.constant 0 : i32
        %dma_wait3A_228 = tpu.memref_slice %arg2[%dma_wait3A_226, %dma_wait3A_227] : memref<10240x16xf32, #tpu.memory_space<hbm>> -> memref<10240x16xf32, #tpu.memory_space<hbm>>
        tpu.wait_indirect_dma semaphore(%arg11 : memref<!tpu.dma_semaphore, #tpu.memory_space<semaphore_mem>>) src(%dma_wait3A_228 : memref<10240x16xf32, #tpu.memory_space<hbm>>) dst(%dma_wait3A_222 : memref<128x16xf32, #tpu.memory_space<vmem>>)
        %add3A_229 = arith.constant 3 : i32
        %add3A_230 = arith.addi %mul3A_43, %add3A_229 : i32
        %dma_start3A_231 = arith.constant 3 : i32
        %dma_start3A_232 = arith.constant 0 : i32
        %dma_start3A_233 = arith.constant 0 : i32
        %dma_start3A_234 = tpu.memref_slice %arg9[%dma_start3A_231, %dma_start3A_232, %dma_start3A_233] : memref<8x128x16xf32, #tpu.memory_space<vmem>> -> memref<1x128x16xf32, #tpu.memory_space<vmem>>
        %dma_start3A_235 = tpu.memref_squeeze %dma_start3A_234 : memref<1x128x16xf32, #tpu.memory_space<vmem>> -> memref<128x16xf32, #tpu.memory_space<vmem>>
        %dma_start3A_236 = arith.constant 0 : i32
        %dma_start3A_237 = tpu.memref_slice %arg8[%add3A_230, %dma_start3A_236] : memref<136x128xi32, #tpu.memory_space<vmem>> -> memref<1x128xi32, #tpu.memory_space<vmem>>
        %dma_start3A_238 = tpu.memref_squeeze %dma_start3A_237 : memref<1x128xi32, #tpu.memory_space<vmem>> -> memref<128xi32, #tpu.memory_space<vmem>>
        %dma_start3A_239 = arith.constant 0 : i32
        %dma_start3A_240 = arith.constant 0 : i32
        %dma_start3A_241 = tpu.memref_slice %arg10[%dma_start3A_239, %dma_start3A_240] : memref<10240x16xf32, #tpu.memory_space<vmem_shared>> -> memref<10240x16xf32, #tpu.memory_space<vmem_shared>>
        tpu.enqueue_indirect_dma source(%dma_start3A_235 : memref<128x16xf32, #tpu.memory_space<vmem>>) target(%dma_start3A_241 : memref<10240x16xf32, #tpu.memory_space<vmem_shared>>) offsets(%dma_start3A_238 : memref<128xi32, #tpu.memory_space<vmem>>) semaphore(%arg12 : memref<!tpu.dma_semaphore, #tpu.memory_space<semaphore_mem>>) {add = true}
        %dma_wait3A_242 = arith.constant 4 : i32
        %dma_wait3A_243 = arith.constant 0 : i32
        %dma_wait3A_244 = arith.constant 0 : i32
        %dma_wait3A_245 = tpu.memref_slice %arg9[%dma_wait3A_242, %dma_wait3A_243, %dma_wait3A_244] : memref<8x128x16xf32, #tpu.memory_space<vmem>> -> memref<1x128x16xf32, #tpu.memory_space<vmem>>
        %dma_wait3A_246 = tpu.memref_squeeze %dma_wait3A_245 : memref<1x128x16xf32, #tpu.memory_space<vmem>> -> memref<128x16xf32, #tpu.memory_space<vmem>>
        %dma_wait3A_247 = arith.constant 0 : i32
        %dma_wait3A_248 = tpu.memref_slice %arg7[%add3A_96, %dma_wait3A_247] : memref<136x128xi32, #tpu.memory_space<vmem>> -> memref<1x128xi32, #tpu.memory_space<vmem>>
        %dma_wait3A_249 = tpu.memref_squeeze %dma_wait3A_248 : memref<1x128xi32, #tpu.memory_space<vmem>> -> memref<128xi32, #tpu.memory_space<vmem>>
        %dma_wait3A_250 = arith.constant 0 : i32
        %dma_wait3A_251 = arith.constant 0 : i32
        %dma_wait3A_252 = tpu.memref_slice %arg2[%dma_wait3A_250, %dma_wait3A_251] : memref<10240x16xf32, #tpu.memory_space<hbm>> -> memref<10240x16xf32, #tpu.memory_space<hbm>>
        tpu.wait_indirect_dma semaphore(%arg11 : memref<!tpu.dma_semaphore, #tpu.memory_space<semaphore_mem>>) src(%dma_wait3A_252 : memref<10240x16xf32, #tpu.memory_space<hbm>>) dst(%dma_wait3A_246 : memref<128x16xf32, #tpu.memory_space<vmem>>)
        %add3A_253 = arith.constant 4 : i32
        %add3A_254 = arith.addi %mul3A_43, %add3A_253 : i32
        %dma_start3A_255 = arith.constant 4 : i32
        %dma_start3A_256 = arith.constant 0 : i32
        %dma_start3A_257 = arith.constant 0 : i32
        %dma_start3A_258 = tpu.memref_slice %arg9[%dma_start3A_255, %dma_start3A_256, %dma_start3A_257] : memref<8x128x16xf32, #tpu.memory_space<vmem>> -> memref<1x128x16xf32, #tpu.memory_space<vmem>>
        %dma_start3A_259 = tpu.memref_squeeze %dma_start3A_258 : memref<1x128x16xf32, #tpu.memory_space<vmem>> -> memref<128x16xf32, #tpu.memory_space<vmem>>
        %dma_start3A_260 = arith.constant 0 : i32
        %dma_start3A_261 = tpu.memref_slice %arg8[%add3A_254, %dma_start3A_260] : memref<136x128xi32, #tpu.memory_space<vmem>> -> memref<1x128xi32, #tpu.memory_space<vmem>>
        %dma_start3A_262 = tpu.memref_squeeze %dma_start3A_261 : memref<1x128xi32, #tpu.memory_space<vmem>> -> memref<128xi32, #tpu.memory_space<vmem>>
        %dma_start3A_263 = arith.constant 0 : i32
        %dma_start3A_264 = arith.constant 0 : i32
        %dma_start3A_265 = tpu.memref_slice %arg10[%dma_start3A_263, %dma_start3A_264] : memref<10240x16xf32, #tpu.memory_space<vmem_shared>> -> memref<10240x16xf32, #tpu.memory_space<vmem_shared>>
        tpu.enqueue_indirect_dma source(%dma_start3A_259 : memref<128x16xf32, #tpu.memory_space<vmem>>) target(%dma_start3A_265 : memref<10240x16xf32, #tpu.memory_space<vmem_shared>>) offsets(%dma_start3A_262 : memref<128xi32, #tpu.memory_space<vmem>>) semaphore(%arg12 : memref<!tpu.dma_semaphore, #tpu.memory_space<semaphore_mem>>) {add = true}
        %dma_wait3A_266 = arith.constant 5 : i32
        %dma_wait3A_267 = arith.constant 0 : i32
        %dma_wait3A_268 = arith.constant 0 : i32
        %dma_wait3A_269 = tpu.memref_slice %arg9[%dma_wait3A_266, %dma_wait3A_267, %dma_wait3A_268] : memref<8x128x16xf32, #tpu.memory_space<vmem>> -> memref<1x128x16xf32, #tpu.memory_space<vmem>>
        %dma_wait3A_270 = tpu.memref_squeeze %dma_wait3A_269 : memref<1x128x16xf32, #tpu.memory_space<vmem>> -> memref<128x16xf32, #tpu.memory_space<vmem>>
        %dma_wait3A_271 = arith.constant 0 : i32
        %dma_wait3A_272 = tpu.memref_slice %arg7[%add3A_109, %dma_wait3A_271] : memref<136x128xi32, #tpu.memory_space<vmem>> -> memref<1x128xi32, #tpu.memory_space<vmem>>
        %dma_wait3A_273 = tpu.memref_squeeze %dma_wait3A_272 : memref<1x128xi32, #tpu.memory_space<vmem>> -> memref<128xi32, #tpu.memory_space<vmem>>
        %dma_wait3A_274 = arith.constant 0 : i32
        %dma_wait3A_275 = arith.constant 0 : i32
        %dma_wait3A_276 = tpu.memref_slice %arg2[%dma_wait3A_274, %dma_wait3A_275] : memref<10240x16xf32, #tpu.memory_space<hbm>> -> memref<10240x16xf32, #tpu.memory_space<hbm>>
        tpu.wait_indirect_dma semaphore(%arg11 : memref<!tpu.dma_semaphore, #tpu.memory_space<semaphore_mem>>) src(%dma_wait3A_276 : memref<10240x16xf32, #tpu.memory_space<hbm>>) dst(%dma_wait3A_270 : memref<128x16xf32, #tpu.memory_space<vmem>>)
        %add3A_277 = arith.constant 5 : i32
        %add3A_278 = arith.addi %mul3A_43, %add3A_277 : i32
        %dma_start3A_279 = arith.constant 5 : i32
        %dma_start3A_280 = arith.constant 0 : i32
        %dma_start3A_281 = arith.constant 0 : i32
        %dma_start3A_282 = tpu.memref_slice %arg9[%dma_start3A_279, %dma_start3A_280, %dma_start3A_281] : memref<8x128x16xf32, #tpu.memory_space<vmem>> -> memref<1x128x16xf32, #tpu.memory_space<vmem>>
        %dma_start3A_283 = tpu.memref_squeeze %dma_start3A_282 : memref<1x128x16xf32, #tpu.memory_space<vmem>> -> memref<128x16xf32, #tpu.memory_space<vmem>>
        %dma_start3A_284 = arith.constant 0 : i32
        %dma_start3A_285 = tpu.memref_slice %arg8[%add3A_278, %dma_start3A_284] : memref<136x128xi32, #tpu.memory_space<vmem>> -> memref<1x128xi32, #tpu.memory_space<vmem>>
        %dma_start3A_286 = tpu.memref_squeeze %dma_start3A_285 : memref<1x128xi32, #tpu.memory_space<vmem>> -> memref<128xi32, #tpu.memory_space<vmem>>
        %dma_start3A_287 = arith.constant 0 : i32
        %dma_start3A_288 = arith.constant 0 : i32
        %dma_start3A_289 = tpu.memref_slice %arg10[%dma_start3A_287, %dma_start3A_288] : memref<10240x16xf32, #tpu.memory_space<vmem_shared>> -> memref<10240x16xf32, #tpu.memory_space<vmem_shared>>
        tpu.enqueue_indirect_dma source(%dma_start3A_283 : memref<128x16xf32, #tpu.memory_space<vmem>>) target(%dma_start3A_289 : memref<10240x16xf32, #tpu.memory_space<vmem_shared>>) offsets(%dma_start3A_286 : memref<128xi32, #tpu.memory_space<vmem>>) semaphore(%arg12 : memref<!tpu.dma_semaphore, #tpu.memory_space<semaphore_mem>>) {add = true}
        %dma_wait3A_290 = arith.constant 6 : i32
        %dma_wait3A_291 = arith.constant 0 : i32
        %dma_wait3A_292 = arith.constant 0 : i32
        %dma_wait3A_293 = tpu.memref_slice %arg9[%dma_wait3A_290, %dma_wait3A_291, %dma_wait3A_292] : memref<8x128x16xf32, #tpu.memory_space<vmem>> -> memref<1x128x16xf32, #tpu.memory_space<vmem>>
        %dma_wait3A_294 = tpu.memref_squeeze %dma_wait3A_293 : memref<1x128x16xf32, #tpu.memory_space<vmem>> -> memref<128x16xf32, #tpu.memory_space<vmem>>
        %dma_wait3A_295 = arith.constant 0 : i32
        %dma_wait3A_296 = tpu.memref_slice %arg7[%add3A_122, %dma_wait3A_295] : memref<136x128xi32, #tpu.memory_space<vmem>> -> memref<1x128xi32, #tpu.memory_space<vmem>>
        %dma_wait3A_297 = tpu.memref_squeeze %dma_wait3A_296 : memref<1x128xi32, #tpu.memory_space<vmem>> -> memref<128xi32, #tpu.memory_space<vmem>>
        %dma_wait3A_298 = arith.constant 0 : i32
        %dma_wait3A_299 = arith.constant 0 : i32
        %dma_wait3A_300 = tpu.memref_slice %arg2[%dma_wait3A_298, %dma_wait3A_299] : memref<10240x16xf32, #tpu.memory_space<hbm>> -> memref<10240x16xf32, #tpu.memory_space<hbm>>
        tpu.wait_indirect_dma semaphore(%arg11 : memref<!tpu.dma_semaphore, #tpu.memory_space<semaphore_mem>>) src(%dma_wait3A_300 : memref<10240x16xf32, #tpu.memory_space<hbm>>) dst(%dma_wait3A_294 : memref<128x16xf32, #tpu.memory_space<vmem>>)
        %add3A_301 = arith.constant 6 : i32
        %add3A_302 = arith.addi %mul3A_43, %add3A_301 : i32
        %dma_start3A_303 = arith.constant 6 : i32
        %dma_start3A_304 = arith.constant 0 : i32
        %dma_start3A_305 = arith.constant 0 : i32
        %dma_start3A_306 = tpu.memref_slice %arg9[%dma_start3A_303, %dma_start3A_304, %dma_start3A_305] : memref<8x128x16xf32, #tpu.memory_space<vmem>> -> memref<1x128x16xf32, #tpu.memory_space<vmem>>
        %dma_start3A_307 = tpu.memref_squeeze %dma_start3A_306 : memref<1x128x16xf32, #tpu.memory_space<vmem>> -> memref<128x16xf32, #tpu.memory_space<vmem>>
        %dma_start3A_308 = arith.constant 0 : i32
        %dma_start3A_309 = tpu.memref_slice %arg8[%add3A_302, %dma_start3A_308] : memref<136x128xi32, #tpu.memory_space<vmem>> -> memref<1x128xi32, #tpu.memory_space<vmem>>
        %dma_start3A_310 = tpu.memref_squeeze %dma_start3A_309 : memref<1x128xi32, #tpu.memory_space<vmem>> -> memref<128xi32, #tpu.memory_space<vmem>>
        %dma_start3A_311 = arith.constant 0 : i32
        %dma_start3A_312 = arith.constant 0 : i32
        %dma_start3A_313 = tpu.memref_slice %arg10[%dma_start3A_311, %dma_start3A_312] : memref<10240x16xf32, #tpu.memory_space<vmem_shared>> -> memref<10240x16xf32, #tpu.memory_space<vmem_shared>>
        tpu.enqueue_indirect_dma source(%dma_start3A_307 : memref<128x16xf32, #tpu.memory_space<vmem>>) target(%dma_start3A_313 : memref<10240x16xf32, #tpu.memory_space<vmem_shared>>) offsets(%dma_start3A_310 : memref<128xi32, #tpu.memory_space<vmem>>) semaphore(%arg12 : memref<!tpu.dma_semaphore, #tpu.memory_space<semaphore_mem>>) {add = true}
        %dma_wait3A_314 = arith.constant 7 : i32
        %dma_wait3A_315 = arith.constant 0 : i32
        %dma_wait3A_316 = arith.constant 0 : i32
        %dma_wait3A_317 = tpu.memref_slice %arg9[%dma_wait3A_314, %dma_wait3A_315, %dma_wait3A_316] : memref<8x128x16xf32, #tpu.memory_space<vmem>> -> memref<1x128x16xf32, #tpu.memory_space<vmem>>
        %dma_wait3A_318 = tpu.memref_squeeze %dma_wait3A_317 : memref<1x128x16xf32, #tpu.memory_space<vmem>> -> memref<128x16xf32, #tpu.memory_space<vmem>>
        %dma_wait3A_319 = arith.constant 0 : i32
        %dma_wait3A_320 = tpu.memref_slice %arg7[%add3A_135, %dma_wait3A_319] : memref<136x128xi32, #tpu.memory_space<vmem>> -> memref<1x128xi32, #tpu.memory_space<vmem>>
        %dma_wait3A_321 = tpu.memref_squeeze %dma_wait3A_320 : memref<1x128xi32, #tpu.memory_space<vmem>> -> memref<128xi32, #tpu.memory_space<vmem>>
        %dma_wait3A_322 = arith.constant 0 : i32
        %dma_wait3A_323 = arith.constant 0 : i32
        %dma_wait3A_324 = tpu.memref_slice %arg2[%dma_wait3A_322, %dma_wait3A_323] : memref<10240x16xf32, #tpu.memory_space<hbm>> -> memref<10240x16xf32, #tpu.memory_space<hbm>>
        tpu.wait_indirect_dma semaphore(%arg11 : memref<!tpu.dma_semaphore, #tpu.memory_space<semaphore_mem>>) src(%dma_wait3A_324 : memref<10240x16xf32, #tpu.memory_space<hbm>>) dst(%dma_wait3A_318 : memref<128x16xf32, #tpu.memory_space<vmem>>)
        %add3A_325 = arith.constant 7 : i32
        %add3A_326 = arith.addi %mul3A_43, %add3A_325 : i32
        %dma_start3A_327 = arith.constant 7 : i32
        %dma_start3A_328 = arith.constant 0 : i32
        %dma_start3A_329 = arith.constant 0 : i32
        %dma_start3A_330 = tpu.memref_slice %arg9[%dma_start3A_327, %dma_start3A_328, %dma_start3A_329] : memref<8x128x16xf32, #tpu.memory_space<vmem>> -> memref<1x128x16xf32, #tpu.memory_space<vmem>>
        %dma_start3A_331 = tpu.memref_squeeze %dma_start3A_330 : memref<1x128x16xf32, #tpu.memory_space<vmem>> -> memref<128x16xf32, #tpu.memory_space<vmem>>
        %dma_start3A_332 = arith.constant 0 : i32
        %dma_start3A_333 = tpu.memref_slice %arg8[%add3A_326, %dma_start3A_332] : memref<136x128xi32, #tpu.memory_space<vmem>> -> memref<1x128xi32, #tpu.memory_space<vmem>>
        %dma_start3A_334 = tpu.memref_squeeze %dma_start3A_333 : memref<1x128xi32, #tpu.memory_space<vmem>> -> memref<128xi32, #tpu.memory_space<vmem>>
        %dma_start3A_335 = arith.constant 0 : i32
        %dma_start3A_336 = arith.constant 0 : i32
        %dma_start3A_337 = tpu.memref_slice %arg10[%dma_start3A_335, %dma_start3A_336] : memref<10240x16xf32, #tpu.memory_space<vmem_shared>> -> memref<10240x16xf32, #tpu.memory_space<vmem_shared>>
        tpu.enqueue_indirect_dma source(%dma_start3A_331 : memref<128x16xf32, #tpu.memory_space<vmem>>) target(%dma_start3A_337 : memref<10240x16xf32, #tpu.memory_space<vmem_shared>>) offsets(%dma_start3A_334 : memref<128xi32, #tpu.memory_space<vmem>>) semaphore(%arg12 : memref<!tpu.dma_semaphore, #tpu.memory_space<semaphore_mem>>) {add = true}
        %dma_wait3A_338 = arith.constant 0 : i32
        %dma_wait3A_339 = arith.constant 0 : i32
        %dma_wait3A_340 = arith.constant 0 : i32
        %dma_wait3A_341 = tpu.memref_slice %arg9[%dma_wait3A_338, %dma_wait3A_339, %dma_wait3A_340] : memref<8x128x16xf32, #tpu.memory_space<vmem>> -> memref<1x128x16xf32, #tpu.memory_space<vmem>>
        %dma_wait3A_342 = tpu.memref_squeeze %dma_wait3A_341 : memref<1x128x16xf32, #tpu.memory_space<vmem>> -> memref<128x16xf32, #tpu.memory_space<vmem>>
        %dma_wait3A_343 = arith.constant 0 : i32
        %dma_wait3A_344 = tpu.memref_slice %arg8[%add3A_158, %dma_wait3A_343] : memref<136x128xi32, #tpu.memory_space<vmem>> -> memref<1x128xi32, #tpu.memory_space<vmem>>
        %dma_wait3A_345 = tpu.memref_squeeze %dma_wait3A_344 : memref<1x128xi32, #tpu.memory_space<vmem>> -> memref<128xi32, #tpu.memory_space<vmem>>
        %dma_wait3A_346 = arith.constant 0 : i32
        %dma_wait3A_347 = arith.constant 0 : i32
        %dma_wait3A_348 = tpu.memref_slice %arg10[%dma_wait3A_346, %dma_wait3A_347] : memref<10240x16xf32, #tpu.memory_space<vmem_shared>> -> memref<10240x16xf32, #tpu.memory_space<vmem_shared>>
        tpu.wait_indirect_dma semaphore(%arg12 : memref<!tpu.dma_semaphore, #tpu.memory_space<semaphore_mem>>) src(%dma_wait3A_342 : memref<128x16xf32, #tpu.memory_space<vmem>>) dst(%dma_wait3A_348 : memref<10240x16xf32, #tpu.memory_space<vmem_shared>>)
        %dma_wait3A_349 = arith.constant 1 : i32
        %dma_wait3A_350 = arith.constant 0 : i32
        %dma_wait3A_351 = arith.constant 0 : i32
        %dma_wait3A_352 = tpu.memref_slice %arg9[%dma_wait3A_349, %dma_wait3A_350, %dma_wait3A_351] : memref<8x128x16xf32, #tpu.memory_space<vmem>> -> memref<1x128x16xf32, #tpu.memory_space<vmem>>
        %dma_wait3A_353 = tpu.memref_squeeze %dma_wait3A_352 : memref<1x128x16xf32, #tpu.memory_space<vmem>> -> memref<128x16xf32, #tpu.memory_space<vmem>>
        %dma_wait3A_354 = arith.constant 0 : i32
        %dma_wait3A_355 = tpu.memref_slice %arg8[%add3A_182, %dma_wait3A_354] : memref<136x128xi32, #tpu.memory_space<vmem>> -> memref<1x128xi32, #tpu.memory_space<vmem>>
        %dma_wait3A_356 = tpu.memref_squeeze %dma_wait3A_355 : memref<1x128xi32, #tpu.memory_space<vmem>> -> memref<128xi32, #tpu.memory_space<vmem>>
        %dma_wait3A_357 = arith.constant 0 : i32
        %dma_wait3A_358 = arith.constant 0 : i32
        %dma_wait3A_359 = tpu.memref_slice %arg10[%dma_wait3A_357, %dma_wait3A_358] : memref<10240x16xf32, #tpu.memory_space<vmem_shared>> -> memref<10240x16xf32, #tpu.memory_space<vmem_shared>>
        tpu.wait_indirect_dma semaphore(%arg12 : memref<!tpu.dma_semaphore, #tpu.memory_space<semaphore_mem>>) src(%dma_wait3A_353 : memref<128x16xf32, #tpu.memory_space<vmem>>) dst(%dma_wait3A_359 : memref<10240x16xf32, #tpu.memory_space<vmem_shared>>)
        %dma_wait3A_360 = arith.constant 2 : i32
        %dma_wait3A_361 = arith.constant 0 : i32
        %dma_wait3A_362 = arith.constant 0 : i32
        %dma_wait3A_363 = tpu.memref_slice %arg9[%dma_wait3A_360, %dma_wait3A_361, %dma_wait3A_362] : memref<8x128x16xf32, #tpu.memory_space<vmem>> -> memref<1x128x16xf32, #tpu.memory_space<vmem>>
        %dma_wait3A_364 = tpu.memref_squeeze %dma_wait3A_363 : memref<1x128x16xf32, #tpu.memory_space<vmem>> -> memref<128x16xf32, #tpu.memory_space<vmem>>
        %dma_wait3A_365 = arith.constant 0 : i32
        %dma_wait3A_366 = tpu.memref_slice %arg8[%add3A_206, %dma_wait3A_365] : memref<136x128xi32, #tpu.memory_space<vmem>> -> memref<1x128xi32, #tpu.memory_space<vmem>>
        %dma_wait3A_367 = tpu.memref_squeeze %dma_wait3A_366 : memref<1x128xi32, #tpu.memory_space<vmem>> -> memref<128xi32, #tpu.memory_space<vmem>>
        %dma_wait3A_368 = arith.constant 0 : i32
        %dma_wait3A_369 = arith.constant 0 : i32
        %dma_wait3A_370 = tpu.memref_slice %arg10[%dma_wait3A_368, %dma_wait3A_369] : memref<10240x16xf32, #tpu.memory_space<vmem_shared>> -> memref<10240x16xf32, #tpu.memory_space<vmem_shared>>
        tpu.wait_indirect_dma semaphore(%arg12 : memref<!tpu.dma_semaphore, #tpu.memory_space<semaphore_mem>>) src(%dma_wait3A_364 : memref<128x16xf32, #tpu.memory_space<vmem>>) dst(%dma_wait3A_370 : memref<10240x16xf32, #tpu.memory_space<vmem_shared>>)
        %dma_wait3A_371 = arith.constant 3 : i32
        %dma_wait3A_372 = arith.constant 0 : i32
        %dma_wait3A_373 = arith.constant 0 : i32
        %dma_wait3A_374 = tpu.memref_slice %arg9[%dma_wait3A_371, %dma_wait3A_372, %dma_wait3A_373] : memref<8x128x16xf32, #tpu.memory_space<vmem>> -> memref<1x128x16xf32, #tpu.memory_space<vmem>>
        %dma_wait3A_375 = tpu.memref_squeeze %dma_wait3A_374 : memref<1x128x16xf32, #tpu.memory_space<vmem>> -> memref<128x16xf32, #tpu.memory_space<vmem>>
        %dma_wait3A_376 = arith.constant 0 : i32
        %dma_wait3A_377 = tpu.memref_slice %arg8[%add3A_230, %dma_wait3A_376] : memref<136x128xi32, #tpu.memory_space<vmem>> -> memref<1x128xi32, #tpu.memory_space<vmem>>
        %dma_wait3A_378 = tpu.memref_squeeze %dma_wait3A_377 : memref<1x128xi32, #tpu.memory_space<vmem>> -> memref<128xi32, #tpu.memory_space<vmem>>
        %dma_wait3A_379 = arith.constant 0 : i32
        %dma_wait3A_380 = arith.constant 0 : i32
        %dma_wait3A_381 = tpu.memref_slice %arg10[%dma_wait3A_379, %dma_wait3A_380] : memref<10240x16xf32, #tpu.memory_space<vmem_shared>> -> memref<10240x16xf32, #tpu.memory_space<vmem_shared>>
        tpu.wait_indirect_dma semaphore(%arg12 : memref<!tpu.dma_semaphore, #tpu.memory_space<semaphore_mem>>) src(%dma_wait3A_375 : memref<128x16xf32, #tpu.memory_space<vmem>>) dst(%dma_wait3A_381 : memref<10240x16xf32, #tpu.memory_space<vmem_shared>>)
        %dma_wait3A_382 = arith.constant 4 : i32
        %dma_wait3A_383 = arith.constant 0 : i32
        %dma_wait3A_384 = arith.constant 0 : i32
        %dma_wait3A_385 = tpu.memref_slice %arg9[%dma_wait3A_382, %dma_wait3A_383, %dma_wait3A_384] : memref<8x128x16xf32, #tpu.memory_space<vmem>> -> memref<1x128x16xf32, #tpu.memory_space<vmem>>
        %dma_wait3A_386 = tpu.memref_squeeze %dma_wait3A_385 : memref<1x128x16xf32, #tpu.memory_space<vmem>> -> memref<128x16xf32, #tpu.memory_space<vmem>>
        %dma_wait3A_387 = arith.constant 0 : i32
        %dma_wait3A_388 = tpu.memref_slice %arg8[%add3A_254, %dma_wait3A_387] : memref<136x128xi32, #tpu.memory_space<vmem>> -> memref<1x128xi32, #tpu.memory_space<vmem>>
        %dma_wait3A_389 = tpu.memref_squeeze %dma_wait3A_388 : memref<1x128xi32, #tpu.memory_space<vmem>> -> memref<128xi32, #tpu.memory_space<vmem>>
        %dma_wait3A_390 = arith.constant 0 : i32
        %dma_wait3A_391 = arith.constant 0 : i32
        %dma_wait3A_392 = tpu.memref_slice %arg10[%dma_wait3A_390, %dma_wait3A_391] : memref<10240x16xf32, #tpu.memory_space<vmem_shared>> -> memref<10240x16xf32, #tpu.memory_space<vmem_shared>>
        tpu.wait_indirect_dma semaphore(%arg12 : memref<!tpu.dma_semaphore, #tpu.memory_space<semaphore_mem>>) src(%dma_wait3A_386 : memref<128x16xf32, #tpu.memory_space<vmem>>) dst(%dma_wait3A_392 : memref<10240x16xf32, #tpu.memory_space<vmem_shared>>)
        %dma_wait3A_393 = arith.constant 5 : i32
        %dma_wait3A_394 = arith.constant 0 : i32
        %dma_wait3A_395 = arith.constant 0 : i32
        %dma_wait3A_396 = tpu.memref_slice %arg9[%dma_wait3A_393, %dma_wait3A_394, %dma_wait3A_395] : memref<8x128x16xf32, #tpu.memory_space<vmem>> -> memref<1x128x16xf32, #tpu.memory_space<vmem>>
        %dma_wait3A_397 = tpu.memref_squeeze %dma_wait3A_396 : memref<1x128x16xf32, #tpu.memory_space<vmem>> -> memref<128x16xf32, #tpu.memory_space<vmem>>
        %dma_wait3A_398 = arith.constant 0 : i32
        %dma_wait3A_399 = tpu.memref_slice %arg8[%add3A_278, %dma_wait3A_398] : memref<136x128xi32, #tpu.memory_space<vmem>> -> memref<1x128xi32, #tpu.memory_space<vmem>>
        %dma_wait3A_400 = tpu.memref_squeeze %dma_wait3A_399 : memref<1x128xi32, #tpu.memory_space<vmem>> -> memref<128xi32, #tpu.memory_space<vmem>>
        %dma_wait3A_401 = arith.constant 0 : i32
        %dma_wait3A_402 = arith.constant 0 : i32
        %dma_wait3A_403 = tpu.memref_slice %arg10[%dma_wait3A_401, %dma_wait3A_402] : memref<10240x16xf32, #tpu.memory_space<vmem_shared>> -> memref<10240x16xf32, #tpu.memory_space<vmem_shared>>
        tpu.wait_indirect_dma semaphore(%arg12 : memref<!tpu.dma_semaphore, #tpu.memory_space<semaphore_mem>>) src(%dma_wait3A_397 : memref<128x16xf32, #tpu.memory_space<vmem>>) dst(%dma_wait3A_403 : memref<10240x16xf32, #tpu.memory_space<vmem_shared>>)
        %dma_wait3A_404 = arith.constant 6 : i32
        %dma_wait3A_405 = arith.constant 0 : i32
        %dma_wait3A_406 = arith.constant 0 : i32
        %dma_wait3A_407 = tpu.memref_slice %arg9[%dma_wait3A_404, %dma_wait3A_405, %dma_wait3A_406] : memref<8x128x16xf32, #tpu.memory_space<vmem>> -> memref<1x128x16xf32, #tpu.memory_space<vmem>>
        %dma_wait3A_408 = tpu.memref_squeeze %dma_wait3A_407 : memref<1x128x16xf32, #tpu.memory_space<vmem>> -> memref<128x16xf32, #tpu.memory_space<vmem>>
        %dma_wait3A_409 = arith.constant 0 : i32
        %dma_wait3A_410 = tpu.memref_slice %arg8[%add3A_302, %dma_wait3A_409] : memref<136x128xi32, #tpu.memory_space<vmem>> -> memref<1x128xi32, #tpu.memory_space<vmem>>
        %dma_wait3A_411 = tpu.memref_squeeze %dma_wait3A_410 : memref<1x128xi32, #tpu.memory_space<vmem>> -> memref<128xi32, #tpu.memory_space<vmem>>
        %dma_wait3A_412 = arith.constant 0 : i32
        %dma_wait3A_413 = arith.constant 0 : i32
        %dma_wait3A_414 = tpu.memref_slice %arg10[%dma_wait3A_412, %dma_wait3A_413] : memref<10240x16xf32, #tpu.memory_space<vmem_shared>> -> memref<10240x16xf32, #tpu.memory_space<vmem_shared>>
        tpu.wait_indirect_dma semaphore(%arg12 : memref<!tpu.dma_semaphore, #tpu.memory_space<semaphore_mem>>) src(%dma_wait3A_408 : memref<128x16xf32, #tpu.memory_space<vmem>>) dst(%dma_wait3A_414 : memref<10240x16xf32, #tpu.memory_space<vmem_shared>>)
        %dma_wait3A_415 = arith.constant 7 : i32
        %dma_wait3A_416 = arith.constant 0 : i32
        %dma_wait3A_417 = arith.constant 0 : i32
        %dma_wait3A_418 = tpu.memref_slice %arg9[%dma_wait3A_415, %dma_wait3A_416, %dma_wait3A_417] : memref<8x128x16xf32, #tpu.memory_space<vmem>> -> memref<1x128x16xf32, #tpu.memory_space<vmem>>
        %dma_wait3A_419 = tpu.memref_squeeze %dma_wait3A_418 : memref<1x128x16xf32, #tpu.memory_space<vmem>> -> memref<128x16xf32, #tpu.memory_space<vmem>>
        %dma_wait3A_420 = arith.constant 0 : i32
        %dma_wait3A_421 = tpu.memref_slice %arg8[%add3A_326, %dma_wait3A_420] : memref<136x128xi32, #tpu.memory_space<vmem>> -> memref<1x128xi32, #tpu.memory_space<vmem>>
        %dma_wait3A_422 = tpu.memref_squeeze %dma_wait3A_421 : memref<1x128xi32, #tpu.memory_space<vmem>> -> memref<128xi32, #tpu.memory_space<vmem>>
        %dma_wait3A_423 = arith.constant 0 : i32
        %dma_wait3A_424 = arith.constant 0 : i32
        %dma_wait3A_425 = tpu.memref_slice %arg10[%dma_wait3A_423, %dma_wait3A_424] : memref<10240x16xf32, #tpu.memory_space<vmem_shared>> -> memref<10240x16xf32, #tpu.memory_space<vmem_shared>>
        tpu.wait_indirect_dma semaphore(%arg12 : memref<!tpu.dma_semaphore, #tpu.memory_space<semaphore_mem>>) src(%dma_wait3A_419 : memref<128x16xf32, #tpu.memory_space<vmem>>) dst(%dma_wait3A_425 : memref<10240x16xf32, #tpu.memory_space<vmem_shared>>)
      }
      %scan3A_40 = arith.constant 3 : i32
    } else {
    }
    %barrier3A_35 = arith.constant 0 : index
    tpu.barrier barrier_id(%barrier3A_35)
    "tpu.region"() ({
      %run_scoped3A = tpu.sem_alloc : memref<!tpu.dma_semaphore, #tpu.memory_space<semaphore_mem>>
      %dma_start3A = arith.constant 0 : i32
      %dma_start3A_36 = tpu.memref_slice %arg6[%arg0, %mul3A_0, %dma_start3A] : memref<2x10240x16xf32, #tpu.memory_space<hbm>> -> memref<1x640x16xf32, #tpu.memory_space<hbm>>
      %dma_start3A_37 = tpu.memref_squeeze %dma_start3A_36 : memref<1x640x16xf32, #tpu.memory_space<hbm>> -> memref<640x16xf32, #tpu.memory_space<hbm>>
      %dma_start3A_38 = arith.constant 0 : i32
      %dma_start3A_39 = tpu.memref_slice %arg10[%mul3A_0, %dma_start3A_38] : memref<10240x16xf32, #tpu.memory_space<vmem_shared>> -> memref<640x16xf32, #tpu.memory_space<vmem_shared>>
      tpu.enqueue_dma source(%dma_start3A_39 : memref<640x16xf32, #tpu.memory_space<vmem_shared>>) target(%dma_start3A_37 : memref<640x16xf32, #tpu.memory_space<hbm>>) target_semaphore(%run_scoped3A : memref<!tpu.dma_semaphore, #tpu.memory_space<semaphore_mem>>)
      %dma_wait3A = arith.constant 0 : i32
      %dma_wait3A_40 = tpu.memref_slice %arg6[%arg0, %mul3A_0, %dma_wait3A] : memref<2x10240x16xf32, #tpu.memory_space<hbm>> -> memref<1x640x16xf32, #tpu.memory_space<hbm>>
      %dma_wait3A_41 = tpu.memref_squeeze %dma_wait3A_40 : memref<1x640x16xf32, #tpu.memory_space<hbm>> -> memref<640x16xf32, #tpu.memory_space<hbm>>
      %dma_wait3A_42 = arith.constant 0 : i32
      %dma_wait3A_43 = tpu.memref_slice %arg10[%mul3A_0, %dma_wait3A_42] : memref<10240x16xf32, #tpu.memory_space<vmem_shared>> -> memref<640x16xf32, #tpu.memory_space<vmem_shared>>
      tpu.wait_dma2 semaphore(%run_scoped3A : memref<!tpu.dma_semaphore, #tpu.memory_space<semaphore_mem>>) src(%dma_wait3A_43 : memref<640x16xf32, #tpu.memory_space<vmem_shared>>) dst(%dma_wait3A_41 : memref<640x16xf32, #tpu.memory_space<hbm>>)
      tpu.yield
    }) : () -> ()
    return
  }
}

module attributes {stable_mosaic.version = 14 : i64} {
  func.func @_tc0_body(%arg0: memref<10000x128xf32, #tpu.memory_space<vmem>>, %arg1: memref<128x16xf32, #tpu.memory_space<vmem>>, %arg2: memref<10240x16xf32, #tpu.memory_space<vmem>>) attributes {dimension_semantics = [], scalar_prefetch = 0 : i64, scratch_operands = 0 : i64, tpu.core_type = #tpu.core_type<tc>} {
    %get3A = arith.constant 0 : index
    %get3A_0 = arith.constant 0 : index
    %get3A_1 = vector.load %arg0[%get3A, %get3A_0] : memref<10000x128xf32, #tpu.memory_space<vmem>>, vector<10000x128xf32>
    %get3A_2 = arith.constant 0 : index
    %get3A_3 = arith.constant 0 : index
    %get3A_4 = vector.load %arg1[%get3A_2, %get3A_3] : memref<128x16xf32, #tpu.memory_space<vmem>>, vector<128x16xf32>
    %dot_general3A = arith.constant dense<0.000000e+00> : vector<10000x16xf32>
    %dot_general3A_5 = tpu.matmul %get3A_1, %get3A_4, %dot_general3A {dimension_numbers = #tpu.dot_dimension_numbers<[1], [0], [0], [1], [0, 0, 1, 1], [], []>, transpose_lhs_hint = false} : vector<10000x128xf32>, vector<128x16xf32>, vector<10000x16xf32> -> vector<10000x16xf32>
    %swap3A = arith.constant 0 : index
    %swap3A_6 = arith.constant 0 : index
    %swap3A_7 = vector.load %arg2[%swap3A, %swap3A_6] : memref<10240x16xf32, #tpu.memory_space<vmem>>, vector<10000x16xf32>
    tpu.vector_store %arg2[%swap3A, %swap3A_6], %dot_general3A_5 {strides = array<i32>} : memref<10240x16xf32, #tpu.memory_space<vmem>>, vector<10000x16xf32>,
    return
  }
}

module attributes {stable_mosaic.version = 14 : i64} {
  func.func @_tc1_body(%arg0: memref<2x1280x8xf32, #tpu.memory_space<vmem>>, %arg1: memref<1280x128xf32, #tpu.memory_space<vmem>>, %arg2: memref<8x128xf32, #tpu.memory_space<vmem>>, %arg3: memref<8x64xf32, #tpu.memory_space<vmem>>, %arg4: memref<1280x128xf32, #tpu.memory_space<vmem>>, %arg5: memref<1280x128xf32, #tpu.memory_space<vmem>>, %arg6: memref<1280x64xf32, #tpu.memory_space<vmem>>) attributes {dimension_semantics = [], scalar_prefetch = 0 : i64, scratch_operands = 0 : i64, tpu.core_type = #tpu.core_type<tc>} {
    %get3A = arith.constant 0 : index
    %get3A_0 = arith.constant 0 : index
    %get3A_1 = arith.constant 0 : index
    %get3A_2 = vector.load %arg0[%get3A, %get3A_0, %get3A_1] : memref<2x1280x8xf32, #tpu.memory_space<vmem>>, vector<1x1280x8xf32>
    %get3A_3 = vector.shape_cast %get3A_2 : vector<1x1280x8xf32> to vector<1280x8xf32>
    %get3A_4 = arith.constant 1 : index
    %get3A_5 = arith.constant 0 : index
    %get3A_6 = arith.constant 0 : index
    %get3A_7 = vector.load %arg0[%get3A_4, %get3A_5, %get3A_6] : memref<2x1280x8xf32, #tpu.memory_space<vmem>>, vector<1x1280x8xf32>
    %get3A_8 = vector.shape_cast %get3A_7 : vector<1x1280x8xf32> to vector<1280x8xf32>
    %add3A = arith.addf %get3A_3, %get3A_8 : vector<1280x8xf32>
    %add3A_9 = arith.constant 1.000000e+00 : f32
    %add3A_10 = vector.broadcast %add3A_9 : f32 to vector<1280x8xf32>
    %add3A_11 = arith.addf %add3A, %add3A_10 : vector<1280x8xf32>
    %rsqrt3A = math.rsqrt %add3A_11 : vector<1280x8xf32>
    %get3A_12 = arith.constant 0 : index
    %get3A_13 = arith.constant 0 : index
    %get3A_14 = vector.load %arg2[%get3A_12, %get3A_13] : memref<8x128xf32, #tpu.memory_space<vmem>>, vector<8x128xf32>
    %dot_general3A = arith.constant dense<0.000000e+00> : vector<1280x128xf32>
    %dot_general3A_15 = tpu.matmul %rsqrt3A, %get3A_14, %dot_general3A {dimension_numbers = #tpu.dot_dimension_numbers<[1], [0], [0], [1], [0, 0, 1, 1], [], []>, transpose_lhs_hint = false} : vector<1280x8xf32>, vector<8x128xf32>, vector<1280x128xf32> -> vector<1280x128xf32>
    %get3A_16 = arith.constant 0 : index
    %get3A_17 = arith.constant 0 : index
    %get3A_18 = vector.load %arg3[%get3A_16, %get3A_17] : memref<8x64xf32, #tpu.memory_space<vmem>>, vector<8x64xf32>
    %dot_general3A_19 = arith.constant dense<0.000000e+00> : vector<1280x64xf32>
    %dot_general3A_20 = tpu.matmul %rsqrt3A, %get3A_18, %dot_general3A_19 {dimension_numbers = #tpu.dot_dimension_numbers<[1], [0], [0], [1], [0, 0, 1, 1], [], []>, transpose_lhs_hint = false} : vector<1280x8xf32>, vector<8x64xf32>, vector<1280x64xf32> -> vector<1280x64xf32>
    %get3A_21 = arith.constant 0 : index
    %get3A_22 = arith.constant 0 : index
    %get3A_23 = vector.load %arg1[%get3A_21, %get3A_22] : memref<1280x128xf32, #tpu.memory_space<vmem>>, vector<1280x128xf32>
    %mul3A = arith.mulf %dot_general3A_15, %get3A_23 : vector<1280x128xf32>
    %swap3A = arith.constant 0 : index
    %swap3A_24 = arith.constant 0 : index
    %swap3A_25 = vector.load %arg4[%swap3A, %swap3A_24] : memref<1280x128xf32, #tpu.memory_space<vmem>>, vector<1280x128xf32>
    tpu.vector_store %arg4[%swap3A, %swap3A_24], %mul3A {strides = array<i32>} : memref<1280x128xf32, #tpu.memory_space<vmem>>, vector<1280x128xf32>,
    %swap3A_26 = arith.constant 0 : index
    %swap3A_27 = arith.constant 0 : index
    %swap3A_28 = vector.load %arg5[%swap3A_26, %swap3A_27] : memref<1280x128xf32, #tpu.memory_space<vmem>>, vector<1280x128xf32>
    tpu.vector_store %arg5[%swap3A_26, %swap3A_27], %dot_general3A_15 {strides = array<i32>} : memref<1280x128xf32, #tpu.memory_space<vmem>>, vector<1280x128xf32>,
    %swap3A_29 = arith.constant 0 : index
    %swap3A_30 = arith.constant 0 : index
    %swap3A_31 = vector.load %arg6[%swap3A_29, %swap3A_30] : memref<1280x64xf32, #tpu.memory_space<vmem>>, vector<1280x64xf32>
    tpu.vector_store %arg6[%swap3A_29, %swap3A_30], %dot_general3A_20 {strides = array<i32>} : memref<1280x64xf32, #tpu.memory_space<vmem>>, vector<1280x64xf32>,
    return
  }
}

module attributes {stable_mosaic.version = 14 : i64} {
  func.func @_tc2_body(%arg0: memref<2x1280x128xf32, #tpu.memory_space<vmem>>, %arg1: memref<1280x128xf32, #tpu.memory_space<vmem>>, %arg2: memref<1280x128xf32, #tpu.memory_space<vmem>>, %arg3: memref<1280x64xf32, #tpu.memory_space<vmem>>, %arg4: memref<1x128xf32, #tpu.memory_space<vmem>>, %arg5: memref<128x64xf32, #tpu.memory_space<vmem>>, %arg6: memref<1280x64xf32, #tpu.memory_space<vmem>>) attributes {dimension_semantics = [], scalar_prefetch = 0 : i64, scratch_operands = 0 : i64, tpu.core_type = #tpu.core_type<tc>} {
    %get3A = arith.constant 0 : index
    %get3A_0 = arith.constant 0 : index
    %get3A_1 = arith.constant 0 : index
    %get3A_2 = vector.load %arg0[%get3A, %get3A_0, %get3A_1] : memref<2x1280x128xf32, #tpu.memory_space<vmem>>, vector<1x1280x128xf32>
    %get3A_3 = vector.shape_cast %get3A_2 : vector<1x1280x128xf32> to vector<1280x128xf32>
    %get3A_4 = arith.constant 1 : index
    %get3A_5 = arith.constant 0 : index
    %get3A_6 = arith.constant 0 : index
    %get3A_7 = vector.load %arg0[%get3A_4, %get3A_5, %get3A_6] : memref<2x1280x128xf32, #tpu.memory_space<vmem>>, vector<1x1280x128xf32>
    %get3A_8 = vector.shape_cast %get3A_7 : vector<1x1280x128xf32> to vector<1280x128xf32>
    %add3A = arith.addf %get3A_3, %get3A_8 : vector<1280x128xf32>
    %get3A_9 = arith.constant 0 : index
    %get3A_10 = arith.constant 0 : index
    %get3A_11 = vector.load %arg2[%get3A_9, %get3A_10] : memref<1280x128xf32, #tpu.memory_space<vmem>>, vector<1280x128xf32>
    %get3A_12 = arith.constant 0 : index
    %get3A_13 = arith.constant 0 : index
    %get3A_14 = vector.load %arg1[%get3A_12, %get3A_13] : memref<1280x128xf32, #tpu.memory_space<vmem>>, vector<1280x128xf32>
    %add3A_15 = arith.addf %add3A, %get3A_14 : vector<1280x128xf32>
    %mul3A = arith.mulf %get3A_11, %add3A_15 : vector<1280x128xf32>
    %get3A_16 = arith.constant 0 : index
    %get3A_17 = arith.constant 0 : index
    %get3A_18 = vector.load %arg4[%get3A_16, %get3A_17] : memref<1x128xf32, #tpu.memory_space<vmem>>, vector<1x128xf32>
    %add3A_19 = vector.broadcast %get3A_18 : vector<1x128xf32> to vector<1280x128xf32>
    %add3A_20 = arith.addf %mul3A, %add3A_19 : vector<1280x128xf32>
    %max3A = arith.constant 0.000000e+00 : f32
    %max3A_21 = vector.broadcast %max3A : f32 to vector<1280x128xf32>
    %max3A_22 = arith.maximumf %add3A_20, %max3A_21 : vector<1280x128xf32>
    %get3A_23 = arith.constant 0 : index
    %get3A_24 = arith.constant 0 : index
    %get3A_25 = vector.load %arg3[%get3A_23, %get3A_24] : memref<1280x64xf32, #tpu.memory_space<vmem>>, vector<1280x64xf32>
    %get3A_26 = arith.constant 0 : index
    %get3A_27 = arith.constant 0 : index
    %get3A_28 = vector.load %arg5[%get3A_26, %get3A_27] : memref<128x64xf32, #tpu.memory_space<vmem>>, vector<128x64xf32>
    %dot_general3A = arith.constant dense<0.000000e+00> : vector<1280x64xf32>
    %dot_general3A_29 = tpu.matmul %max3A_22, %get3A_28, %dot_general3A {dimension_numbers = #tpu.dot_dimension_numbers<[1], [0], [0], [1], [0, 0, 1, 1], [], []>, transpose_lhs_hint = false} : vector<1280x128xf32>, vector<128x64xf32>, vector<1280x64xf32> -> vector<1280x64xf32>
    %mul3A_30 = arith.mulf %get3A_25, %dot_general3A_29 : vector<1280x64xf32>
    %swap3A = arith.constant 0 : index
    %swap3A_31 = arith.constant 0 : index
    %swap3A_32 = vector.load %arg6[%swap3A, %swap3A_31] : memref<1280x64xf32, #tpu.memory_space<vmem>>, vector<1280x64xf32>
    tpu.vector_store %arg6[%swap3A, %swap3A_31], %mul3A_30 {strides = array<i32>} : memref<1280x64xf32, #tpu.memory_space<vmem>>, vector<1280x64xf32>,
    return
  }
}

module attributes {stable_mosaic.version = 14 : i64} {
  func.func @_tc3_body(%arg0: memref<2x1280x64xf32, #tpu.memory_space<vmem>>, %arg1: memref<1280x64xf32, #tpu.memory_space<vmem>>, %arg2: memref<1280x64xf32, #tpu.memory_space<vmem>>, %arg3: memref<1x64xf32, #tpu.memory_space<vmem>>, %arg4: memref<64x80xf32, #tpu.memory_space<vmem>>, %arg5: memref<1x80xf32, #tpu.memory_space<vmem>>, %arg6: memref<1280x80xf32, #tpu.memory_space<vmem>>) attributes {dimension_semantics = [], scalar_prefetch = 0 : i64, scratch_operands = 0 : i64, tpu.core_type = #tpu.core_type<tc>} {
    %get3A = arith.constant 0 : index
    %get3A_0 = arith.constant 0 : index
    %get3A_1 = arith.constant 0 : index
    %get3A_2 = vector.load %arg0[%get3A, %get3A_0, %get3A_1] : memref<2x1280x64xf32, #tpu.memory_space<vmem>>, vector<1x1280x64xf32>
    %get3A_3 = vector.shape_cast %get3A_2 : vector<1x1280x64xf32> to vector<1280x64xf32>
    %get3A_4 = arith.constant 1 : index
    %get3A_5 = arith.constant 0 : index
    %get3A_6 = arith.constant 0 : index
    %get3A_7 = vector.load %arg0[%get3A_4, %get3A_5, %get3A_6] : memref<2x1280x64xf32, #tpu.memory_space<vmem>>, vector<1x1280x64xf32>
    %get3A_8 = vector.shape_cast %get3A_7 : vector<1x1280x64xf32> to vector<1280x64xf32>
    %add3A = arith.addf %get3A_3, %get3A_8 : vector<1280x64xf32>
    %get3A_9 = arith.constant 0 : index
    %get3A_10 = arith.constant 0 : index
    %get3A_11 = vector.load %arg2[%get3A_9, %get3A_10] : memref<1280x64xf32, #tpu.memory_space<vmem>>, vector<1280x64xf32>
    %get3A_12 = arith.constant 0 : index
    %get3A_13 = arith.constant 0 : index
    %get3A_14 = vector.load %arg1[%get3A_12, %get3A_13] : memref<1280x64xf32, #tpu.memory_space<vmem>>, vector<1280x64xf32>
    %add3A_15 = arith.addf %add3A, %get3A_14 : vector<1280x64xf32>
    %mul3A = arith.mulf %get3A_11, %add3A_15 : vector<1280x64xf32>
    %get3A_16 = arith.constant 0 : index
    %get3A_17 = arith.constant 0 : index
    %get3A_18 = vector.load %arg3[%get3A_16, %get3A_17] : memref<1x64xf32, #tpu.memory_space<vmem>>, vector<1x64xf32>
    %add3A_19 = vector.broadcast %get3A_18 : vector<1x64xf32> to vector<1280x64xf32>
    %add3A_20 = arith.addf %mul3A, %add3A_19 : vector<1280x64xf32>
    %get3A_21 = arith.constant 0 : index
    %get3A_22 = arith.constant 0 : index
    %get3A_23 = vector.load %arg4[%get3A_21, %get3A_22] : memref<64x80xf32, #tpu.memory_space<vmem>>, vector<64x80xf32>
    %dot_general3A = arith.constant dense<0.000000e+00> : vector<1280x80xf32>
    %dot_general3A_24 = tpu.matmul %add3A_20, %get3A_23, %dot_general3A {dimension_numbers = #tpu.dot_dimension_numbers<[1], [0], [0], [1], [0, 0, 1, 1], [], []>, transpose_lhs_hint = false} : vector<1280x64xf32>, vector<64x80xf32>, vector<1280x80xf32> -> vector<1280x80xf32>
    %get3A_25 = arith.constant 0 : index
    %get3A_26 = arith.constant 0 : index
    %get3A_27 = vector.load %arg5[%get3A_25, %get3A_26] : memref<1x80xf32, #tpu.memory_space<vmem>>, vector<1x80xf32>
    %add3A_28 = vector.broadcast %get3A_27 : vector<1x80xf32> to vector<1280x80xf32>
    %add3A_29 = arith.addf %dot_general3A_24, %add3A_28 : vector<1280x80xf32>
    %swap3A = arith.constant 0 : index
    %swap3A_30 = arith.constant 0 : index
    %swap3A_31 = vector.load %arg6[%swap3A, %swap3A_30] : memref<1280x80xf32, #tpu.memory_space<vmem>>, vector<1280x80xf32>
    tpu.vector_store %arg6[%swap3A, %swap3A_30], %add3A_29 {strides = array<i32>} : memref<1280x80xf32, #tpu.memory_space<vmem>>, vector<1280x80xf32>,
    return
  }
}

</mosaic_0001>

<sc_bundles>
// kernel: kernel.12.cloned.1.call-start
scs
__scs_entry_jumppad:
0x0: {  	(pc) =	sbr.rel $0x88, $3  }
0x1: {  	(tag) =	ssettag $0x0;
	lr =	simm.s32 $0x1  }
0x2: {  	[smem:$0x3F99] =	sst lr;
	_ =	strace $0xD0000000  }
0x3: {  	_ = 	snop  }
0x4: {  	_ = 	snop  }
0x5: {  	_ = 	snop  }
0x6: {  	_ = 	snop  }
0x7: {  	_ = 	snop  }
__scs_overlays_trampoline_lowered:
0x8: {  	[smem:$0x3FA8] =	sst s0  }
0x9: {  	[smem:$0x3FA9] =	sst s1  }
0xa: {  	[smem:$0x3FAA] =	sst s2  }
0xb: {  	[smem:$0x3FAB] =	sst s3  }
0xc: {  	[smem:$0x3FAC] =	sst s4  }
0xd: {  	[smem:$0x3FAD] =	sst s5  }
0xe: {  	[smem:$0x3FAE] =	sst s6  }
0xf: {  	[smem:$0x3FAF] =	sst s7  }
0x10: {  	[smem:$0x3FB0] =	sst s8  }
0x11: {  	[smem:$0x3FB1] =	sst s9;
	s0 =	simm.s32 @!p0 $0x0  }
0x12: {  	s1 =	sld [smem:$0x3F97];
	s0 =	simm.s32 @p0 $0x1  }
0x13: {  	[smem:$0x3FB2] =	sst s0;
	s0 =	simm.s32 @!p1 $0x0  }
0x14: {  	s2 =	sld [smem:$0x3F96];
	s0 =	simm.s32 @p1 $0x1  }
0x15: {  	[smem:$0x3FB3] =	sst s0;
	s0 =	simm.s32 @!p2 $0x0  }
0x16: {  	s3 =	sld [smem:$0x3FDB];
	s0 =	simm.s32 @p2 $0x1  }
0x17: {  	s4 =	simm.s32 $0x1BF5;
	[smem:$0x3FB5] =	sst s0  }
0x18: {  	s0 =	sld [smem:$0x3F98];
	_ =	swait.ge [sflag:s4], $0x0  }
0x19: {  	s7 =	sld [smem:$0x3F99]  }
0x1a: {  	s8 =	sadd.s32 $0xFFFFE003, lr  }
0x1b: {  	s9 =	sadd.s32 $0xFFFFFEF7, lr;
	s5 =	simm.s32 $0xFFFFFFFF;
	p2 =	slt.u32 s8, $0xFFFFF086  }
0x1c: {  	p1 =	slt.u32 s9, $0xF7A;
	s5 =	simm.s32 @!p2 $0x0  }
0x1d: {  	s5 =	simm.s32 @p1 $0x1;
	p0 =	seq.s32 s7, s2  }
0x1e: {  	s7 =	smul.u32 @!p0 $0xF7A, s2;
	p2 =	seq.s32 @!p0 s5, $0x0  }
0x1f: {  	s9 =	smul.u32 $0xF7A, s1;
	s8 =	simm.s32 @!p0 $0x1BF5;
	p2 =	por !p2, p0  }
0x20: {  	[sflag:s8] =	ssyncset.s32 @!p0 $0xFFFFF086;
	s6 =	sadd.s32 @!p0 s3, s7;
	s7 =	simm.s32 @!p0 $0x108  }
0x21: {  	s3 =	sadd.s32 s3, s9;
	s6 =	sadd.s32 @!p0 $0x88, s6;
	s7 =	simm.s32 @p2 $0x1082  }
0x22: {  	[simem:s7], [sflag:s8] =	dma.local @!p0 [hbm:s6], $0xF7A  }
0x23: {  	s9 =	sor.u32 $0xD0000000, s2;
	s6 =	simm.s32 $0x108;
	_ =	swait.ge @!p0 [sflag:s8], $0x0  }
0x24: {  	s3 =	sadd.s32 $0x88, s3;
	s6 =	simm.s32 @!p1 $0x1082;
	[sflag:s4] =	ssyncset.s32 $0xFFFFF086  }
0x25: {  	[simem:s6], [sflag:s4] =	dma.local [hbm:s3], $0xF7A  }
0x26: {  	[smem:$0x3F99] =	sst s1;
	(tag) =	ssettag s2;
	_ =	strace s9  }
0x27: {  	s1 =	sld [smem:$0x3FA9]  }
0x28: {  	s2 =	sld [smem:$0x3FAA]  }
0x29: {  	s4 =	sld [smem:$0x3FAC]  }
0x2a: {  	p0 =	seq.s32 s5, $0x0;
	s5 =	sld [smem:$0x3FAD]  }
0x2b: {  	s6 =	sld [smem:$0x3FAE]  }
0x2c: {  	s7 =	sld [smem:$0x3FAF]  }
0x2d: {  	s3 =	simm.s32 $0x108;
	s8 =	sld [smem:$0x3FB0]  }
0x2e: {  	s3 =	simm.s32 @!p0 $0x1082;
	s9 =	sld [smem:$0x3FB1]  }
0x2f: {  	lr =	sadd.s32 s0, s3;
	s0 =	sld [smem:$0x3FA8]  }
0x30: {  	s3 =	sld [smem:$0x3FAB]  }
0x31: {  	[smem:$0x3FB4] =	sst s10  }
0x32: {  	s10 =	sld [smem:$0x3FB2];
	_ =	sdelay $0x3  }
0x33: {  	p0 =	seq.s32 s10, $0x1;
	s10 =	sld [smem:$0x3FB4];
	_ =	sdelay $0x3  }
0x34: {  	[smem:$0x3FB4] =	sst s10  }
0x35: {  	s10 =	sld [smem:$0x3FB3];
	_ =	sdelay $0x3  }
0x36: {  	p1 =	seq.s32 s10, $0x1;
	s10 =	sld [smem:$0x3FB4];
	_ =	sdelay $0x3  }
0x37: {  	[smem:$0x3FB4] =	sst s10  }
0x38: {  	s10 =	sld [smem:$0x3FB5]  }
0x39: {  	_ = 	snop;
	(pc) =	sbr.ind lr, $3  }
0x3a: {  	_ = 	snop  }
0x3b: {  	_ = 	snop  }
0x3c: {  	p2 =	seq.s32 s10, $0x1;
	s10 =	sld [smem:$0x3FB4]  }
0x3d: {  	_ =	shalt  }
0x3e: {  	_ =	shalt  }
0x3f: {  	_ =	shalt  }
0x40: {  	_ =	shalt  }
0x41: {  	_ =	shalt  }
0x42: {  	_ =	shalt  }
0x43: {  	_ =	shalt  }
0x44: {  	_ =	shalt  }
0x45: {  	_ =	shalt  }
0x46: {  	_ =	shalt  }
0x47: {  	_ =	shalt  }
0x48: {  	_ =	shalt  }
0x49: {  	_ =	shalt  }
0x4a: {  	_ =	shalt  }
0x4b: {  	_ =	shalt  }
0x4c: {  	_ =	shalt  }
0x4d: {  	_ =	shalt  }
0x4e: {  	_ =	shalt  }
0x4f: {  	_ =	shalt  }
0x50: {  	_ =	shalt  }
0x51: {  	_ =	shalt  }
0x52: {  	_ =	shalt  }
0x53: {  	_ =	shalt  }
0x54: {  	_ =	shalt  }
0x55: {  	_ =	shalt  }
0x56: {  	_ =	shalt  }
0x57: {  	_ =	shalt  }
0x58: {  	_ =	shalt  }
0x59: {  	_ =	shalt  }
0x5a: {  	_ =	shalt  }
0x5b: {  	_ =	shalt  }
0x5c: {  	_ =	shalt  }
0x5d: {  	_ =	shalt  }
0x5e: {  	_ =	shalt  }
0x5f: {  	_ =	shalt  }
0x60: {  	_ =	shalt  }
0x61: {  	_ =	shalt  }
0x62: {  	_ =	shalt  }
0x63: {  	_ =	shalt  }
0x64: {  	_ =	shalt  }
0x65: {  	_ =	shalt  }
0x66: {  	_ =	shalt  }
0x67: {  	_ =	shalt  }
0x68: {  	_ =	shalt  }
0x69: {  	_ =	shalt  }
0x6a: {  	_ =	shalt  }
0x6b: {  	_ =	shalt  }
0x6c: {  	_ =	shalt  }
0x6d: {  	_ =	shalt  }
0x6e: {  	_ =	shalt  }
0x6f: {  	_ =	shalt  }
0x70: {  	_ =	shalt  }
0x71: {  	_ =	shalt  }
0x72: {  	_ =	shalt  }
0x73: {  	_ =	shalt  }
0x74: {  	_ =	shalt  }
0x75: {  	_ =	shalt  }
0x76: {  	_ =	shalt  }
0x77: {  	_ =	shalt  }
0x78: {  	_ =	shalt  }
0x79: {  	_ =	shalt  }
0x7a: {  	_ =	shalt  }
0x7b: {  	_ =	shalt  }
0x7c: {  	_ =	shalt  }
0x7d: {  	_ =	shalt  }
0x7e: {  	_ =	shalt  }
0x7f: {  	_ =	shalt  }
0x80: {  	_ =	shalt  }
0x81: {  	_ =	shalt  }
0x82: {  	_ =	shalt  }
0x83: {  	_ =	shalt  }
0x84: {  	_ =	shalt  }
0x85: {  	_ =	shalt  }
0x86: {  	_ =	shalt  }
0x87: {  	_ =	shalt  }
.Lfunc_end0:
.L_simem_size_0:
called_computation.1_lowered:
.L_overlay_start_0:
0x88: {  	s2 =	sld [smem:$0x3FD9]  }
0x89: {  	s3 =	sld [smem:$0x3FFE];
	_ =	sdelay $0x1  }
0x8a: {  	s1 =	srdreg.scid  }
0x8b: {  	s0 =	sand.u32 $0x1, s1  }
0x8c: {  	s16 =	sshll.u32 s0, $0xA;
	s2 =	sadd.s32 s3, s2  }
0x8d: {  	s2 =	sadd.s32 s2, s16  }
0x8e: {  	[smem:$0x3FC0] =	sst s2  }
0x8f: {  	_ = 	snop  }
0x90: {  	(tm) =	ssettm $0x1  }
0x91: {  	s17 =	sld [smem:$0x3FFB];
	_ =	sdelay $0x3  }
0x92: {  	_ =	strace s17  }
0x93: {  	s2 =	sld [smem:$0x3FFC];
	_ =	sdelay $0x3  }
0x94: {  	_ =	strace s2  }
0x95: {  	s2 =	sld [smem:$0x3FFD];
	_ =	sdelay $0x3  }
0x96: {  	_ =	strace s2  }
0x97: {  	_ =	strace $0x8FFFFFFF  }
0x98: {  	s18 =	sld [smem:$0x3FDB];
	_ =	sdelay $0x1  }
0x99: {  	s19 =	simm.s32 $_scs_section_size  }
0x9a: {  	s4 =	simm.s32 $_size__tile_overlayer_lowered;
	s5 =	simm.s32 $_tile_overlayer_lowered  }
0x9b: {  	s22 =	simm.s32 $0x1BFF;
	s21 =	sshll.u32 s5, $0x1;
	s2 =	sadd.s32 s19, s18  }
0x9c: {  	s6 =	simm.s32 $0x0;
	s20 =	sshll.u32 s4, $0x1;
	s4 =	sadd.s32 s21, s2  }
0x9d: {  	[timem:s6], [sflag:s22] =	dma.local [hbm:s4], s20  }
0x9e: {  	_ =	swait.ge [sflag:s22], s20  }
0x9f: {  	s3 =	ssub.s32 $0x0, s20;
	[sflag:s22] =	ssyncset.done $0x0  }
0xa0: {  	[sflag:s22] =	ssyncadd.s32 s3;
	_ =	sdelay $0x1  }
0xa1: {  	s23 =	simm.s32 $0x1B8B  }
0xa2: {  	_ =	swait.ge [sflag:s23], $0x1  }
0xa3: {  	[sflag:s23] =	ssyncset.done $0x0  }
0xa4: {  	s25 =	simm.s32 $0x1B8E;
	s24 =	sld [smem:$0x3FFE];
	[sflag:s23] =	ssyncadd.s32 $0xFFFFFFFF  }
0xa5: {  	s26 =	simm.s32 $execute0_lowered;
	[smem:$0x3FD2] =	sst s25  }
0xa6: {  	s4 =	sshll.u32 s26, $0x1;
	_ =	strace $0x80000049;
	[dreg:$0x1] =	wrdreg $0xFFFFFFFF  }
0xa7: {  	s28 =	simm.s32 $_size_execute0_lowered;
	s2 =	sadd.s32 s2, s4;
	[dreg:$0x0] =	wrdreg $0x0  }
0xa8: {  	s4 =	sshll.u32 s28, $0x1;
	[dreg:$0x2] =	wrdreg s2  }
0xa9: {  	[dreg:$0x3] =	wrdreg s4  }
0xaa: {  	[dreg:$0x4] =	wrdreg $0xC0  }
0xab: {  	_ =	task [dreg:s6], $0x5FFFF  }
0xac: {  	[dreg:$0x1] =	wrdreg $0xFFFFFFFF  }
0xad: {  	[dreg:$0x0] =	wrdreg $0x60  }
0xae: {  	[dreg:$0x2] =	wrdreg s24  }
0xaf: {  	[dreg:$0x3] =	wrdreg $0xC8000  }
0xb0: {  	[dreg:$0x4] =	wrdreg $0x9  }
0xb1: {  	_ =	task.clear_ibuf [dreg:s6], $0x5FFFF;
	_ =	strace $0x90000049  }
0xb2: {  	s29 =	simm.s32 $0x9;
	_ =	strace $0x8000004B  }
0xb3: {  	_ =	swait.ge [sflag:s29], $0x1  }
0xb4: {  	[sflag:s29] =	ssyncadd.s32 $0xFFFFFFFF  }
0xb5: {  	_ =	strace $0x9000004B  }
0xb6: {  	_ =	sfence  }
0xb7: {  	s30 =	sld [smem:$0x0];
	_ =	sdelay $0x2  }
0xb8: {  	s31 =	sshll.u32 s1, $0xD;
	s1 =	sshrl.u32 s1, $0x2  }
0xb9: {  	s3 =	sand.u32 $0x4000, s31;
	s1 =	sadd.s32 s1, s30  }
0xba: {  	s0 =	sor.u32 s3, s0;
	s1 =	sshll.u32 s1, $0x11  }
0xbb: {  	s0 =	sor.u32 s1, s0  }
0xbc: {  	s0 =	sadd.s32 $0x8F2B, s0  }
0xbd: {  	[sflag:s0] =	ssyncadd.remote.s32 $0x1  }
0xbe: {  	_ =	sfence.sel $0xFFFF  }
0xbf: {  	[dreg:$0x0] =	wrdreg $0xFFFFFFFF;
	(pc) =	sbr.abs _section_cstart, $3  }
0xc0: {  	[dreg:$0x1] =	wrdreg $0xFFFFFFFF  }
0xc1: {  	_ =	task.clear_ibuf [dreg:s6], $0x2FFFF;
	_ =	strace $0x9FFFFFFF  }
0xc2: {  	(tm) =	ssettm $0x7FFFFFFF  }
0xc3: {  	_ =	shalt  }
tec
execute0_lowered:
.L_overlay_start_1:
0x0: {  	(tag) =	ssettag $0x1  }
0x1: {  	s0 =	rddreg [dreg:$0x0]  }
0x2: {  	s2 =	rddreg [dreg:$0x1];
	s3 =	simm.s32 $0x0;
	s15 =	stileid.u32  }
0x3: {  	s1 =	srdreg.scid;
	s16 =	simm.s32 $0x80;
	s17 =	simm.s32 $0x8800  }
0x4: {  	s18 =	simm.s32 $0x9000;
	s19 =	simm.s32 $0x9800;
	s20 =	simm.s32 $0xA000  }
0x5: {  	s21 =	simm.s32 $0xA800;
	s22 =	simm.s32 $0xB000;
	s23 =	simm.s32 $0xB800  }
0x6: {  	s24 =	simm.s32 $0xC000;
	s25 =	simm.s32 $0x1;
	s30 =	simm.s32 $0x4F80  }
0x7: {  	s31 =	simm.s32 $0x0;
	[smem:$0x7FF] =	sst s3;
	s5 =	smul.u32 $0x2800, s15  }
0x8: {  	s1 =	sand.u32 $0x1, s1;
	s4 =	sadd.s32 $0xBC00, s0;
	s9 =	sadd.s32 $0x10C00, s0  }
0x9: {  	s10 =	sadd.s32 $0x1C00, s0;
	s12 =	smul.u32 $0x180, s15;
	s26 =	sshll.u32 s15, $0x6  }
0xa: {  	s29 =	smul.u32 $0x880, s15;
	s15 =	simm.s32 $0x4400;
	_ =	strace $0x8000004A  }
0xb: {  	s6 =	smul.u32 $0x28000, s1;
	s8 =	ssub.s32 $0x2, s1;
	p0 =	sne.s32 s1, $0x0  }
0xc: {  	s7 =	sshrl.u32 s5, $0x3;
	s11 =	sshrl.u32 s8, $0x1;
	s14 =	sadd.s32 s5, s2  }
0xd: {  	s28 =	sadd.s32 $0x8800, s12;
	s7 =	sadd.s32 s7, s0;
	s6 =	sadd.s32 s5, s6  }
.Ltmp0:
0xe: {  	s13 =	ssub.s32 s8, s11;
	s8 =	sadd.s32 s10, s28;
	(pc) =	sbr.rel .LBB2_1-.Ltmp0, $4  }
0xf: {  	s10 =	sadd.s32 s10, s29;
	s6 =	sshrl.u32 s6, $0x3;
	s5 =	sadd.s32 $0x1AC00, s7  }
0x10: {  	s7 =	sadd.s32 s9, s28;
	s9 =	sadd.s32 s9, s29;
	s12 =	smax.u32 s13, $0x1  }
0x11: {  	s13 =	sshrl.u32 s14, $0x3;
	s14 =	simm.s32 $0x3;
	s0 =	sadd.s32 s6, s0  }
0x12: {  	s6 =	sor.u32 $0x1C03, s26;
	s26 =	simm.s32 $0x2;
	s11 =	sadd.s32 $0x1FC00, s0  }
.LBB2_5:
0x13: {  	[tilespmem:s3], [sflag:$0x3] =	stream.linear.gather [hbm4b:s7+s3], $0xC00, $0x38;
	[tilespmem:$0xF000] =	vst v63  }
0x14: {  	_ =	swait.ge [sflag:s14], $0xC00  }
0x15: {  	[sflag:s14] =	ssyncset.done $0x0  }
0x16: {  	[sflag:s14] =	ssyncadd.s32 $0xFFFFF400  }
0x17: {  	[tilespmem:s15], [sflag:$0x3] =	stream.linear.gather [hbm4b:s8+s3], $0xC00, $0x38;
	[tilespmem:$0xF000] =	vst v63  }
0x18: {  	_ =	swait.ge [sflag:s14], $0xC00  }
0x19: {  	[sflag:s14] =	ssyncset.done $0x0  }
0x1a: {  	[sflag:s14] =	ssyncadd.s32 $0xFFFFF400  }
0x1b: {  	[bflag:$0x0] =	sbarrier.arrive $0xFFFF  }
0x1c: {  	[tilespmem:s17], [sflag:$0x1] =	stream.indirect.gather [hbm4b:s4+s16], $0x10, s3, s16, $0xb8;
	[tilespmem:$0xF000] =	vst v63  }
0x1d: {  	_ = 	snop  }
0x1e: {  	[tilespmem:s18], [sflag:$0x1] =	stream.indirect.gather [hbm4b:s4+s16], $0x10, s16, s16, $0xb8;
	[tilespmem:$0xF000] =	vst v63  }
0x1f: {  	s0 =	simm.s32 $0x100  }
0x20: {  	[tilespmem:s19], [sflag:$0x1] =	stream.indirect.gather [hbm4b:s4+s16], $0x10, s0, s16, $0xb8;
	[tilespmem:$0xF000] =	vst v63  }
0x21: {  	s29 =	simm.s32 $0x180  }
0x22: {  	[tilespmem:s20], [sflag:$0x1] =	stream.indirect.gather [hbm4b:s4+s16], $0x10, s29, s16, $0xb8;
	[tilespmem:$0xF000] =	vst v63  }
0x23: {  	s1 =	simm.s32 $0x200  }
0x24: {  	[tilespmem:s21], [sflag:$0x1] =	stream.indirect.gather [hbm4b:s4+s16], $0x10, s1, s16, $0xb8;
	[tilespmem:$0xF000] =	vst v63  }
0x25: {  	s28 =	simm.s32 $0x280  }
0x26: {  	[tilespmem:s22], [sflag:$0x1] =	stream.indirect.gather [hbm4b:s4+s16], $0x10, s28, s16, $0xb8;
	[tilespmem:$0xF000] =	vst v63  }
0x27: {  	s29 =	simm.s32 $0x300  }
0x28: {  	[tilespmem:s23], [sflag:$0x1] =	stream.indirect.gather [hbm4b:s4+s16], $0x10, s29, s16, $0xb8;
	[tilespmem:$0xF000] =	vst v63  }
0x29: {  	s1 =	simm.s32 $0x380  }
0x2a: {  	[tilespmem:s24], [sflag:$0x1] =	stream.indirect.gather [hbm4b:s4+s16], $0x10, s1, s16, $0xb8;
	[tilespmem:$0xF000] =	vst v63  }
0x2b: {  	_ =	swait.ge [sflag:s25], $0x800  }
0x2c: {  	[sflag:s25] =	ssyncset.done $0x0  }
0x2d: {  	[sflag:s25] =	ssyncadd.s32 $0xFFFFF800  }
0x2e: {  	[spmem:s2] =	stream.indirect.scatter.add.f32 [tilespmem:s17], [sflag:$0x2], $0x10, s15, s16, $0xb8;
	[tilespmem:$0xF000] =	vst v63  }
0x2f: {  	_ =	swait.ge [sflag:s25], $0x800  }
0x30: {  	[sflag:s25] =	ssyncset.done $0x0  }
0x31: {  	s28 =	simm.s32 $0x4480;
	[sflag:s25] =	ssyncadd.s32 $0xFFFFF800  }
0x32: {  	[spmem:s2] =	stream.indirect.scatter.add.f32 [tilespmem:s18], [sflag:$0x2], $0x10, s28, s16, $0xb8;
	[tilespmem:$0xF000] =	vst v63  }
0x33: {  	_ =	swait.ge [sflag:s25], $0x800  }
0x34: {  	[sflag:s25] =	ssyncset.done $0x0  }
0x35: {  	s29 =	simm.s32 $0x4500;
	[sflag:s25] =	ssyncadd.s32 $0xFFFFF800  }
0x36: {  	[spmem:s2] =	stream.indirect.scatter.add.f32 [tilespmem:s19], [sflag:$0x2], $0x10, s29, s16, $0xb8;
	[tilespmem:$0xF000] =	vst v63  }
0x37: {  	_ =	swait.ge [sflag:s25], $0x800  }
0x38: {  	[sflag:s25] =	ssyncset.done $0x0  }
0x39: {  	s1 =	simm.s32 $0x4580;
	[sflag:s25] =	ssyncadd.s32 $0xFFFFF800  }
0x3a: {  	[spmem:s2] =	stream.indirect.scatter.add.f32 [tilespmem:s20], [sflag:$0x2], $0x10, s1, s16, $0xb8;
	[tilespmem:$0xF000] =	vst v63  }
0x3b: {  	_ =	swait.ge [sflag:s25], $0x800  }
0x3c: {  	[sflag:s25] =	ssyncset.done $0x0  }
0x3d: {  	s28 =	simm.s32 $0x4600;
	[sflag:s25] =	ssyncadd.s32 $0xFFFFF800  }
0x3e: {  	[spmem:s2] =	stream.indirect.scatter.add.f32 [tilespmem:s21], [sflag:$0x2], $0x10, s28, s16, $0xb8;
	[tilespmem:$0xF000] =	vst v63  }
0x3f: {  	_ =	swait.ge [sflag:s25], $0x800  }
0x40: {  	[sflag:s25] =	ssyncset.done $0x0  }
0x41: {  	s29 =	simm.s32 $0x4680;
	[sflag:s25] =	ssyncadd.s32 $0xFFFFF800  }
0x42: {  	[spmem:s2] =	stream.indirect.scatter.add.f32 [tilespmem:s22], [sflag:$0x2], $0x10, s29, s16, $0xb8;
	[tilespmem:$0xF000] =	vst v63  }
0x43: {  	_ =	swait.ge [sflag:s25], $0x800  }
0x44: {  	[sflag:s25] =	ssyncset.done $0x0  }
0x45: {  	s1 =	simm.s32 $0x4700;
	[sflag:s25] =	ssyncadd.s32 $0xFFFFF800  }
0x46: {  	[spmem:s2] =	stream.indirect.scatter.add.f32 [tilespmem:s23], [sflag:$0x2], $0x10, s1, s16, $0xb8;
	[tilespmem:$0xF000] =	vst v63  }
0x47: {  	_ =	swait.ge [sflag:s25], $0x800  }
0x48: {  	[sflag:s25] =	ssyncset.done $0x0  }
0x49: {  	s28 =	simm.s32 $0x4780;
	[sflag:s25] =	ssyncadd.s32 $0xFFFFF800  }
0x4a: {  	[spmem:s2] =	stream.indirect.scatter.add.f32 [tilespmem:s24], [sflag:$0x2], $0x10, s28, s16, $0xb8;
	[tilespmem:$0xF000] =	vst v63  }
0x4b: {  	_ =	swait.ge [sflag:s26], $0x800  }
0x4c: {  	[sflag:s26] =	ssyncset.done $0x0  }
0x4d: {  	[sflag:s26] =	ssyncadd.s32 $0xFFFFF800  }
0x4e: {  	_ =	swait.ge [sflag:s26], $0x800  }
0x4f: {  	[sflag:s26] =	ssyncset.done $0x0  }
0x50: {  	[sflag:s26] =	ssyncadd.s32 $0xFFFFF800  }
0x51: {  	_ =	swait.ge [sflag:s26], $0x800  }
0x52: {  	[sflag:s26] =	ssyncset.done $0x0  }
0x53: {  	[sflag:s26] =	ssyncadd.s32 $0xFFFFF800  }
0x54: {  	_ =	swait.ge [sflag:s26], $0x800  }
0x55: {  	[sflag:s26] =	ssyncset.done $0x0  }
0x56: {  	[sflag:s26] =	ssyncadd.s32 $0xFFFFF800  }
0x57: {  	_ =	swait.ge [sflag:s26], $0x800  }
0x58: {  	[sflag:s26] =	ssyncset.done $0x0  }
0x59: {  	[sflag:s26] =	ssyncadd.s32 $0xFFFFF800  }
0x5a: {  	_ =	swait.ge [sflag:s26], $0x800  }
0x5b: {  	[sflag:s26] =	ssyncset.done $0x0  }
0x5c: {  	[sflag:s26] =	ssyncadd.s32 $0xFFFFF800  }
0x5d: {  	_ =	swait.ge [sflag:s26], $0x800  }
0x5e: {  	[sflag:s26] =	ssyncset.done $0x0  }
0x5f: {  	[sflag:s26] =	ssyncadd.s32 $0xFFFFF800  }
0x60: {  	_ =	swait.ge [sflag:s26], $0x800  }
0x61: {  	[sflag:s26] =	ssyncset.done $0x0  }
0x62: {  	s29 =	simm.s32 $0x400;
	[sflag:s26] =	ssyncadd.s32 $0xFFFFF800  }
0x63: {  	[tilespmem:s17], [sflag:$0x1] =	stream.indirect.gather [hbm4b:s4+s16], $0x10, s29, s16, $0xb8;
	[tilespmem:$0xF000] =	vst v63  }
0x64: {  	s1 =	simm.s32 $0x480  }
0x65: {  	[tilespmem:s18], [sflag:$0x1] =	stream.indirect.gather [hbm4b:s4+s16], $0x10, s1, s16, $0xb8;
	[tilespmem:$0xF000] =	vst v63  }
0x66: {  	s28 =	simm.s32 $0x500  }
0x67: {  	[tilespmem:s19], [sflag:$0x1] =	stream.indirect.gather [hbm4b:s4+s16], $0x10, s28, s16, $0xb8;
	[tilespmem:$0xF000] =	vst v63  }
0x68: {  	s29 =	simm.s32 $0x580  }
0x69: {  	[tilespmem:s20], [sflag:$0x1] =	stream.indirect.gather [hbm4b:s4+s16], $0x10, s29, s16, $0xb8;
	[tilespmem:$0xF000] =	vst v63  }
0x6a: {  	s1 =	simm.s32 $0x600  }
0x6b: {  	[tilespmem:s21], [sflag:$0x1] =	stream.indirect.gather [hbm4b:s4+s16], $0x10, s1, s16, $0xb8;
	[tilespmem:$0xF000] =	vst v63  }
0x6c: {  	s28 =	simm.s32 $0x680  }
0x6d: {  	[tilespmem:s22], [sflag:$0x1] =	stream.indirect.gather [hbm4b:s4+s16], $0x10, s28, s16, $0xb8;
	[tilespmem:$0xF000] =	vst v63  }
0x6e: {  	s29 =	simm.s32 $0x700  }
0x6f: {  	[tilespmem:s23], [sflag:$0x1] =	stream.indirect.gather [hbm4b:s4+s16], $0x10, s29, s16, $0xb8;
	[tilespmem:$0xF000] =	vst v63  }
0x70: {  	s1 =	simm.s32 $0x780  }
0x71: {  	[tilespmem:s24], [sflag:$0x1] =	stream.indirect.gather [hbm4b:s4+s16], $0x10, s1, s16, $0xb8;
	[tilespmem:$0xF000] =	vst v63  }
0x72: {  	_ =	swait.ge [sflag:s25], $0x800  }
0x73: {  	[sflag:s25] =	ssyncset.done $0x0  }
0x74: {  	s28 =	simm.s32 $0x4800;
	[sflag:s25] =	ssyncadd.s32 $0xFFFFF800  }
0x75: {  	[spmem:s2] =	stream.indirect.scatter.add.f32 [tilespmem:s17], [sflag:$0x2], $0x10, s28, s16, $0xb8;
	[tilespmem:$0xF000] =	vst v63  }
0x76: {  	_ =	swait.ge [sflag:s25], $0x800  }
0x77: {  	[sflag:s25] =	ssyncset.done $0x0  }
0x78: {  	s29 =	simm.s32 $0x4880;
	[sflag:s25] =	ssyncadd.s32 $0xFFFFF800  }
0x79: {  	[spmem:s2] =	stream.indirect.scatter.add.f32 [tilespmem:s18], [sflag:$0x2], $0x10, s29, s16, $0xb8;
	[tilespmem:$0xF000] =	vst v63  }
0x7a: {  	_ =	swait.ge [sflag:s25], $0x800  }
0x7b: {  	[sflag:s25] =	ssyncset.done $0x0  }
0x7c: {  	s1 =	simm.s32 $0x4900;
	[sflag:s25] =	ssyncadd.s32 $0xFFFFF800  }
0x7d: {  	[spmem:s2] =	stream.indirect.scatter.add.f32 [tilespmem:s19], [sflag:$0x2], $0x10, s1, s16, $0xb8;
	[tilespmem:$0xF000] =	vst v63  }
0x7e: {  	_ =	swait.ge [sflag:s25], $0x800  }
0x7f: {  	[sflag:s25] =	ssyncset.done $0x0  }
0x80: {  	s28 =	simm.s32 $0x4980;
	[sflag:s25] =	ssyncadd.s32 $0xFFFFF800  }
0x81: {  	[spmem:s2] =	stream.indirect.scatter.add.f32 [tilespmem:s20], [sflag:$0x2], $0x10, s28, s16, $0xb8;
	[tilespmem:$0xF000] =	vst v63  }
0x82: {  	_ =	swait.ge [sflag:s25], $0x800  }
0x83: {  	[sflag:s25] =	ssyncset.done $0x0  }
0x84: {  	s29 =	simm.s32 $0x4A00;
	[sflag:s25] =	ssyncadd.s32 $0xFFFFF800  }
0x85: {  	[spmem:s2] =	stream.indirect.scatter.add.f32 [tilespmem:s21], [sflag:$0x2], $0x10, s29, s16, $0xb8;
	[tilespmem:$0xF000] =	vst v63  }
0x86: {  	_ =	swait.ge [sflag:s25], $0x800  }
0x87: {  	[sflag:s25] =	ssyncset.done $0x0  }
0x88: {  	s1 =	simm.s32 $0x4A80;
	[sflag:s25] =	ssyncadd.s32 $0xFFFFF800  }
0x89: {  	[spmem:s2] =	stream.indirect.scatter.add.f32 [tilespmem:s22], [sflag:$0x2], $0x10, s1, s16, $0xb8;
	[tilespmem:$0xF000] =	vst v63  }
0x8a: {  	_ =	swait.ge [sflag:s25], $0x800  }
0x8b: {  	[sflag:s25] =	ssyncset.done $0x0  }
0x8c: {  	s28 =	simm.s32 $0x4B00;
	[sflag:s25] =	ssyncadd.s32 $0xFFFFF800  }
0x8d: {  	[spmem:s2] =	stream.indirect.scatter.add.f32 [tilespmem:s23], [sflag:$0x2], $0x10, s28, s16, $0xb8;
	[tilespmem:$0xF000] =	vst v63  }
0x8e: {  	_ =	swait.ge [sflag:s25], $0x800  }
0x8f: {  	[sflag:s25] =	ssyncset.done $0x0  }
0x90: {  	s29 =	simm.s32 $0x4B80;
	[sflag:s25] =	ssyncadd.s32 $0xFFFFF800  }
0x91: {  	[spmem:s2] =	stream.indirect.scatter.add.f32 [tilespmem:s24], [sflag:$0x2], $0x10, s29, s16, $0xb8;
	[tilespmem:$0xF000] =	vst v63  }
0x92: {  	_ =	swait.ge [sflag:s26], $0x800  }
0x93: {  	[sflag:s26] =	ssyncset.done $0x0  }
0x94: {  	[sflag:s26] =	ssyncadd.s32 $0xFFFFF800  }
0x95: {  	_ =	swait.ge [sflag:s26], $0x800  }
0x96: {  	[sflag:s26] =	ssyncset.done $0x0  }
0x97: {  	[sflag:s26] =	ssyncadd.s32 $0xFFFFF800  }
0x98: {  	_ =	swait.ge [sflag:s26], $0x800  }
0x99: {  	[sflag:s26] =	ssyncset.done $0x0  }
0x9a: {  	[sflag:s26] =	ssyncadd.s32 $0xFFFFF800  }
0x9b: {  	_ =	swait.ge [sflag:s26], $0x800  }
0x9c: {  	[sflag:s26] =	ssyncset.done $0x0  }
0x9d: {  	[sflag:s26] =	ssyncadd.s32 $0xFFFFF800  }
0x9e: {  	_ =	swait.ge [sflag:s26], $0x800  }
0x9f: {  	[sflag:s26] =	ssyncset.done $0x0  }
0xa0: {  	[sflag:s26] =	ssyncadd.s32 $0xFFFFF800  }
0xa1: {  	_ =	swait.ge [sflag:s26], $0x800  }
0xa2: {  	[sflag:s26] =	ssyncset.done $0x0  }
0xa3: {  	[sflag:s26] =	ssyncadd.s32 $0xFFFFF800  }
0xa4: {  	_ =	swait.ge [sflag:s26], $0x800  }
0xa5: {  	[sflag:s26] =	ssyncset.done $0x0  }
0xa6: {  	[sflag:s26] =	ssyncadd.s32 $0xFFFFF800  }
0xa7: {  	_ =	swait.ge [sflag:s26], $0x800  }
0xa8: {  	[sflag:s26] =	ssyncset.done $0x0  }
0xa9: {  	s1 =	simm.s32 $0x800;
	[sflag:s26] =	ssyncadd.s32 $0xFFFFF800  }
0xaa: {  	[tilespmem:s17], [sflag:$0x1] =	stream.indirect.gather [hbm4b:s4+s16], $0x10, s1, s16, $0xb8;
	[tilespmem:$0xF000] =	vst v63  }
0xab: {  	s28 =	simm.s32 $0x880  }
0xac: {  	[tilespmem:s18], [sflag:$0x1] =	stream.indirect.gather [hbm4b:s4+s16], $0x10, s28, s16, $0xb8;
	[tilespmem:$0xF000] =	vst v63  }
0xad: {  	s29 =	simm.s32 $0x900  }
0xae: {  	[tilespmem:s19], [sflag:$0x1] =	stream.indirect.gather [hbm4b:s4+s16], $0x10, s29, s16, $0xb8;
	[tilespmem:$0xF000] =	vst v63  }
0xaf: {  	s1 =	simm.s32 $0x980  }
0xb0: {  	[tilespmem:s20], [sflag:$0x1] =	stream.indirect.gather [hbm4b:s4+s16], $0x10, s1, s16, $0xb8;
	[tilespmem:$0xF000] =	vst v63  }
0xb1: {  	s28 =	simm.s32 $0xA00  }
0xb2: {  	[tilespmem:s21], [sflag:$0x1] =	stream.indirect.gather [hbm4b:s4+s16], $0x10, s28, s16, $0xb8;
	[tilespmem:$0xF000] =	vst v63  }
0xb3: {  	s29 =	simm.s32 $0xA80  }
0xb4: {  	[tilespmem:s22], [sflag:$0x1] =	stream.indirect.gather [hbm4b:s4+s16], $0x10, s29, s16, $0xb8;
	[tilespmem:$0xF000] =	vst v63  }
0xb5: {  	s1 =	simm.s32 $0xB00  }
0xb6: {  	[tilespmem:s23], [sflag:$0x1] =	stream.indirect.gather [hbm4b:s4+s16], $0x10, s1, s16, $0xb8;
	[tilespmem:$0xF000] =	vst v63  }
0xb7: {  	s28 =	simm.s32 $0xB80  }
0xb8: {  	[tilespmem:s24], [sflag:$0x1] =	stream.indirect.gather [hbm4b:s4+s16], $0x10, s28, s16, $0xb8;
	[tilespmem:$0xF000] =	vst v63  }
0xb9: {  	_ =	swait.ge [sflag:s25], $0x800  }
0xba: {  	[sflag:s25] =	ssyncset.done $0x0  }
0xbb: {  	s29 =	simm.s32 $0x4C00;
	[sflag:s25] =	ssyncadd.s32 $0xFFFFF800  }
0xbc: {  	[spmem:s2] =	stream.indirect.scatter.add.f32 [tilespmem:s17], [sflag:$0x2], $0x10, s29, s16, $0xb8;
	[tilespmem:$0xF000] =	vst v63  }
0xbd: {  	_ =	swait.ge [sflag:s25], $0x800  }
0xbe: {  	[sflag:s25] =	ssyncset.done $0x0  }
0xbf: {  	s1 =	simm.s32 $0x4C80;
	[sflag:s25] =	ssyncadd.s32 $0xFFFFF800  }
0xc0: {  	[spmem:s2] =	stream.indirect.scatter.add.f32 [tilespmem:s18], [sflag:$0x2], $0x10, s1, s16, $0xb8;
	[tilespmem:$0xF000] =	vst v63  }
0xc1: {  	_ =	swait.ge [sflag:s25], $0x800  }
0xc2: {  	[sflag:s25] =	ssyncset.done $0x0  }
0xc3: {  	s28 =	simm.s32 $0x4D00;
	[sflag:s25] =	ssyncadd.s32 $0xFFFFF800  }
0xc4: {  	[spmem:s2] =	stream.indirect.scatter.add.f32 [tilespmem:s19], [sflag:$0x2], $0x10, s28, s16, $0xb8;
	[tilespmem:$0xF000] =	vst v63  }
0xc5: {  	_ =	swait.ge [sflag:s25], $0x800  }
0xc6: {  	[sflag:s25] =	ssyncset.done $0x0  }
0xc7: {  	s29 =	simm.s32 $0x4D80;
	[sflag:s25] =	ssyncadd.s32 $0xFFFFF800  }
0xc8: {  	[spmem:s2] =	stream.indirect.scatter.add.f32 [tilespmem:s20], [sflag:$0x2], $0x10, s29, s16, $0xb8;
	[tilespmem:$0xF000] =	vst v63  }
0xc9: {  	_ =	swait.ge [sflag:s25], $0x800  }
0xca: {  	[sflag:s25] =	ssyncset.done $0x0  }
0xcb: {  	s1 =	simm.s32 $0x4E00;
	[sflag:s25] =	ssyncadd.s32 $0xFFFFF800  }
0xcc: {  	[spmem:s2] =	stream.indirect.scatter.add.f32 [tilespmem:s21], [sflag:$0x2], $0x10, s1, s16, $0xb8;
	[tilespmem:$0xF000] =	vst v63  }
0xcd: {  	_ =	swait.ge [sflag:s25], $0x800  }
0xce: {  	[sflag:s25] =	ssyncset.done $0x0  }
0xcf: {  	s28 =	simm.s32 $0x4E80;
	[sflag:s25] =	ssyncadd.s32 $0xFFFFF800  }
0xd0: {  	[spmem:s2] =	stream.indirect.scatter.add.f32 [tilespmem:s22], [sflag:$0x2], $0x10, s28, s16, $0xb8;
	[tilespmem:$0xF000] =	vst v63  }
0xd1: {  	_ =	swait.ge [sflag:s25], $0x800  }
0xd2: {  	[sflag:s25] =	ssyncset.done $0x0  }
0xd3: {  	s29 =	simm.s32 $0x4F00;
	[sflag:s25] =	ssyncadd.s32 $0xFFFFF800  }
0xd4: {  	[spmem:s2] =	stream.indirect.scatter.add.f32 [tilespmem:s23], [sflag:$0x2], $0x10, s29, s16, $0xb8;
	[tilespmem:$0xF000] =	vst v63  }
0xd5: {  	_ =	swait.ge [sflag:s25], $0x800  }
0xd6: {  	[sflag:s25] =	ssyncset.done $0x0  }
0xd7: {  	[sflag:s25] =	ssyncadd.s32 $0xFFFFF800  }
0xd8: {  	[spmem:s2] =	stream.indirect.scatter.add.f32 [tilespmem:s24], [sflag:$0x2], $0x10, s30, s16, $0xb8;
	[tilespmem:$0xF000] =	vst v63  }
0xd9: {  	_ =	swait.ge [sflag:s26], $0x800  }
0xda: {  	[sflag:s26] =	ssyncset.done $0x0  }
0xdb: {  	[sflag:s26] =	ssyncadd.s32 $0xFFFFF800  }
0xdc: {  	_ =	swait.ge [sflag:s26], $0x800  }
0xdd: {  	[sflag:s26] =	ssyncset.done $0x0  }
0xde: {  	[sflag:s26] =	ssyncadd.s32 $0xFFFFF800  }
0xdf: {  	_ =	swait.ge [sflag:s26], $0x800  }
0xe0: {  	[sflag:s26] =	ssyncset.done $0x0  }
0xe1: {  	[sflag:s26] =	ssyncadd.s32 $0xFFFFF800  }
0xe2: {  	_ =	swait.ge [sflag:s26], $0x800  }
0xe3: {  	[sflag:s26] =	ssyncset.done $0x0  }
0xe4: {  	[sflag:s26] =	ssyncadd.s32 $0xFFFFF800  }
0xe5: {  	_ =	swait.ge [sflag:s26], $0x800  }
0xe6: {  	[sflag:s26] =	ssyncset.done $0x0  }
0xe7: {  	[sflag:s26] =	ssyncadd.s32 $0xFFFFF800  }
0xe8: {  	_ =	swait.ge [sflag:s26], $0x800  }
0xe9: {  	[sflag:s26] =	ssyncset.done $0x0  }
0xea: {  	[sflag:s26] =	ssyncadd.s32 $0xFFFFF800  }
0xeb: {  	_ =	swait.ge [sflag:s26], $0x800  }
0xec: {  	[sflag:s26] =	ssyncset.done $0x0  }
0xed: {  	[sflag:s26] =	ssyncadd.s32 $0xFFFFF800  }
0xee: {  	_ =	swait.ge [sflag:s26], $0x800  }
0xef: {  	[sflag:s26] =	ssyncset.done $0x0  }
0xf0: {  	[sflag:s26] =	ssyncadd.s32 $0xFFFFF800  }
.LBB2_6:
0xf1: {  	s31 =	sadd.s32 $0x1, s31  }
0xf2: {  	p1 =	sne.s32 s31, s12  }
.Ltmp1:
0xf3: {  	[bflag:$0x0] =	sbarrier.arrive $0xFFFF;
	(pc) =	sbr.rel @!p1 .LBB2_7-.Ltmp1, $4  }
0xf4: {  	[hbm:s11], [sflag:s6] =	dma.local [spmem:s13], $0x500  }
0xf5: {  	_ =	swait.ge [sflag:s14], $0x500  }
0xf6: {  	[sflag:s14] =	ssyncset.done $0x0  }
0xf7: {  	[sflag:s14] =	ssyncadd.s32 $0xFFFFFB00  }
.LBB2_1:
.Ltmp2:
0xf8: {  	(pc) =	sbr.rel @p0 .LBB2_5-.Ltmp2, $4  }
0xf9: {  	[spmem:s13], [sflag:s6] =	dma.local [hbm:s5], $0x500  }
0xfa: {  	_ =	swait.ge [sflag:s14], $0x500  }
0xfb: {  	[sflag:s14] =	ssyncset.done $0x0  }
0xfc: {  	[sflag:s14] =	ssyncadd.s32 $0xFFFFFB00  }
0xfd: {  	s0 =	simm.s32 $0x0  }
0xfe: {  	[tilespmem:s0], [sflag:$0x3] =	stream.linear.gather [hbm4b:s9+s0], $0x4400, $0x38;
	[tilespmem:$0xF000] =	vst v63  }
0xff: {  	_ =	swait.ge [sflag:s14], $0x4400  }
0x100: {  	[sflag:s14] =	ssyncset.done $0x0  }
0x101: {  	[sflag:s14] =	ssyncadd.s32 $0xFFFFBC00  }
0x102: {  	[tilespmem:s15], [sflag:$0x3] =	stream.linear.gather [hbm4b:s10+s0], $0x4400, $0x38;
	[tilespmem:$0xF000] =	vst v63  }
0x103: {  	_ =	swait.ge [sflag:s14], $0x4400  }
0x104: {  	[sflag:s14] =	ssyncset.done $0x0  }
0x105: {  	[sflag:s14] =	ssyncadd.s32 $0xFFFFBC00  }
0x106: {  	s29 =	simm.s32 $0x0;
	[bflag:$0x0] =	sbarrier.arrive $0xFFFF  }
0x107: {  	[tilespmem:s17], [sflag:$0x1] =	stream.indirect.gather [hbm4b:s4+s16], $0x10, s29, s16, $0xb8;
	[tilespmem:$0xF000] =	vst v63  }
0x108: {  	s1 =	simm.s32 $0x80  }
0x109: {  	[tilespmem:s18], [sflag:$0x1] =	stream.indirect.gather [hbm4b:s4+s16], $0x10, s1, s16, $0xb8;
	[tilespmem:$0xF000] =	vst v63  }
0x10a: {  	s28 =	simm.s32 $0x100  }
0x10b: {  	[tilespmem:s19], [sflag:$0x1] =	stream.indirect.gather [hbm4b:s4+s16], $0x10, s28, s16, $0xb8;
	[tilespmem:$0xF000] =	vst v63  }
0x10c: {  	s29 =	simm.s32 $0x180  }
0x10d: {  	[tilespmem:s20], [sflag:$0x1] =	stream.indirect.gather [hbm4b:s4+s16], $0x10, s29, s16, $0xb8;
	[tilespmem:$0xF000] =	vst v63  }
0x10e: {  	s1 =	simm.s32 $0x200  }
0x10f: {  	[tilespmem:s21], [sflag:$0x1] =	stream.indirect.gather [hbm4b:s4+s16], $0x10, s1, s16, $0xb8;
	[tilespmem:$0xF000] =	vst v63  }
0x110: {  	s28 =	simm.s32 $0x280  }
0x111: {  	[tilespmem:s22], [sflag:$0x1] =	stream.indirect.gather [hbm4b:s4+s16], $0x10, s28, s16, $0xb8;
	[tilespmem:$0xF000] =	vst v63  }
0x112: {  	s29 =	simm.s32 $0x300  }
0x113: {  	[tilespmem:s23], [sflag:$0x1] =	stream.indirect.gather [hbm4b:s4+s16], $0x10, s29, s16, $0xb8;
	[tilespmem:$0xF000] =	vst v63  }
0x114: {  	s1 =	simm.s32 $0x380  }
0x115: {  	[tilespmem:s24], [sflag:$0x1] =	stream.indirect.gather [hbm4b:s4+s16], $0x10, s1, s16, $0xb8;
	[tilespmem:$0xF000] =	vst v63  }
0x116: {  	_ =	swait.ge [sflag:s25], $0x800  }
0x117: {  	[sflag:s25] =	ssyncset.done $0x0  }
0x118: {  	s28 =	simm.s32 $0x4400;
	[sflag:s25] =	ssyncadd.s32 $0xFFFFF800  }
0x119: {  	[spmem:s2] =	stream.indirect.scatter.add.f32 [tilespmem:s17], [sflag:$0x2], $0x10, s28, s16, $0xb8;
	[tilespmem:$0xF000] =	vst v63  }
0x11a: {  	_ =	swait.ge [sflag:s25], $0x800  }
0x11b: {  	[sflag:s25] =	ssyncset.done $0x0  }
0x11c: {  	s29 =	simm.s32 $0x4480;
	[sflag:s25] =	ssyncadd.s32 $0xFFFFF800  }
0x11d: {  	[spmem:s2] =	stream.indirect.scatter.add.f32 [tilespmem:s18], [sflag:$0x2], $0x10, s29, s16, $0xb8;
	[tilespmem:$0xF000] =	vst v63  }
0x11e: {  	_ =	swait.ge [sflag:s25], $0x800  }
0x11f: {  	[sflag:s25] =	ssyncset.done $0x0  }
0x120: {  	s1 =	simm.s32 $0x4500;
	[sflag:s25] =	ssyncadd.s32 $0xFFFFF800  }
0x121: {  	[spmem:s2] =	stream.indirect.scatter.add.f32 [tilespmem:s19], [sflag:$0x2], $0x10, s1, s16, $0xb8;
	[tilespmem:$0xF000] =	vst v63  }
0x122: {  	_ =	swait.ge [sflag:s25], $0x800  }
0x123: {  	[sflag:s25] =	ssyncset.done $0x0  }
0x124: {  	s28 =	simm.s32 $0x4580;
	[sflag:s25] =	ssyncadd.s32 $0xFFFFF800  }
0x125: {  	[spmem:s2] =	stream.indirect.scatter.add.f32 [tilespmem:s20], [sflag:$0x2], $0x10, s28, s16, $0xb8;
	[tilespmem:$0xF000] =	vst v63  }
0x126: {  	_ =	swait.ge [sflag:s25], $0x800  }
0x127: {  	[sflag:s25] =	ssyncset.done $0x0  }
0x128: {  	s29 =	simm.s32 $0x4600;
	[sflag:s25] =	ssyncadd.s32 $0xFFFFF800  }
0x129: {  	[spmem:s2] =	stream.indirect.scatter.add.f32 [tilespmem:s21], [sflag:$0x2], $0x10, s29, s16, $0xb8;
	[tilespmem:$0xF000] =	vst v63  }
0x12a: {  	_ =	swait.ge [sflag:s25], $0x800  }
0x12b: {  	[sflag:s25] =	ssyncset.done $0x0  }
0x12c: {  	s1 =	simm.s32 $0x4680;
	[sflag:s25] =	ssyncadd.s32 $0xFFFFF800  }
0x12d: {  	[spmem:s2] =	stream.indirect.scatter.add.f32 [tilespmem:s22], [sflag:$0x2], $0x10, s1, s16, $0xb8;
	[tilespmem:$0xF000] =	vst v63  }
0x12e: {  	_ =	swait.ge [sflag:s25], $0x800  }
0x12f: {  	[sflag:s25] =	ssyncset.done $0x0  }
0x130: {  	s28 =	simm.s32 $0x4700;
	[sflag:s25] =	ssyncadd.s32 $0xFFFFF800  }
0x131: {  	[spmem:s2] =	stream.indirect.scatter.add.f32 [tilespmem:s23], [sflag:$0x2], $0x10, s28, s16, $0xb8;
	[tilespmem:$0xF000] =	vst v63  }
0x132: {  	_ =	swait.ge [sflag:s25], $0x800  }
0x133: {  	[sflag:s25] =	ssyncset.done $0x0  }
0x134: {  	s29 =	simm.s32 $0x4780;
	[sflag:s25] =	ssyncadd.s32 $0xFFFFF800  }
0x135: {  	[spmem:s2] =	stream.indirect.scatter.add.f32 [tilespmem:s24], [sflag:$0x2], $0x10, s29, s16, $0xb8;
	[tilespmem:$0xF000] =	vst v63  }
0x136: {  	_ =	swait.ge [sflag:s26], $0x800  }
0x137: {  	[sflag:s26] =	ssyncset.done $0x0  }
0x138: {  	[sflag:s26] =	ssyncadd.s32 $0xFFFFF800  }
0x139: {  	_ =	swait.ge [sflag:s26], $0x800  }
0x13a: {  	[sflag:s26] =	ssyncset.done $0x0  }
0x13b: {  	[sflag:s26] =	ssyncadd.s32 $0xFFFFF800  }
0x13c: {  	_ =	swait.ge [sflag:s26], $0x800  }
0x13d: {  	[sflag:s26] =	ssyncset.done $0x0  }
0x13e: {  	[sflag:s26] =	ssyncadd.s32 $0xFFFFF800  }
0x13f: {  	_ =	swait.ge [sflag:s26], $0x800  }
0x140: {  	[sflag:s26] =	ssyncset.done $0x0  }
0x141: {  	[sflag:s26] =	ssyncadd.s32 $0xFFFFF800  }
0x142: {  	_ =	swait.ge [sflag:s26], $0x800  }
0x143: {  	[sflag:s26] =	ssyncset.done $0x0  }
0x144: {  	[sflag:s26] =	ssyncadd.s32 $0xFFFFF800  }
0x145: {  	_ =	swait.ge [sflag:s26], $0x800  }
0x146: {  	[sflag:s26] =	ssyncset.done $0x0  }
0x147: {  	[sflag:s26] =	ssyncadd.s32 $0xFFFFF800  }
0x148: {  	_ =	swait.ge [sflag:s26], $0x800  }
0x149: {  	[sflag:s26] =	ssyncset.done $0x0  }
0x14a: {  	[sflag:s26] =	ssyncadd.s32 $0xFFFFF800  }
0x14b: {  	_ =	swait.ge [sflag:s26], $0x800  }
0x14c: {  	s0 =	simm.s32 $0x1000;
	s1 =	simm.s32 $0x2000;
	[sflag:s26] =	ssyncset.done $0x0  }
.LBB2_3:
0x14d: {  	s28 =	sshra.s32 s0, $0x2  }
0x14e: {  	[sflag:s26] =	ssyncadd.s32 $0xFFFFF800;
	s0 =	smov.u32 s1;
	s29 =	sadd.s32 $0x1000, s1  }
0x14f: {  	[tilespmem:s17], [sflag:$0x1] =	stream.indirect.gather [hbm4b:s4+s16], $0x10, s28, s16, $0xb8;
	[tilespmem:$0xF000] =	vst v63  }
0x150: {  	p1 =	seq.s32 s1, $0x10000;
	s1 =	sadd.s32 $0x80, s28  }
0x151: {  	[tilespmem:s18], [sflag:$0x1] =	stream.indirect.gather [hbm4b:s4+s16], $0x10, s1, s16, $0xb8;
	[tilespmem:$0xF000] =	vst v63  }
0x152: {  	s1 =	sadd.s32 $0x100, s28  }
0x153: {  	[tilespmem:s19], [sflag:$0x1] =	stream.indirect.gather [hbm4b:s4+s16], $0x10, s1, s16, $0xb8;
	[tilespmem:$0xF000] =	vst v63  }
0x154: {  	s1 =	sadd.s32 $0x180, s28  }
0x155: {  	[tilespmem:s20], [sflag:$0x1] =	stream.indirect.gather [hbm4b:s4+s16], $0x10, s1, s16, $0xb8;
	[tilespmem:$0xF000] =	vst v63  }
0x156: {  	s1 =	sadd.s32 $0x200, s28  }
0x157: {  	[tilespmem:s21], [sflag:$0x1] =	stream.indirect.gather [hbm4b:s4+s16], $0x10, s1, s16, $0xb8;
	[tilespmem:$0xF000] =	vst v63  }
0x158: {  	s1 =	sadd.s32 $0x280, s28  }
0x159: {  	[tilespmem:s22], [sflag:$0x1] =	stream.indirect.gather [hbm4b:s4+s16], $0x10, s1, s16, $0xb8;
	[tilespmem:$0xF000] =	vst v63  }
0x15a: {  	s1 =	sadd.s32 $0x300, s28  }
0x15b: {  	[tilespmem:s23], [sflag:$0x1] =	stream.indirect.gather [hbm4b:s4+s16], $0x10, s1, s16, $0xb8;
	[tilespmem:$0xF000] =	vst v63  }
0x15c: {  	s1 =	sadd.s32 $0x380, s28  }
0x15d: {  	[tilespmem:s24], [sflag:$0x1] =	stream.indirect.gather [hbm4b:s4+s16], $0x10, s1, s16, $0xb8;
	[tilespmem:$0xF000] =	vst v63  }
0x15e: {  	_ =	swait.ge [sflag:s25], $0x800  }
0x15f: {  	[sflag:s25] =	ssyncset.done $0x0  }
0x160: {  	s1 =	sadd.s32 $0x4400, s28;
	[sflag:s25] =	ssyncadd.s32 $0xFFFFF800  }
0x161: {  	[spmem:s2] =	stream.indirect.scatter.add.f32 [tilespmem:s17], [sflag:$0x2], $0x10, s1, s16, $0xb8;
	[tilespmem:$0xF000] =	vst v63  }
0x162: {  	_ =	swait.ge [sflag:s25], $0x800  }
0x163: {  	[sflag:s25] =	ssyncset.done $0x0  }
0x164: {  	s1 =	sadd.s32 $0x4480, s28;
	[sflag:s25] =	ssyncadd.s32 $0xFFFFF800  }
0x165: {  	[spmem:s2] =	stream.indirect.scatter.add.f32 [tilespmem:s18], [sflag:$0x2], $0x10, s1, s16, $0xb8;
	[tilespmem:$0xF000] =	vst v63  }
0x166: {  	_ =	swait.ge [sflag:s25], $0x800  }
0x167: {  	[sflag:s25] =	ssyncset.done $0x0  }
0x168: {  	s1 =	sadd.s32 $0x4500, s28;
	[sflag:s25] =	ssyncadd.s32 $0xFFFFF800  }
0x169: {  	[spmem:s2] =	stream.indirect.scatter.add.f32 [tilespmem:s19], [sflag:$0x2], $0x10, s1, s16, $0xb8;
	[tilespmem:$0xF000] =	vst v63  }
0x16a: {  	_ =	swait.ge [sflag:s25], $0x800  }
0x16b: {  	[sflag:s25] =	ssyncset.done $0x0  }
0x16c: {  	s1 =	sadd.s32 $0x4580, s28;
	[sflag:s25] =	ssyncadd.s32 $0xFFFFF800  }
0x16d: {  	[spmem:s2] =	stream.indirect.scatter.add.f32 [tilespmem:s20], [sflag:$0x2], $0x10, s1, s16, $0xb8;
	[tilespmem:$0xF000] =	vst v63  }
0x16e: {  	_ =	swait.ge [sflag:s25], $0x800  }
0x16f: {  	[sflag:s25] =	ssyncset.done $0x0  }
0x170: {  	s1 =	sadd.s32 $0x4600, s28;
	[sflag:s25] =	ssyncadd.s32 $0xFFFFF800  }
0x171: {  	[spmem:s2] =	stream.indirect.scatter.add.f32 [tilespmem:s21], [sflag:$0x2], $0x10, s1, s16, $0xb8;
	[tilespmem:$0xF000] =	vst v63  }
0x172: {  	_ =	swait.ge [sflag:s25], $0x800  }
0x173: {  	[sflag:s25] =	ssyncset.done $0x0  }
0x174: {  	s1 =	sadd.s32 $0x4680, s28;
	[sflag:s25] =	ssyncadd.s32 $0xFFFFF800  }
0x175: {  	[spmem:s2] =	stream.indirect.scatter.add.f32 [tilespmem:s22], [sflag:$0x2], $0x10, s1, s16, $0xb8;
	[tilespmem:$0xF000] =	vst v63  }
0x176: {  	_ =	swait.ge [sflag:s25], $0x800  }
0x177: {  	[sflag:s25] =	ssyncset.done $0x0  }
0x178: {  	s1 =	sadd.s32 $0x4700, s28;
	[sflag:s25] =	ssyncadd.s32 $0xFFFFF800  }
0x179: {  	[spmem:s2] =	stream.indirect.scatter.add.f32 [tilespmem:s23], [sflag:$0x2], $0x10, s1, s16, $0xb8;
	[tilespmem:$0xF000] =	vst v63  }
0x17a: {  	_ =	swait.ge [sflag:s25], $0x800  }
0x17b: {  	[sflag:s25] =	ssyncset.done $0x0  }
0x17c: {  	s1 =	sadd.s32 $0x4780, s28;
	[sflag:s25] =	ssyncadd.s32 $0xFFFFF800  }
0x17d: {  	[spmem:s2] =	stream.indirect.scatter.add.f32 [tilespmem:s24], [sflag:$0x2], $0x10, s1, s16, $0xb8;
	[tilespmem:$0xF000] =	vst v63  }
0x17e: {  	_ =	swait.ge [sflag:s26], $0x800  }
0x17f: {  	[sflag:s26] =	ssyncset.done $0x0  }
0x180: {  	[sflag:s26] =	ssyncadd.s32 $0xFFFFF800  }
0x181: {  	_ =	swait.ge [sflag:s26], $0x800  }
0x182: {  	[sflag:s26] =	ssyncset.done $0x0  }
0x183: {  	[sflag:s26] =	ssyncadd.s32 $0xFFFFF800  }
0x184: {  	_ =	swait.ge [sflag:s26], $0x800  }
0x185: {  	[sflag:s26] =	ssyncset.done $0x0  }
0x186: {  	[sflag:s26] =	ssyncadd.s32 $0xFFFFF800  }
0x187: {  	_ =	swait.ge [sflag:s26], $0x800  }
0x188: {  	[sflag:s26] =	ssyncset.done $0x0  }
0x189: {  	[sflag:s26] =	ssyncadd.s32 $0xFFFFF800  }
0x18a: {  	_ =	swait.ge [sflag:s26], $0x800  }
0x18b: {  	[sflag:s26] =	ssyncset.done $0x0  }
0x18c: {  	[sflag:s26] =	ssyncadd.s32 $0xFFFFF800  }
0x18d: {  	_ =	swait.ge [sflag:s26], $0x800  }
0x18e: {  	[sflag:s26] =	ssyncset.done $0x0  }
0x18f: {  	[sflag:s26] =	ssyncadd.s32 $0xFFFFF800  }
.Ltmp3:
0x190: {  	_ =	swait.ge [sflag:s26], $0x800;
	(pc) =	sbr.rel @!p1 .LBB2_3-.Ltmp3, $4  }
0x191: {  	[sflag:s26] =	ssyncset.done $0x0  }
0x192: {  	[sflag:s26] =	ssyncadd.s32 $0xFFFFF800  }
0x193: {  	_ =	swait.ge [sflag:s26], $0x800  }
0x194: {  	s1 =	smov.u32 s29;
	[sflag:s26] =	ssyncset.done $0x0  }
0x195: {  	s0 =	sshra.s32 s0, $0x2;
	[sflag:s26] =	ssyncadd.s32 $0xFFFFF800  }
0x196: {  	[tilespmem:s17], [sflag:$0x1] =	stream.indirect.gather [hbm4b:s4+s16], $0x10, s0, s16, $0xb8;
	[tilespmem:$0xF000] =	vst v63  }
0x197: {  	s1 =	sadd.s32 $0x80, s0  }
0x198: {  	[tilespmem:s18], [sflag:$0x1] =	stream.indirect.gather [hbm4b:s4+s16], $0x10, s1, s16, $0xb8;
	[tilespmem:$0xF000] =	vst v63  }
0x199: {  	s29 =	sadd.s32 $0x100, s0  }
0x19a: {  	[tilespmem:s19], [sflag:$0x1] =	stream.indirect.gather [hbm4b:s4+s16], $0x10, s29, s16, $0xb8;
	[tilespmem:$0xF000] =	vst v63  }
0x19b: {  	s28 =	sadd.s32 $0x180, s0  }
0x19c: {  	[tilespmem:s20], [sflag:$0x1] =	stream.indirect.gather [hbm4b:s4+s16], $0x10, s28, s16, $0xb8;
	[tilespmem:$0xF000] =	vst v63  }
0x19d: {  	s29 =	sadd.s32 $0x200, s0  }
0x19e: {  	[tilespmem:s21], [sflag:$0x1] =	stream.indirect.gather [hbm4b:s4+s16], $0x10, s29, s16, $0xb8;
	[tilespmem:$0xF000] =	vst v63  }
0x19f: {  	s28 =	sadd.s32 $0x280, s0  }
0x1a0: {  	[tilespmem:s22], [sflag:$0x1] =	stream.indirect.gather [hbm4b:s4+s16], $0x10, s28, s16, $0xb8;
	[tilespmem:$0xF000] =	vst v63  }
0x1a1: {  	s29 =	sadd.s32 $0x300, s0  }
0x1a2: {  	[tilespmem:s23], [sflag:$0x1] =	stream.indirect.gather [hbm4b:s4+s16], $0x10, s29, s16, $0xb8;
	[tilespmem:$0xF000] =	vst v63  }
0x1a3: {  	s28 =	sadd.s32 $0x380, s0  }
0x1a4: {  	[tilespmem:s24], [sflag:$0x1] =	stream.indirect.gather [hbm4b:s4+s16], $0x10, s28, s16, $0xb8;
	[tilespmem:$0xF000] =	vst v63  }
0x1a5: {  	_ =	swait.ge [sflag:s25], $0x800  }
0x1a6: {  	[sflag:s25] =	ssyncset.done $0x0  }
0x1a7: {  	s29 =	sadd.s32 $0x4400, s0;
	[sflag:s25] =	ssyncadd.s32 $0xFFFFF800  }
0x1a8: {  	[spmem:s2] =	stream.indirect.scatter.add.f32 [tilespmem:s17], [sflag:$0x2], $0x10, s29, s16, $0xb8;
	[tilespmem:$0xF000] =	vst v63  }
0x1a9: {  	_ =	swait.ge [sflag:s25], $0x800  }
0x1aa: {  	[sflag:s25] =	ssyncset.done $0x0  }
0x1ab: {  	s28 =	sadd.s32 $0x4480, s0;
	[sflag:s25] =	ssyncadd.s32 $0xFFFFF800  }
0x1ac: {  	[spmem:s2] =	stream.indirect.scatter.add.f32 [tilespmem:s18], [sflag:$0x2], $0x10, s28, s16, $0xb8;
	[tilespmem:$0xF000] =	vst v63  }
0x1ad: {  	_ =	swait.ge [sflag:s25], $0x800  }
0x1ae: {  	[sflag:s25] =	ssyncset.done $0x0  }
0x1af: {  	s29 =	sadd.s32 $0x4500, s0;
	[sflag:s25] =	ssyncadd.s32 $0xFFFFF800  }
0x1b0: {  	[spmem:s2] =	stream.indirect.scatter.add.f32 [tilespmem:s19], [sflag:$0x2], $0x10, s29, s16, $0xb8;
	[tilespmem:$0xF000] =	vst v63  }
0x1b1: {  	_ =	swait.ge [sflag:s25], $0x800  }
0x1b2: {  	[sflag:s25] =	ssyncset.done $0x0  }
0x1b3: {  	s28 =	sadd.s32 $0x4580, s0;
	[sflag:s25] =	ssyncadd.s32 $0xFFFFF800  }
0x1b4: {  	[spmem:s2] =	stream.indirect.scatter.add.f32 [tilespmem:s20], [sflag:$0x2], $0x10, s28, s16, $0xb8;
	[tilespmem:$0xF000] =	vst v63  }
0x1b5: {  	_ =	swait.ge [sflag:s25], $0x800  }
0x1b6: {  	[sflag:s25] =	ssyncset.done $0x0  }
0x1b7: {  	s29 =	sadd.s32 $0x4600, s0;
	[sflag:s25] =	ssyncadd.s32 $0xFFFFF800  }
0x1b8: {  	[spmem:s2] =	stream.indirect.scatter.add.f32 [tilespmem:s21], [sflag:$0x2], $0x10, s29, s16, $0xb8;
	[tilespmem:$0xF000] =	vst v63  }
0x1b9: {  	_ =	swait.ge [sflag:s25], $0x800  }
0x1ba: {  	[sflag:s25] =	ssyncset.done $0x0  }
0x1bb: {  	s28 =	sadd.s32 $0x4680, s0;
	[sflag:s25] =	ssyncadd.s32 $0xFFFFF800  }
0x1bc: {  	[spmem:s2] =	stream.indirect.scatter.add.f32 [tilespmem:s22], [sflag:$0x2], $0x10, s28, s16, $0xb8;
	[tilespmem:$0xF000] =	vst v63  }
0x1bd: {  	_ =	swait.ge [sflag:s25], $0x800  }
0x1be: {  	[sflag:s25] =	ssyncset.done $0x0  }
0x1bf: {  	s29 =	sadd.s32 $0x4700, s0;
	[sflag:s25] =	ssyncadd.s32 $0xFFFFF800  }
0x1c0: {  	[spmem:s2] =	stream.indirect.scatter.add.f32 [tilespmem:s23], [sflag:$0x2], $0x10, s29, s16, $0xb8;
	[tilespmem:$0xF000] =	vst v63  }
0x1c1: {  	_ =	swait.ge [sflag:s25], $0x800  }
0x1c2: {  	[sflag:s25] =	ssyncset.done $0x0  }
0x1c3: {  	s0 =	sadd.s32 $0x4780, s0;
	[sflag:s25] =	ssyncadd.s32 $0xFFFFF800  }
0x1c4: {  	[spmem:s2] =	stream.indirect.scatter.add.f32 [tilespmem:s24], [sflag:$0x2], $0x10, s0, s16, $0xb8;
	[tilespmem:$0xF000] =	vst v63  }
0x1c5: {  	_ =	swait.ge [sflag:s26], $0x800  }
0x1c6: {  	[sflag:s26] =	ssyncset.done $0x0  }
0x1c7: {  	[sflag:s26] =	ssyncadd.s32 $0xFFFFF800  }
0x1c8: {  	_ =	swait.ge [sflag:s26], $0x800  }
0x1c9: {  	[sflag:s26] =	ssyncset.done $0x0  }
0x1ca: {  	[sflag:s26] =	ssyncadd.s32 $0xFFFFF800  }
0x1cb: {  	_ =	swait.ge [sflag:s26], $0x800  }
0x1cc: {  	[sflag:s26] =	ssyncset.done $0x0  }
0x1cd: {  	[sflag:s26] =	ssyncadd.s32 $0xFFFFF800  }
0x1ce: {  	_ =	swait.ge [sflag:s26], $0x800  }
0x1cf: {  	[sflag:s26] =	ssyncset.done $0x0  }
0x1d0: {  	[sflag:s26] =	ssyncadd.s32 $0xFFFFF800  }
0x1d1: {  	_ =	swait.ge [sflag:s26], $0x800  }
0x1d2: {  	[sflag:s26] =	ssyncset.done $0x0  }
0x1d3: {  	[sflag:s26] =	ssyncadd.s32 $0xFFFFF800  }
0x1d4: {  	_ =	swait.ge [sflag:s26], $0x800  }
0x1d5: {  	[sflag:s26] =	ssyncset.done $0x0  }
0x1d6: {  	[sflag:s26] =	ssyncadd.s32 $0xFFFFF800  }
0x1d7: {  	_ =	swait.ge [sflag:s26], $0x800  }
.Ltmp4:
0x1d8: {  	[sflag:s26] =	ssyncset.done $0x0;
	(pc) =	sbr.rel .LBB2_6-.Ltmp4, $4  }
0x1d9: {  	[sflag:s26] =	ssyncadd.s32 $0xFFFFF800  }
0x1da: {  	_ =	swait.ge [sflag:s26], $0x800  }
0x1db: {  	[sflag:s26] =	ssyncset.done $0x0  }
0x1dc: {  	[sflag:s26] =	ssyncadd.s32 $0xFFFFF800  }
.LBB2_7:
0x1dd: {  	_ =	sfence.sel $0x180000  }
0x1de: {  	[bflag:$0x0] =	sbarrier.arrive $0xFFFF  }
0x1df: {  	_ =	strace $0x9000004A  }
0x1e0: {  	s0 =	stileid.u32;
	[bflag:$0x2] =	sbarrier.arrive $0xFFFF  }
0x1e1: {  	p0 =	sne.s32 s0, $0x0;
	s0 =	rddreg [dreg:$0x2]  }
0x1e2: {  	s0 =	sadd.s32 @!p0 $0x100000, s0  }
0x1e3: {  	[sflag:s0] =	ssyncadd.tile.s32 @!p0 $0x1;
	_ =	shalt  }
.Lfunc_end2:
_tile_overlayer_lowered:
.L_overlay_start_2:
0x1e4: {  	(tag) =	ssettag $0x2  }
0x1e5: {  	s0 =	rddreg [dreg:$0x0];
	s2 =	stileid.u32  }
0x1e6: {  	s1 =	rddreg [dreg:$0x1];
	p0 =	sne.s32 s2, $0x0  }
0x1e7: {  	s3 =	rddreg [dreg:$0x2];
	[bflag:$0x3] =	sbarrier.arrive $0xFFFF;
	s2 =	simm.s32 @!p0 $0x1C03  }
0x1e8: {  	[timem:s3], [sflag:s2] =	dma.local @!p0 [hbm:s0], s1  }
0x1e9: {  	s0 =	simm.s32 @!p0 $0x3  }
0x1ea: {  	_ =	swait.ge @!p0 [sflag:s0], s1  }
0x1eb: {  	s1 =	ssub.s32 @!p0 $0x0, s1;
	[sflag:s0] =	ssyncset.done @!p0 $0x0  }
0x1ec: {  	[sflag:s0] =	ssyncadd.s32 @!p0 s1  }
0x1ed: {  	[bflag:$0x3] =	sbarrier.arrive $0xFFFF  }
0x1ee: {  	_ =	shalt  }

// kernel: kernel.15.cloned.1.call-start
scs
__scs_entry_jumppad:
0x0: {  	(pc) =	sbr.rel $0x88, $3  }
0x1: {  	(tag) =	ssettag $0x0;
	lr =	simm.s32 $0x1  }
0x2: {  	[smem:$0x3F99] =	sst lr;
	_ =	strace $0xD0000000  }
0x3: {  	_ = 	snop  }
0x4: {  	_ = 	snop  }
0x5: {  	_ = 	snop  }
0x6: {  	_ = 	snop  }
0x7: {  	_ = 	snop  }
__scs_overlays_trampoline_lowered:
0x8: {  	[smem:$0x3FA8] =	sst s0  }
0x9: {  	[smem:$0x3FA9] =	sst s1  }
0xa: {  	[smem:$0x3FAA] =	sst s2  }
0xb: {  	[smem:$0x3FAB] =	sst s3  }
0xc: {  	[smem:$0x3FAC] =	sst s4  }
0xd: {  	[smem:$0x3FAD] =	sst s5  }
0xe: {  	[smem:$0x3FAE] =	sst s6  }
0xf: {  	[smem:$0x3FAF] =	sst s7  }
0x10: {  	[smem:$0x3FB0] =	sst s8  }
0x11: {  	[smem:$0x3FB1] =	sst s9;
	s0 =	simm.s32 @!p0 $0x0  }
0x12: {  	s1 =	sld [smem:$0x3F97];
	s0 =	simm.s32 @p0 $0x1  }
0x13: {  	[smem:$0x3FB2] =	sst s0;
	s0 =	simm.s32 @!p1 $0x0  }
0x14: {  	s2 =	sld [smem:$0x3F96];
	s0 =	simm.s32 @p1 $0x1  }
0x15: {  	[smem:$0x3FB3] =	sst s0;
	s0 =	simm.s32 @!p2 $0x0  }
0x16: {  	s3 =	sld [smem:$0x3FDB];
	s0 =	simm.s32 @p2 $0x1  }
0x17: {  	s4 =	simm.s32 $0x1BF5;
	[smem:$0x3FB5] =	sst s0  }
0x18: {  	s0 =	sld [smem:$0x3F98];
	_ =	swait.ge [sflag:s4], $0x0  }
0x19: {  	s7 =	sld [smem:$0x3F99]  }
0x1a: {  	s8 =	sadd.s32 $0xFFFFE003, lr  }
0x1b: {  	s9 =	sadd.s32 $0xFFFFFEF7, lr;
	s5 =	simm.s32 $0xFFFFFFFF;
	p2 =	slt.u32 s8, $0xFFFFF086  }
0x1c: {  	p1 =	slt.u32 s9, $0xF7A;
	s5 =	simm.s32 @!p2 $0x0  }
0x1d: {  	s5 =	simm.s32 @p1 $0x1;
	p0 =	seq.s32 s7, s2  }
0x1e: {  	s7 =	smul.u32 @!p0 $0xF7A, s2;
	p2 =	seq.s32 @!p0 s5, $0x0  }
0x1f: {  	s9 =	smul.u32 $0xF7A, s1;
	s8 =	simm.s32 @!p0 $0x1BF5;
	p2 =	por !p2, p0  }
0x20: {  	[sflag:s8] =	ssyncset.s32 @!p0 $0xFFFFF086;
	s6 =	sadd.s32 @!p0 s3, s7;
	s7 =	simm.s32 @!p0 $0x108  }
0x21: {  	s3 =	sadd.s32 s3, s9;
	s6 =	sadd.s32 @!p0 $0x88, s6;
	s7 =	simm.s32 @p2 $0x1082  }
0x22: {  	[simem:s7], [sflag:s8] =	dma.local @!p0 [hbm:s6], $0xF7A  }
0x23: {  	s9 =	sor.u32 $0xD0000000, s2;
	s6 =	simm.s32 $0x108;
	_ =	swait.ge @!p0 [sflag:s8], $0x0  }
0x24: {  	s3 =	sadd.s32 $0x88, s3;
	s6 =	simm.s32 @!p1 $0x1082;
	[sflag:s4] =	ssyncset.s32 $0xFFFFF086  }
0x25: {  	[simem:s6], [sflag:s4] =	dma.local [hbm:s3], $0xF7A  }
0x26: {  	[smem:$0x3F99] =	sst s1;
	(tag) =	ssettag s2;
	_ =	strace s9  }
0x27: {  	s1 =	sld [smem:$0x3FA9]  }
0x28: {  	s2 =	sld [smem:$0x3FAA]  }
0x29: {  	s4 =	sld [smem:$0x3FAC]  }
0x2a: {  	p0 =	seq.s32 s5, $0x0;
	s5 =	sld [smem:$0x3FAD]  }
0x2b: {  	s6 =	sld [smem:$0x3FAE]  }
0x2c: {  	s7 =	sld [smem:$0x3FAF]  }
0x2d: {  	s3 =	simm.s32 $0x108;
	s8 =	sld [smem:$0x3FB0]  }
0x2e: {  	s3 =	simm.s32 @!p0 $0x1082;
	s9 =	sld [smem:$0x3FB1]  }
0x2f: {  	lr =	sadd.s32 s0, s3;
	s0 =	sld [smem:$0x3FA8]  }
0x30: {  	s3 =	sld [smem:$0x3FAB]  }
0x31: {  	[smem:$0x3FB4] =	sst s10  }
0x32: {  	s10 =	sld [smem:$0x3FB2];
	_ =	sdelay $0x3  }
0x33: {  	p0 =	seq.s32 s10, $0x1;
	s10 =	sld [smem:$0x3FB4];
	_ =	sdelay $0x3  }
0x34: {  	[smem:$0x3FB4] =	sst s10  }
0x35: {  	s10 =	sld [smem:$0x3FB3];
	_ =	sdelay $0x3  }
0x36: {  	p1 =	seq.s32 s10, $0x1;
	s10 =	sld [smem:$0x3FB4];
	_ =	sdelay $0x3  }
0x37: {  	[smem:$0x3FB4] =	sst s10  }
0x38: {  	s10 =	sld [smem:$0x3FB5]  }
0x39: {  	_ = 	snop;
	(pc) =	sbr.ind lr, $3  }
0x3a: {  	_ = 	snop  }
0x3b: {  	_ = 	snop  }
0x3c: {  	p2 =	seq.s32 s10, $0x1;
	s10 =	sld [smem:$0x3FB4]  }
0x3d: {  	_ =	shalt  }
0x3e: {  	_ =	shalt  }
0x3f: {  	_ =	shalt  }
0x40: {  	_ =	shalt  }
0x41: {  	_ =	shalt  }
0x42: {  	_ =	shalt  }
0x43: {  	_ =	shalt  }
0x44: {  	_ =	shalt  }
0x45: {  	_ =	shalt  }
0x46: {  	_ =	shalt  }
0x47: {  	_ =	shalt  }
0x48: {  	_ =	shalt  }
0x49: {  	_ =	shalt  }
0x4a: {  	_ =	shalt  }
0x4b: {  	_ =	shalt  }
0x4c: {  	_ =	shalt  }
0x4d: {  	_ =	shalt  }
0x4e: {  	_ =	shalt  }
0x4f: {  	_ =	shalt  }
0x50: {  	_ =	shalt  }
0x51: {  	_ =	shalt  }
0x52: {  	_ =	shalt  }
0x53: {  	_ =	shalt  }
0x54: {  	_ =	shalt  }
0x55: {  	_ =	shalt  }
0x56: {  	_ =	shalt  }
0x57: {  	_ =	shalt  }
0x58: {  	_ =	shalt  }
0x59: {  	_ =	shalt  }
0x5a: {  	_ =	shalt  }
0x5b: {  	_ =	shalt  }
0x5c: {  	_ =	shalt  }
0x5d: {  	_ =	shalt  }
0x5e: {  	_ =	shalt  }
0x5f: {  	_ =	shalt  }
0x60: {  	_ =	shalt  }
0x61: {  	_ =	shalt  }
0x62: {  	_ =	shalt  }
0x63: {  	_ =	shalt  }
0x64: {  	_ =	shalt  }
0x65: {  	_ =	shalt  }
0x66: {  	_ =	shalt  }
0x67: {  	_ =	shalt  }
0x68: {  	_ =	shalt  }
0x69: {  	_ =	shalt  }
0x6a: {  	_ =	shalt  }
0x6b: {  	_ =	shalt  }
0x6c: {  	_ =	shalt  }
0x6d: {  	_ =	shalt  }
0x6e: {  	_ =	shalt  }
0x6f: {  	_ =	shalt  }
0x70: {  	_ =	shalt  }
0x71: {  	_ =	shalt  }
0x72: {  	_ =	shalt  }
0x73: {  	_ =	shalt  }
0x74: {  	_ =	shalt  }
0x75: {  	_ =	shalt  }
0x76: {  	_ =	shalt  }
0x77: {  	_ =	shalt  }
0x78: {  	_ =	shalt  }
0x79: {  	_ =	shalt  }
0x7a: {  	_ =	shalt  }
0x7b: {  	_ =	shalt  }
0x7c: {  	_ =	shalt  }
0x7d: {  	_ =	shalt  }
0x7e: {  	_ =	shalt  }
0x7f: {  	_ =	shalt  }
0x80: {  	_ =	shalt  }
0x81: {  	_ =	shalt  }
0x82: {  	_ =	shalt  }
0x83: {  	_ =	shalt  }
0x84: {  	_ =	shalt  }
0x85: {  	_ =	shalt  }
0x86: {  	_ =	shalt  }
0x87: {  	_ =	shalt  }
.Lfunc_end0:
.L_simem_size_0:
called_computation.2_lowered:
.L_overlay_start_0:
0x88: {  	s2 =	sld [smem:$0x3FD9]  }
0x89: {  	s3 =	sld [smem:$0x3FFE];
	_ =	sdelay $0x1  }
0x8a: {  	s1 =	srdreg.scid  }
0x8b: {  	s0 =	sand.u32 $0x1, s1  }
0x8c: {  	s17 =	sshll.u32 s0, $0xA;
	s2 =	sadd.s32 s3, s2  }
0x8d: {  	s2 =	sadd.s32 s2, s17  }
0x8e: {  	[smem:$0x3FC0] =	sst s2  }
0x8f: {  	_ = 	snop  }
0x90: {  	s2 =	sld [smem:$0x3FD0];
	(tm) =	ssettm $0x1  }
0x91: {  	s18 =	sld [smem:$0x3FFB];
	_ =	sdelay $0x3  }
0x92: {  	_ =	strace s18  }
0x93: {  	s3 =	sld [smem:$0x3FFC];
	_ =	sdelay $0x3  }
0x94: {  	_ =	strace s3  }
0x95: {  	s3 =	sld [smem:$0x3FFD];
	_ =	sdelay $0x3  }
0x96: {  	_ =	strace s3  }
0x97: {  	_ =	strace $0x8FFFFFFF  }
0x98: {  	s19 =	sld [smem:$0x3FDB];
	_ =	sdelay $0x1  }
0x99: {  	s4 =	simm.s32 $_scs_section_size  }
0x9a: {  	s5 =	simm.s32 $_size__tile_overlayer_lowered;
	s6 =	simm.s32 $_tile_overlayer_lowered  }
0x9b: {  	s22 =	simm.s32 $0x1BFF;
	s21 =	sshll.u32 s6, $0x1;
	s3 =	sadd.s32 s4, s19  }
0x9c: {  	s7 =	simm.s32 $0x0;
	s20 =	sshll.u32 s5, $0x1;
	s5 =	sadd.s32 s21, s3  }
0x9d: {  	[timem:s7], [sflag:s22] =	dma.local [hbm:s5], s20  }
0x9e: {  	_ =	swait.ge [sflag:s22], s20  }
0x9f: {  	s4 =	ssub.s32 $0x0, s20;
	[sflag:s22] =	ssyncset.done $0x0  }
0xa0: {  	[sflag:s22] =	ssyncadd.s32 s4;
	_ =	sdelay $0x1  }
0xa1: {  	s23 =	simm.s32 $0x1B8B  }
0xa2: {  	_ =	swait.ge [sflag:s23], $0x1  }
0xa3: {  	[sflag:s23] =	ssyncset.done $0x0  }
0xa4: {  	s25 =	simm.s32 $0x1B8E;
	s24 =	sld [smem:$0x3FFE];
	[sflag:s23] =	ssyncadd.s32 $0xFFFFFFFF  }
0xa5: {  	s26 =	simm.s32 $execute0_lowered;
	[smem:$0x3FD2] =	sst s25  }
0xa6: {  	s5 =	sshll.u32 s26, $0x1;
	_ =	strace $0x8000004C;
	[dreg:$0x1] =	wrdreg $0xFFFFFFFF  }
0xa7: {  	s28 =	simm.s32 $_size_execute0_lowered;
	s3 =	sadd.s32 s3, s5;
	[dreg:$0x0] =	wrdreg $0x0  }
0xa8: {  	s5 =	sshll.u32 s28, $0x1;
	[dreg:$0x2] =	wrdreg s3  }
0xa9: {  	[dreg:$0x3] =	wrdreg s5  }
0xaa: {  	[dreg:$0x4] =	wrdreg $0xC0  }
0xab: {  	_ =	task [dreg:s7], $0x5FFFF  }
0xac: {  	[dreg:$0x1] =	wrdreg $0xFFFFFFFF  }
0xad: {  	[dreg:$0x0] =	wrdreg $0x60  }
0xae: {  	[dreg:$0x2] =	wrdreg s2  }
0xaf: {  	[dreg:$0x3] =	wrdreg s24  }
0xb0: {  	[dreg:$0x4] =	wrdreg $0xA8000  }
0xb1: {  	[dreg:$0x5] =	wrdreg $0x9  }
0xb2: {  	_ =	task.clear_ibuf [dreg:s7], $0x6FFFF;
	_ =	strace $0x9000004C  }
0xb3: {  	s29 =	simm.s32 $0x9;
	_ =	strace $0x8000004E  }
0xb4: {  	_ =	swait.ge [sflag:s29], $0x1  }
0xb5: {  	[sflag:s29] =	ssyncadd.s32 $0xFFFFFFFF  }
0xb6: {  	_ =	strace $0x9000004E  }
0xb7: {  	_ =	sfence  }
0xb8: {  	s30 =	sld [smem:$0x0];
	_ =	sdelay $0x2  }
0xb9: {  	s31 =	sshll.u32 s1, $0xD;
	s1 =	sshrl.u32 s1, $0x2  }
0xba: {  	s3 =	sand.u32 $0x4000, s31;
	s1 =	sadd.s32 s1, s30  }
0xbb: {  	s0 =	sor.u32 s3, s0;
	s1 =	sshll.u32 s1, $0x11  }
0xbc: {  	s0 =	sor.u32 s1, s0  }
0xbd: {  	s0 =	sadd.s32 $0x8F2B, s0  }
0xbe: {  	[sflag:s0] =	ssyncadd.remote.s32 $0x1  }
0xbf: {  	_ =	sfence.sel $0xFFFF  }
0xc0: {  	[dreg:$0x0] =	wrdreg $0xFFFFFFFF;
	(pc) =	sbr.abs _section_cstart, $3  }
0xc1: {  	[dreg:$0x1] =	wrdreg $0xFFFFFFFF  }
0xc2: {  	_ =	task.clear_ibuf [dreg:s7], $0x2FFFF;
	_ =	strace $0x9FFFFFFF  }
0xc3: {  	(tm) =	ssettm $0x7FFFFFFF  }
tec
execute0_lowered:
.L_overlay_start_1:
0x0: {  	(tag) =	ssettag $0x1  }
0x1: {  	s1 =	rddreg [dreg:$0x0]  }
0x2: {  	s0 =	rddreg [dreg:$0x1]  }
0x3: {  	s3 =	rddreg [dreg:$0x2];
	s4 =	simm.s32 $0x0  }
0x4: {  	s15 =	stileid.u32;
	s2 =	srdreg.scid;
	s16 =	simm.s32 $0x80  }
0x5: {  	s17 =	simm.s32 $0x8800;
	s18 =	simm.s32 $0x8C00;
	s19 =	simm.s32 $0x9000  }
0x6: {  	s20 =	simm.s32 $0x9400;
	s21 =	simm.s32 $0x9800;
	s22 =	simm.s32 $0x9C00  }
0x7: {  	s23 =	simm.s32 $0xA000;
	s24 =	simm.s32 $0xA400;
	s25 =	simm.s32 $0x1  }
0x8: {  	s30 =	simm.s32 $0x4F80;
	s31 =	simm.s32 $0x0;
	[smem:$0x7FF] =	sst s4  }
0x9: {  	s5 =	smul.u32 $0x1400, s15;
	s2 =	sand.u32 $0x1, s2;
	s9 =	sadd.s32 $0x10C00, s0  }
0xa: {  	s10 =	sadd.s32 $0x1C00, s0;
	s12 =	smul.u32 $0x180, s15;
	s26 =	sshll.u32 s15, $0x6  }
0xb: {  	s29 =	smul.u32 $0x880, s15;
	s15 =	simm.s32 $0x4400;
	_ =	strace $0x8000004D  }
0xc: {  	s6 =	smul.u32 $0x14000, s2;
	s8 =	ssub.s32 $0x2, s2;
	p0 =	sne.s32 s2, $0x0  }
0xd: {  	s7 =	sshrl.u32 s5, $0x3;
	s11 =	sshrl.u32 s8, $0x1;
	s14 =	sadd.s32 s5, s3  }
0xe: {  	s28 =	sadd.s32 $0x8800, s12;
	s7 =	sadd.s32 s7, s0;
	s6 =	sadd.s32 s5, s6  }
.Ltmp0:
0xf: {  	s13 =	ssub.s32 s8, s11;
	s8 =	sadd.s32 s10, s28;
	(pc) =	sbr.rel .LBB2_1-.Ltmp0, $4  }
0x10: {  	s10 =	sadd.s32 s10, s29;
	s6 =	sshrl.u32 s6, $0x3;
	s5 =	sadd.s32 $0xBC00, s7  }
0x11: {  	s7 =	sadd.s32 s9, s28;
	s9 =	sadd.s32 s9, s29;
	s12 =	smax.u32 s13, $0x1  }
0x12: {  	s13 =	sshrl.u32 s14, $0x3;
	s14 =	simm.s32 $0x3;
	s0 =	sadd.s32 s6, s0  }
0x13: {  	s6 =	sor.u32 $0x1C03, s26;
	s26 =	simm.s32 $0x2;
	s11 =	sadd.s32 $0x1AC00, s0  }
.LBB2_5:
0x14: {  	[tilespmem:s4], [sflag:$0x3] =	stream.linear.gather [hbm4b:s7+s4], $0xC00, $0x38;
	[tilespmem:$0xBC00] =	vst v63  }
0x15: {  	_ =	swait.ge [sflag:s14], $0xC00  }
0x16: {  	[sflag:s14] =	ssyncset.done $0x0  }
0x17: {  	[sflag:s14] =	ssyncadd.s32 $0xFFFFF400  }
0x18: {  	[tilespmem:s15], [sflag:$0x3] =	stream.linear.gather [hbm4b:s8+s4], $0xC00, $0x38;
	[tilespmem:$0xBC00] =	vst v63  }
0x19: {  	_ =	swait.ge [sflag:s14], $0xC00  }
0x1a: {  	[sflag:s14] =	ssyncset.done $0x0  }
0x1b: {  	[sflag:s14] =	ssyncadd.s32 $0xFFFFF400  }
0x1c: {  	[bflag:$0x0] =	sbarrier.arrive $0xFFFF  }
0x1d: {  	[tilespmem:s17], [sflag:$0x1] =	stream.indirect.gather [hbm4b:s1+s16], $0x8, s4, s16, $0xb8;
	[tilespmem:$0xBC00] =	vst v63  }
0x1e: {  	_ = 	snop  }
0x1f: {  	[tilespmem:s18], [sflag:$0x1] =	stream.indirect.gather [hbm4b:s1+s16], $0x8, s16, s16, $0xb8;
	[tilespmem:$0xBC00] =	vst v63  }
0x20: {  	s0 =	simm.s32 $0x100  }
0x21: {  	[tilespmem:s19], [sflag:$0x1] =	stream.indirect.gather [hbm4b:s1+s16], $0x8, s0, s16, $0xb8;
	[tilespmem:$0xBC00] =	vst v63  }
0x22: {  	s29 =	simm.s32 $0x180  }
0x23: {  	[tilespmem:s20], [sflag:$0x1] =	stream.indirect.gather [hbm4b:s1+s16], $0x8, s29, s16, $0xb8;
	[tilespmem:$0xBC00] =	vst v63  }
0x24: {  	s2 =	simm.s32 $0x200  }
0x25: {  	[tilespmem:s21], [sflag:$0x1] =	stream.indirect.gather [hbm4b:s1+s16], $0x8, s2, s16, $0xb8;
	[tilespmem:$0xBC00] =	vst v63  }
0x26: {  	s28 =	simm.s32 $0x280  }
0x27: {  	[tilespmem:s22], [sflag:$0x1] =	stream.indirect.gather [hbm4b:s1+s16], $0x8, s28, s16, $0xb8;
	[tilespmem:$0xBC00] =	vst v63  }
0x28: {  	s29 =	simm.s32 $0x300  }
0x29: {  	[tilespmem:s23], [sflag:$0x1] =	stream.indirect.gather [hbm4b:s1+s16], $0x8, s29, s16, $0xb8;
	[tilespmem:$0xBC00] =	vst v63  }
0x2a: {  	s2 =	simm.s32 $0x380  }
0x2b: {  	[tilespmem:s24], [sflag:$0x1] =	stream.indirect.gather [hbm4b:s1+s16], $0x8, s2, s16, $0xb8;
	[tilespmem:$0xBC00] =	vst v63  }
0x2c: {  	_ =	swait.ge [sflag:s25], $0x400  }
0x2d: {  	[sflag:s25] =	ssyncset.done $0x0  }
0x2e: {  	[sflag:s25] =	ssyncadd.s32 $0xFFFFFC00  }
0x2f: {  	[spmem:s3] =	stream.indirect.scatter.add.f32 [tilespmem:s17], [sflag:$0x2], $0x8, s15, s16, $0xb8;
	[tilespmem:$0xBC00] =	vst v63  }
0x30: {  	_ =	swait.ge [sflag:s25], $0x400  }
0x31: {  	[sflag:s25] =	ssyncset.done $0x0  }
0x32: {  	s28 =	simm.s32 $0x4480;
	[sflag:s25] =	ssyncadd.s32 $0xFFFFFC00  }
0x33: {  	[spmem:s3] =	stream.indirect.scatter.add.f32 [tilespmem:s18], [sflag:$0x2], $0x8, s28, s16, $0xb8;
	[tilespmem:$0xBC00] =	vst v63  }
0x34: {  	_ =	swait.ge [sflag:s25], $0x400  }
0x35: {  	[sflag:s25] =	ssyncset.done $0x0  }
0x36: {  	s29 =	simm.s32 $0x4500;
	[sflag:s25] =	ssyncadd.s32 $0xFFFFFC00  }
0x37: {  	[spmem:s3] =	stream.indirect.scatter.add.f32 [tilespmem:s19], [sflag:$0x2], $0x8, s29, s16, $0xb8;
	[tilespmem:$0xBC00] =	vst v63  }
0x38: {  	_ =	swait.ge [sflag:s25], $0x400  }
0x39: {  	[sflag:s25] =	ssyncset.done $0x0  }
0x3a: {  	s2 =	simm.s32 $0x4580;
	[sflag:s25] =	ssyncadd.s32 $0xFFFFFC00  }
0x3b: {  	[spmem:s3] =	stream.indirect.scatter.add.f32 [tilespmem:s20], [sflag:$0x2], $0x8, s2, s16, $0xb8;
	[tilespmem:$0xBC00] =	vst v63  }
0x3c: {  	_ =	swait.ge [sflag:s25], $0x400  }
0x3d: {  	[sflag:s25] =	ssyncset.done $0x0  }
0x3e: {  	s28 =	simm.s32 $0x4600;
	[sflag:s25] =	ssyncadd.s32 $0xFFFFFC00  }
0x3f: {  	[spmem:s3] =	stream.indirect.scatter.add.f32 [tilespmem:s21], [sflag:$0x2], $0x8, s28, s16, $0xb8;
	[tilespmem:$0xBC00] =	vst v63  }
0x40: {  	_ =	swait.ge [sflag:s25], $0x400  }
0x41: {  	[sflag:s25] =	ssyncset.done $0x0  }
0x42: {  	s29 =	simm.s32 $0x4680;
	[sflag:s25] =	ssyncadd.s32 $0xFFFFFC00  }
0x43: {  	[spmem:s3] =	stream.indirect.scatter.add.f32 [tilespmem:s22], [sflag:$0x2], $0x8, s29, s16, $0xb8;
	[tilespmem:$0xBC00] =	vst v63  }
0x44: {  	_ =	swait.ge [sflag:s25], $0x400  }
0x45: {  	[sflag:s25] =	ssyncset.done $0x0  }
0x46: {  	s2 =	simm.s32 $0x4700;
	[sflag:s25] =	ssyncadd.s32 $0xFFFFFC00  }
0x47: {  	[spmem:s3] =	stream.indirect.scatter.add.f32 [tilespmem:s23], [sflag:$0x2], $0x8, s2, s16, $0xb8;
	[tilespmem:$0xBC00] =	vst v63  }
0x48: {  	_ =	swait.ge [sflag:s25], $0x400  }
0x49: {  	[sflag:s25] =	ssyncset.done $0x0  }
0x4a: {  	s28 =	simm.s32 $0x4780;
	[sflag:s25] =	ssyncadd.s32 $0xFFFFFC00  }
0x4b: {  	[spmem:s3] =	stream.indirect.scatter.add.f32 [tilespmem:s24], [sflag:$0x2], $0x8, s28, s16, $0xb8;
	[tilespmem:$0xBC00] =	vst v63  }
0x4c: {  	_ =	swait.ge [sflag:s26], $0x400  }
0x4d: {  	[sflag:s26] =	ssyncset.done $0x0  }
0x4e: {  	[sflag:s26] =	ssyncadd.s32 $0xFFFFFC00  }
0x4f: {  	_ =	swait.ge [sflag:s26], $0x400  }
0x50: {  	[sflag:s26] =	ssyncset.done $0x0  }
0x51: {  	[sflag:s26] =	ssyncadd.s32 $0xFFFFFC00  }
0x52: {  	_ =	swait.ge [sflag:s26], $0x400  }
0x53: {  	[sflag:s26] =	ssyncset.done $0x0  }
0x54: {  	[sflag:s26] =	ssyncadd.s32 $0xFFFFFC00  }
0x55: {  	_ =	swait.ge [sflag:s26], $0x400  }
0x56: {  	[sflag:s26] =	ssyncset.done $0x0  }
0x57: {  	[sflag:s26] =	ssyncadd.s32 $0xFFFFFC00  }
0x58: {  	_ =	swait.ge [sflag:s26], $0x400  }
0x59: {  	[sflag:s26] =	ssyncset.done $0x0  }
0x5a: {  	[sflag:s26] =	ssyncadd.s32 $0xFFFFFC00  }
0x5b: {  	_ =	swait.ge [sflag:s26], $0x400  }
0x5c: {  	[sflag:s26] =	ssyncset.done $0x0  }
0x5d: {  	[sflag:s26] =	ssyncadd.s32 $0xFFFFFC00  }
0x5e: {  	_ =	swait.ge [sflag:s26], $0x400  }
0x5f: {  	[sflag:s26] =	ssyncset.done $0x0  }
0x60: {  	[sflag:s26] =	ssyncadd.s32 $0xFFFFFC00  }
0x61: {  	_ =	swait.ge [sflag:s26], $0x400  }
0x62: {  	[sflag:s26] =	ssyncset.done $0x0  }
0x63: {  	s29 =	simm.s32 $0x400;
	[sflag:s26] =	ssyncadd.s32 $0xFFFFFC00  }
0x64: {  	[tilespmem:s17], [sflag:$0x1] =	stream.indirect.gather [hbm4b:s1+s16], $0x8, s29, s16, $0xb8;
	[tilespmem:$0xBC00] =	vst v63  }
0x65: {  	s2 =	simm.s32 $0x480  }
0x66: {  	[tilespmem:s18], [sflag:$0x1] =	stream.indirect.gather [hbm4b:s1+s16], $0x8, s2, s16, $0xb8;
	[tilespmem:$0xBC00] =	vst v63  }
0x67: {  	s28 =	simm.s32 $0x500  }
0x68: {  	[tilespmem:s19], [sflag:$0x1] =	stream.indirect.gather [hbm4b:s1+s16], $0x8, s28, s16, $0xb8;
	[tilespmem:$0xBC00] =	vst v63  }
0x69: {  	s29 =	simm.s32 $0x580  }
0x6a: {  	[tilespmem:s20], [sflag:$0x1] =	stream.indirect.gather [hbm4b:s1+s16], $0x8, s29, s16, $0xb8;
	[tilespmem:$0xBC00] =	vst v63  }
0x6b: {  	s2 =	simm.s32 $0x600  }
0x6c: {  	[tilespmem:s21], [sflag:$0x1] =	stream.indirect.gather [hbm4b:s1+s16], $0x8, s2, s16, $0xb8;
	[tilespmem:$0xBC00] =	vst v63  }
0x6d: {  	s28 =	simm.s32 $0x680  }
0x6e: {  	[tilespmem:s22], [sflag:$0x1] =	stream.indirect.gather [hbm4b:s1+s16], $0x8, s28, s16, $0xb8;
	[tilespmem:$0xBC00] =	vst v63  }
0x6f: {  	s29 =	simm.s32 $0x700  }
0x70: {  	[tilespmem:s23], [sflag:$0x1] =	stream.indirect.gather [hbm4b:s1+s16], $0x8, s29, s16, $0xb8;
	[tilespmem:$0xBC00] =	vst v63  }
0x71: {  	s2 =	simm.s32 $0x780  }
0x72: {  	[tilespmem:s24], [sflag:$0x1] =	stream.indirect.gather [hbm4b:s1+s16], $0x8, s2, s16, $0xb8;
	[tilespmem:$0xBC00] =	vst v63  }
0x73: {  	_ =	swait.ge [sflag:s25], $0x400  }
0x74: {  	[sflag:s25] =	ssyncset.done $0x0  }
0x75: {  	s28 =	simm.s32 $0x4800;
	[sflag:s25] =	ssyncadd.s32 $0xFFFFFC00  }
0x76: {  	[spmem:s3] =	stream.indirect.scatter.add.f32 [tilespmem:s17], [sflag:$0x2], $0x8, s28, s16, $0xb8;
	[tilespmem:$0xBC00] =	vst v63  }
0x77: {  	_ =	swait.ge [sflag:s25], $0x400  }
0x78: {  	[sflag:s25] =	ssyncset.done $0x0  }
0x79: {  	s29 =	simm.s32 $0x4880;
	[sflag:s25] =	ssyncadd.s32 $0xFFFFFC00  }
0x7a: {  	[spmem:s3] =	stream.indirect.scatter.add.f32 [tilespmem:s18], [sflag:$0x2], $0x8, s29, s16, $0xb8;
	[tilespmem:$0xBC00] =	vst v63  }
0x7b: {  	_ =	swait.ge [sflag:s25], $0x400  }
0x7c: {  	[sflag:s25] =	ssyncset.done $0x0  }
0x7d: {  	s2 =	simm.s32 $0x4900;
	[sflag:s25] =	ssyncadd.s32 $0xFFFFFC00  }
0x7e: {  	[spmem:s3] =	stream.indirect.scatter.add.f32 [tilespmem:s19], [sflag:$0x2], $0x8, s2, s16, $0xb8;
	[tilespmem:$0xBC00] =	vst v63  }
0x7f: {  	_ =	swait.ge [sflag:s25], $0x400  }
0x80: {  	[sflag:s25] =	ssyncset.done $0x0  }
0x81: {  	s28 =	simm.s32 $0x4980;
	[sflag:s25] =	ssyncadd.s32 $0xFFFFFC00  }
0x82: {  	[spmem:s3] =	stream.indirect.scatter.add.f32 [tilespmem:s20], [sflag:$0x2], $0x8, s28, s16, $0xb8;
	[tilespmem:$0xBC00] =	vst v63  }
0x83: {  	_ =	swait.ge [sflag:s25], $0x400  }
0x84: {  	[sflag:s25] =	ssyncset.done $0x0  }
0x85: {  	s29 =	simm.s32 $0x4A00;
	[sflag:s25] =	ssyncadd.s32 $0xFFFFFC00  }
0x86: {  	[spmem:s3] =	stream.indirect.scatter.add.f32 [tilespmem:s21], [sflag:$0x2], $0x8, s29, s16, $0xb8;
	[tilespmem:$0xBC00] =	vst v63  }
0x87: {  	_ =	swait.ge [sflag:s25], $0x400  }
0x88: {  	[sflag:s25] =	ssyncset.done $0x0  }
0x89: {  	s2 =	simm.s32 $0x4A80;
	[sflag:s25] =	ssyncadd.s32 $0xFFFFFC00  }
0x8a: {  	[spmem:s3] =	stream.indirect.scatter.add.f32 [tilespmem:s22], [sflag:$0x2], $0x8, s2, s16, $0xb8;
	[tilespmem:$0xBC00] =	vst v63  }
0x8b: {  	_ =	swait.ge [sflag:s25], $0x400  }
0x8c: {  	[sflag:s25] =	ssyncset.done $0x0  }
0x8d: {  	s28 =	simm.s32 $0x4B00;
	[sflag:s25] =	ssyncadd.s32 $0xFFFFFC00  }
0x8e: {  	[spmem:s3] =	stream.indirect.scatter.add.f32 [tilespmem:s23], [sflag:$0x2], $0x8, s28, s16, $0xb8;
	[tilespmem:$0xBC00] =	vst v63  }
0x8f: {  	_ =	swait.ge [sflag:s25], $0x400  }
0x90: {  	[sflag:s25] =	ssyncset.done $0x0  }
0x91: {  	s29 =	simm.s32 $0x4B80;
	[sflag:s25] =	ssyncadd.s32 $0xFFFFFC00  }
0x92: {  	[spmem:s3] =	stream.indirect.scatter.add.f32 [tilespmem:s24], [sflag:$0x2], $0x8, s29, s16, $0xb8;
	[tilespmem:$0xBC00] =	vst v63  }
0x93: {  	_ =	swait.ge [sflag:s26], $0x400  }
0x94: {  	[sflag:s26] =	ssyncset.done $0x0  }
0x95: {  	[sflag:s26] =	ssyncadd.s32 $0xFFFFFC00  }
0x96: {  	_ =	swait.ge [sflag:s26], $0x400  }
0x97: {  	[sflag:s26] =	ssyncset.done $0x0  }
0x98: {  	[sflag:s26] =	ssyncadd.s32 $0xFFFFFC00  }
0x99: {  	_ =	swait.ge [sflag:s26], $0x400  }
0x9a: {  	[sflag:s26] =	ssyncset.done $0x0  }
0x9b: {  	[sflag:s26] =	ssyncadd.s32 $0xFFFFFC00  }
0x9c: {  	_ =	swait.ge [sflag:s26], $0x400  }
0x9d: {  	[sflag:s26] =	ssyncset.done $0x0  }
0x9e: {  	[sflag:s26] =	ssyncadd.s32 $0xFFFFFC00  }
0x9f: {  	_ =	swait.ge [sflag:s26], $0x400  }
0xa0: {  	[sflag:s26] =	ssyncset.done $0x0  }
0xa1: {  	[sflag:s26] =	ssyncadd.s32 $0xFFFFFC00  }
0xa2: {  	_ =	swait.ge [sflag:s26], $0x400  }
0xa3: {  	[sflag:s26] =	ssyncset.done $0x0  }
0xa4: {  	[sflag:s26] =	ssyncadd.s32 $0xFFFFFC00  }
0xa5: {  	_ =	swait.ge [sflag:s26], $0x400  }
0xa6: {  	[sflag:s26] =	ssyncset.done $0x0  }
0xa7: {  	[sflag:s26] =	ssyncadd.s32 $0xFFFFFC00  }
0xa8: {  	_ =	swait.ge [sflag:s26], $0x400  }
0xa9: {  	[sflag:s26] =	ssyncset.done $0x0  }
0xaa: {  	s2 =	simm.s32 $0x800;
	[sflag:s26] =	ssyncadd.s32 $0xFFFFFC00  }
0xab: {  	[tilespmem:s17], [sflag:$0x1] =	stream.indirect.gather [hbm4b:s1+s16], $0x8, s2, s16, $0xb8;
	[tilespmem:$0xBC00] =	vst v63  }
0xac: {  	s28 =	simm.s32 $0x880  }
0xad: {  	[tilespmem:s18], [sflag:$0x1] =	stream.indirect.gather [hbm4b:s1+s16], $0x8, s28, s16, $0xb8;
	[tilespmem:$0xBC00] =	vst v63  }
0xae: {  	s29 =	simm.s32 $0x900  }
0xaf: {  	[tilespmem:s19], [sflag:$0x1] =	stream.indirect.gather [hbm4b:s1+s16], $0x8, s29, s16, $0xb8;
	[tilespmem:$0xBC00] =	vst v63  }
0xb0: {  	s2 =	simm.s32 $0x980  }
0xb1: {  	[tilespmem:s20], [sflag:$0x1] =	stream.indirect.gather [hbm4b:s1+s16], $0x8, s2, s16, $0xb8;
	[tilespmem:$0xBC00] =	vst v63  }
0xb2: {  	s28 =	simm.s32 $0xA00  }
0xb3: {  	[tilespmem:s21], [sflag:$0x1] =	stream.indirect.gather [hbm4b:s1+s16], $0x8, s28, s16, $0xb8;
	[tilespmem:$0xBC00] =	vst v63  }
0xb4: {  	s29 =	simm.s32 $0xA80  }
0xb5: {  	[tilespmem:s22], [sflag:$0x1] =	stream.indirect.gather [hbm4b:s1+s16], $0x8, s29, s16, $0xb8;
	[tilespmem:$0xBC00] =	vst v63  }
0xb6: {  	s2 =	simm.s32 $0xB00  }
0xb7: {  	[tilespmem:s23], [sflag:$0x1] =	stream.indirect.gather [hbm4b:s1+s16], $0x8, s2, s16, $0xb8;
	[tilespmem:$0xBC00] =	vst v63  }
0xb8: {  	s28 =	simm.s32 $0xB80  }
0xb9: {  	[tilespmem:s24], [sflag:$0x1] =	stream.indirect.gather [hbm4b:s1+s16], $0x8, s28, s16, $0xb8;
	[tilespmem:$0xBC00] =	vst v63  }
0xba: {  	_ =	swait.ge [sflag:s25], $0x400  }
0xbb: {  	[sflag:s25] =	ssyncset.done $0x0  }
0xbc: {  	s29 =	simm.s32 $0x4C00;
	[sflag:s25] =	ssyncadd.s32 $0xFFFFFC00  }
0xbd: {  	[spmem:s3] =	stream.indirect.scatter.add.f32 [tilespmem:s17], [sflag:$0x2], $0x8, s29, s16, $0xb8;
	[tilespmem:$0xBC00] =	vst v63  }
0xbe: {  	_ =	swait.ge [sflag:s25], $0x400  }
0xbf: {  	[sflag:s25] =	ssyncset.done $0x0  }
0xc0: {  	s2 =	simm.s32 $0x4C80;
	[sflag:s25] =	ssyncadd.s32 $0xFFFFFC00  }
0xc1: {  	[spmem:s3] =	stream.indirect.scatter.add.f32 [tilespmem:s18], [sflag:$0x2], $0x8, s2, s16, $0xb8;
	[tilespmem:$0xBC00] =	vst v63  }
0xc2: {  	_ =	swait.ge [sflag:s25], $0x400  }
0xc3: {  	[sflag:s25] =	ssyncset.done $0x0  }
0xc4: {  	s28 =	simm.s32 $0x4D00;
	[sflag:s25] =	ssyncadd.s32 $0xFFFFFC00  }
0xc5: {  	[spmem:s3] =	stream.indirect.scatter.add.f32 [tilespmem:s19], [sflag:$0x2], $0x8, s28, s16, $0xb8;
	[tilespmem:$0xBC00] =	vst v63  }
0xc6: {  	_ =	swait.ge [sflag:s25], $0x400  }
0xc7: {  	[sflag:s25] =	ssyncset.done $0x0  }
0xc8: {  	s29 =	simm.s32 $0x4D80;
	[sflag:s25] =	ssyncadd.s32 $0xFFFFFC00  }
0xc9: {  	[spmem:s3] =	stream.indirect.scatter.add.f32 [tilespmem:s20], [sflag:$0x2], $0x8, s29, s16, $0xb8;
	[tilespmem:$0xBC00] =	vst v63  }
0xca: {  	_ =	swait.ge [sflag:s25], $0x400  }
0xcb: {  	[sflag:s25] =	ssyncset.done $0x0  }
0xcc: {  	s2 =	simm.s32 $0x4E00;
	[sflag:s25] =	ssyncadd.s32 $0xFFFFFC00  }
0xcd: {  	[spmem:s3] =	stream.indirect.scatter.add.f32 [tilespmem:s21], [sflag:$0x2], $0x8, s2, s16, $0xb8;
	[tilespmem:$0xBC00] =	vst v63  }
0xce: {  	_ =	swait.ge [sflag:s25], $0x400  }
0xcf: {  	[sflag:s25] =	ssyncset.done $0x0  }
0xd0: {  	s28 =	simm.s32 $0x4E80;
	[sflag:s25] =	ssyncadd.s32 $0xFFFFFC00  }
0xd1: {  	[spmem:s3] =	stream.indirect.scatter.add.f32 [tilespmem:s22], [sflag:$0x2], $0x8, s28, s16, $0xb8;
	[tilespmem:$0xBC00] =	vst v63  }
0xd2: {  	_ =	swait.ge [sflag:s25], $0x400  }
0xd3: {  	[sflag:s25] =	ssyncset.done $0x0  }
0xd4: {  	s29 =	simm.s32 $0x4F00;
	[sflag:s25] =	ssyncadd.s32 $0xFFFFFC00  }
0xd5: {  	[spmem:s3] =	stream.indirect.scatter.add.f32 [tilespmem:s23], [sflag:$0x2], $0x8, s29, s16, $0xb8;
	[tilespmem:$0xBC00] =	vst v63  }
0xd6: {  	_ =	swait.ge [sflag:s25], $0x400  }
0xd7: {  	[sflag:s25] =	ssyncset.done $0x0  }
0xd8: {  	[sflag:s25] =	ssyncadd.s32 $0xFFFFFC00  }
0xd9: {  	[spmem:s3] =	stream.indirect.scatter.add.f32 [tilespmem:s24], [sflag:$0x2], $0x8, s30, s16, $0xb8;
	[tilespmem:$0xBC00] =	vst v63  }
0xda: {  	_ =	swait.ge [sflag:s26], $0x400  }
0xdb: {  	[sflag:s26] =	ssyncset.done $0x0  }
0xdc: {  	[sflag:s26] =	ssyncadd.s32 $0xFFFFFC00  }
0xdd: {  	_ =	swait.ge [sflag:s26], $0x400  }
0xde: {  	[sflag:s26] =	ssyncset.done $0x0  }
0xdf: {  	[sflag:s26] =	ssyncadd.s32 $0xFFFFFC00  }
0xe0: {  	_ =	swait.ge [sflag:s26], $0x400  }
0xe1: {  	[sflag:s26] =	ssyncset.done $0x0  }
0xe2: {  	[sflag:s26] =	ssyncadd.s32 $0xFFFFFC00  }
0xe3: {  	_ =	swait.ge [sflag:s26], $0x400  }
0xe4: {  	[sflag:s26] =	ssyncset.done $0x0  }
0xe5: {  	[sflag:s26] =	ssyncadd.s32 $0xFFFFFC00  }
0xe6: {  	_ =	swait.ge [sflag:s26], $0x400  }
0xe7: {  	[sflag:s26] =	ssyncset.done $0x0  }
0xe8: {  	[sflag:s26] =	ssyncadd.s32 $0xFFFFFC00  }
0xe9: {  	_ =	swait.ge [sflag:s26], $0x400  }
0xea: {  	[sflag:s26] =	ssyncset.done $0x0  }
0xeb: {  	[sflag:s26] =	ssyncadd.s32 $0xFFFFFC00  }
0xec: {  	_ =	swait.ge [sflag:s26], $0x400  }
0xed: {  	[sflag:s26] =	ssyncset.done $0x0  }
0xee: {  	[sflag:s26] =	ssyncadd.s32 $0xFFFFFC00  }
0xef: {  	_ =	swait.ge [sflag:s26], $0x400  }
0xf0: {  	[sflag:s26] =	ssyncset.done $0x0  }
0xf1: {  	[sflag:s26] =	ssyncadd.s32 $0xFFFFFC00  }
.LBB2_6:
0xf2: {  	s31 =	sadd.s32 $0x1, s31  }
0xf3: {  	p1 =	sne.s32 s31, s12  }
.Ltmp1:
0xf4: {  	[bflag:$0x0] =	sbarrier.arrive $0xFFFF;
	(pc) =	sbr.rel @!p1 .LBB2_7-.Ltmp1, $4  }
0xf5: {  	[hbm:s11], [sflag:s6] =	dma.local [spmem:s13], $0x280  }
0xf6: {  	_ =	swait.ge [sflag:s14], $0x280  }
0xf7: {  	[sflag:s14] =	ssyncset.done $0x0  }
0xf8: {  	[sflag:s14] =	ssyncadd.s32 $0xFFFFFD80  }
.LBB2_1:
.Ltmp2:
0xf9: {  	(pc) =	sbr.rel @p0 .LBB2_5-.Ltmp2, $4  }
0xfa: {  	[spmem:s13], [sflag:s6] =	dma.local [hbm:s5], $0x280  }
0xfb: {  	_ =	swait.ge [sflag:s14], $0x280  }
0xfc: {  	[sflag:s14] =	ssyncset.done $0x0  }
0xfd: {  	[sflag:s14] =	ssyncadd.s32 $0xFFFFFD80  }
0xfe: {  	s0 =	simm.s32 $0x0  }
0xff: {  	[tilespmem:s0], [sflag:$0x3] =	stream.linear.gather [hbm4b:s9+s0], $0x4400, $0x38;
	[tilespmem:$0xBC00] =	vst v63  }
0x100: {  	_ =	swait.ge [sflag:s14], $0x4400  }
0x101: {  	[sflag:s14] =	ssyncset.done $0x0  }
0x102: {  	[sflag:s14] =	ssyncadd.s32 $0xFFFFBC00  }
0x103: {  	[tilespmem:s15], [sflag:$0x3] =	stream.linear.gather [hbm4b:s10+s0], $0x4400, $0x38;
	[tilespmem:$0xBC00] =	vst v63  }
0x104: {  	_ =	swait.ge [sflag:s14], $0x4400  }
0x105: {  	[sflag:s14] =	ssyncset.done $0x0  }
0x106: {  	[sflag:s14] =	ssyncadd.s32 $0xFFFFBC00  }
0x107: {  	s29 =	simm.s32 $0x0;
	[bflag:$0x0] =	sbarrier.arrive $0xFFFF  }
0x108: {  	[tilespmem:s17], [sflag:$0x1] =	stream.indirect.gather [hbm4b:s1+s16], $0x8, s29, s16, $0xb8;
	[tilespmem:$0xBC00] =	vst v63  }
0x109: {  	s2 =	simm.s32 $0x80  }
0x10a: {  	[tilespmem:s18], [sflag:$0x1] =	stream.indirect.gather [hbm4b:s1+s16], $0x8, s2, s16, $0xb8;
	[tilespmem:$0xBC00] =	vst v63  }
0x10b: {  	s28 =	simm.s32 $0x100  }
0x10c: {  	[tilespmem:s19], [sflag:$0x1] =	stream.indirect.gather [hbm4b:s1+s16], $0x8, s28, s16, $0xb8;
	[tilespmem:$0xBC00] =	vst v63  }
0x10d: {  	s29 =	simm.s32 $0x180  }
0x10e: {  	[tilespmem:s20], [sflag:$0x1] =	stream.indirect.gather [hbm4b:s1+s16], $0x8, s29, s16, $0xb8;
	[tilespmem:$0xBC00] =	vst v63  }
0x10f: {  	s2 =	simm.s32 $0x200  }
0x110: {  	[tilespmem:s21], [sflag:$0x1] =	stream.indirect.gather [hbm4b:s1+s16], $0x8, s2, s16, $0xb8;
	[tilespmem:$0xBC00] =	vst v63  }
0x111: {  	s28 =	simm.s32 $0x280  }
0x112: {  	[tilespmem:s22], [sflag:$0x1] =	stream.indirect.gather [hbm4b:s1+s16], $0x8, s28, s16, $0xb8;
	[tilespmem:$0xBC00] =	vst v63  }
0x113: {  	s29 =	simm.s32 $0x300  }
0x114: {  	[tilespmem:s23], [sflag:$0x1] =	stream.indirect.gather [hbm4b:s1+s16], $0x8, s29, s16, $0xb8;
	[tilespmem:$0xBC00] =	vst v63  }
0x115: {  	s2 =	simm.s32 $0x380  }
0x116: {  	[tilespmem:s24], [sflag:$0x1] =	stream.indirect.gather [hbm4b:s1+s16], $0x8, s2, s16, $0xb8;
	[tilespmem:$0xBC00] =	vst v63  }
0x117: {  	_ =	swait.ge [sflag:s25], $0x400  }
0x118: {  	[sflag:s25] =	ssyncset.done $0x0  }
0x119: {  	s28 =	simm.s32 $0x4400;
	[sflag:s25] =	ssyncadd.s32 $0xFFFFFC00  }
0x11a: {  	[spmem:s3] =	stream.indirect.scatter.add.f32 [tilespmem:s17], [sflag:$0x2], $0x8, s28, s16, $0xb8;
	[tilespmem:$0xBC00] =	vst v63  }
0x11b: {  	_ =	swait.ge [sflag:s25], $0x400  }
0x11c: {  	[sflag:s25] =	ssyncset.done $0x0  }
0x11d: {  	s29 =	simm.s32 $0x4480;
	[sflag:s25] =	ssyncadd.s32 $0xFFFFFC00  }
0x11e: {  	[spmem:s3] =	stream.indirect.scatter.add.f32 [tilespmem:s18], [sflag:$0x2], $0x8, s29, s16, $0xb8;
	[tilespmem:$0xBC00] =	vst v63  }
0x11f: {  	_ =	swait.ge [sflag:s25], $0x400  }
0x120: {  	[sflag:s25] =	ssyncset.done $0x0  }
0x121: {  	s2 =	simm.s32 $0x4500;
	[sflag:s25] =	ssyncadd.s32 $0xFFFFFC00  }
0x122: {  	[spmem:s3] =	stream.indirect.scatter.add.f32 [tilespmem:s19], [sflag:$0x2], $0x8, s2, s16, $0xb8;
	[tilespmem:$0xBC00] =	vst v63  }
0x123: {  	_ =	swait.ge [sflag:s25], $0x400  }
0x124: {  	[sflag:s25] =	ssyncset.done $0x0  }
0x125: {  	s28 =	simm.s32 $0x4580;
	[sflag:s25] =	ssyncadd.s32 $0xFFFFFC00  }
0x126: {  	[spmem:s3] =	stream.indirect.scatter.add.f32 [tilespmem:s20], [sflag:$0x2], $0x8, s28, s16, $0xb8;
	[tilespmem:$0xBC00] =	vst v63  }
0x127: {  	_ =	swait.ge [sflag:s25], $0x400  }
0x128: {  	[sflag:s25] =	ssyncset.done $0x0  }
0x129: {  	s29 =	simm.s32 $0x4600;
	[sflag:s25] =	ssyncadd.s32 $0xFFFFFC00  }
0x12a: {  	[spmem:s3] =	stream.indirect.scatter.add.f32 [tilespmem:s21], [sflag:$0x2], $0x8, s29, s16, $0xb8;
	[tilespmem:$0xBC00] =	vst v63  }
0x12b: {  	_ =	swait.ge [sflag:s25], $0x400  }
0x12c: {  	[sflag:s25] =	ssyncset.done $0x0  }
0x12d: {  	s2 =	simm.s32 $0x4680;
	[sflag:s25] =	ssyncadd.s32 $0xFFFFFC00  }
0x12e: {  	[spmem:s3] =	stream.indirect.scatter.add.f32 [tilespmem:s22], [sflag:$0x2], $0x8, s2, s16, $0xb8;
	[tilespmem:$0xBC00] =	vst v63  }
0x12f: {  	_ =	swait.ge [sflag:s25], $0x400  }
0x130: {  	[sflag:s25] =	ssyncset.done $0x0  }
0x131: {  	s28 =	simm.s32 $0x4700;
	[sflag:s25] =	ssyncadd.s32 $0xFFFFFC00  }
0x132: {  	[spmem:s3] =	stream.indirect.scatter.add.f32 [tilespmem:s23], [sflag:$0x2], $0x8, s28, s16, $0xb8;
	[tilespmem:$0xBC00] =	vst v63  }
0x133: {  	_ =	swait.ge [sflag:s25], $0x400  }
0x134: {  	[sflag:s25] =	ssyncset.done $0x0  }
0x135: {  	s29 =	simm.s32 $0x4780;
	[sflag:s25] =	ssyncadd.s32 $0xFFFFFC00  }
0x136: {  	[spmem:s3] =	stream.indirect.scatter.add.f32 [tilespmem:s24], [sflag:$0x2], $0x8, s29, s16, $0xb8;
	[tilespmem:$0xBC00] =	vst v63  }
0x137: {  	_ =	swait.ge [sflag:s26], $0x400  }
0x138: {  	[sflag:s26] =	ssyncset.done $0x0  }
0x139: {  	[sflag:s26] =	ssyncadd.s32 $0xFFFFFC00  }
0x13a: {  	_ =	swait.ge [sflag:s26], $0x400  }
0x13b: {  	[sflag:s26] =	ssyncset.done $0x0  }
0x13c: {  	[sflag:s26] =	ssyncadd.s32 $0xFFFFFC00  }
0x13d: {  	_ =	swait.ge [sflag:s26], $0x400  }
0x13e: {  	[sflag:s26] =	ssyncset.done $0x0  }
0x13f: {  	[sflag:s26] =	ssyncadd.s32 $0xFFFFFC00  }
0x140: {  	_ =	swait.ge [sflag:s26], $0x400  }
0x141: {  	[sflag:s26] =	ssyncset.done $0x0  }
0x142: {  	[sflag:s26] =	ssyncadd.s32 $0xFFFFFC00  }
0x143: {  	_ =	swait.ge [sflag:s26], $0x400  }
0x144: {  	[sflag:s26] =	ssyncset.done $0x0  }
0x145: {  	[sflag:s26] =	ssyncadd.s32 $0xFFFFFC00  }
0x146: {  	_ =	swait.ge [sflag:s26], $0x400  }
0x147: {  	[sflag:s26] =	ssyncset.done $0x0  }
0x148: {  	[sflag:s26] =	ssyncadd.s32 $0xFFFFFC00  }
0x149: {  	_ =	swait.ge [sflag:s26], $0x400  }
0x14a: {  	[sflag:s26] =	ssyncset.done $0x0  }
0x14b: {  	[sflag:s26] =	ssyncadd.s32 $0xFFFFFC00  }
0x14c: {  	_ =	swait.ge [sflag:s26], $0x400  }
0x14d: {  	s0 =	simm.s32 $0x1000;
	s2 =	simm.s32 $0x2000;
	[sflag:s26] =	ssyncset.done $0x0  }
.LBB2_3:
0x14e: {  	s28 =	sshra.s32 s0, $0x2  }
0x14f: {  	[sflag:s26] =	ssyncadd.s32 $0xFFFFFC00;
	s0 =	smov.u32 s2;
	s29 =	sadd.s32 $0x1000, s2  }
0x150: {  	[tilespmem:s17], [sflag:$0x1] =	stream.indirect.gather [hbm4b:s1+s16], $0x8, s28, s16, $0xb8;
	[tilespmem:$0xBC00] =	vst v63  }
0x151: {  	p1 =	seq.s32 s2, $0x10000;
	s2 =	sadd.s32 $0x80, s28  }
0x152: {  	[tilespmem:s18], [sflag:$0x1] =	stream.indirect.gather [hbm4b:s1+s16], $0x8, s2, s16, $0xb8;
	[tilespmem:$0xBC00] =	vst v63  }
0x153: {  	s2 =	sadd.s32 $0x100, s28  }
0x154: {  	[tilespmem:s19], [sflag:$0x1] =	stream.indirect.gather [hbm4b:s1+s16], $0x8, s2, s16, $0xb8;
	[tilespmem:$0xBC00] =	vst v63  }
0x155: {  	s2 =	sadd.s32 $0x180, s28  }
0x156: {  	[tilespmem:s20], [sflag:$0x1] =	stream.indirect.gather [hbm4b:s1+s16], $0x8, s2, s16, $0xb8;
	[tilespmem:$0xBC00] =	vst v63  }
0x157: {  	s2 =	sadd.s32 $0x200, s28  }
0x158: {  	[tilespmem:s21], [sflag:$0x1] =	stream.indirect.gather [hbm4b:s1+s16], $0x8, s2, s16, $0xb8;
	[tilespmem:$0xBC00] =	vst v63  }
0x159: {  	s2 =	sadd.s32 $0x280, s28  }
0x15a: {  	[tilespmem:s22], [sflag:$0x1] =	stream.indirect.gather [hbm4b:s1+s16], $0x8, s2, s16, $0xb8;
	[tilespmem:$0xBC00] =	vst v63  }
0x15b: {  	s2 =	sadd.s32 $0x300, s28  }
0x15c: {  	[tilespmem:s23], [sflag:$0x1] =	stream.indirect.gather [hbm4b:s1+s16], $0x8, s2, s16, $0xb8;
	[tilespmem:$0xBC00] =	vst v63  }
0x15d: {  	s2 =	sadd.s32 $0x380, s28  }
0x15e: {  	[tilespmem:s24], [sflag:$0x1] =	stream.indirect.gather [hbm4b:s1+s16], $0x8, s2, s16, $0xb8;
	[tilespmem:$0xBC00] =	vst v63  }
0x15f: {  	_ =	swait.ge [sflag:s25], $0x400  }
0x160: {  	[sflag:s25] =	ssyncset.done $0x0  }
0x161: {  	s2 =	sadd.s32 $0x4400, s28;
	[sflag:s25] =	ssyncadd.s32 $0xFFFFFC00  }
0x162: {  	[spmem:s3] =	stream.indirect.scatter.add.f32 [tilespmem:s17], [sflag:$0x2], $0x8, s2, s16, $0xb8;
	[tilespmem:$0xBC00] =	vst v63  }
0x163: {  	_ =	swait.ge [sflag:s25], $0x400  }
0x164: {  	[sflag:s25] =	ssyncset.done $0x0  }
0x165: {  	s2 =	sadd.s32 $0x4480, s28;
	[sflag:s25] =	ssyncadd.s32 $0xFFFFFC00  }
0x166: {  	[spmem:s3] =	stream.indirect.scatter.add.f32 [tilespmem:s18], [sflag:$0x2], $0x8, s2, s16, $0xb8;
	[tilespmem:$0xBC00] =	vst v63  }
0x167: {  	_ =	swait.ge [sflag:s25], $0x400  }
0x168: {  	[sflag:s25] =	ssyncset.done $0x0  }
0x169: {  	s2 =	sadd.s32 $0x4500, s28;
	[sflag:s25] =	ssyncadd.s32 $0xFFFFFC00  }
0x16a: {  	[spmem:s3] =	stream.indirect.scatter.add.f32 [tilespmem:s19], [sflag:$0x2], $0x8, s2, s16, $0xb8;
	[tilespmem:$0xBC00] =	vst v63  }
0x16b: {  	_ =	swait.ge [sflag:s25], $0x400  }
0x16c: {  	[sflag:s25] =	ssyncset.done $0x0  }
0x16d: {  	s2 =	sadd.s32 $0x4580, s28;
	[sflag:s25] =	ssyncadd.s32 $0xFFFFFC00  }
0x16e: {  	[spmem:s3] =	stream.indirect.scatter.add.f32 [tilespmem:s20], [sflag:$0x2], $0x8, s2, s16, $0xb8;
	[tilespmem:$0xBC00] =	vst v63  }
0x16f: {  	_ =	swait.ge [sflag:s25], $0x400  }
0x170: {  	[sflag:s25] =	ssyncset.done $0x0  }
0x171: {  	s2 =	sadd.s32 $0x4600, s28;
	[sflag:s25] =	ssyncadd.s32 $0xFFFFFC00  }
0x172: {  	[spmem:s3] =	stream.indirect.scatter.add.f32 [tilespmem:s21], [sflag:$0x2], $0x8, s2, s16, $0xb8;
	[tilespmem:$0xBC00] =	vst v63  }
0x173: {  	_ =	swait.ge [sflag:s25], $0x400  }
0x174: {  	[sflag:s25] =	ssyncset.done $0x0  }
0x175: {  	s2 =	sadd.s32 $0x4680, s28;
	[sflag:s25] =	ssyncadd.s32 $0xFFFFFC00  }
0x176: {  	[spmem:s3] =	stream.indirect.scatter.add.f32 [tilespmem:s22], [sflag:$0x2], $0x8, s2, s16, $0xb8;
	[tilespmem:$0xBC00] =	vst v63  }
0x177: {  	_ =	swait.ge [sflag:s25], $0x400  }
0x178: {  	[sflag:s25] =	ssyncset.done $0x0  }
0x179: {  	s2 =	sadd.s32 $0x4700, s28;
	[sflag:s25] =	ssyncadd.s32 $0xFFFFFC00  }
0x17a: {  	[spmem:s3] =	stream.indirect.scatter.add.f32 [tilespmem:s23], [sflag:$0x2], $0x8, s2, s16, $0xb8;
	[tilespmem:$0xBC00] =	vst v63  }
0x17b: {  	_ =	swait.ge [sflag:s25], $0x400  }
0x17c: {  	[sflag:s25] =	ssyncset.done $0x0  }
0x17d: {  	s2 =	sadd.s32 $0x4780, s28;
	[sflag:s25] =	ssyncadd.s32 $0xFFFFFC00  }
0x17e: {  	[spmem:s3] =	stream.indirect.scatter.add.f32 [tilespmem:s24], [sflag:$0x2], $0x8, s2, s16, $0xb8;
	[tilespmem:$0xBC00] =	vst v63  }
0x17f: {  	_ =	swait.ge [sflag:s26], $0x400  }
0x180: {  	[sflag:s26] =	ssyncset.done $0x0  }
0x181: {  	[sflag:s26] =	ssyncadd.s32 $0xFFFFFC00  }
0x182: {  	_ =	swait.ge [sflag:s26], $0x400  }
0x183: {  	[sflag:s26] =	ssyncset.done $0x0  }
0x184: {  	[sflag:s26] =	ssyncadd.s32 $0xFFFFFC00  }
0x185: {  	_ =	swait.ge [sflag:s26], $0x400  }
0x186: {  	[sflag:s26] =	ssyncset.done $0x0  }
0x187: {  	[sflag:s26] =	ssyncadd.s32 $0xFFFFFC00  }
0x188: {  	_ =	swait.ge [sflag:s26], $0x400  }
0x189: {  	[sflag:s26] =	ssyncset.done $0x0  }
0x18a: {  	[sflag:s26] =	ssyncadd.s32 $0xFFFFFC00  }
0x18b: {  	_ =	swait.ge [sflag:s26], $0x400  }
0x18c: {  	[sflag:s26] =	ssyncset.done $0x0  }
0x18d: {  	[sflag:s26] =	ssyncadd.s32 $0xFFFFFC00  }
0x18e: {  	_ =	swait.ge [sflag:s26], $0x400  }
0x18f: {  	[sflag:s26] =	ssyncset.done $0x0  }
0x190: {  	[sflag:s26] =	ssyncadd.s32 $0xFFFFFC00  }
.Ltmp3:
0x191: {  	_ =	swait.ge [sflag:s26], $0x400;
	(pc) =	sbr.rel @!p1 .LBB2_3-.Ltmp3, $4  }
0x192: {  	[sflag:s26] =	ssyncset.done $0x0  }
0x193: {  	[sflag:s26] =	ssyncadd.s32 $0xFFFFFC00  }
0x194: {  	_ =	swait.ge [sflag:s26], $0x400  }
0x195: {  	s2 =	smov.u32 s29;
	[sflag:s26] =	ssyncset.done $0x0  }
0x196: {  	s0 =	sshra.s32 s0, $0x2;
	[sflag:s26] =	ssyncadd.s32 $0xFFFFFC00  }
0x197: {  	[tilespmem:s17], [sflag:$0x1] =	stream.indirect.gather [hbm4b:s1+s16], $0x8, s0, s16, $0xb8;
	[tilespmem:$0xBC00] =	vst v63  }
0x198: {  	s2 =	sadd.s32 $0x80, s0  }
0x199: {  	[tilespmem:s18], [sflag:$0x1] =	stream.indirect.gather [hbm4b:s1+s16], $0x8, s2, s16, $0xb8;
	[tilespmem:$0xBC00] =	vst v63  }
0x19a: {  	s29 =	sadd.s32 $0x100, s0  }
0x19b: {  	[tilespmem:s19], [sflag:$0x1] =	stream.indirect.gather [hbm4b:s1+s16], $0x8, s29, s16, $0xb8;
	[tilespmem:$0xBC00] =	vst v63  }
0x19c: {  	s28 =	sadd.s32 $0x180, s0  }
0x19d: {  	[tilespmem:s20], [sflag:$0x1] =	stream.indirect.gather [hbm4b:s1+s16], $0x8, s28, s16, $0xb8;
	[tilespmem:$0xBC00] =	vst v63  }
0x19e: {  	s29 =	sadd.s32 $0x200, s0  }
0x19f: {  	[tilespmem:s21], [sflag:$0x1] =	stream.indirect.gather [hbm4b:s1+s16], $0x8, s29, s16, $0xb8;
	[tilespmem:$0xBC00] =	vst v63  }
0x1a0: {  	s28 =	sadd.s32 $0x280, s0  }
0x1a1: {  	[tilespmem:s22], [sflag:$0x1] =	stream.indirect.gather [hbm4b:s1+s16], $0x8, s28, s16, $0xb8;
	[tilespmem:$0xBC00] =	vst v63  }
0x1a2: {  	s29 =	sadd.s32 $0x300, s0  }
0x1a3: {  	[tilespmem:s23], [sflag:$0x1] =	stream.indirect.gather [hbm4b:s1+s16], $0x8, s29, s16, $0xb8;
	[tilespmem:$0xBC00] =	vst v63  }
0x1a4: {  	s28 =	sadd.s32 $0x380, s0  }
0x1a5: {  	[tilespmem:s24], [sflag:$0x1] =	stream.indirect.gather [hbm4b:s1+s16], $0x8, s28, s16, $0xb8;
	[tilespmem:$0xBC00] =	vst v63  }
0x1a6: {  	_ =	swait.ge [sflag:s25], $0x400  }
0x1a7: {  	[sflag:s25] =	ssyncset.done $0x0  }
0x1a8: {  	s29 =	sadd.s32 $0x4400, s0;
	[sflag:s25] =	ssyncadd.s32 $0xFFFFFC00  }
0x1a9: {  	[spmem:s3] =	stream.indirect.scatter.add.f32 [tilespmem:s17], [sflag:$0x2], $0x8, s29, s16, $0xb8;
	[tilespmem:$0xBC00] =	vst v63  }
0x1aa: {  	_ =	swait.ge [sflag:s25], $0x400  }
0x1ab: {  	[sflag:s25] =	ssyncset.done $0x0  }
0x1ac: {  	s28 =	sadd.s32 $0x4480, s0;
	[sflag:s25] =	ssyncadd.s32 $0xFFFFFC00  }
0x1ad: {  	[spmem:s3] =	stream.indirect.scatter.add.f32 [tilespmem:s18], [sflag:$0x2], $0x8, s28, s16, $0xb8;
	[tilespmem:$0xBC00] =	vst v63  }
0x1ae: {  	_ =	swait.ge [sflag:s25], $0x400  }
0x1af: {  	[sflag:s25] =	ssyncset.done $0x0  }
0x1b0: {  	s29 =	sadd.s32 $0x4500, s0;
	[sflag:s25] =	ssyncadd.s32 $0xFFFFFC00  }
0x1b1: {  	[spmem:s3] =	stream.indirect.scatter.add.f32 [tilespmem:s19], [sflag:$0x2], $0x8, s29, s16, $0xb8;
	[tilespmem:$0xBC00] =	vst v63  }
0x1b2: {  	_ =	swait.ge [sflag:s25], $0x400  }
0x1b3: {  	[sflag:s25] =	ssyncset.done $0x0  }
0x1b4: {  	s28 =	sadd.s32 $0x4580, s0;
	[sflag:s25] =	ssyncadd.s32 $0xFFFFFC00  }
0x1b5: {  	[spmem:s3] =	stream.indirect.scatter.add.f32 [tilespmem:s20], [sflag:$0x2], $0x8, s28, s16, $0xb8;
	[tilespmem:$0xBC00] =	vst v63  }
0x1b6: {  	_ =	swait.ge [sflag:s25], $0x400  }
0x1b7: {  	[sflag:s25] =	ssyncset.done $0x0  }
0x1b8: {  	s29 =	sadd.s32 $0x4600, s0;
	[sflag:s25] =	ssyncadd.s32 $0xFFFFFC00  }
0x1b9: {  	[spmem:s3] =	stream.indirect.scatter.add.f32 [tilespmem:s21], [sflag:$0x2], $0x8, s29, s16, $0xb8;
	[tilespmem:$0xBC00] =	vst v63  }
0x1ba: {  	_ =	swait.ge [sflag:s25], $0x400  }
0x1bb: {  	[sflag:s25] =	ssyncset.done $0x0  }
0x1bc: {  	s28 =	sadd.s32 $0x4680, s0;
	[sflag:s25] =	ssyncadd.s32 $0xFFFFFC00  }
0x1bd: {  	[spmem:s3] =	stream.indirect.scatter.add.f32 [tilespmem:s22], [sflag:$0x2], $0x8, s28, s16, $0xb8;
	[tilespmem:$0xBC00] =	vst v63  }
0x1be: {  	_ =	swait.ge [sflag:s25], $0x400  }
0x1bf: {  	[sflag:s25] =	ssyncset.done $0x0  }
0x1c0: {  	s29 =	sadd.s32 $0x4700, s0;
	[sflag:s25] =	ssyncadd.s32 $0xFFFFFC00  }
0x1c1: {  	[spmem:s3] =	stream.indirect.scatter.add.f32 [tilespmem:s23], [sflag:$0x2], $0x8, s29, s16, $0xb8;
	[tilespmem:$0xBC00] =	vst v63  }
0x1c2: {  	_ =	swait.ge [sflag:s25], $0x400  }
0x1c3: {  	[sflag:s25] =	ssyncset.done $0x0  }
0x1c4: {  	s0 =	sadd.s32 $0x4780, s0;
	[sflag:s25] =	ssyncadd.s32 $0xFFFFFC00  }
0x1c5: {  	[spmem:s3] =	stream.indirect.scatter.add.f32 [tilespmem:s24], [sflag:$0x2], $0x8, s0, s16, $0xb8;
	[tilespmem:$0xBC00] =	vst v63  }
0x1c6: {  	_ =	swait.ge [sflag:s26], $0x400  }
0x1c7: {  	[sflag:s26] =	ssyncset.done $0x0  }
0x1c8: {  	[sflag:s26] =	ssyncadd.s32 $0xFFFFFC00  }
0x1c9: {  	_ =	swait.ge [sflag:s26], $0x400  }
0x1ca: {  	[sflag:s26] =	ssyncset.done $0x0  }
0x1cb: {  	[sflag:s26] =	ssyncadd.s32 $0xFFFFFC00  }
0x1cc: {  	_ =	swait.ge [sflag:s26], $0x400  }
0x1cd: {  	[sflag:s26] =	ssyncset.done $0x0  }
0x1ce: {  	[sflag:s26] =	ssyncadd.s32 $0xFFFFFC00  }
0x1cf: {  	_ =	swait.ge [sflag:s26], $0x400  }
0x1d0: {  	[sflag:s26] =	ssyncset.done $0x0  }
0x1d1: {  	[sflag:s26] =	ssyncadd.s32 $0xFFFFFC00  }
0x1d2: {  	_ =	swait.ge [sflag:s26], $0x400  }
0x1d3: {  	[sflag:s26] =	ssyncset.done $0x0  }
0x1d4: {  	[sflag:s26] =	ssyncadd.s32 $0xFFFFFC00  }
0x1d5: {  	_ =	swait.ge [sflag:s26], $0x400  }
0x1d6: {  	[sflag:s26] =	ssyncset.done $0x0  }
0x1d7: {  	[sflag:s26] =	ssyncadd.s32 $0xFFFFFC00  }
0x1d8: {  	_ =	swait.ge [sflag:s26], $0x400  }
.Ltmp4:
0x1d9: {  	[sflag:s26] =	ssyncset.done $0x0;
	(pc) =	sbr.rel .LBB2_6-.Ltmp4, $4  }
0x1da: {  	[sflag:s26] =	ssyncadd.s32 $0xFFFFFC00  }
0x1db: {  	_ =	swait.ge [sflag:s26], $0x400  }
0x1dc: {  	[sflag:s26] =	ssyncset.done $0x0  }
0x1dd: {  	[sflag:s26] =	ssyncadd.s32 $0xFFFFFC00  }
.LBB2_7:
0x1de: {  	_ =	sfence.sel $0x180000  }
0x1df: {  	[bflag:$0x0] =	sbarrier.arrive $0xFFFF  }
0x1e0: {  	_ =	strace $0x9000004D  }
0x1e1: {  	s0 =	stileid.u32;
	[bflag:$0x2] =	sbarrier.arrive $0xFFFF  }
0x1e2: {  	p0 =	sne.s32 s0, $0x0;
	s0 =	rddreg [dreg:$0x3]  }
0x1e3: {  	s0 =	sadd.s32 @!p0 $0x100000, s0  }
0x1e4: {  	[sflag:s0] =	ssyncadd.tile.s32 @!p0 $0x1;
	_ =	shalt  }
.Lfunc_end2:
_tile_overlayer_lowered:
.L_overlay_start_2:
0x1e5: {  	(tag) =	ssettag $0x2  }
0x1e6: {  	s0 =	rddreg [dreg:$0x0];
	s2 =	stileid.u32  }
0x1e7: {  	s1 =	rddreg [dreg:$0x1];
	p0 =	sne.s32 s2, $0x0  }
0x1e8: {  	s3 =	rddreg [dreg:$0x2];
	[bflag:$0x3] =	sbarrier.arrive $0xFFFF;
	s2 =	simm.s32 @!p0 $0x1C03  }
0x1e9: {  	[timem:s3], [sflag:s2] =	dma.local @!p0 [hbm:s0], s1  }
0x1ea: {  	s0 =	simm.s32 @!p0 $0x3  }
0x1eb: {  	_ =	swait.ge @!p0 [sflag:s0], s1  }
0x1ec: {  	s1 =	ssub.s32 @!p0 $0x0, s1;
	[sflag:s0] =	ssyncset.done @!p0 $0x0  }
0x1ed: {  	[sflag:s0] =	ssyncadd.s32 @!p0 s1  }
0x1ee: {  	[bflag:$0x3] =	sbarrier.arrive $0xFFFF  }
0x1ef: {  	_ =	shalt  }

// kernel: kernel.9.cloned.1.call-start
scs
__scs_entry_jumppad:
0x0: {  	(pc) =	sbr.rel $0x88, $3  }
0x1: {  	(tag) =	ssettag $0x0;
	lr =	simm.s32 $0x1  }
0x2: {  	[smem:$0x3F99] =	sst lr;
	_ =	strace $0xD0000000  }
0x3: {  	_ = 	snop  }
0x4: {  	_ = 	snop  }
0x5: {  	_ = 	snop  }
0x6: {  	_ = 	snop  }
0x7: {  	_ = 	snop  }
__scs_overlays_trampoline_lowered:
0x8: {  	[smem:$0x3FA8] =	sst s0  }
0x9: {  	[smem:$0x3FA9] =	sst s1  }
0xa: {  	[smem:$0x3FAA] =	sst s2  }
0xb: {  	[smem:$0x3FAB] =	sst s3  }
0xc: {  	[smem:$0x3FAC] =	sst s4  }
0xd: {  	[smem:$0x3FAD] =	sst s5  }
0xe: {  	[smem:$0x3FAE] =	sst s6  }
0xf: {  	[smem:$0x3FAF] =	sst s7  }
0x10: {  	[smem:$0x3FB0] =	sst s8  }
0x11: {  	[smem:$0x3FB1] =	sst s9;
	s0 =	simm.s32 @!p0 $0x0  }
0x12: {  	s1 =	sld [smem:$0x3F97];
	s0 =	simm.s32 @p0 $0x1  }
0x13: {  	[smem:$0x3FB2] =	sst s0;
	s0 =	simm.s32 @!p1 $0x0  }
0x14: {  	s2 =	sld [smem:$0x3F96];
	s0 =	simm.s32 @p1 $0x1  }
0x15: {  	[smem:$0x3FB3] =	sst s0;
	s0 =	simm.s32 @!p2 $0x0  }
0x16: {  	s3 =	sld [smem:$0x3FDB];
	s0 =	simm.s32 @p2 $0x1  }
0x17: {  	s4 =	simm.s32 $0x1BF5;
	[smem:$0x3FB5] =	sst s0  }
0x18: {  	s0 =	sld [smem:$0x3F98];
	_ =	swait.ge [sflag:s4], $0x0  }
0x19: {  	s7 =	sld [smem:$0x3F99]  }
0x1a: {  	s8 =	sadd.s32 $0xFFFFE003, lr  }
0x1b: {  	s9 =	sadd.s32 $0xFFFFFEF7, lr;
	s5 =	simm.s32 $0xFFFFFFFF;
	p2 =	slt.u32 s8, $0xFFFFF086  }
0x1c: {  	p1 =	slt.u32 s9, $0xF7A;
	s5 =	simm.s32 @!p2 $0x0  }
0x1d: {  	s5 =	simm.s32 @p1 $0x1;
	p0 =	seq.s32 s7, s2  }
0x1e: {  	s7 =	smul.u32 @!p0 $0xF7A, s2;
	p2 =	seq.s32 @!p0 s5, $0x0  }
0x1f: {  	s9 =	smul.u32 $0xF7A, s1;
	s8 =	simm.s32 @!p0 $0x1BF5;
	p2 =	por !p2, p0  }
0x20: {  	[sflag:s8] =	ssyncset.s32 @!p0 $0xFFFFF086;
	s6 =	sadd.s32 @!p0 s3, s7;
	s7 =	simm.s32 @!p0 $0x108  }
0x21: {  	s3 =	sadd.s32 s3, s9;
	s6 =	sadd.s32 @!p0 $0x88, s6;
	s7 =	simm.s32 @p2 $0x1082  }
0x22: {  	[simem:s7], [sflag:s8] =	dma.local @!p0 [hbm:s6], $0xF7A  }
0x23: {  	s9 =	sor.u32 $0xD0000000, s2;
	s6 =	simm.s32 $0x108;
	_ =	swait.ge @!p0 [sflag:s8], $0x0  }
0x24: {  	s3 =	sadd.s32 $0x88, s3;
	s6 =	simm.s32 @!p1 $0x1082;
	[sflag:s4] =	ssyncset.s32 $0xFFFFF086  }
0x25: {  	[simem:s6], [sflag:s4] =	dma.local [hbm:s3], $0xF7A  }
0x26: {  	[smem:$0x3F99] =	sst s1;
	(tag) =	ssettag s2;
	_ =	strace s9  }
0x27: {  	s1 =	sld [smem:$0x3FA9]  }
0x28: {  	s2 =	sld [smem:$0x3FAA]  }
0x29: {  	s4 =	sld [smem:$0x3FAC]  }
0x2a: {  	p0 =	seq.s32 s5, $0x0;
	s5 =	sld [smem:$0x3FAD]  }
0x2b: {  	s6 =	sld [smem:$0x3FAE]  }
0x2c: {  	s7 =	sld [smem:$0x3FAF]  }
0x2d: {  	s3 =	simm.s32 $0x108;
	s8 =	sld [smem:$0x3FB0]  }
0x2e: {  	s3 =	simm.s32 @!p0 $0x1082;
	s9 =	sld [smem:$0x3FB1]  }
0x2f: {  	lr =	sadd.s32 s0, s3;
	s0 =	sld [smem:$0x3FA8]  }
0x30: {  	s3 =	sld [smem:$0x3FAB]  }
0x31: {  	[smem:$0x3FB4] =	sst s10  }
0x32: {  	s10 =	sld [smem:$0x3FB2];
	_ =	sdelay $0x3  }
0x33: {  	p0 =	seq.s32 s10, $0x1;
	s10 =	sld [smem:$0x3FB4];
	_ =	sdelay $0x3  }
0x34: {  	[smem:$0x3FB4] =	sst s10  }
0x35: {  	s10 =	sld [smem:$0x3FB3];
	_ =	sdelay $0x3  }
0x36: {  	p1 =	seq.s32 s10, $0x1;
	s10 =	sld [smem:$0x3FB4];
	_ =	sdelay $0x3  }
0x37: {  	[smem:$0x3FB4] =	sst s10  }
0x38: {  	s10 =	sld [smem:$0x3FB5]  }
0x39: {  	_ = 	snop;
	(pc) =	sbr.ind lr, $3  }
0x3a: {  	_ = 	snop  }
0x3b: {  	_ = 	snop  }
0x3c: {  	p2 =	seq.s32 s10, $0x1;
	s10 =	sld [smem:$0x3FB4]  }
0x3d: {  	_ =	shalt  }
0x3e: {  	_ =	shalt  }
0x3f: {  	_ =	shalt  }
0x40: {  	_ =	shalt  }
0x41: {  	_ =	shalt  }
0x42: {  	_ =	shalt  }
0x43: {  	_ =	shalt  }
0x44: {  	_ =	shalt  }
0x45: {  	_ =	shalt  }
0x46: {  	_ =	shalt  }
0x47: {  	_ =	shalt  }
0x48: {  	_ =	shalt  }
0x49: {  	_ =	shalt  }
0x4a: {  	_ =	shalt  }
0x4b: {  	_ =	shalt  }
0x4c: {  	_ =	shalt  }
0x4d: {  	_ =	shalt  }
0x4e: {  	_ =	shalt  }
0x4f: {  	_ =	shalt  }
0x50: {  	_ =	shalt  }
0x51: {  	_ =	shalt  }
0x52: {  	_ =	shalt  }
0x53: {  	_ =	shalt  }
0x54: {  	_ =	shalt  }
0x55: {  	_ =	shalt  }
0x56: {  	_ =	shalt  }
0x57: {  	_ =	shalt  }
0x58: {  	_ =	shalt  }
0x59: {  	_ =	shalt  }
0x5a: {  	_ =	shalt  }
0x5b: {  	_ =	shalt  }
0x5c: {  	_ =	shalt  }
0x5d: {  	_ =	shalt  }
0x5e: {  	_ =	shalt  }
0x5f: {  	_ =	shalt  }
0x60: {  	_ =	shalt  }
0x61: {  	_ =	shalt  }
0x62: {  	_ =	shalt  }
0x63: {  	_ =	shalt  }
0x64: {  	_ =	shalt  }
0x65: {  	_ =	shalt  }
0x66: {  	_ =	shalt  }
0x67: {  	_ =	shalt  }
0x68: {  	_ =	shalt  }
0x69: {  	_ =	shalt  }
0x6a: {  	_ =	shalt  }
0x6b: {  	_ =	shalt  }
0x6c: {  	_ =	shalt  }
0x6d: {  	_ =	shalt  }
0x6e: {  	_ =	shalt  }
0x6f: {  	_ =	shalt  }
0x70: {  	_ =	shalt  }
0x71: {  	_ =	shalt  }
0x72: {  	_ =	shalt  }
0x73: {  	_ =	shalt  }
0x74: {  	_ =	shalt  }
0x75: {  	_ =	shalt  }
0x76: {  	_ =	shalt  }
0x77: {  	_ =	shalt  }
0x78: {  	_ =	shalt  }
0x79: {  	_ =	shalt  }
0x7a: {  	_ =	shalt  }
0x7b: {  	_ =	shalt  }
0x7c: {  	_ =	shalt  }
0x7d: {  	_ =	shalt  }
0x7e: {  	_ =	shalt  }
0x7f: {  	_ =	shalt  }
0x80: {  	_ =	shalt  }
0x81: {  	_ =	shalt  }
0x82: {  	_ =	shalt  }
0x83: {  	_ =	shalt  }
0x84: {  	_ =	shalt  }
0x85: {  	_ =	shalt  }
0x86: {  	_ =	shalt  }
0x87: {  	_ =	shalt  }
.Lfunc_end0:
.L_simem_size_0:
called_computation_lowered:
.L_overlay_start_0:
0x88: {  	s2 =	sld [smem:$0x3FD9]  }
0x89: {  	s3 =	sld [smem:$0x3FFE];
	_ =	sdelay $0x1  }
0x8a: {  	s1 =	srdreg.scid  }
0x8b: {  	s0 =	sand.u32 $0x1, s1  }
0x8c: {  	s17 =	sshll.u32 s0, $0xA;
	s2 =	sadd.s32 s3, s2  }
0x8d: {  	s2 =	sadd.s32 s2, s17  }
0x8e: {  	[smem:$0x3FC0] =	sst s2  }
0x8f: {  	_ = 	snop  }
0x90: {  	s2 =	sld [smem:$0x3FD0];
	(tm) =	ssettm $0x1  }
0x91: {  	s18 =	sld [smem:$0x3FFB];
	_ =	sdelay $0x3  }
0x92: {  	_ =	strace s18  }
0x93: {  	s3 =	sld [smem:$0x3FFC];
	_ =	sdelay $0x3  }
0x94: {  	_ =	strace s3  }
0x95: {  	s3 =	sld [smem:$0x3FFD];
	_ =	sdelay $0x3  }
0x96: {  	_ =	strace s3  }
0x97: {  	_ =	strace $0x8FFFFFFF  }
0x98: {  	s19 =	sld [smem:$0x3FDB];
	_ =	sdelay $0x1  }
0x99: {  	s4 =	simm.s32 $_scs_section_size  }
0x9a: {  	s5 =	simm.s32 $_size__tile_overlayer_lowered;
	s6 =	simm.s32 $_tile_overlayer_lowered  }
0x9b: {  	s22 =	simm.s32 $0x1BFF;
	s21 =	sshll.u32 s6, $0x1;
	s3 =	sadd.s32 s4, s19  }
0x9c: {  	s7 =	simm.s32 $0x0;
	s20 =	sshll.u32 s5, $0x1;
	s5 =	sadd.s32 s21, s3  }
0x9d: {  	[timem:s7], [sflag:s22] =	dma.local [hbm:s5], s20  }
0x9e: {  	_ =	swait.ge [sflag:s22], s20  }
0x9f: {  	s4 =	ssub.s32 $0x0, s20;
	[sflag:s22] =	ssyncset.done $0x0  }
0xa0: {  	[sflag:s22] =	ssyncadd.s32 s4;
	_ =	sdelay $0x1  }
0xa1: {  	s23 =	simm.s32 $0x1B8B  }
0xa2: {  	_ =	swait.ge [sflag:s23], $0x1  }
0xa3: {  	[sflag:s23] =	ssyncset.done $0x0  }
0xa4: {  	s25 =	simm.s32 $0x1B8E;
	s24 =	sld [smem:$0x3FFE];
	[sflag:s23] =	ssyncadd.s32 $0xFFFFFFFF  }
0xa5: {  	s26 =	simm.s32 $execute0_lowered;
	[smem:$0x3FD2] =	sst s25  }
0xa6: {  	s5 =	sshll.u32 s26, $0x1;
	_ =	strace $0x80000046;
	[dreg:$0x1] =	wrdreg $0xFFFFFFFF  }
0xa7: {  	s28 =	simm.s32 $_size_execute0_lowered;
	s3 =	sadd.s32 s3, s5;
	[dreg:$0x0] =	wrdreg $0x0  }
0xa8: {  	s5 =	sshll.u32 s28, $0x1;
	[dreg:$0x2] =	wrdreg s3  }
0xa9: {  	[dreg:$0x3] =	wrdreg s5  }
0xaa: {  	[dreg:$0x4] =	wrdreg $0xC0  }
0xab: {  	_ =	task [dreg:s7], $0x5FFFF  }
0xac: {  	[dreg:$0x1] =	wrdreg $0xFFFFFFFF  }
0xad: {  	[dreg:$0x0] =	wrdreg $0x60  }
0xae: {  	[dreg:$0x2] =	wrdreg s24  }
0xaf: {  	[dreg:$0x3] =	wrdreg s2  }
0xb0: {  	[dreg:$0x4] =	wrdreg $0x48000  }
0xb1: {  	[dreg:$0x5] =	wrdreg $0x9  }
0xb2: {  	_ =	task.clear_ibuf [dreg:s7], $0x6FFFF;
	_ =	strace $0x90000046  }
0xb3: {  	s29 =	simm.s32 $0x9;
	_ =	strace $0x80000048  }
0xb4: {  	_ =	swait.ge [sflag:s29], $0x1  }
0xb5: {  	[sflag:s29] =	ssyncadd.s32 $0xFFFFFFFF  }
0xb6: {  	_ =	strace $0x90000048  }
0xb7: {  	_ =	sfence  }
0xb8: {  	s30 =	sld [smem:$0x0];
	_ =	sdelay $0x2  }
0xb9: {  	s31 =	sshll.u32 s1, $0xD;
	s1 =	sshrl.u32 s1, $0x2  }
0xba: {  	s3 =	sand.u32 $0x4000, s31;
	s1 =	sadd.s32 s1, s30  }
0xbb: {  	s0 =	sor.u32 s3, s0;
	s1 =	sshll.u32 s1, $0x11  }
0xbc: {  	s0 =	sor.u32 s1, s0  }
0xbd: {  	s0 =	sadd.s32 $0x8F2B, s0  }
0xbe: {  	[sflag:s0] =	ssyncadd.remote.s32 $0x1  }
0xbf: {  	_ =	sfence.sel $0xFFFF  }
0xc0: {  	[dreg:$0x0] =	wrdreg $0xFFFFFFFF;
	(pc) =	sbr.abs _section_cstart, $3  }
0xc1: {  	[dreg:$0x1] =	wrdreg $0xFFFFFFFF  }
0xc2: {  	_ =	task.clear_ibuf [dreg:s7], $0x2FFFF;
	_ =	strace $0x9FFFFFFF  }
0xc3: {  	(tm) =	ssettm $0x7FFFFFFF  }
tec
execute0_lowered:
.L_overlay_start_1:
0x0: {  	(tag) =	ssettag $0x1  }
0x1: {  	s0 =	rddreg [dreg:$0x0]  }
0x2: {  	s1 =	rddreg [dreg:$0x1]  }
0x3: {  	s3 =	srdreg.scid;
	s12 =	stileid.u32  }
0x4: {  	s2 =	rddreg [dreg:$0x2];
	s14 =	simm.s32 $0x80;
	s15 =	simm.s32 $0x1  }
0x5: {  	s28 =	simm.s32 $0x680;
	s29 =	simm.s32 $0x700;
	s30 =	simm.s32 $0x780  }
0x6: {  	s31 =	simm.s32 $0x800;
	s16 =	simm.s32 $0x980;
	s17 =	simm.s32 $0xA00  }
0x7: {  	s18 =	simm.s32 $0xA80;
	s19 =	simm.s32 $0xB00;
	s20 =	simm.s32 $0xB80  }
0x8: {  	s21 =	simm.s32 $0x0;
	s13 =	sand.u32 $0x1, s3;
	s5 =	smul.u32 $0x1400, s12  }
0x9: {  	s3 =	simm.s32 $0x0;
	s8 =	sadd.s32 $0x1C00, s0;
	s9 =	smul.u32 $0x180, s12  }
0xa: {  	s24 =	sshll.u32 s12, $0x6;
	s26 =	smul.u32 $0x880, s12;
	s12 =	simm.s32 $0x2  }
0xb: {  	s4 =	smul.u32 $0x14000, s13;
	[smem:$0x7FF] =	sst s3;
	s7 =	ssub.s32 $0x2, s13  }
0xc: {  	p0 =	sne.s32 s13, $0x0;
	p1 =	seq.s32 s13, $0x0;
	s13 =	simm.s32 $0x4400  }
0xd: {  	_ =	strace $0x80000047;
	s23 =	sshrl.u32 s7, $0x1;
	s11 =	sadd.s32 s5, s2  }
0xe: {  	s25 =	sadd.s32 s9, s8;
	s8 =	sadd.s32 s8, s26;
	s26 =	simm.s32 $0x600  }
.Ltmp0:
0xf: {  	s6 =	sadd.s32 s5, s4;
	s4 =	sadd.s32 $0x1A00, s0;
	(pc) =	sbr.rel .LBB2_1-.Ltmp0, $4  }
0x10: {  	s10 =	ssub.s32 s7, s23;
	s5 =	sshrl.u32 s5, $0x3;
	s7 =	sadd.s32 $0x8800, s25  }
0x11: {  	s11 =	sshrl.u32 s11, $0x3;
	s6 =	sshrl.u32 s6, $0x3;
	s5 =	sadd.s32 s1, s5  }
0x12: {  	s10 =	smax.u32 s10, $0x1;
	s1 =	simm.s32 $0x880;
	s0 =	sadd.s32 s6, s0  }
0x13: {  	s6 =	sor.u32 $0x1C02, s24;
	s9 =	sadd.s32 $0xBC00, s0;
	s0 =	simm.s32 $0x900  }
.LBB2_2:
0x14: {  	[spmem:s2] =	stream.indirect.scatter.add.f32 [tilespmem:s13], [sflag:$0x1], $0x1, s3, s14, $0xb8;
	[tilespmem:$0x4A80] =	vst v63  }
0x15: {  	_ = 	snop  }
0x16: {  	[spmem:s2] =	stream.indirect.scatter.add.f32 [tilespmem:s13], [sflag:$0x1], $0x1, s14, s14, $0xb8;
	[tilespmem:$0x4A80] =	vst v63  }
0x17: {  	s22 =	simm.s32 $0x100  }
0x18: {  	[spmem:s2] =	stream.indirect.scatter.add.f32 [tilespmem:s13], [sflag:$0x1], $0x1, s22, s14, $0xb8;
	[tilespmem:$0x4A80] =	vst v63  }
0x19: {  	s23 =	simm.s32 $0x180  }
0x1a: {  	[spmem:s2] =	stream.indirect.scatter.add.f32 [tilespmem:s13], [sflag:$0x1], $0x1, s23, s14, $0xb8;
	[tilespmem:$0x4A80] =	vst v63  }
0x1b: {  	s24 =	simm.s32 $0x200  }
0x1c: {  	[spmem:s2] =	stream.indirect.scatter.add.f32 [tilespmem:s13], [sflag:$0x1], $0x1, s24, s14, $0xb8;
	[tilespmem:$0x4A80] =	vst v63  }
0x1d: {  	s25 =	simm.s32 $0x280  }
0x1e: {  	[spmem:s2] =	stream.indirect.scatter.add.f32 [tilespmem:s13], [sflag:$0x1], $0x1, s25, s14, $0xb8;
	[tilespmem:$0x4A80] =	vst v63  }
0x1f: {  	s23 =	simm.s32 $0x300  }
0x20: {  	[spmem:s2] =	stream.indirect.scatter.add.f32 [tilespmem:s13], [sflag:$0x1], $0x1, s23, s14, $0xb8;
	[tilespmem:$0x4A80] =	vst v63  }
0x21: {  	s24 =	simm.s32 $0x380  }
0x22: {  	[spmem:s2] =	stream.indirect.scatter.add.f32 [tilespmem:s13], [sflag:$0x1], $0x1, s24, s14, $0xb8;
	[tilespmem:$0x4A80] =	vst v63  }
0x23: {  	_ =	swait.ge [sflag:s15], $0x80  }
0x24: {  	[sflag:s15] =	ssyncset.done $0x0  }
0x25: {  	[sflag:s15] =	ssyncadd.s32 $0xFFFFFF80  }
0x26: {  	_ =	swait.ge [sflag:s15], $0x80  }
0x27: {  	[sflag:s15] =	ssyncset.done $0x0  }
0x28: {  	[sflag:s15] =	ssyncadd.s32 $0xFFFFFF80  }
0x29: {  	_ =	swait.ge [sflag:s15], $0x80  }
0x2a: {  	[sflag:s15] =	ssyncset.done $0x0  }
0x2b: {  	[sflag:s15] =	ssyncadd.s32 $0xFFFFFF80  }
0x2c: {  	_ =	swait.ge [sflag:s15], $0x80  }
0x2d: {  	[sflag:s15] =	ssyncset.done $0x0  }
0x2e: {  	[sflag:s15] =	ssyncadd.s32 $0xFFFFFF80  }
0x2f: {  	_ =	swait.ge [sflag:s15], $0x80  }
0x30: {  	[sflag:s15] =	ssyncset.done $0x0  }
0x31: {  	[sflag:s15] =	ssyncadd.s32 $0xFFFFFF80  }
0x32: {  	_ =	swait.ge [sflag:s15], $0x80  }
0x33: {  	[sflag:s15] =	ssyncset.done $0x0  }
0x34: {  	[sflag:s15] =	ssyncadd.s32 $0xFFFFFF80  }
0x35: {  	_ =	swait.ge [sflag:s15], $0x80  }
0x36: {  	[sflag:s15] =	ssyncset.done $0x0  }
0x37: {  	[sflag:s15] =	ssyncadd.s32 $0xFFFFFF80  }
0x38: {  	_ =	swait.ge [sflag:s15], $0x80  }
0x39: {  	[sflag:s15] =	ssyncset.done $0x0  }
0x3a: {  	s25 =	simm.s32 $0x400;
	[sflag:s15] =	ssyncadd.s32 $0xFFFFFF80  }
0x3b: {  	[spmem:s2] =	stream.indirect.scatter.add.f32 [tilespmem:s13], [sflag:$0x1], $0x1, s25, s14, $0xb8;
	[tilespmem:$0x4A80] =	vst v63  }
0x3c: {  	s23 =	simm.s32 $0x480  }
0x3d: {  	[spmem:s2] =	stream.indirect.scatter.add.f32 [tilespmem:s13], [sflag:$0x1], $0x1, s23, s14, $0xb8;
	[tilespmem:$0x4A80] =	vst v63  }
0x3e: {  	s24 =	simm.s32 $0x500  }
0x3f: {  	[spmem:s2] =	stream.indirect.scatter.add.f32 [tilespmem:s13], [sflag:$0x1], $0x1, s24, s14, $0xb8;
	[tilespmem:$0x4A80] =	vst v63  }
0x40: {  	s25 =	simm.s32 $0x580  }
0x41: {  	[spmem:s2] =	stream.indirect.scatter.add.f32 [tilespmem:s13], [sflag:$0x1], $0x1, s25, s14, $0xb8;
	[tilespmem:$0x4A80] =	vst v63  }
0x42: {  	_ = 	snop  }
0x43: {  	[spmem:s2] =	stream.indirect.scatter.add.f32 [tilespmem:s13], [sflag:$0x1], $0x1, s26, s14, $0xb8;
	[tilespmem:$0x4A80] =	vst v63  }
0x44: {  	_ = 	snop  }
0x45: {  	[spmem:s2] =	stream.indirect.scatter.add.f32 [tilespmem:s13], [sflag:$0x1], $0x1, s28, s14, $0xb8;
	[tilespmem:$0x4A80] =	vst v63  }
0x46: {  	_ = 	snop  }
0x47: {  	[spmem:s2] =	stream.indirect.scatter.add.f32 [tilespmem:s13], [sflag:$0x1], $0x1, s29, s14, $0xb8;
	[tilespmem:$0x4A80] =	vst v63  }
0x48: {  	_ = 	snop  }
0x49: {  	[spmem:s2] =	stream.indirect.scatter.add.f32 [tilespmem:s13], [sflag:$0x1], $0x1, s30, s14, $0xb8;
	[tilespmem:$0x4A80] =	vst v63  }
0x4a: {  	_ =	swait.ge [sflag:s15], $0x80  }
0x4b: {  	[sflag:s15] =	ssyncset.done $0x0  }
0x4c: {  	[sflag:s15] =	ssyncadd.s32 $0xFFFFFF80  }
0x4d: {  	_ =	swait.ge [sflag:s15], $0x80  }
0x4e: {  	[sflag:s15] =	ssyncset.done $0x0  }
0x4f: {  	[sflag:s15] =	ssyncadd.s32 $0xFFFFFF80  }
0x50: {  	_ =	swait.ge [sflag:s15], $0x80  }
0x51: {  	[sflag:s15] =	ssyncset.done $0x0  }
0x52: {  	[sflag:s15] =	ssyncadd.s32 $0xFFFFFF80  }
0x53: {  	_ =	swait.ge [sflag:s15], $0x80  }
0x54: {  	[sflag:s15] =	ssyncset.done $0x0  }
0x55: {  	[sflag:s15] =	ssyncadd.s32 $0xFFFFFF80  }
0x56: {  	_ =	swait.ge [sflag:s15], $0x80  }
0x57: {  	[sflag:s15] =	ssyncset.done $0x0  }
0x58: {  	[sflag:s15] =	ssyncadd.s32 $0xFFFFFF80  }
0x59: {  	_ =	swait.ge [sflag:s15], $0x80  }
0x5a: {  	[sflag:s15] =	ssyncset.done $0x0  }
0x5b: {  	[sflag:s15] =	ssyncadd.s32 $0xFFFFFF80  }
0x5c: {  	_ =	swait.ge [sflag:s15], $0x80  }
0x5d: {  	[sflag:s15] =	ssyncset.done $0x0  }
0x5e: {  	[sflag:s15] =	ssyncadd.s32 $0xFFFFFF80  }
0x5f: {  	_ =	swait.ge [sflag:s15], $0x80  }
0x60: {  	[sflag:s15] =	ssyncset.done $0x0  }
0x61: {  	[sflag:s15] =	ssyncadd.s32 $0xFFFFFF80  }
0x62: {  	[spmem:s2] =	stream.indirect.scatter.add.f32 [tilespmem:s13], [sflag:$0x1], $0x1, s31, s14, $0xb8;
	[tilespmem:$0x4A80] =	vst v63  }
0x63: {  	_ = 	snop  }
0x64: {  	[spmem:s2] =	stream.indirect.scatter.add.f32 [tilespmem:s13], [sflag:$0x1], $0x1, s1, s14, $0xb8;
	[tilespmem:$0x4A80] =	vst v63  }
0x65: {  	_ = 	snop  }
0x66: {  	[spmem:s2] =	stream.indirect.scatter.add.f32 [tilespmem:s13], [sflag:$0x1], $0x1, s0, s14, $0xb8;
	[tilespmem:$0x4A80] =	vst v63  }
0x67: {  	_ = 	snop  }
0x68: {  	[spmem:s2] =	stream.indirect.scatter.add.f32 [tilespmem:s13], [sflag:$0x1], $0x1, s16, s14, $0xb8;
	[tilespmem:$0x4A80] =	vst v63  }
0x69: {  	_ = 	snop  }
0x6a: {  	[spmem:s2] =	stream.indirect.scatter.add.f32 [tilespmem:s13], [sflag:$0x1], $0x1, s17, s14, $0xb8;
	[tilespmem:$0x4A80] =	vst v63  }
0x6b: {  	_ = 	snop  }
0x6c: {  	[spmem:s2] =	stream.indirect.scatter.add.f32 [tilespmem:s13], [sflag:$0x1], $0x1, s18, s14, $0xb8;
	[tilespmem:$0x4A80] =	vst v63  }
0x6d: {  	_ = 	snop  }
0x6e: {  	[spmem:s2] =	stream.indirect.scatter.add.f32 [tilespmem:s13], [sflag:$0x1], $0x1, s19, s14, $0xb8;
	[tilespmem:$0x4A80] =	vst v63  }
0x6f: {  	_ = 	snop  }
0x70: {  	[spmem:s2] =	stream.indirect.scatter.add.f32 [tilespmem:s13], [sflag:$0x1], $0x1, s20, s14, $0xb8;
	[tilespmem:$0x4A80] =	vst v63  }
0x71: {  	_ =	swait.ge [sflag:s15], $0x80  }
0x72: {  	[sflag:s15] =	ssyncset.done $0x0  }
0x73: {  	[sflag:s15] =	ssyncadd.s32 $0xFFFFFF80  }
0x74: {  	_ =	swait.ge [sflag:s15], $0x80  }
0x75: {  	[sflag:s15] =	ssyncset.done $0x0  }
0x76: {  	[sflag:s15] =	ssyncadd.s32 $0xFFFFFF80  }
0x77: {  	_ =	swait.ge [sflag:s15], $0x80  }
0x78: {  	[sflag:s15] =	ssyncset.done $0x0  }
0x79: {  	[sflag:s15] =	ssyncadd.s32 $0xFFFFFF80  }
0x7a: {  	_ =	swait.ge [sflag:s15], $0x80  }
0x7b: {  	[sflag:s15] =	ssyncset.done $0x0  }
0x7c: {  	[sflag:s15] =	ssyncadd.s32 $0xFFFFFF80  }
0x7d: {  	_ =	swait.ge [sflag:s15], $0x80  }
0x7e: {  	[sflag:s15] =	ssyncset.done $0x0  }
0x7f: {  	[sflag:s15] =	ssyncadd.s32 $0xFFFFFF80  }
0x80: {  	_ =	swait.ge [sflag:s15], $0x80  }
0x81: {  	[sflag:s15] =	ssyncset.done $0x0  }
0x82: {  	[sflag:s15] =	ssyncadd.s32 $0xFFFFFF80  }
0x83: {  	_ =	swait.ge [sflag:s15], $0x80  }
0x84: {  	[sflag:s15] =	ssyncset.done $0x0  }
0x85: {  	[sflag:s15] =	ssyncadd.s32 $0xFFFFFF80  }
0x86: {  	_ =	swait.ge [sflag:s15], $0x80  }
0x87: {  	[sflag:s15] =	ssyncset.done $0x0  }
0x88: {  	[sflag:s15] =	ssyncadd.s32 $0xFFFFFF80  }
.LBB2_6:
0x89: {  	s21 =	sadd.s32 $0x1, s21  }
0x8a: {  	p2 =	sne.s32 s21, s10  }
.Ltmp1:
0x8b: {  	[bflag:$0x0] =	sbarrier.arrive $0xFFFF;
	(pc) =	sbr.rel @!p2 .LBB2_7-.Ltmp1, $4  }
0x8c: {  	[hbm:s9], [sflag:s6] =	dma.local [spmem:s11], $0x280  }
0x8d: {  	_ =	swait.ge [sflag:s12], $0x280  }
0x8e: {  	[sflag:s12] =	ssyncset.done $0x0  }
0x8f: {  	[sflag:s12] =	ssyncadd.s32 $0xFFFFFD80  }
.LBB2_1:
0x90: {  	[spmem:s11], [sflag:s6] =	dma.local [hbm:s5], $0x280  }
0x91: {  	_ =	swait.ge [sflag:s12], $0x280  }
0x92: {  	[sflag:s12] =	ssyncset.done $0x0  }
0x93: {  	s22 =	simm.s32 @p0 $0x0;
	[sflag:s12] =	ssyncadd.s32 $0xFFFFFD80  }
0x94: {  	[tilespmem:s22], [sflag:$0x2] =	stream.linear.gather @p0 [hbm4b:s7+s22], $0xC00, $0x38;
	[tilespmem:$0x4A80] =	vst v63  }
0x95: {  	s22 =	simm.s32 @p0 $0x2  }
0x96: {  	_ =	swait.ge @p0 [sflag:s22], $0xC00  }
0x97: {  	[sflag:s22] =	ssyncset.done @p0 $0x0  }
0x98: {  	[sflag:s22] =	ssyncadd.s32 @p0 $0xFFFFF400;
	s22 =	simm.s32 @!p0 $0x0  }
0x99: {  	[tilespmem:s22], [sflag:$0x2] =	stream.linear.gather @!p0 [hbm4b:s8+s22], $0x4400, $0x38;
	[tilespmem:$0x4A80] =	vst v63  }
0x9a: {  	s22 =	simm.s32 @!p0 $0x2  }
0x9b: {  	_ =	swait.ge @!p0 [sflag:s22], $0x4400  }
0x9c: {  	[sflag:s22] =	ssyncset.done @!p0 $0x0  }
0x9d: {  	[sflag:s22] =	ssyncadd.s32 @!p0 $0xFFFFBC00  }
0x9e: {  	[tilespmem:s13], [sflag:$0x2] =	stream.linear.gather [hbm4b:s4+s3], $0x400, $0x38;
	[tilespmem:$0x4A80] =	vst v63  }
.Ltmp2:
0x9f: {  	_ =	swait.ge [sflag:s12], $0x400;
	(pc) =	sbr.rel @!p1 .LBB2_2-.Ltmp2, $3  }
0xa0: {  	[sflag:s12] =	ssyncset.done $0x0  }
0xa1: {  	[sflag:s12] =	ssyncadd.s32 $0xFFFFFC00  }
0xa2: {  	[bflag:$0x0] =	sbarrier.arrive $0xFFFF;
	_ =	sdelay $0x1  }
0xa3: {  	s22 =	simm.s32 $0x0  }
0xa4: {  	[spmem:s2] =	stream.indirect.scatter.add.f32 [tilespmem:s13], [sflag:$0x1], $0x1, s22, s14, $0xb8;
	[tilespmem:$0x4A80] =	vst v63  }
0xa5: {  	s25 =	simm.s32 $0x80  }
0xa6: {  	[spmem:s2] =	stream.indirect.scatter.add.f32 [tilespmem:s13], [sflag:$0x1], $0x1, s25, s14, $0xb8;
	[tilespmem:$0x4A80] =	vst v63  }
0xa7: {  	s23 =	simm.s32 $0x100  }
0xa8: {  	[spmem:s2] =	stream.indirect.scatter.add.f32 [tilespmem:s13], [sflag:$0x1], $0x1, s23, s14, $0xb8;
	[tilespmem:$0x4A80] =	vst v63  }
0xa9: {  	s24 =	simm.s32 $0x180  }
0xaa: {  	[spmem:s2] =	stream.indirect.scatter.add.f32 [tilespmem:s13], [sflag:$0x1], $0x1, s24, s14, $0xb8;
	[tilespmem:$0x4A80] =	vst v63  }
0xab: {  	s25 =	simm.s32 $0x200  }
0xac: {  	[spmem:s2] =	stream.indirect.scatter.add.f32 [tilespmem:s13], [sflag:$0x1], $0x1, s25, s14, $0xb8;
	[tilespmem:$0x4A80] =	vst v63  }
0xad: {  	s23 =	simm.s32 $0x280  }
0xae: {  	[spmem:s2] =	stream.indirect.scatter.add.f32 [tilespmem:s13], [sflag:$0x1], $0x1, s23, s14, $0xb8;
	[tilespmem:$0x4A80] =	vst v63  }
0xaf: {  	s24 =	simm.s32 $0x300  }
0xb0: {  	[spmem:s2] =	stream.indirect.scatter.add.f32 [tilespmem:s13], [sflag:$0x1], $0x1, s24, s14, $0xb8;
	[tilespmem:$0x4A80] =	vst v63  }
0xb1: {  	s25 =	simm.s32 $0x380  }
0xb2: {  	[spmem:s2] =	stream.indirect.scatter.add.f32 [tilespmem:s13], [sflag:$0x1], $0x1, s25, s14, $0xb8;
	[tilespmem:$0x4A80] =	vst v63  }
0xb3: {  	_ =	swait.ge [sflag:s15], $0x80  }
0xb4: {  	[sflag:s15] =	ssyncset.done $0x0  }
0xb5: {  	[sflag:s15] =	ssyncadd.s32 $0xFFFFFF80  }
0xb6: {  	_ =	swait.ge [sflag:s15], $0x80  }
0xb7: {  	[sflag:s15] =	ssyncset.done $0x0  }
0xb8: {  	[sflag:s15] =	ssyncadd.s32 $0xFFFFFF80  }
0xb9: {  	_ =	swait.ge [sflag:s15], $0x80  }
0xba: {  	[sflag:s15] =	ssyncset.done $0x0  }
0xbb: {  	[sflag:s15] =	ssyncadd.s32 $0xFFFFFF80  }
0xbc: {  	_ =	swait.ge [sflag:s15], $0x80  }
0xbd: {  	[sflag:s15] =	ssyncset.done $0x0  }
0xbe: {  	[sflag:s15] =	ssyncadd.s32 $0xFFFFFF80  }
0xbf: {  	_ =	swait.ge [sflag:s15], $0x80  }
0xc0: {  	[sflag:s15] =	ssyncset.done $0x0  }
0xc1: {  	[sflag:s15] =	ssyncadd.s32 $0xFFFFFF80  }
0xc2: {  	_ =	swait.ge [sflag:s15], $0x80  }
0xc3: {  	[sflag:s15] =	ssyncset.done $0x0  }
0xc4: {  	[sflag:s15] =	ssyncadd.s32 $0xFFFFFF80  }
0xc5: {  	_ =	swait.ge [sflag:s15], $0x80  }
0xc6: {  	[sflag:s15] =	ssyncset.done $0x0  }
0xc7: {  	[sflag:s15] =	ssyncadd.s32 $0xFFFFFF80  }
0xc8: {  	_ =	swait.ge [sflag:s15], $0x80  }
0xc9: {  	s22 =	simm.s32 $0x1000;
	s23 =	simm.s32 $0x2000;
	[sflag:s15] =	ssyncset.done $0x0  }
.LBB2_4:
0xca: {  	s25 =	sshra.s32 s22, $0x2  }
0xcb: {  	[sflag:s15] =	ssyncadd.s32 $0xFFFFFF80;
	s22 =	smov.u32 s23;
	s24 =	sadd.s32 $0x1000, s23  }
0xcc: {  	[spmem:s2] =	stream.indirect.scatter.add.f32 [tilespmem:s13], [sflag:$0x1], $0x1, s25, s14, $0xb8;
	[tilespmem:$0x4A80] =	vst v63  }
0xcd: {  	p2 =	sne.s32 s23, $0x10000;
	s23 =	sadd.s32 $0x80, s25  }
0xce: {  	[spmem:s2] =	stream.indirect.scatter.add.f32 [tilespmem:s13], [sflag:$0x1], $0x1, s23, s14, $0xb8;
	[tilespmem:$0x4A80] =	vst v63  }
0xcf: {  	s23 =	sadd.s32 $0x100, s25  }
0xd0: {  	[spmem:s2] =	stream.indirect.scatter.add.f32 [tilespmem:s13], [sflag:$0x1], $0x1, s23, s14, $0xb8;
	[tilespmem:$0x4A80] =	vst v63  }
0xd1: {  	s23 =	sadd.s32 $0x180, s25  }
0xd2: {  	[spmem:s2] =	stream.indirect.scatter.add.f32 [tilespmem:s13], [sflag:$0x1], $0x1, s23, s14, $0xb8;
	[tilespmem:$0x4A80] =	vst v63  }
0xd3: {  	s23 =	sadd.s32 $0x200, s25  }
0xd4: {  	[spmem:s2] =	stream.indirect.scatter.add.f32 [tilespmem:s13], [sflag:$0x1], $0x1, s23, s14, $0xb8;
	[tilespmem:$0x4A80] =	vst v63  }
0xd5: {  	s23 =	sadd.s32 $0x280, s25  }
0xd6: {  	[spmem:s2] =	stream.indirect.scatter.add.f32 [tilespmem:s13], [sflag:$0x1], $0x1, s23, s14, $0xb8;
	[tilespmem:$0x4A80] =	vst v63  }
0xd7: {  	s23 =	sadd.s32 $0x300, s25  }
0xd8: {  	[spmem:s2] =	stream.indirect.scatter.add.f32 [tilespmem:s13], [sflag:$0x1], $0x1, s23, s14, $0xb8;
	[tilespmem:$0x4A80] =	vst v63  }
0xd9: {  	s23 =	sadd.s32 $0x380, s25  }
0xda: {  	[spmem:s2] =	stream.indirect.scatter.add.f32 [tilespmem:s13], [sflag:$0x1], $0x1, s23, s14, $0xb8;
	[tilespmem:$0x4A80] =	vst v63  }
0xdb: {  	_ =	swait.ge [sflag:s15], $0x80  }
0xdc: {  	[sflag:s15] =	ssyncset.done $0x0  }
0xdd: {  	[sflag:s15] =	ssyncadd.s32 $0xFFFFFF80  }
0xde: {  	_ =	swait.ge [sflag:s15], $0x80  }
0xdf: {  	[sflag:s15] =	ssyncset.done $0x0  }
0xe0: {  	[sflag:s15] =	ssyncadd.s32 $0xFFFFFF80  }
0xe1: {  	_ =	swait.ge [sflag:s15], $0x80  }
0xe2: {  	[sflag:s15] =	ssyncset.done $0x0  }
0xe3: {  	[sflag:s15] =	ssyncadd.s32 $0xFFFFFF80  }
0xe4: {  	_ =	swait.ge [sflag:s15], $0x80  }
0xe5: {  	[sflag:s15] =	ssyncset.done $0x0  }
0xe6: {  	[sflag:s15] =	ssyncadd.s32 $0xFFFFFF80  }
0xe7: {  	_ =	swait.ge [sflag:s15], $0x80  }
0xe8: {  	[sflag:s15] =	ssyncset.done $0x0  }
0xe9: {  	[sflag:s15] =	ssyncadd.s32 $0xFFFFFF80  }
0xea: {  	_ =	swait.ge [sflag:s15], $0x80  }
0xeb: {  	[sflag:s15] =	ssyncset.done $0x0  }
0xec: {  	[sflag:s15] =	ssyncadd.s32 $0xFFFFFF80  }
.Ltmp3:
0xed: {  	_ =	swait.ge [sflag:s15], $0x80;
	(pc) =	sbr.rel @p2 .LBB2_4-.Ltmp3, $4  }
0xee: {  	[sflag:s15] =	ssyncset.done $0x0  }
0xef: {  	[sflag:s15] =	ssyncadd.s32 $0xFFFFFF80  }
0xf0: {  	_ =	swait.ge [sflag:s15], $0x80  }
0xf1: {  	s23 =	smov.u32 s24;
	[sflag:s15] =	ssyncset.done $0x0  }
0xf2: {  	s22 =	sshra.s32 s22, $0x2;
	[sflag:s15] =	ssyncadd.s32 $0xFFFFFF80  }
0xf3: {  	[spmem:s2] =	stream.indirect.scatter.add.f32 [tilespmem:s13], [sflag:$0x1], $0x1, s22, s14, $0xb8;
	[tilespmem:$0x4A80] =	vst v63  }
0xf4: {  	s23 =	sadd.s32 $0x80, s22  }
0xf5: {  	[spmem:s2] =	stream.indirect.scatter.add.f32 [tilespmem:s13], [sflag:$0x1], $0x1, s23, s14, $0xb8;
	[tilespmem:$0x4A80] =	vst v63  }
0xf6: {  	s25 =	sadd.s32 $0x100, s22  }
0xf7: {  	[spmem:s2] =	stream.indirect.scatter.add.f32 [tilespmem:s13], [sflag:$0x1], $0x1, s25, s14, $0xb8;
	[tilespmem:$0x4A80] =	vst v63  }
0xf8: {  	s24 =	sadd.s32 $0x180, s22  }
0xf9: {  	[spmem:s2] =	stream.indirect.scatter.add.f32 [tilespmem:s13], [sflag:$0x1], $0x1, s24, s14, $0xb8;
	[tilespmem:$0x4A80] =	vst v63  }
0xfa: {  	s25 =	sadd.s32 $0x200, s22  }
0xfb: {  	[spmem:s2] =	stream.indirect.scatter.add.f32 [tilespmem:s13], [sflag:$0x1], $0x1, s25, s14, $0xb8;
	[tilespmem:$0x4A80] =	vst v63  }
0xfc: {  	s24 =	sadd.s32 $0x280, s22  }
0xfd: {  	[spmem:s2] =	stream.indirect.scatter.add.f32 [tilespmem:s13], [sflag:$0x1], $0x1, s24, s14, $0xb8;
	[tilespmem:$0x4A80] =	vst v63  }
0xfe: {  	s25 =	sadd.s32 $0x300, s22  }
0xff: {  	[spmem:s2] =	stream.indirect.scatter.add.f32 [tilespmem:s13], [sflag:$0x1], $0x1, s25, s14, $0xb8;
	[tilespmem:$0x4A80] =	vst v63  }
0x100: {  	s22 =	sadd.s32 $0x380, s22  }
0x101: {  	[spmem:s2] =	stream.indirect.scatter.add.f32 [tilespmem:s13], [sflag:$0x1], $0x1, s22, s14, $0xb8;
	[tilespmem:$0x4A80] =	vst v63  }
0x102: {  	_ =	swait.ge [sflag:s15], $0x80  }
0x103: {  	[sflag:s15] =	ssyncset.done $0x0  }
0x104: {  	[sflag:s15] =	ssyncadd.s32 $0xFFFFFF80  }
0x105: {  	_ =	swait.ge [sflag:s15], $0x80  }
0x106: {  	[sflag:s15] =	ssyncset.done $0x0  }
0x107: {  	[sflag:s15] =	ssyncadd.s32 $0xFFFFFF80  }
0x108: {  	_ =	swait.ge [sflag:s15], $0x80  }
0x109: {  	[sflag:s15] =	ssyncset.done $0x0  }
0x10a: {  	[sflag:s15] =	ssyncadd.s32 $0xFFFFFF80  }
0x10b: {  	_ =	swait.ge [sflag:s15], $0x80  }
0x10c: {  	[sflag:s15] =	ssyncset.done $0x0  }
0x10d: {  	[sflag:s15] =	ssyncadd.s32 $0xFFFFFF80  }
0x10e: {  	_ =	swait.ge [sflag:s15], $0x80  }
0x10f: {  	[sflag:s15] =	ssyncset.done $0x0  }
0x110: {  	[sflag:s15] =	ssyncadd.s32 $0xFFFFFF80  }
0x111: {  	_ =	swait.ge [sflag:s15], $0x80  }
0x112: {  	[sflag:s15] =	ssyncset.done $0x0  }
0x113: {  	[sflag:s15] =	ssyncadd.s32 $0xFFFFFF80  }
0x114: {  	_ =	swait.ge [sflag:s15], $0x80  }
.Ltmp4:
0x115: {  	[sflag:s15] =	ssyncset.done $0x0;
	(pc) =	sbr.rel .LBB2_6-.Ltmp4, $4  }
0x116: {  	[sflag:s15] =	ssyncadd.s32 $0xFFFFFF80  }
0x117: {  	_ =	swait.ge [sflag:s15], $0x80  }
0x118: {  	[sflag:s15] =	ssyncset.done $0x0  }
0x119: {  	[sflag:s15] =	ssyncadd.s32 $0xFFFFFF80  }
.LBB2_7:
0x11a: {  	_ =	sfence.sel $0x180000  }
0x11b: {  	[bflag:$0x0] =	sbarrier.arrive $0xFFFF  }
0x11c: {  	_ =	strace $0x90000047  }
0x11d: {  	s0 =	stileid.u32;
	[bflag:$0x2] =	sbarrier.arrive $0xFFFF  }
0x11e: {  	p0 =	sne.s32 s0, $0x0;
	s0 =	rddreg [dreg:$0x3]  }
0x11f: {  	s0 =	sadd.s32 @!p0 $0x100000, s0  }
0x120: {  	[sflag:s0] =	ssyncadd.tile.s32 @!p0 $0x1;
	_ =	shalt  }
.Lfunc_end2:
_tile_overlayer_lowered:
.L_overlay_start_2:
0x121: {  	(tag) =	ssettag $0x2  }
0x122: {  	s0 =	rddreg [dreg:$0x0];
	s2 =	stileid.u32  }
0x123: {  	s1 =	rddreg [dreg:$0x1];
	p0 =	sne.s32 s2, $0x0  }
0x124: {  	s3 =	rddreg [dreg:$0x2];
	[bflag:$0x3] =	sbarrier.arrive $0xFFFF;
	s2 =	simm.s32 @!p0 $0x1C02  }
0x125: {  	[timem:s3], [sflag:s2] =	dma.local @!p0 [hbm:s0], s1  }
0x126: {  	s0 =	simm.s32 @!p0 $0x2  }
0x127: {  	_ =	swait.ge @!p0 [sflag:s0], s1  }
0x128: {  	s1 =	ssub.s32 @!p0 $0x0, s1;
	[sflag:s0] =	ssyncset.done @!p0 $0x0  }
0x129: {  	[sflag:s0] =	ssyncadd.s32 @!p0 s1  }
0x12a: {  	[bflag:$0x3] =	sbarrier.arrive $0xFFFF  }
0x12b: {  	_ =	shalt  }

</sc_bundles>
